<compile_context>
chip_gen: v7x
topology: tpu7x:2x2x1
jax: 0.10.2.dev20260603
libtpu: 0.0.44.dev20260713+nightly
codegen_flags: <defaults>
</compile_context>

<pallas_src>
import functools

import jax
import jax.numpy as jnp
from jax import lax
from jax.experimental import pallas as pl
from jax.experimental.pallas import tpu as pltpu
from jax.experimental.pallas import tpu_sc as plsc

B = 16384
D = 256
T = 65536
MAXP = 9
L = 16
NC = 2
NS = 16
NW = NC * NS
BPW = B // NW
NB = 16
NCHUNK = BPW // NB
G = 16
CMAX = MAXP * NB
CPAD = CMAX + G


def _body(tgt_hbm, prec_hbm, cu_hbm, out_hbm,
          cu_v, idxc0, idxc1, dest0, dest1, rowsc0, rowsc1, tgt_v0, tgt_v1,
          gsem0, gsem1, tsem0, tsem1):
    wid = lax.axis_index("s") * NC + lax.axis_index("c")
    wbase = wid * BPW
    idxcs = (idxc0, idxc1)
    dests = (dest0, dest1)
    rowscs = (rowsc0, rowsc1)
    tgt_vs = (tgt_v0, tgt_v1)
    gsems = (gsem0, gsem1)
    tsems = (tsem0, tsem1)
    pltpu.sync_copy(cu_hbm.at[pl.ds(pl.multiple_of(wbase, 8), BPW + 32)], cu_v)
    iota = lax.iota(jnp.int32, L)
    for g in range(CPAD // L):
        fill = jnp.minimum(iota + (wbase * 4 + g * L), T - 1)
        idxc0[pl.ds(g * L, L)] = fill
        idxc1[pl.ds(g * L, L)] = fill

    def compute_meta(ch, p):
        s = plsc.load_gather(cu_v, [iota + ch * NB])
        cnt = jnp.minimum(plsc.load_gather(cu_v, [iota + (ch * NB + 1)]) - s,
                          MAXP)
        csum = plsc.cumsum(cnt)
        start = csum - cnt
        for j in range(MAXP):
            plsc.store_scatter(idxcs[p], [start + j],
                               jnp.minimum(s + j, T - 1), mask=cnt > j)
            plsc.store_scatter(dests[p], [start + j], iota, mask=cnt > j)
        n = csum[L - 1]
        plsc.store_scatter(idxcs[p], [jnp.full((L,), n, jnp.int32) + iota],
                           jnp.minimum(s + iota, T - 1))
        return lax.div(n + (G - 1), G), n

    def fire_tgt(ch, p):
        cbase = pl.multiple_of(wbase + ch * NB, 8)
        pltpu.make_async_copy(
            tgt_hbm.at[pl.ds(cbase, NB)], tgt_vs[p], tsems[p]).start()

    def drain_tgt(ch, p):
        cbase = pl.multiple_of(wbase + ch * NB, 8)
        pltpu.make_async_copy(
            tgt_hbm.at[pl.ds(cbase, NB)], tgt_vs[p], tsems[p]).wait()

    def gather_copy(p, r):
        return pltpu.make_async_copy(
            prec_hbm.at[idxcs[p].at[pl.ds(r * G, G)]],
            rowscs[p].at[pl.ds(r * G, G)], gsems[p])

    def fire_gathers(p, trips):
        for r in range(MAXP):
            @pl.when(r < trips)
            def _(p=p, r=r):
                gather_copy(p, r).start()

    def drain_gathers(p, trips):
        for r in range(MAXP):
            @pl.when(r < trips)
            def _(p=p, r=r):
                gather_copy(p, r).wait()

    def reduce_out(ch, p, n):
        def r_body(r, carry):
            db = plsc.load_gather(dests[p], [jnp.full((L,), r, jnp.int32)])
            for dc in range(D // L):
                plsc.addupdate_scatter(
                    tgt_vs[p], [db, iota + dc * L],
                    rowscs[p][r, pl.ds(dc * L, L)])
            return carry

        lax.fori_loop(0, n, r_body, 0)

        def b_body(b, carry):
            for dc in range(D // L):
                tgt_vs[p][b, pl.ds(dc * L, L)] = (
                    tgt_vs[p][b, pl.ds(dc * L, L)] * jnp.float32(0.1))
            return carry

        lax.fori_loop(0, NB, b_body, 0)
        cbase = pl.multiple_of(wbase + ch * NB, 8)
        pltpu.sync_copy(tgt_vs[p], out_hbm.at[pl.ds(cbase, NB)])

    t0_init, n0_init = compute_meta(0, 0)
    fire_tgt(0, 0)
    fire_gathers(0, t0_init)

    def loop_body(i2, carry):
        t0, n0 = carry
        ch0 = i2 * 2
        t1, n1 = compute_meta(ch0 + 1, 1)
        fire_tgt(ch0 + 1, 1)
        fire_gathers(1, t1)

        drain_tgt(ch0, 0)
        drain_gathers(0, t0)
        reduce_out(ch0, 0, n0)

        chn = jnp.minimum(ch0 + 2, NCHUNK - 1)
        t0n, n0n = compute_meta(chn, 0)

        @pl.when(i2 < NCHUNK // 2 - 1)
        def _():
            fire_tgt(ch0 + 2, 0)
            fire_gathers(0, t0n)

        drain_tgt(ch0 + 1, 1)
        drain_gathers(1, t1)
        reduce_out(ch0 + 1, 1, n1)
        return (t0n, n0n)

    lax.fori_loop(0, NCHUNK // 2, loop_body, (t0_init, n0_init))


@functools.partial(
    pl.kernel,
    out_type=jax.ShapeDtypeStruct((B, D), jnp.float32),
    mesh=plsc.VectorSubcoreMesh(core_axis_name="c", subcore_axis_name="s"),
    scratch_types=[
        pltpu.VMEM((BPW + 32,), jnp.int32),
        pltpu.VMEM((CPAD,), jnp.int32),
        pltpu.VMEM((CPAD,), jnp.int32),
        pltpu.VMEM((CPAD,), jnp.int32),
        pltpu.VMEM((CPAD,), jnp.int32),
        pltpu.VMEM((CPAD, D), jnp.float32),
        pltpu.VMEM((CPAD, D), jnp.float32),
        pltpu.VMEM((NB, D), jnp.float32),
        pltpu.VMEM((NB, D), jnp.float32),
        pltpu.SemaphoreType.DMA,
        pltpu.SemaphoreType.DMA,
        pltpu.SemaphoreType.DMA,
        pltpu.SemaphoreType.DMA,
    ],
    compiler_params=pltpu.CompilerParams(needs_layout_passes=False),
)
def _sc_kernel(tgt_hbm, prec_hbm, cu_hbm, out_hbm, *rest):
    _body(tgt_hbm, prec_hbm, cu_hbm, out_hbm, *rest)


def kernel(target_emb, precursor_flat, cu_seqlens):
    cu_pad = jnp.pad(cu_seqlens, (0, 63), mode="edge")
    return _sc_kernel(target_emb, precursor_flat, cu_pad)

# --- scband reference (transcript-rebuilt; emitter-appended) ---
"""Pipeline reference for scband-composition-mlp-26869315404219 (READ-ONLY COPY).

The authoritative reference and input builder live on the scoring server;
editing this copy changes nothing except your own understanding.
"""

import jax, jax.numpy as jnp
import numpy as np

B = 16384
D = 256
T = 65536
MAX_SEQ = 10

def setup_inputs(seed: int = 0):
    key = jax.random.key(seed)
    k1, k2, k3 = jax.random.split(key, 3)
    target_emb = jax.random.normal(k1, (B, D), dtype=jnp.float32)
    precursor_flat = jax.random.normal(k2, (T, D), dtype=jnp.float32)
    cu_seqlens = jnp.sort(jax.random.randint(k3, (B + 1,), 0, T)).astype(jnp.int32)
    return {"target_emb": target_emb, "precursor_flat": precursor_flat, "cu_seqlens": cu_seqlens}

def reference(target_emb, precursor_flat, cu_seqlens):
    # Ragged -> padded sequence build, faithful to CompositionMLP.forward:
    # slot 0 holds the target embedding; slots 1..9 hold the first up-to-9
    # precursor embeddings for each sample (truncate to max_seq_length=10),
    # remaining slots zero-padded. Aggregation mode 'mean' averages over the
    # full padded length (torch sequence_tensor.mean(dim=1) divides by 10).
    counts = cu_seqlens[1:] - cu_seqlens[:-1]
    counts = jnp.minimum(counts, MAX_SEQ - 1)
    j = jnp.arange(MAX_SEQ - 1)
    idx = cu_seqlens[:-1][:, None] + j[None, :]
    mask = (j[None, :] < counts[:, None])
    idx = jnp.clip(idx, 0, precursor_flat.shape[0] - 1)
    prec_seq = jnp.take(precursor_flat, idx, axis=0) * mask[:, :, None].astype(precursor_flat.dtype)
    sequence_tensor = jnp.concatenate([target_emb[:, None, :], prec_seq], axis=1)
    final_representation = sequence_tensor.mean(axis=1)
    return final_representation

if __name__ == "__main__":
    import jax
    _d = setup_inputs()
    print(jax.jit(kernel)(*tuple(_d.values())))

</pallas_src>

<mosaic_0001>
#map = affine_map<(d0, d1) -> (0, 0)>
#map1 = affine_map<(d0, d1) -> (0)>
module attributes {stable_mosaic.version = 14 : i64} {
  func.func @_sc_kernel(%arg0: i32, %arg1: i32, %arg2: memref<16384x256xf32, #tpu.memory_space<hbm>>, %arg3: memref<65536x256xf32, #tpu.memory_space<hbm>>, %arg4: memref<16448xi32, #tpu.memory_space<hbm>>, %arg5: memref<16384x256xf32, #tpu.memory_space<hbm>>, %arg6: memref<544xi32, #tpu.memory_space<vmem>>, %arg7: memref<160xi32, #tpu.memory_space<vmem>>, %arg8: memref<160xi32, #tpu.memory_space<vmem>>, %arg9: memref<160xi32, #tpu.memory_space<vmem>>, %arg10: memref<160xi32, #tpu.memory_space<vmem>>, %arg11: memref<160x256xf32, #tpu.memory_space<vmem>>, %arg12: memref<160x256xf32, #tpu.memory_space<vmem>>, %arg13: memref<16x256xf32, #tpu.memory_space<vmem>>, %arg14: memref<16x256xf32, #tpu.memory_space<vmem>>, %arg15: memref<!tpu.dma_semaphore, #tpu.memory_space<semaphore_mem>>, %arg16: memref<!tpu.dma_semaphore, #tpu.memory_space<semaphore_mem>>, %arg17: memref<!tpu.dma_semaphore, #tpu.memory_space<semaphore_mem>>, %arg18: memref<!tpu.dma_semaphore, #tpu.memory_space<semaphore_mem>>) attributes {dimension_semantics = [#tpu.dimension_semantics<core_parallel>, #tpu.dimension_semantics<subcore_parallel>], iteration_bounds = array<i64: 2, 16>, scalar_prefetch = 0 : i64, scratch_operands = 13 : i64, tpu.core_type = #tpu.core_type<sc_vector_subcore>, window_params = [{transform_indices = #map}, {transform_indices = #map}, {transform_indices = #map1}, {transform_indices = #map}]} {
    %mul3A = arith.constant 2 : i32
    %mul3A_0 = arith.muli %arg1, %mul3A : i32
    %add3A = arith.addi %mul3A_0, %arg0 : i32
    %mul3A_1 = arith.constant 512 : i32
    %mul3A_2 = arith.muli %add3A, %mul3A_1 : i32
    %multiple_of3A = tpu.assume_multiple %mul3A_2, 8 : i32
    "tpu.region"() ({
      %run_scoped3A = tpu.sem_alloc : memref<!tpu.dma_semaphore, #tpu.memory_space<semaphore_mem>>
      %dma_start3A_367 = tpu.memref_slice %arg4[%multiple_of3A] : memref<16448xi32, #tpu.memory_space<hbm>> -> memref<544xi32, #tpu.memory_space<hbm>>
      %dma_start3A_368 = tpu.memref_slice %arg4[%multiple_of3A] : memref<16448xi32, #tpu.memory_space<hbm>> -> memref<544xi32, #tpu.memory_space<hbm>>
      tpu.enqueue_dma source(%dma_start3A_368 : memref<544xi32, #tpu.memory_space<hbm>>) target(%arg6 : memref<544xi32, #tpu.memory_space<vmem>>) target_semaphore(%run_scoped3A : memref<!tpu.dma_semaphore, #tpu.memory_space<semaphore_mem>>)
      %dma_wait3A = tpu.memref_slice %arg4[%multiple_of3A] : memref<16448xi32, #tpu.memory_space<hbm>> -> memref<544xi32, #tpu.memory_space<hbm>>
      %dma_wait3A_369 = tpu.memref_slice %arg4[%multiple_of3A] : memref<16448xi32, #tpu.memory_space<hbm>> -> memref<544xi32, #tpu.memory_space<hbm>>
      tpu.wait_dma2 semaphore(%run_scoped3A : memref<!tpu.dma_semaphore, #tpu.memory_space<semaphore_mem>>) src(%dma_wait3A_369 : memref<544xi32, #tpu.memory_space<hbm>>) dst(%arg6 : memref<544xi32, #tpu.memory_space<vmem>>)
      tpu.yield
    }) : () -> ()
    %iota3A = tpu.iota {dimensions = array<i32: 0>} : vector<16xi32>
    %mul3A_3 = arith.constant 4 : i32
    %mul3A_4 = arith.muli %mul3A_2, %mul3A_3 : i32
    %add3A_5 = arith.constant 0 : i32
    %add3A_6 = arith.addi %mul3A_4, %add3A_5 : i32
    %add3A_7 = vector.broadcast %add3A_6 : i32 to vector<16xi32>
    %add3A_8 = arith.addi %iota3A, %add3A_7 : vector<16xi32>
    %min3A = arith.constant 65535 : i32
    %min3A_9 = vector.broadcast %min3A : i32 to vector<16xi32>
    %min3A_10 = arith.minsi %add3A_8, %min3A_9 : vector<16xi32>
    %swap3A = arith.constant 0 : index
    %swap3A_11 = tpu.vector_load %arg7[%swap3A] {strides = array<i32>} : memref<160xi32, #tpu.memory_space<vmem>>, vector<16xi32>,
    tpu.vector_store %arg7[%swap3A], %min3A_10 {strides = array<i32>} : memref<160xi32, #tpu.memory_space<vmem>>, vector<16xi32>,
    %swap3A_12 = arith.constant 0 : index
    %swap3A_13 = tpu.vector_load %arg8[%swap3A_12] {strides = array<i32>} : memref<160xi32, #tpu.memory_space<vmem>>, vector<16xi32>,
    tpu.vector_store %arg8[%swap3A_12], %min3A_10 {strides = array<i32>} : memref<160xi32, #tpu.memory_space<vmem>>, vector<16xi32>,
    %mul3A_14 = arith.constant 4 : i32
    %mul3A_15 = arith.muli %mul3A_2, %mul3A_14 : i32
    %add3A_16 = arith.constant 16 : i32
    %add3A_17 = arith.addi %mul3A_15, %add3A_16 : i32
    %add3A_18 = vector.broadcast %add3A_17 : i32 to vector<16xi32>
    %add3A_19 = arith.addi %iota3A, %add3A_18 : vector<16xi32>
    %min3A_20 = arith.constant 65535 : i32
    %min3A_21 = vector.broadcast %min3A_20 : i32 to vector<16xi32>
    %min3A_22 = arith.minsi %add3A_19, %min3A_21 : vector<16xi32>
    %swap3A_23 = arith.constant 16 : index
    %swap3A_24 = tpu.vector_load %arg7[%swap3A_23] {strides = array<i32>} : memref<160xi32, #tpu.memory_space<vmem>>, vector<16xi32>,
    tpu.vector_store %arg7[%swap3A_23], %min3A_22 {strides = array<i32>} : memref<160xi32, #tpu.memory_space<vmem>>, vector<16xi32>,
    %swap3A_25 = arith.constant 16 : index
    %swap3A_26 = tpu.vector_load %arg8[%swap3A_25] {strides = array<i32>} : memref<160xi32, #tpu.memory_space<vmem>>, vector<16xi32>,
    tpu.vector_store %arg8[%swap3A_25], %min3A_22 {strides = array<i32>} : memref<160xi32, #tpu.memory_space<vmem>>, vector<16xi32>,
    %mul3A_27 = arith.constant 4 : i32
    %mul3A_28 = arith.muli %mul3A_2, %mul3A_27 : i32
    %add3A_29 = arith.constant 32 : i32
    %add3A_30 = arith.addi %mul3A_28, %add3A_29 : i32
    %add3A_31 = vector.broadcast %add3A_30 : i32 to vector<16xi32>
    %add3A_32 = arith.addi %iota3A, %add3A_31 : vector<16xi32>
    %min3A_33 = arith.constant 65535 : i32
    %min3A_34 = vector.broadcast %min3A_33 : i32 to vector<16xi32>
    %min3A_35 = arith.minsi %add3A_32, %min3A_34 : vector<16xi32>
    %swap3A_36 = arith.constant 32 : index
    %swap3A_37 = tpu.vector_load %arg7[%swap3A_36] {strides = array<i32>} : memref<160xi32, #tpu.memory_space<vmem>>, vector<16xi32>,
    tpu.vector_store %arg7[%swap3A_36], %min3A_35 {strides = array<i32>} : memref<160xi32, #tpu.memory_space<vmem>>, vector<16xi32>,
    %swap3A_38 = arith.constant 32 : index
    %swap3A_39 = tpu.vector_load %arg8[%swap3A_38] {strides = array<i32>} : memref<160xi32, #tpu.memory_space<vmem>>, vector<16xi32>,
    tpu.vector_store %arg8[%swap3A_38], %min3A_35 {strides = array<i32>} : memref<160xi32, #tpu.memory_space<vmem>>, vector<16xi32>,
    %mul3A_40 = arith.constant 4 : i32
    %mul3A_41 = arith.muli %mul3A_2, %mul3A_40 : i32
    %add3A_42 = arith.constant 48 : i32
    %add3A_43 = arith.addi %mul3A_41, %add3A_42 : i32
    %add3A_44 = vector.broadcast %add3A_43 : i32 to vector<16xi32>
    %add3A_45 = arith.addi %iota3A, %add3A_44 : vector<16xi32>
    %min3A_46 = arith.constant 65535 : i32
    %min3A_47 = vector.broadcast %min3A_46 : i32 to vector<16xi32>
    %min3A_48 = arith.minsi %add3A_45, %min3A_47 : vector<16xi32>
    %swap3A_49 = arith.constant 48 : index
    %swap3A_50 = tpu.vector_load %arg7[%swap3A_49] {strides = array<i32>} : memref<160xi32, #tpu.memory_space<vmem>>, vector<16xi32>,
    tpu.vector_store %arg7[%swap3A_49], %min3A_48 {strides = array<i32>} : memref<160xi32, #tpu.memory_space<vmem>>, vector<16xi32>,
    %swap3A_51 = arith.constant 48 : index
    %swap3A_52 = tpu.vector_load %arg8[%swap3A_51] {strides = array<i32>} : memref<160xi32, #tpu.memory_space<vmem>>, vector<16xi32>,
    tpu.vector_store %arg8[%swap3A_51], %min3A_48 {strides = array<i32>} : memref<160xi32, #tpu.memory_space<vmem>>, vector<16xi32>,
    %mul3A_53 = arith.constant 4 : i32
    %mul3A_54 = arith.muli %mul3A_2, %mul3A_53 : i32
    %add3A_55 = arith.constant 64 : i32
    %add3A_56 = arith.addi %mul3A_54, %add3A_55 : i32
    %add3A_57 = vector.broadcast %add3A_56 : i32 to vector<16xi32>
    %add3A_58 = arith.addi %iota3A, %add3A_57 : vector<16xi32>
    %min3A_59 = arith.constant 65535 : i32
    %min3A_60 = vector.broadcast %min3A_59 : i32 to vector<16xi32>
    %min3A_61 = arith.minsi %add3A_58, %min3A_60 : vector<16xi32>
    %swap3A_62 = arith.constant 64 : index
    %swap3A_63 = tpu.vector_load %arg7[%swap3A_62] {strides = array<i32>} : memref<160xi32, #tpu.memory_space<vmem>>, vector<16xi32>,
    tpu.vector_store %arg7[%swap3A_62], %min3A_61 {strides = array<i32>} : memref<160xi32, #tpu.memory_space<vmem>>, vector<16xi32>,
    %swap3A_64 = arith.constant 64 : index
    %swap3A_65 = tpu.vector_load %arg8[%swap3A_64] {strides = array<i32>} : memref<160xi32, #tpu.memory_space<vmem>>, vector<16xi32>,
    tpu.vector_store %arg8[%swap3A_64], %min3A_61 {strides = array<i32>} : memref<160xi32, #tpu.memory_space<vmem>>, vector<16xi32>,
    %mul3A_66 = arith.constant 4 : i32
    %mul3A_67 = arith.muli %mul3A_2, %mul3A_66 : i32
    %add3A_68 = arith.constant 80 : i32
    %add3A_69 = arith.addi %mul3A_67, %add3A_68 : i32
    %add3A_70 = vector.broadcast %add3A_69 : i32 to vector<16xi32>
    %add3A_71 = arith.addi %iota3A, %add3A_70 : vector<16xi32>
    %min3A_72 = arith.constant 65535 : i32
    %min3A_73 = vector.broadcast %min3A_72 : i32 to vector<16xi32>
    %min3A_74 = arith.minsi %add3A_71, %min3A_73 : vector<16xi32>
    %swap3A_75 = arith.constant 80 : index
    %swap3A_76 = tpu.vector_load %arg7[%swap3A_75] {strides = array<i32>} : memref<160xi32, #tpu.memory_space<vmem>>, vector<16xi32>,
    tpu.vector_store %arg7[%swap3A_75], %min3A_74 {strides = array<i32>} : memref<160xi32, #tpu.memory_space<vmem>>, vector<16xi32>,
    %swap3A_77 = arith.constant 80 : index
    %swap3A_78 = tpu.vector_load %arg8[%swap3A_77] {strides = array<i32>} : memref<160xi32, #tpu.memory_space<vmem>>, vector<16xi32>,
    tpu.vector_store %arg8[%swap3A_77], %min3A_74 {strides = array<i32>} : memref<160xi32, #tpu.memory_space<vmem>>, vector<16xi32>,
    %mul3A_79 = arith.constant 4 : i32
    %mul3A_80 = arith.muli %mul3A_2, %mul3A_79 : i32
    %add3A_81 = arith.constant 96 : i32
    %add3A_82 = arith.addi %mul3A_80, %add3A_81 : i32
    %add3A_83 = vector.broadcast %add3A_82 : i32 to vector<16xi32>
    %add3A_84 = arith.addi %iota3A, %add3A_83 : vector<16xi32>
    %min3A_85 = arith.constant 65535 : i32
    %min3A_86 = vector.broadcast %min3A_85 : i32 to vector<16xi32>
    %min3A_87 = arith.minsi %add3A_84, %min3A_86 : vector<16xi32>
    %swap3A_88 = arith.constant 96 : index
    %swap3A_89 = tpu.vector_load %arg7[%swap3A_88] {strides = array<i32>} : memref<160xi32, #tpu.memory_space<vmem>>, vector<16xi32>,
    tpu.vector_store %arg7[%swap3A_88], %min3A_87 {strides = array<i32>} : memref<160xi32, #tpu.memory_space<vmem>>, vector<16xi32>,
    %swap3A_90 = arith.constant 96 : index
    %swap3A_91 = tpu.vector_load %arg8[%swap3A_90] {strides = array<i32>} : memref<160xi32, #tpu.memory_space<vmem>>, vector<16xi32>,
    tpu.vector_store %arg8[%swap3A_90], %min3A_87 {strides = array<i32>} : memref<160xi32, #tpu.memory_space<vmem>>, vector<16xi32>,
    %mul3A_92 = arith.constant 4 : i32
    %mul3A_93 = arith.muli %mul3A_2, %mul3A_92 : i32
    %add3A_94 = arith.constant 112 : i32
    %add3A_95 = arith.addi %mul3A_93, %add3A_94 : i32
    %add3A_96 = vector.broadcast %add3A_95 : i32 to vector<16xi32>
    %add3A_97 = arith.addi %iota3A, %add3A_96 : vector<16xi32>
    %min3A_98 = arith.constant 65535 : i32
    %min3A_99 = vector.broadcast %min3A_98 : i32 to vector<16xi32>
    %min3A_100 = arith.minsi %add3A_97, %min3A_99 : vector<16xi32>
    %swap3A_101 = arith.constant 112 : index
    %swap3A_102 = tpu.vector_load %arg7[%swap3A_101] {strides = array<i32>} : memref<160xi32, #tpu.memory_space<vmem>>, vector<16xi32>,
    tpu.vector_store %arg7[%swap3A_101], %min3A_100 {strides = array<i32>} : memref<160xi32, #tpu.memory_space<vmem>>, vector<16xi32>,
    %swap3A_103 = arith.constant 112 : index
    %swap3A_104 = tpu.vector_load %arg8[%swap3A_103] {strides = array<i32>} : memref<160xi32, #tpu.memory_space<vmem>>, vector<16xi32>,
    tpu.vector_store %arg8[%swap3A_103], %min3A_100 {strides = array<i32>} : memref<160xi32, #tpu.memory_space<vmem>>, vector<16xi32>,
    %mul3A_105 = arith.constant 4 : i32
    %mul3A_106 = arith.muli %mul3A_2, %mul3A_105 : i32
    %add3A_107 = arith.constant 128 : i32
    %add3A_108 = arith.addi %mul3A_106, %add3A_107 : i32
    %add3A_109 = vector.broadcast %add3A_108 : i32 to vector<16xi32>
    %add3A_110 = arith.addi %iota3A, %add3A_109 : vector<16xi32>
    %min3A_111 = arith.constant 65535 : i32
    %min3A_112 = vector.broadcast %min3A_111 : i32 to vector<16xi32>
    %min3A_113 = arith.minsi %add3A_110, %min3A_112 : vector<16xi32>
    %swap3A_114 = arith.constant 128 : index
    %swap3A_115 = tpu.vector_load %arg7[%swap3A_114] {strides = array<i32>} : memref<160xi32, #tpu.memory_space<vmem>>, vector<16xi32>,
    tpu.vector_store %arg7[%swap3A_114], %min3A_113 {strides = array<i32>} : memref<160xi32, #tpu.memory_space<vmem>>, vector<16xi32>,
    %swap3A_116 = arith.constant 128 : index
    %swap3A_117 = tpu.vector_load %arg8[%swap3A_116] {strides = array<i32>} : memref<160xi32, #tpu.memory_space<vmem>>, vector<16xi32>,
    tpu.vector_store %arg8[%swap3A_116], %min3A_113 {strides = array<i32>} : memref<160xi32, #tpu.memory_space<vmem>>, vector<16xi32>,
    %mul3A_118 = arith.constant 4 : i32
    %mul3A_119 = arith.muli %mul3A_2, %mul3A_118 : i32
    %add3A_120 = arith.constant 144 : i32
    %add3A_121 = arith.addi %mul3A_119, %add3A_120 : i32
    %add3A_122 = vector.broadcast %add3A_121 : i32 to vector<16xi32>
    %add3A_123 = arith.addi %iota3A, %add3A_122 : vector<16xi32>
    %min3A_124 = arith.constant 65535 : i32
    %min3A_125 = vector.broadcast %min3A_124 : i32 to vector<16xi32>
    %min3A_126 = arith.minsi %add3A_123, %min3A_125 : vector<16xi32>
    %swap3A_127 = arith.constant 144 : index
    %swap3A_128 = tpu.vector_load %arg7[%swap3A_127] {strides = array<i32>} : memref<160xi32, #tpu.memory_space<vmem>>, vector<16xi32>,
    tpu.vector_store %arg7[%swap3A_127], %min3A_126 {strides = array<i32>} : memref<160xi32, #tpu.memory_space<vmem>>, vector<16xi32>,
    %swap3A_129 = arith.constant 144 : index
    %swap3A_130 = tpu.vector_load %arg8[%swap3A_129] {strides = array<i32>} : memref<160xi32, #tpu.memory_space<vmem>>, vector<16xi32>,
    tpu.vector_store %arg8[%swap3A_129], %min3A_126 {strides = array<i32>} : memref<160xi32, #tpu.memory_space<vmem>>, vector<16xi32>,
    %add3A_131 = arith.constant 0 : i32
    %add3A_132 = vector.broadcast %add3A_131 : i32 to vector<16xi32>
    %add3A_133 = arith.addi %iota3A, %add3A_132 : vector<16xi32>
    %gather3A = tpu.vector_load_idx %arg6[%add3A_133] : memref<544xi32, #tpu.memory_space<vmem>>[vector<16xi32>], vector<16xi32>,
    %add3A_134 = arith.constant 1 : i32
    %add3A_135 = vector.broadcast %add3A_134 : i32 to vector<16xi32>
    %add3A_136 = arith.addi %iota3A, %add3A_135 : vector<16xi32>
    %gather3A_137 = tpu.vector_load_idx %arg6[%add3A_136] : memref<544xi32, #tpu.memory_space<vmem>>[vector<16xi32>], vector<16xi32>,
    %sub3A = arith.subi %gather3A_137, %gather3A : vector<16xi32>
    %min3A_138 = arith.constant 9 : i32
    %min3A_139 = vector.broadcast %min3A_138 : i32 to vector<16xi32>
    %min3A_140 = arith.minsi %sub3A, %min3A_139 : vector<16xi32>
    %broadcast_in_dim3A = arith.constant true
    %broadcast_in_dim3A_141 = vector.broadcast %broadcast_in_dim3A : i1 to vector<16xi1>
    %masked_cumsum3A = tpu.scan <sum>, %min3A_140 masked %broadcast_in_dim3A_141 : vector<16xi32>, vector<16xi1> -> vector<16xi32>
    %sub3A_142 = arith.subi %masked_cumsum3A, %min3A_140 : vector<16xi32>
    %add3A_143 = arith.constant 0 : i32
    %add3A_144 = vector.broadcast %add3A_143 : i32 to vector<16xi32>
    %add3A_145 = arith.addi %sub3A_142, %add3A_144 : vector<16xi32>
    %add3A_146 = arith.constant 0 : i32
    %add3A_147 = vector.broadcast %add3A_146 : i32 to vector<16xi32>
    %add3A_148 = arith.addi %gather3A, %add3A_147 : vector<16xi32>
    %min3A_149 = arith.constant 65535 : i32
    %min3A_150 = vector.broadcast %min3A_149 : i32 to vector<16xi32>
    %min3A_151 = arith.minsi %add3A_148, %min3A_150 : vector<16xi32>
    %gt3A = arith.constant 0 : i32
    %gt3A_152 = vector.broadcast %gt3A : i32 to vector<16xi32>
    %gt3A_153 = arith.cmpi sgt, %min3A_140, %gt3A_152 : vector<16xi32>
    tpu.vector_store_idx %arg7[%add3A_145], %min3A_151 masked %gt3A_153 : memref<160xi32, #tpu.memory_space<vmem>>[vector<16xi32>], vector<16xi32>, vector<16xi1>
    %add3A_154 = arith.constant 0 : i32
    %add3A_155 = vector.broadcast %add3A_154 : i32 to vector<16xi32>
    %add3A_156 = arith.addi %sub3A_142, %add3A_155 : vector<16xi32>
    %gt3A_157 = arith.constant 0 : i32
    %gt3A_158 = vector.broadcast %gt3A_157 : i32 to vector<16xi32>
    %gt3A_159 = arith.cmpi sgt, %min3A_140, %gt3A_158 : vector<16xi32>
    tpu.vector_store_idx %arg9[%add3A_156], %iota3A masked %gt3A_159 : memref<160xi32, #tpu.memory_space<vmem>>[vector<16xi32>], vector<16xi32>, vector<16xi1>
    %add3A_160 = arith.constant 1 : i32
    %add3A_161 = vector.broadcast %add3A_160 : i32 to vector<16xi32>
    %add3A_162 = arith.addi %sub3A_142, %add3A_161 : vector<16xi32>
    %add3A_163 = arith.constant 1 : i32
    %add3A_164 = vector.broadcast %add3A_163 : i32 to vector<16xi32>
    %add3A_165 = arith.addi %gather3A, %add3A_164 : vector<16xi32>
    %min3A_166 = arith.constant 65535 : i32
    %min3A_167 = vector.broadcast %min3A_166 : i32 to vector<16xi32>
    %min3A_168 = arith.minsi %add3A_165, %min3A_167 : vector<16xi32>
    %gt3A_169 = arith.constant 1 : i32
    %gt3A_170 = vector.broadcast %gt3A_169 : i32 to vector<16xi32>
    %gt3A_171 = arith.cmpi sgt, %min3A_140, %gt3A_170 : vector<16xi32>
    tpu.vector_store_idx %arg7[%add3A_162], %min3A_168 masked %gt3A_171 : memref<160xi32, #tpu.memory_space<vmem>>[vector<16xi32>], vector<16xi32>, vector<16xi1>
    %add3A_172 = arith.constant 1 : i32
    %add3A_173 = vector.broadcast %add3A_172 : i32 to vector<16xi32>
    %add3A_174 = arith.addi %sub3A_142, %add3A_173 : vector<16xi32>
    %gt3A_175 = arith.constant 1 : i32
    %gt3A_176 = vector.broadcast %gt3A_175 : i32 to vector<16xi32>
    %gt3A_177 = arith.cmpi sgt, %min3A_140, %gt3A_176 : vector<16xi32>
    tpu.vector_store_idx %arg9[%add3A_174], %iota3A masked %gt3A_177 : memref<160xi32, #tpu.memory_space<vmem>>[vector<16xi32>], vector<16xi32>, vector<16xi1>
    %add3A_178 = arith.constant 2 : i32
    %add3A_179 = vector.broadcast %add3A_178 : i32 to vector<16xi32>
    %add3A_180 = arith.addi %sub3A_142, %add3A_179 : vector<16xi32>
    %add3A_181 = arith.constant 2 : i32
    %add3A_182 = vector.broadcast %add3A_181 : i32 to vector<16xi32>
    %add3A_183 = arith.addi %gather3A, %add3A_182 : vector<16xi32>
    %min3A_184 = arith.constant 65535 : i32
    %min3A_185 = vector.broadcast %min3A_184 : i32 to vector<16xi32>
    %min3A_186 = arith.minsi %add3A_183, %min3A_185 : vector<16xi32>
    %gt3A_187 = arith.constant 2 : i32
    %gt3A_188 = vector.broadcast %gt3A_187 : i32 to vector<16xi32>
    %gt3A_189 = arith.cmpi sgt, %min3A_140, %gt3A_188 : vector<16xi32>
    tpu.vector_store_idx %arg7[%add3A_180], %min3A_186 masked %gt3A_189 : memref<160xi32, #tpu.memory_space<vmem>>[vector<16xi32>], vector<16xi32>, vector<16xi1>
    %add3A_190 = arith.constant 2 : i32
    %add3A_191 = vector.broadcast %add3A_190 : i32 to vector<16xi32>
    %add3A_192 = arith.addi %sub3A_142, %add3A_191 : vector<16xi32>
    %gt3A_193 = arith.constant 2 : i32
    %gt3A_194 = vector.broadcast %gt3A_193 : i32 to vector<16xi32>
    %gt3A_195 = arith.cmpi sgt, %min3A_140, %gt3A_194 : vector<16xi32>
    tpu.vector_store_idx %arg9[%add3A_192], %iota3A masked %gt3A_195 : memref<160xi32, #tpu.memory_space<vmem>>[vector<16xi32>], vector<16xi32>, vector<16xi1>
    %add3A_196 = arith.constant 3 : i32
    %add3A_197 = vector.broadcast %add3A_196 : i32 to vector<16xi32>
    %add3A_198 = arith.addi %sub3A_142, %add3A_197 : vector<16xi32>
    %add3A_199 = arith.constant 3 : i32
    %add3A_200 = vector.broadcast %add3A_199 : i32 to vector<16xi32>
    %add3A_201 = arith.addi %gather3A, %add3A_200 : vector<16xi32>
    %min3A_202 = arith.constant 65535 : i32
    %min3A_203 = vector.broadcast %min3A_202 : i32 to vector<16xi32>
    %min3A_204 = arith.minsi %add3A_201, %min3A_203 : vector<16xi32>
    %gt3A_205 = arith.constant 3 : i32
    %gt3A_206 = vector.broadcast %gt3A_205 : i32 to vector<16xi32>
    %gt3A_207 = arith.cmpi sgt, %min3A_140, %gt3A_206 : vector<16xi32>
    tpu.vector_store_idx %arg7[%add3A_198], %min3A_204 masked %gt3A_207 : memref<160xi32, #tpu.memory_space<vmem>>[vector<16xi32>], vector<16xi32>, vector<16xi1>
    %add3A_208 = arith.constant 3 : i32
    %add3A_209 = vector.broadcast %add3A_208 : i32 to vector<16xi32>
    %add3A_210 = arith.addi %sub3A_142, %add3A_209 : vector<16xi32>
    %gt3A_211 = arith.constant 3 : i32
    %gt3A_212 = vector.broadcast %gt3A_211 : i32 to vector<16xi32>
    %gt3A_213 = arith.cmpi sgt, %min3A_140, %gt3A_212 : vector<16xi32>
    tpu.vector_store_idx %arg9[%add3A_210], %iota3A masked %gt3A_213 : memref<160xi32, #tpu.memory_space<vmem>>[vector<16xi32>], vector<16xi32>, vector<16xi1>
    %add3A_214 = arith.constant 4 : i32
    %add3A_215 = vector.broadcast %add3A_214 : i32 to vector<16xi32>
    %add3A_216 = arith.addi %sub3A_142, %add3A_215 : vector<16xi32>
    %add3A_217 = arith.constant 4 : i32
    %add3A_218 = vector.broadcast %add3A_217 : i32 to vector<16xi32>
    %add3A_219 = arith.addi %gather3A, %add3A_218 : vector<16xi32>
    %min3A_220 = arith.constant 65535 : i32
    %min3A_221 = vector.broadcast %min3A_220 : i32 to vector<16xi32>
    %min3A_222 = arith.minsi %add3A_219, %min3A_221 : vector<16xi32>
    %gt3A_223 = arith.constant 4 : i32
    %gt3A_224 = vector.broadcast %gt3A_223 : i32 to vector<16xi32>
    %gt3A_225 = arith.cmpi sgt, %min3A_140, %gt3A_224 : vector<16xi32>
    tpu.vector_store_idx %arg7[%add3A_216], %min3A_222 masked %gt3A_225 : memref<160xi32, #tpu.memory_space<vmem>>[vector<16xi32>], vector<16xi32>, vector<16xi1>
    %add3A_226 = arith.constant 4 : i32
    %add3A_227 = vector.broadcast %add3A_226 : i32 to vector<16xi32>
    %add3A_228 = arith.addi %sub3A_142, %add3A_227 : vector<16xi32>
    %gt3A_229 = arith.constant 4 : i32
    %gt3A_230 = vector.broadcast %gt3A_229 : i32 to vector<16xi32>
    %gt3A_231 = arith.cmpi sgt, %min3A_140, %gt3A_230 : vector<16xi32>
    tpu.vector_store_idx %arg9[%add3A_228], %iota3A masked %gt3A_231 : memref<160xi32, #tpu.memory_space<vmem>>[vector<16xi32>], vector<16xi32>, vector<16xi1>
    %add3A_232 = arith.constant 5 : i32
    %add3A_233 = vector.broadcast %add3A_232 : i32 to vector<16xi32>
    %add3A_234 = arith.addi %sub3A_142, %add3A_233 : vector<16xi32>
    %add3A_235 = arith.constant 5 : i32
    %add3A_236 = vector.broadcast %add3A_235 : i32 to vector<16xi32>
    %add3A_237 = arith.addi %gather3A, %add3A_236 : vector<16xi32>
    %min3A_238 = arith.constant 65535 : i32
    %min3A_239 = vector.broadcast %min3A_238 : i32 to vector<16xi32>
    %min3A_240 = arith.minsi %add3A_237, %min3A_239 : vector<16xi32>
    %gt3A_241 = arith.constant 5 : i32
    %gt3A_242 = vector.broadcast %gt3A_241 : i32 to vector<16xi32>
    %gt3A_243 = arith.cmpi sgt, %min3A_140, %gt3A_242 : vector<16xi32>
    tpu.vector_store_idx %arg7[%add3A_234], %min3A_240 masked %gt3A_243 : memref<160xi32, #tpu.memory_space<vmem>>[vector<16xi32>], vector<16xi32>, vector<16xi1>
    %add3A_244 = arith.constant 5 : i32
    %add3A_245 = vector.broadcast %add3A_244 : i32 to vector<16xi32>
    %add3A_246 = arith.addi %sub3A_142, %add3A_245 : vector<16xi32>
    %gt3A_247 = arith.constant 5 : i32
    %gt3A_248 = vector.broadcast %gt3A_247 : i32 to vector<16xi32>
    %gt3A_249 = arith.cmpi sgt, %min3A_140, %gt3A_248 : vector<16xi32>
    tpu.vector_store_idx %arg9[%add3A_246], %iota3A masked %gt3A_249 : memref<160xi32, #tpu.memory_space<vmem>>[vector<16xi32>], vector<16xi32>, vector<16xi1>
    %add3A_250 = arith.constant 6 : i32
    %add3A_251 = vector.broadcast %add3A_250 : i32 to vector<16xi32>
    %add3A_252 = arith.addi %sub3A_142, %add3A_251 : vector<16xi32>
    %add3A_253 = arith.constant 6 : i32
    %add3A_254 = vector.broadcast %add3A_253 : i32 to vector<16xi32>
    %add3A_255 = arith.addi %gather3A, %add3A_254 : vector<16xi32>
    %min3A_256 = arith.constant 65535 : i32
    %min3A_257 = vector.broadcast %min3A_256 : i32 to vector<16xi32>
    %min3A_258 = arith.minsi %add3A_255, %min3A_257 : vector<16xi32>
    %gt3A_259 = arith.constant 6 : i32
    %gt3A_260 = vector.broadcast %gt3A_259 : i32 to vector<16xi32>
    %gt3A_261 = arith.cmpi sgt, %min3A_140, %gt3A_260 : vector<16xi32>
    tpu.vector_store_idx %arg7[%add3A_252], %min3A_258 masked %gt3A_261 : memref<160xi32, #tpu.memory_space<vmem>>[vector<16xi32>], vector<16xi32>, vector<16xi1>
    %add3A_262 = arith.constant 6 : i32
    %add3A_263 = vector.broadcast %add3A_262 : i32 to vector<16xi32>
    %add3A_264 = arith.addi %sub3A_142, %add3A_263 : vector<16xi32>
    %gt3A_265 = arith.constant 6 : i32
    %gt3A_266 = vector.broadcast %gt3A_265 : i32 to vector<16xi32>
    %gt3A_267 = arith.cmpi sgt, %min3A_140, %gt3A_266 : vector<16xi32>
    tpu.vector_store_idx %arg9[%add3A_264], %iota3A masked %gt3A_267 : memref<160xi32, #tpu.memory_space<vmem>>[vector<16xi32>], vector<16xi32>, vector<16xi1>
    %add3A_268 = arith.constant 7 : i32
    %add3A_269 = vector.broadcast %add3A_268 : i32 to vector<16xi32>
    %add3A_270 = arith.addi %sub3A_142, %add3A_269 : vector<16xi32>
    %add3A_271 = arith.constant 7 : i32
    %add3A_272 = vector.broadcast %add3A_271 : i32 to vector<16xi32>
    %add3A_273 = arith.addi %gather3A, %add3A_272 : vector<16xi32>
    %min3A_274 = arith.constant 65535 : i32
    %min3A_275 = vector.broadcast %min3A_274 : i32 to vector<16xi32>
    %min3A_276 = arith.minsi %add3A_273, %min3A_275 : vector<16xi32>
    %gt3A_277 = arith.constant 7 : i32
    %gt3A_278 = vector.broadcast %gt3A_277 : i32 to vector<16xi32>
    %gt3A_279 = arith.cmpi sgt, %min3A_140, %gt3A_278 : vector<16xi32>
    tpu.vector_store_idx %arg7[%add3A_270], %min3A_276 masked %gt3A_279 : memref<160xi32, #tpu.memory_space<vmem>>[vector<16xi32>], vector<16xi32>, vector<16xi1>
    %add3A_280 = arith.constant 7 : i32
    %add3A_281 = vector.broadcast %add3A_280 : i32 to vector<16xi32>
    %add3A_282 = arith.addi %sub3A_142, %add3A_281 : vector<16xi32>
    %gt3A_283 = arith.constant 7 : i32
    %gt3A_284 = vector.broadcast %gt3A_283 : i32 to vector<16xi32>
    %gt3A_285 = arith.cmpi sgt, %min3A_140, %gt3A_284 : vector<16xi32>
    tpu.vector_store_idx %arg9[%add3A_282], %iota3A masked %gt3A_285 : memref<160xi32, #tpu.memory_space<vmem>>[vector<16xi32>], vector<16xi32>, vector<16xi1>
    %add3A_286 = arith.constant 8 : i32
    %add3A_287 = vector.broadcast %add3A_286 : i32 to vector<16xi32>
    %add3A_288 = arith.addi %sub3A_142, %add3A_287 : vector<16xi32>
    %add3A_289 = arith.constant 8 : i32
    %add3A_290 = vector.broadcast %add3A_289 : i32 to vector<16xi32>
    %add3A_291 = arith.addi %gather3A, %add3A_290 : vector<16xi32>
    %min3A_292 = arith.constant 65535 : i32
    %min3A_293 = vector.broadcast %min3A_292 : i32 to vector<16xi32>
    %min3A_294 = arith.minsi %add3A_291, %min3A_293 : vector<16xi32>
    %gt3A_295 = arith.constant 8 : i32
    %gt3A_296 = vector.broadcast %gt3A_295 : i32 to vector<16xi32>
    %gt3A_297 = arith.cmpi sgt, %min3A_140, %gt3A_296 : vector<16xi32>
    tpu.vector_store_idx %arg7[%add3A_288], %min3A_294 masked %gt3A_297 : memref<160xi32, #tpu.memory_space<vmem>>[vector<16xi32>], vector<16xi32>, vector<16xi1>
    %add3A_298 = arith.constant 8 : i32
    %add3A_299 = vector.broadcast %add3A_298 : i32 to vector<16xi32>
    %add3A_300 = arith.addi %sub3A_142, %add3A_299 : vector<16xi32>
    %gt3A_301 = arith.constant 8 : i32
    %gt3A_302 = vector.broadcast %gt3A_301 : i32 to vector<16xi32>
    %gt3A_303 = arith.cmpi sgt, %min3A_140, %gt3A_302 : vector<16xi32>
    tpu.vector_store_idx %arg9[%add3A_300], %iota3A masked %gt3A_303 : memref<160xi32, #tpu.memory_space<vmem>>[vector<16xi32>], vector<16xi32>, vector<16xi1>
    %slice3A = vector.extract_strided_slice %masked_cumsum3A {offsets = [15], sizes = [1], strides = [1]} : vector<16xi32> to vector<1xi32>
    %squeeze3A = vector.extract %slice3A[0] : i32 from vector<1xi32>
    %broadcast_in_dim3A_304 = vector.broadcast %squeeze3A : i32 to vector<16xi32>
    %add3A_305 = arith.addi %broadcast_in_dim3A_304, %iota3A : vector<16xi32>
    %add3A_306 = arith.addi %gather3A, %iota3A : vector<16xi32>
    %min3A_307 = arith.constant 65535 : i32
    %min3A_308 = vector.broadcast %min3A_307 : i32 to vector<16xi32>
    %min3A_309 = arith.minsi %add3A_306, %min3A_308 : vector<16xi32>
    tpu.vector_store_idx %arg7[%add3A_305], %min3A_309 : memref<160xi32, #tpu.memory_space<vmem>>[vector<16xi32>], vector<16xi32>,
    %add3A_310 = arith.constant 15 : i32
    %add3A_311 = arith.addi %squeeze3A, %add3A_310 : i32
    %div3A = arith.constant 16 : i32
    %div3A_312 = arith.divsi %add3A_311, %div3A : i32
    %add3A_313 = arith.constant 0 : i32
    %add3A_314 = arith.addi %mul3A_2, %add3A_313 : i32
    %multiple_of3A_315 = tpu.assume_multiple %add3A_314, 8 : i32
    %dma_start3A = arith.constant 0 : i32
    %dma_start3A_316 = tpu.memref_slice %arg2[%multiple_of3A_315, %dma_start3A] : memref<16384x256xf32, #tpu.memory_space<hbm>> -> memref<16x256xf32, #tpu.memory_space<hbm>>
    %dma_start3A_317 = arith.constant 0 : i32
    %dma_start3A_318 = tpu.memref_slice %arg2[%multiple_of3A_315, %dma_start3A_317] : memref<16384x256xf32, #tpu.memory_space<hbm>> -> memref<16x256xf32, #tpu.memory_space<hbm>>
    tpu.enqueue_dma source(%dma_start3A_318 : memref<16x256xf32, #tpu.memory_space<hbm>>) target(%arg13 : memref<16x256xf32, #tpu.memory_space<vmem>>) target_semaphore(%arg17 : memref<!tpu.dma_semaphore, #tpu.memory_space<semaphore_mem>>)
    %gt3A_319 = arith.constant 0 : i32
    %gt3A_320 = arith.cmpi sgt, %div3A_312, %gt3A_319 : i32
    %convert_element_type3A = arith.extui %gt3A_320 : i1 to i32
    %cond3A = arith.constant 0 : i32
    %cond3A_321 = arith.cmpi ne, %convert_element_type3A, %cond3A : i32
    scf.if %cond3A_321 {
      %dma_start3A_367 = arith.constant 0 : i32
      %dma_start3A_368 = arith.constant 0 : i32
      %dma_start3A_369 = tpu.memref_slice %arg11[%dma_start3A_367, %dma_start3A_368] : memref<160x256xf32, #tpu.memory_space<vmem>> -> memref<16x256xf32, #tpu.memory_space<vmem>>
      %dma_start3A_370 = arith.constant 0 : i32
      %dma_start3A_371 = tpu.memref_slice %arg7[%dma_start3A_370] : memref<160xi32, #tpu.memory_space<vmem>> -> memref<16xi32, #tpu.memory_space<vmem>>
      %dma_start3A_372 = arith.constant 0 : i32
      %dma_start3A_373 = arith.constant 0 : i32
      %dma_start3A_374 = tpu.memref_slice %arg3[%dma_start3A_372, %dma_start3A_373] : memref<65536x256xf32, #tpu.memory_space<hbm>> -> memref<65536x256xf32, #tpu.memory_space<hbm>>
      tpu.enqueue_indirect_dma source(%dma_start3A_374 : memref<65536x256xf32, #tpu.memory_space<hbm>>) target(%dma_start3A_369 : memref<16x256xf32, #tpu.memory_space<vmem>>) offsets(%dma_start3A_371 : memref<16xi32, #tpu.memory_space<vmem>>) semaphore(%arg15 : memref<!tpu.dma_semaphore, #tpu.memory_space<semaphore_mem>>)
    } else {
    }
    %gt3A_322 = arith.constant 1 : i32
    %gt3A_323 = arith.cmpi sgt, %div3A_312, %gt3A_322 : i32
    %convert_element_type3A_324 = arith.extui %gt3A_323 : i1 to i32
    %cond3A_325 = arith.constant 0 : i32
    %cond3A_326 = arith.cmpi ne, %convert_element_type3A_324, %cond3A_325 : i32
    scf.if %cond3A_326 {
      %dma_start3A_367 = arith.constant 16 : i32
      %dma_start3A_368 = arith.constant 0 : i32
      %dma_start3A_369 = tpu.memref_slice %arg11[%dma_start3A_367, %dma_start3A_368] : memref<160x256xf32, #tpu.memory_space<vmem>> -> memref<16x256xf32, #tpu.memory_space<vmem>>
      %dma_start3A_370 = arith.constant 16 : i32
      %dma_start3A_371 = tpu.memref_slice %arg7[%dma_start3A_370] : memref<160xi32, #tpu.memory_space<vmem>> -> memref<16xi32, #tpu.memory_space<vmem>>
      %dma_start3A_372 = arith.constant 0 : i32
      %dma_start3A_373 = arith.constant 0 : i32
      %dma_start3A_374 = tpu.memref_slice %arg3[%dma_start3A_372, %dma_start3A_373] : memref<65536x256xf32, #tpu.memory_space<hbm>> -> memref<65536x256xf32, #tpu.memory_space<hbm>>
      tpu.enqueue_indirect_dma source(%dma_start3A_374 : memref<65536x256xf32, #tpu.memory_space<hbm>>) target(%dma_start3A_369 : memref<16x256xf32, #tpu.memory_space<vmem>>) offsets(%dma_start3A_371 : memref<16xi32, #tpu.memory_space<vmem>>) semaphore(%arg15 : memref<!tpu.dma_semaphore, #tpu.memory_space<semaphore_mem>>)
    } else {
    }
    %gt3A_327 = arith.constant 2 : i32
    %gt3A_328 = arith.cmpi sgt, %div3A_312, %gt3A_327 : i32
    %convert_element_type3A_329 = arith.extui %gt3A_328 : i1 to i32
    %cond3A_330 = arith.constant 0 : i32
    %cond3A_331 = arith.cmpi ne, %convert_element_type3A_329, %cond3A_330 : i32
    scf.if %cond3A_331 {
      %dma_start3A_367 = arith.constant 32 : i32
      %dma_start3A_368 = arith.constant 0 : i32
      %dma_start3A_369 = tpu.memref_slice %arg11[%dma_start3A_367, %dma_start3A_368] : memref<160x256xf32, #tpu.memory_space<vmem>> -> memref<16x256xf32, #tpu.memory_space<vmem>>
      %dma_start3A_370 = arith.constant 32 : i32
      %dma_start3A_371 = tpu.memref_slice %arg7[%dma_start3A_370] : memref<160xi32, #tpu.memory_space<vmem>> -> memref<16xi32, #tpu.memory_space<vmem>>
      %dma_start3A_372 = arith.constant 0 : i32
      %dma_start3A_373 = arith.constant 0 : i32
      %dma_start3A_374 = tpu.memref_slice %arg3[%dma_start3A_372, %dma_start3A_373] : memref<65536x256xf32, #tpu.memory_space<hbm>> -> memref<65536x256xf32, #tpu.memory_space<hbm>>
      tpu.enqueue_indirect_dma source(%dma_start3A_374 : memref<65536x256xf32, #tpu.memory_space<hbm>>) target(%dma_start3A_369 : memref<16x256xf32, #tpu.memory_space<vmem>>) offsets(%dma_start3A_371 : memref<16xi32, #tpu.memory_space<vmem>>) semaphore(%arg15 : memref<!tpu.dma_semaphore, #tpu.memory_space<semaphore_mem>>)
    } else {
    }
    %gt3A_332 = arith.constant 3 : i32
    %gt3A_333 = arith.cmpi sgt, %div3A_312, %gt3A_332 : i32
    %convert_element_type3A_334 = arith.extui %gt3A_333 : i1 to i32
    %cond3A_335 = arith.constant 0 : i32
    %cond3A_336 = arith.cmpi ne, %convert_element_type3A_334, %cond3A_335 : i32
    scf.if %cond3A_336 {
      %dma_start3A_367 = arith.constant 48 : i32
      %dma_start3A_368 = arith.constant 0 : i32
      %dma_start3A_369 = tpu.memref_slice %arg11[%dma_start3A_367, %dma_start3A_368] : memref<160x256xf32, #tpu.memory_space<vmem>> -> memref<16x256xf32, #tpu.memory_space<vmem>>
      %dma_start3A_370 = arith.constant 48 : i32
      %dma_start3A_371 = tpu.memref_slice %arg7[%dma_start3A_370] : memref<160xi32, #tpu.memory_space<vmem>> -> memref<16xi32, #tpu.memory_space<vmem>>
      %dma_start3A_372 = arith.constant 0 : i32
      %dma_start3A_373 = arith.constant 0 : i32
      %dma_start3A_374 = tpu.memref_slice %arg3[%dma_start3A_372, %dma_start3A_373] : memref<65536x256xf32, #tpu.memory_space<hbm>> -> memref<65536x256xf32, #tpu.memory_space<hbm>>
      tpu.enqueue_indirect_dma source(%dma_start3A_374 : memref<65536x256xf32, #tpu.memory_space<hbm>>) target(%dma_start3A_369 : memref<16x256xf32, #tpu.memory_space<vmem>>) offsets(%dma_start3A_371 : memref<16xi32, #tpu.memory_space<vmem>>) semaphore(%arg15 : memref<!tpu.dma_semaphore, #tpu.memory_space<semaphore_mem>>)
    } else {
    }
    %gt3A_337 = arith.constant 4 : i32
    %gt3A_338 = arith.cmpi sgt, %div3A_312, %gt3A_337 : i32
    %convert_element_type3A_339 = arith.extui %gt3A_338 : i1 to i32
    %cond3A_340 = arith.constant 0 : i32
    %cond3A_341 = arith.cmpi ne, %convert_element_type3A_339, %cond3A_340 : i32
    scf.if %cond3A_341 {
      %dma_start3A_367 = arith.constant 64 : i32
      %dma_start3A_368 = arith.constant 0 : i32
      %dma_start3A_369 = tpu.memref_slice %arg11[%dma_start3A_367, %dma_start3A_368] : memref<160x256xf32, #tpu.memory_space<vmem>> -> memref<16x256xf32, #tpu.memory_space<vmem>>
      %dma_start3A_370 = arith.constant 64 : i32
      %dma_start3A_371 = tpu.memref_slice %arg7[%dma_start3A_370] : memref<160xi32, #tpu.memory_space<vmem>> -> memref<16xi32, #tpu.memory_space<vmem>>
      %dma_start3A_372 = arith.constant 0 : i32
      %dma_start3A_373 = arith.constant 0 : i32
      %dma_start3A_374 = tpu.memref_slice %arg3[%dma_start3A_372, %dma_start3A_373] : memref<65536x256xf32, #tpu.memory_space<hbm>> -> memref<65536x256xf32, #tpu.memory_space<hbm>>
      tpu.enqueue_indirect_dma source(%dma_start3A_374 : memref<65536x256xf32, #tpu.memory_space<hbm>>) target(%dma_start3A_369 : memref<16x256xf32, #tpu.memory_space<vmem>>) offsets(%dma_start3A_371 : memref<16xi32, #tpu.memory_space<vmem>>) semaphore(%arg15 : memref<!tpu.dma_semaphore, #tpu.memory_space<semaphore_mem>>)
    } else {
    }
    %gt3A_342 = arith.constant 5 : i32
    %gt3A_343 = arith.cmpi sgt, %div3A_312, %gt3A_342 : i32
    %convert_element_type3A_344 = arith.extui %gt3A_343 : i1 to i32
    %cond3A_345 = arith.constant 0 : i32
    %cond3A_346 = arith.cmpi ne, %convert_element_type3A_344, %cond3A_345 : i32
    scf.if %cond3A_346 {
      %dma_start3A_367 = arith.constant 80 : i32
      %dma_start3A_368 = arith.constant 0 : i32
      %dma_start3A_369 = tpu.memref_slice %arg11[%dma_start3A_367, %dma_start3A_368] : memref<160x256xf32, #tpu.memory_space<vmem>> -> memref<16x256xf32, #tpu.memory_space<vmem>>
      %dma_start3A_370 = arith.constant 80 : i32
      %dma_start3A_371 = tpu.memref_slice %arg7[%dma_start3A_370] : memref<160xi32, #tpu.memory_space<vmem>> -> memref<16xi32, #tpu.memory_space<vmem>>
      %dma_start3A_372 = arith.constant 0 : i32
      %dma_start3A_373 = arith.constant 0 : i32
      %dma_start3A_374 = tpu.memref_slice %arg3[%dma_start3A_372, %dma_start3A_373] : memref<65536x256xf32, #tpu.memory_space<hbm>> -> memref<65536x256xf32, #tpu.memory_space<hbm>>
      tpu.enqueue_indirect_dma source(%dma_start3A_374 : memref<65536x256xf32, #tpu.memory_space<hbm>>) target(%dma_start3A_369 : memref<16x256xf32, #tpu.memory_space<vmem>>) offsets(%dma_start3A_371 : memref<16xi32, #tpu.memory_space<vmem>>) semaphore(%arg15 : memref<!tpu.dma_semaphore, #tpu.memory_space<semaphore_mem>>)
    } else {
    }
    %gt3A_347 = arith.constant 6 : i32
    %gt3A_348 = arith.cmpi sgt, %div3A_312, %gt3A_347 : i32
    %convert_element_type3A_349 = arith.extui %gt3A_348 : i1 to i32
    %cond3A_350 = arith.constant 0 : i32
    %cond3A_351 = arith.cmpi ne, %convert_element_type3A_349, %cond3A_350 : i32
    scf.if %cond3A_351 {
      %dma_start3A_367 = arith.constant 96 : i32
      %dma_start3A_368 = arith.constant 0 : i32
      %dma_start3A_369 = tpu.memref_slice %arg11[%dma_start3A_367, %dma_start3A_368] : memref<160x256xf32, #tpu.memory_space<vmem>> -> memref<16x256xf32, #tpu.memory_space<vmem>>
      %dma_start3A_370 = arith.constant 96 : i32
      %dma_start3A_371 = tpu.memref_slice %arg7[%dma_start3A_370] : memref<160xi32, #tpu.memory_space<vmem>> -> memref<16xi32, #tpu.memory_space<vmem>>
      %dma_start3A_372 = arith.constant 0 : i32
      %dma_start3A_373 = arith.constant 0 : i32
      %dma_start3A_374 = tpu.memref_slice %arg3[%dma_start3A_372, %dma_start3A_373] : memref<65536x256xf32, #tpu.memory_space<hbm>> -> memref<65536x256xf32, #tpu.memory_space<hbm>>
      tpu.enqueue_indirect_dma source(%dma_start3A_374 : memref<65536x256xf32, #tpu.memory_space<hbm>>) target(%dma_start3A_369 : memref<16x256xf32, #tpu.memory_space<vmem>>) offsets(%dma_start3A_371 : memref<16xi32, #tpu.memory_space<vmem>>) semaphore(%arg15 : memref<!tpu.dma_semaphore, #tpu.memory_space<semaphore_mem>>)
    } else {
    }
    %gt3A_352 = arith.constant 7 : i32
    %gt3A_353 = arith.cmpi sgt, %div3A_312, %gt3A_352 : i32
    %convert_element_type3A_354 = arith.extui %gt3A_353 : i1 to i32
    %cond3A_355 = arith.constant 0 : i32
    %cond3A_356 = arith.cmpi ne, %convert_element_type3A_354, %cond3A_355 : i32
    scf.if %cond3A_356 {
      %dma_start3A_367 = arith.constant 112 : i32
      %dma_start3A_368 = arith.constant 0 : i32
      %dma_start3A_369 = tpu.memref_slice %arg11[%dma_start3A_367, %dma_start3A_368] : memref<160x256xf32, #tpu.memory_space<vmem>> -> memref<16x256xf32, #tpu.memory_space<vmem>>
      %dma_start3A_370 = arith.constant 112 : i32
      %dma_start3A_371 = tpu.memref_slice %arg7[%dma_start3A_370] : memref<160xi32, #tpu.memory_space<vmem>> -> memref<16xi32, #tpu.memory_space<vmem>>
      %dma_start3A_372 = arith.constant 0 : i32
      %dma_start3A_373 = arith.constant 0 : i32
      %dma_start3A_374 = tpu.memref_slice %arg3[%dma_start3A_372, %dma_start3A_373] : memref<65536x256xf32, #tpu.memory_space<hbm>> -> memref<65536x256xf32, #tpu.memory_space<hbm>>
      tpu.enqueue_indirect_dma source(%dma_start3A_374 : memref<65536x256xf32, #tpu.memory_space<hbm>>) target(%dma_start3A_369 : memref<16x256xf32, #tpu.memory_space<vmem>>) offsets(%dma_start3A_371 : memref<16xi32, #tpu.memory_space<vmem>>) semaphore(%arg15 : memref<!tpu.dma_semaphore, #tpu.memory_space<semaphore_mem>>)
    } else {
    }
    %gt3A_357 = arith.constant 8 : i32
    %gt3A_358 = arith.cmpi sgt, %div3A_312, %gt3A_357 : i32
    %convert_element_type3A_359 = arith.extui %gt3A_358 : i1 to i32
    %cond3A_360 = arith.constant 0 : i32
    %cond3A_361 = arith.cmpi ne, %convert_element_type3A_359, %cond3A_360 : i32
    scf.if %cond3A_361 {
      %dma_start3A_367 = arith.constant 128 : i32
      %dma_start3A_368 = arith.constant 0 : i32
      %dma_start3A_369 = tpu.memref_slice %arg11[%dma_start3A_367, %dma_start3A_368] : memref<160x256xf32, #tpu.memory_space<vmem>> -> memref<16x256xf32, #tpu.memory_space<vmem>>
      %dma_start3A_370 = arith.constant 128 : i32
      %dma_start3A_371 = tpu.memref_slice %arg7[%dma_start3A_370] : memref<160xi32, #tpu.memory_space<vmem>> -> memref<16xi32, #tpu.memory_space<vmem>>
      %dma_start3A_372 = arith.constant 0 : i32
      %dma_start3A_373 = arith.constant 0 : i32
      %dma_start3A_374 = tpu.memref_slice %arg3[%dma_start3A_372, %dma_start3A_373] : memref<65536x256xf32, #tpu.memory_space<hbm>> -> memref<65536x256xf32, #tpu.memory_space<hbm>>
      tpu.enqueue_indirect_dma source(%dma_start3A_374 : memref<65536x256xf32, #tpu.memory_space<hbm>>) target(%dma_start3A_369 : memref<16x256xf32, #tpu.memory_space<vmem>>) offsets(%dma_start3A_371 : memref<16xi32, #tpu.memory_space<vmem>>) semaphore(%arg15 : memref<!tpu.dma_semaphore, #tpu.memory_space<semaphore_mem>>)
    } else {
    }
    %scan3A = arith.constant 0 : i32
    %scan3A_362 = arith.constant 16 : i32
    %scan3A_363 = arith.addi %scan3A, %scan3A_362 : i32
    %scan3A_364 = arith.constant 1 : i32
    %scan3A_365:2 = scf.for %scan3A_367 = %scan3A to %scan3A_363 step %scan3A_364 iter_args(%scan3A_368 = %div3A_312, %scan3A_369 = %squeeze3A) -> (i32, i32)  : i32 {
      %mul3A_370 = arith.constant 2 : i32
      %mul3A_371 = arith.muli %scan3A_367, %mul3A_370 : i32
      %add3A_372 = arith.constant 1 : i32
      %add3A_373 = arith.addi %mul3A_371, %add3A_372 : i32
      %mul3A_374 = arith.constant 16 : i32
      %mul3A_375 = arith.muli %add3A_373, %mul3A_374 : i32
      %add3A_376 = vector.broadcast %mul3A_375 : i32 to vector<16xi32>
      %add3A_377 = arith.addi %iota3A, %add3A_376 : vector<16xi32>
      %gather3A_378 = tpu.vector_load_idx %arg6[%add3A_377] : memref<544xi32, #tpu.memory_space<vmem>>[vector<16xi32>], vector<16xi32>,
      %mul3A_379 = arith.constant 16 : i32
      %mul3A_380 = arith.muli %add3A_373, %mul3A_379 : i32
      %add3A_381 = arith.constant 1 : i32
      %add3A_382 = arith.addi %mul3A_380, %add3A_381 : i32
      %add3A_383 = vector.broadcast %add3A_382 : i32 to vector<16xi32>
      %add3A_384 = arith.addi %iota3A, %add3A_383 : vector<16xi32>
      %gather3A_385 = tpu.vector_load_idx %arg6[%add3A_384] : memref<544xi32, #tpu.memory_space<vmem>>[vector<16xi32>], vector<16xi32>,
      %sub3A_386 = arith.subi %gather3A_385, %gather3A_378 : vector<16xi32>
      %min3A_387 = arith.constant 9 : i32
      %min3A_388 = vector.broadcast %min3A_387 : i32 to vector<16xi32>
      %min3A_389 = arith.minsi %sub3A_386, %min3A_388 : vector<16xi32>
      %broadcast_in_dim3A_390 = arith.constant true
      %broadcast_in_dim3A_391 = vector.broadcast %broadcast_in_dim3A_390 : i1 to vector<16xi1>
      %masked_cumsum3A_392 = tpu.scan <sum>, %min3A_389 masked %broadcast_in_dim3A_391 : vector<16xi32>, vector<16xi1> -> vector<16xi32>
      %sub3A_393 = arith.subi %masked_cumsum3A_392, %min3A_389 : vector<16xi32>
      %add3A_394 = arith.constant 0 : i32
      %add3A_395 = vector.broadcast %add3A_394 : i32 to vector<16xi32>
      %add3A_396 = arith.addi %sub3A_393, %add3A_395 : vector<16xi32>
      %add3A_397 = arith.constant 0 : i32
      %add3A_398 = vector.broadcast %add3A_397 : i32 to vector<16xi32>
      %add3A_399 = arith.addi %gather3A_378, %add3A_398 : vector<16xi32>
      %min3A_400 = arith.constant 65535 : i32
      %min3A_401 = vector.broadcast %min3A_400 : i32 to vector<16xi32>
      %min3A_402 = arith.minsi %add3A_399, %min3A_401 : vector<16xi32>
      %gt3A_403 = arith.constant 0 : i32
      %gt3A_404 = vector.broadcast %gt3A_403 : i32 to vector<16xi32>
      %gt3A_405 = arith.cmpi sgt, %min3A_389, %gt3A_404 : vector<16xi32>
      tpu.vector_store_idx %arg8[%add3A_396], %min3A_402 masked %gt3A_405 : memref<160xi32, #tpu.memory_space<vmem>>[vector<16xi32>], vector<16xi32>, vector<16xi1>
      %add3A_406 = arith.constant 0 : i32
      %add3A_407 = vector.broadcast %add3A_406 : i32 to vector<16xi32>
      %add3A_408 = arith.addi %sub3A_393, %add3A_407 : vector<16xi32>
      %gt3A_409 = arith.constant 0 : i32
      %gt3A_410 = vector.broadcast %gt3A_409 : i32 to vector<16xi32>
      %gt3A_411 = arith.cmpi sgt, %min3A_389, %gt3A_410 : vector<16xi32>
      tpu.vector_store_idx %arg10[%add3A_408], %iota3A masked %gt3A_411 : memref<160xi32, #tpu.memory_space<vmem>>[vector<16xi32>], vector<16xi32>, vector<16xi1>
      %add3A_412 = arith.constant 1 : i32
      %add3A_413 = vector.broadcast %add3A_412 : i32 to vector<16xi32>
      %add3A_414 = arith.addi %sub3A_393, %add3A_413 : vector<16xi32>
      %add3A_415 = arith.constant 1 : i32
      %add3A_416 = vector.broadcast %add3A_415 : i32 to vector<16xi32>
      %add3A_417 = arith.addi %gather3A_378, %add3A_416 : vector<16xi32>
      %min3A_418 = arith.constant 65535 : i32
      %min3A_419 = vector.broadcast %min3A_418 : i32 to vector<16xi32>
      %min3A_420 = arith.minsi %add3A_417, %min3A_419 : vector<16xi32>
      %gt3A_421 = arith.constant 1 : i32
      %gt3A_422 = vector.broadcast %gt3A_421 : i32 to vector<16xi32>
      %gt3A_423 = arith.cmpi sgt, %min3A_389, %gt3A_422 : vector<16xi32>
      tpu.vector_store_idx %arg8[%add3A_414], %min3A_420 masked %gt3A_423 : memref<160xi32, #tpu.memory_space<vmem>>[vector<16xi32>], vector<16xi32>, vector<16xi1>
      %add3A_424 = arith.constant 1 : i32
      %add3A_425 = vector.broadcast %add3A_424 : i32 to vector<16xi32>
      %add3A_426 = arith.addi %sub3A_393, %add3A_425 : vector<16xi32>
      %gt3A_427 = arith.constant 1 : i32
      %gt3A_428 = vector.broadcast %gt3A_427 : i32 to vector<16xi32>
      %gt3A_429 = arith.cmpi sgt, %min3A_389, %gt3A_428 : vector<16xi32>
      tpu.vector_store_idx %arg10[%add3A_426], %iota3A masked %gt3A_429 : memref<160xi32, #tpu.memory_space<vmem>>[vector<16xi32>], vector<16xi32>, vector<16xi1>
      %add3A_430 = arith.constant 2 : i32
      %add3A_431 = vector.broadcast %add3A_430 : i32 to vector<16xi32>
      %add3A_432 = arith.addi %sub3A_393, %add3A_431 : vector<16xi32>
      %add3A_433 = arith.constant 2 : i32
      %add3A_434 = vector.broadcast %add3A_433 : i32 to vector<16xi32>
      %add3A_435 = arith.addi %gather3A_378, %add3A_434 : vector<16xi32>
      %min3A_436 = arith.constant 65535 : i32
      %min3A_437 = vector.broadcast %min3A_436 : i32 to vector<16xi32>
      %min3A_438 = arith.minsi %add3A_435, %min3A_437 : vector<16xi32>
      %gt3A_439 = arith.constant 2 : i32
      %gt3A_440 = vector.broadcast %gt3A_439 : i32 to vector<16xi32>
      %gt3A_441 = arith.cmpi sgt, %min3A_389, %gt3A_440 : vector<16xi32>
      tpu.vector_store_idx %arg8[%add3A_432], %min3A_438 masked %gt3A_441 : memref<160xi32, #tpu.memory_space<vmem>>[vector<16xi32>], vector<16xi32>, vector<16xi1>
      %add3A_442 = arith.constant 2 : i32
      %add3A_443 = vector.broadcast %add3A_442 : i32 to vector<16xi32>
      %add3A_444 = arith.addi %sub3A_393, %add3A_443 : vector<16xi32>
      %gt3A_445 = arith.constant 2 : i32
      %gt3A_446 = vector.broadcast %gt3A_445 : i32 to vector<16xi32>
      %gt3A_447 = arith.cmpi sgt, %min3A_389, %gt3A_446 : vector<16xi32>
      tpu.vector_store_idx %arg10[%add3A_444], %iota3A masked %gt3A_447 : memref<160xi32, #tpu.memory_space<vmem>>[vector<16xi32>], vector<16xi32>, vector<16xi1>
      %add3A_448 = arith.constant 3 : i32
      %add3A_449 = vector.broadcast %add3A_448 : i32 to vector<16xi32>
      %add3A_450 = arith.addi %sub3A_393, %add3A_449 : vector<16xi32>
      %add3A_451 = arith.constant 3 : i32
      %add3A_452 = vector.broadcast %add3A_451 : i32 to vector<16xi32>
      %add3A_453 = arith.addi %gather3A_378, %add3A_452 : vector<16xi32>
      %min3A_454 = arith.constant 65535 : i32
      %min3A_455 = vector.broadcast %min3A_454 : i32 to vector<16xi32>
      %min3A_456 = arith.minsi %add3A_453, %min3A_455 : vector<16xi32>
      %gt3A_457 = arith.constant 3 : i32
      %gt3A_458 = vector.broadcast %gt3A_457 : i32 to vector<16xi32>
      %gt3A_459 = arith.cmpi sgt, %min3A_389, %gt3A_458 : vector<16xi32>
      tpu.vector_store_idx %arg8[%add3A_450], %min3A_456 masked %gt3A_459 : memref<160xi32, #tpu.memory_space<vmem>>[vector<16xi32>], vector<16xi32>, vector<16xi1>
      %add3A_460 = arith.constant 3 : i32
      %add3A_461 = vector.broadcast %add3A_460 : i32 to vector<16xi32>
      %add3A_462 = arith.addi %sub3A_393, %add3A_461 : vector<16xi32>
      %gt3A_463 = arith.constant 3 : i32
      %gt3A_464 = vector.broadcast %gt3A_463 : i32 to vector<16xi32>
      %gt3A_465 = arith.cmpi sgt, %min3A_389, %gt3A_464 : vector<16xi32>
      tpu.vector_store_idx %arg10[%add3A_462], %iota3A masked %gt3A_465 : memref<160xi32, #tpu.memory_space<vmem>>[vector<16xi32>], vector<16xi32>, vector<16xi1>
      %add3A_466 = arith.constant 4 : i32
      %add3A_467 = vector.broadcast %add3A_466 : i32 to vector<16xi32>
      %add3A_468 = arith.addi %sub3A_393, %add3A_467 : vector<16xi32>
      %add3A_469 = arith.constant 4 : i32
      %add3A_470 = vector.broadcast %add3A_469 : i32 to vector<16xi32>
      %add3A_471 = arith.addi %gather3A_378, %add3A_470 : vector<16xi32>
      %min3A_472 = arith.constant 65535 : i32
      %min3A_473 = vector.broadcast %min3A_472 : i32 to vector<16xi32>
      %min3A_474 = arith.minsi %add3A_471, %min3A_473 : vector<16xi32>
      %gt3A_475 = arith.constant 4 : i32
      %gt3A_476 = vector.broadcast %gt3A_475 : i32 to vector<16xi32>
      %gt3A_477 = arith.cmpi sgt, %min3A_389, %gt3A_476 : vector<16xi32>
      tpu.vector_store_idx %arg8[%add3A_468], %min3A_474 masked %gt3A_477 : memref<160xi32, #tpu.memory_space<vmem>>[vector<16xi32>], vector<16xi32>, vector<16xi1>
      %add3A_478 = arith.constant 4 : i32
      %add3A_479 = vector.broadcast %add3A_478 : i32 to vector<16xi32>
      %add3A_480 = arith.addi %sub3A_393, %add3A_479 : vector<16xi32>
      %gt3A_481 = arith.constant 4 : i32
      %gt3A_482 = vector.broadcast %gt3A_481 : i32 to vector<16xi32>
      %gt3A_483 = arith.cmpi sgt, %min3A_389, %gt3A_482 : vector<16xi32>
      tpu.vector_store_idx %arg10[%add3A_480], %iota3A masked %gt3A_483 : memref<160xi32, #tpu.memory_space<vmem>>[vector<16xi32>], vector<16xi32>, vector<16xi1>
      %add3A_484 = arith.constant 5 : i32
      %add3A_485 = vector.broadcast %add3A_484 : i32 to vector<16xi32>
      %add3A_486 = arith.addi %sub3A_393, %add3A_485 : vector<16xi32>
      %add3A_487 = arith.constant 5 : i32
      %add3A_488 = vector.broadcast %add3A_487 : i32 to vector<16xi32>
      %add3A_489 = arith.addi %gather3A_378, %add3A_488 : vector<16xi32>
      %min3A_490 = arith.constant 65535 : i32
      %min3A_491 = vector.broadcast %min3A_490 : i32 to vector<16xi32>
      %min3A_492 = arith.minsi %add3A_489, %min3A_491 : vector<16xi32>
      %gt3A_493 = arith.constant 5 : i32
      %gt3A_494 = vector.broadcast %gt3A_493 : i32 to vector<16xi32>
      %gt3A_495 = arith.cmpi sgt, %min3A_389, %gt3A_494 : vector<16xi32>
      tpu.vector_store_idx %arg8[%add3A_486], %min3A_492 masked %gt3A_495 : memref<160xi32, #tpu.memory_space<vmem>>[vector<16xi32>], vector<16xi32>, vector<16xi1>
      %add3A_496 = arith.constant 5 : i32
      %add3A_497 = vector.broadcast %add3A_496 : i32 to vector<16xi32>
      %add3A_498 = arith.addi %sub3A_393, %add3A_497 : vector<16xi32>
      %gt3A_499 = arith.constant 5 : i32
      %gt3A_500 = vector.broadcast %gt3A_499 : i32 to vector<16xi32>
      %gt3A_501 = arith.cmpi sgt, %min3A_389, %gt3A_500 : vector<16xi32>
      tpu.vector_store_idx %arg10[%add3A_498], %iota3A masked %gt3A_501 : memref<160xi32, #tpu.memory_space<vmem>>[vector<16xi32>], vector<16xi32>, vector<16xi1>
      %add3A_502 = arith.constant 6 : i32
      %add3A_503 = vector.broadcast %add3A_502 : i32 to vector<16xi32>
      %add3A_504 = arith.addi %sub3A_393, %add3A_503 : vector<16xi32>
      %add3A_505 = arith.constant 6 : i32
      %add3A_506 = vector.broadcast %add3A_505 : i32 to vector<16xi32>
      %add3A_507 = arith.addi %gather3A_378, %add3A_506 : vector<16xi32>
      %min3A_508 = arith.constant 65535 : i32
      %min3A_509 = vector.broadcast %min3A_508 : i32 to vector<16xi32>
      %min3A_510 = arith.minsi %add3A_507, %min3A_509 : vector<16xi32>
      %gt3A_511 = arith.constant 6 : i32
      %gt3A_512 = vector.broadcast %gt3A_511 : i32 to vector<16xi32>
      %gt3A_513 = arith.cmpi sgt, %min3A_389, %gt3A_512 : vector<16xi32>
      tpu.vector_store_idx %arg8[%add3A_504], %min3A_510 masked %gt3A_513 : memref<160xi32, #tpu.memory_space<vmem>>[vector<16xi32>], vector<16xi32>, vector<16xi1>
      %add3A_514 = arith.constant 6 : i32
      %add3A_515 = vector.broadcast %add3A_514 : i32 to vector<16xi32>
      %add3A_516 = arith.addi %sub3A_393, %add3A_515 : vector<16xi32>
      %gt3A_517 = arith.constant 6 : i32
      %gt3A_518 = vector.broadcast %gt3A_517 : i32 to vector<16xi32>
      %gt3A_519 = arith.cmpi sgt, %min3A_389, %gt3A_518 : vector<16xi32>
      tpu.vector_store_idx %arg10[%add3A_516], %iota3A masked %gt3A_519 : memref<160xi32, #tpu.memory_space<vmem>>[vector<16xi32>], vector<16xi32>, vector<16xi1>
      %add3A_520 = arith.constant 7 : i32
      %add3A_521 = vector.broadcast %add3A_520 : i32 to vector<16xi32>
      %add3A_522 = arith.addi %sub3A_393, %add3A_521 : vector<16xi32>
      %add3A_523 = arith.constant 7 : i32
      %add3A_524 = vector.broadcast %add3A_523 : i32 to vector<16xi32>
      %add3A_525 = arith.addi %gather3A_378, %add3A_524 : vector<16xi32>
      %min3A_526 = arith.constant 65535 : i32
      %min3A_527 = vector.broadcast %min3A_526 : i32 to vector<16xi32>
      %min3A_528 = arith.minsi %add3A_525, %min3A_527 : vector<16xi32>
      %gt3A_529 = arith.constant 7 : i32
      %gt3A_530 = vector.broadcast %gt3A_529 : i32 to vector<16xi32>
      %gt3A_531 = arith.cmpi sgt, %min3A_389, %gt3A_530 : vector<16xi32>
      tpu.vector_store_idx %arg8[%add3A_522], %min3A_528 masked %gt3A_531 : memref<160xi32, #tpu.memory_space<vmem>>[vector<16xi32>], vector<16xi32>, vector<16xi1>
      %add3A_532 = arith.constant 7 : i32
      %add3A_533 = vector.broadcast %add3A_532 : i32 to vector<16xi32>
      %add3A_534 = arith.addi %sub3A_393, %add3A_533 : vector<16xi32>
      %gt3A_535 = arith.constant 7 : i32
      %gt3A_536 = vector.broadcast %gt3A_535 : i32 to vector<16xi32>
      %gt3A_537 = arith.cmpi sgt, %min3A_389, %gt3A_536 : vector<16xi32>
      tpu.vector_store_idx %arg10[%add3A_534], %iota3A masked %gt3A_537 : memref<160xi32, #tpu.memory_space<vmem>>[vector<16xi32>], vector<16xi32>, vector<16xi1>
      %add3A_538 = arith.constant 8 : i32
      %add3A_539 = vector.broadcast %add3A_538 : i32 to vector<16xi32>
      %add3A_540 = arith.addi %sub3A_393, %add3A_539 : vector<16xi32>
      %add3A_541 = arith.constant 8 : i32
      %add3A_542 = vector.broadcast %add3A_541 : i32 to vector<16xi32>
      %add3A_543 = arith.addi %gather3A_378, %add3A_542 : vector<16xi32>
      %min3A_544 = arith.constant 65535 : i32
      %min3A_545 = vector.broadcast %min3A_544 : i32 to vector<16xi32>
      %min3A_546 = arith.minsi %add3A_543, %min3A_545 : vector<16xi32>
      %gt3A_547 = arith.constant 8 : i32
      %gt3A_548 = vector.broadcast %gt3A_547 : i32 to vector<16xi32>
      %gt3A_549 = arith.cmpi sgt, %min3A_389, %gt3A_548 : vector<16xi32>
      tpu.vector_store_idx %arg8[%add3A_540], %min3A_546 masked %gt3A_549 : memref<160xi32, #tpu.memory_space<vmem>>[vector<16xi32>], vector<16xi32>, vector<16xi1>
      %add3A_550 = arith.constant 8 : i32
      %add3A_551 = vector.broadcast %add3A_550 : i32 to vector<16xi32>
      %add3A_552 = arith.addi %sub3A_393, %add3A_551 : vector<16xi32>
      %gt3A_553 = arith.constant 8 : i32
      %gt3A_554 = vector.broadcast %gt3A_553 : i32 to vector<16xi32>
      %gt3A_555 = arith.cmpi sgt, %min3A_389, %gt3A_554 : vector<16xi32>
      tpu.vector_store_idx %arg10[%add3A_552], %iota3A masked %gt3A_555 : memref<160xi32, #tpu.memory_space<vmem>>[vector<16xi32>], vector<16xi32>, vector<16xi1>
      %slice3A_556 = vector.extract_strided_slice %masked_cumsum3A_392 {offsets = [15], sizes = [1], strides = [1]} : vector<16xi32> to vector<1xi32>
      %squeeze3A_557 = vector.extract %slice3A_556[0] : i32 from vector<1xi32>
      %broadcast_in_dim3A_558 = vector.broadcast %squeeze3A_557 : i32 to vector<16xi32>
      %add3A_559 = arith.addi %broadcast_in_dim3A_558, %iota3A : vector<16xi32>
      %add3A_560 = arith.addi %gather3A_378, %iota3A : vector<16xi32>
      %min3A_561 = arith.constant 65535 : i32
      %min3A_562 = vector.broadcast %min3A_561 : i32 to vector<16xi32>
      %min3A_563 = arith.minsi %add3A_560, %min3A_562 : vector<16xi32>
      tpu.vector_store_idx %arg8[%add3A_559], %min3A_563 : memref<160xi32, #tpu.memory_space<vmem>>[vector<16xi32>], vector<16xi32>,
      %add3A_564 = arith.constant 15 : i32
      %add3A_565 = arith.addi %squeeze3A_557, %add3A_564 : i32
      %div3A_566 = arith.constant 16 : i32
      %div3A_567 = arith.divsi %add3A_565, %div3A_566 : i32
      %add3A_568 = arith.constant 1 : i32
      %add3A_569 = arith.addi %mul3A_371, %add3A_568 : i32
      %mul3A_570 = arith.constant 16 : i32
      %mul3A_571 = arith.muli %add3A_569, %mul3A_570 : i32
      %add3A_572 = arith.addi %mul3A_2, %mul3A_571 : i32
      %multiple_of3A_573 = tpu.assume_multiple %add3A_572, 8 : i32
      %dma_start3A_574 = arith.constant 0 : i32
      %dma_start3A_575 = tpu.memref_slice %arg2[%multiple_of3A_573, %dma_start3A_574] : memref<16384x256xf32, #tpu.memory_space<hbm>> -> memref<16x256xf32, #tpu.memory_space<hbm>>
      %dma_start3A_576 = arith.constant 0 : i32
      %dma_start3A_577 = tpu.memref_slice %arg2[%multiple_of3A_573, %dma_start3A_576] : memref<16384x256xf32, #tpu.memory_space<hbm>> -> memref<16x256xf32, #tpu.memory_space<hbm>>
      tpu.enqueue_dma source(%dma_start3A_577 : memref<16x256xf32, #tpu.memory_space<hbm>>) target(%arg14 : memref<16x256xf32, #tpu.memory_space<vmem>>) target_semaphore(%arg18 : memref<!tpu.dma_semaphore, #tpu.memory_space<semaphore_mem>>)
      %gt3A_578 = arith.constant 0 : i32
      %gt3A_579 = arith.cmpi sgt, %div3A_567, %gt3A_578 : i32
      %convert_element_type3A_580 = arith.extui %gt3A_579 : i1 to i32
      %cond3A_581 = arith.constant 0 : i32
      %cond3A_582 = arith.cmpi ne, %convert_element_type3A_580, %cond3A_581 : i32
      scf.if %cond3A_582 {
        %dma_start3A_973 = arith.constant 0 : i32
        %dma_start3A_974 = arith.constant 0 : i32
        %dma_start3A_975 = tpu.memref_slice %arg12[%dma_start3A_973, %dma_start3A_974] : memref<160x256xf32, #tpu.memory_space<vmem>> -> memref<16x256xf32, #tpu.memory_space<vmem>>
        %dma_start3A_976 = arith.constant 0 : i32
        %dma_start3A_977 = tpu.memref_slice %arg8[%dma_start3A_976] : memref<160xi32, #tpu.memory_space<vmem>> -> memref<16xi32, #tpu.memory_space<vmem>>
        %dma_start3A_978 = arith.constant 0 : i32
        %dma_start3A_979 = arith.constant 0 : i32
        %dma_start3A_980 = tpu.memref_slice %arg3[%dma_start3A_978, %dma_start3A_979] : memref<65536x256xf32, #tpu.memory_space<hbm>> -> memref<65536x256xf32, #tpu.memory_space<hbm>>
        tpu.enqueue_indirect_dma source(%dma_start3A_980 : memref<65536x256xf32, #tpu.memory_space<hbm>>) target(%dma_start3A_975 : memref<16x256xf32, #tpu.memory_space<vmem>>) offsets(%dma_start3A_977 : memref<16xi32, #tpu.memory_space<vmem>>) semaphore(%arg16 : memref<!tpu.dma_semaphore, #tpu.memory_space<semaphore_mem>>)
      } else {
      }
      %gt3A_583 = arith.constant 1 : i32
      %gt3A_584 = arith.cmpi sgt, %div3A_567, %gt3A_583 : i32
      %convert_element_type3A_585 = arith.extui %gt3A_584 : i1 to i32
      %cond3A_586 = arith.constant 0 : i32
      %cond3A_587 = arith.cmpi ne, %convert_element_type3A_585, %cond3A_586 : i32
      scf.if %cond3A_587 {
        %dma_start3A_973 = arith.constant 16 : i32
        %dma_start3A_974 = arith.constant 0 : i32
        %dma_start3A_975 = tpu.memref_slice %arg12[%dma_start3A_973, %dma_start3A_974] : memref<160x256xf32, #tpu.memory_space<vmem>> -> memref<16x256xf32, #tpu.memory_space<vmem>>
        %dma_start3A_976 = arith.constant 16 : i32
        %dma_start3A_977 = tpu.memref_slice %arg8[%dma_start3A_976] : memref<160xi32, #tpu.memory_space<vmem>> -> memref<16xi32, #tpu.memory_space<vmem>>
        %dma_start3A_978 = arith.constant 0 : i32
        %dma_start3A_979 = arith.constant 0 : i32
        %dma_start3A_980 = tpu.memref_slice %arg3[%dma_start3A_978, %dma_start3A_979] : memref<65536x256xf32, #tpu.memory_space<hbm>> -> memref<65536x256xf32, #tpu.memory_space<hbm>>
        tpu.enqueue_indirect_dma source(%dma_start3A_980 : memref<65536x256xf32, #tpu.memory_space<hbm>>) target(%dma_start3A_975 : memref<16x256xf32, #tpu.memory_space<vmem>>) offsets(%dma_start3A_977 : memref<16xi32, #tpu.memory_space<vmem>>) semaphore(%arg16 : memref<!tpu.dma_semaphore, #tpu.memory_space<semaphore_mem>>)
      } else {
      }
      %gt3A_588 = arith.constant 2 : i32
      %gt3A_589 = arith.cmpi sgt, %div3A_567, %gt3A_588 : i32
      %convert_element_type3A_590 = arith.extui %gt3A_589 : i1 to i32
      %cond3A_591 = arith.constant 0 : i32
      %cond3A_592 = arith.cmpi ne, %convert_element_type3A_590, %cond3A_591 : i32
      scf.if %cond3A_592 {
        %dma_start3A_973 = arith.constant 32 : i32
        %dma_start3A_974 = arith.constant 0 : i32
        %dma_start3A_975 = tpu.memref_slice %arg12[%dma_start3A_973, %dma_start3A_974] : memref<160x256xf32, #tpu.memory_space<vmem>> -> memref<16x256xf32, #tpu.memory_space<vmem>>
        %dma_start3A_976 = arith.constant 32 : i32
        %dma_start3A_977 = tpu.memref_slice %arg8[%dma_start3A_976] : memref<160xi32, #tpu.memory_space<vmem>> -> memref<16xi32, #tpu.memory_space<vmem>>
        %dma_start3A_978 = arith.constant 0 : i32
        %dma_start3A_979 = arith.constant 0 : i32
        %dma_start3A_980 = tpu.memref_slice %arg3[%dma_start3A_978, %dma_start3A_979] : memref<65536x256xf32, #tpu.memory_space<hbm>> -> memref<65536x256xf32, #tpu.memory_space<hbm>>
        tpu.enqueue_indirect_dma source(%dma_start3A_980 : memref<65536x256xf32, #tpu.memory_space<hbm>>) target(%dma_start3A_975 : memref<16x256xf32, #tpu.memory_space<vmem>>) offsets(%dma_start3A_977 : memref<16xi32, #tpu.memory_space<vmem>>) semaphore(%arg16 : memref<!tpu.dma_semaphore, #tpu.memory_space<semaphore_mem>>)
      } else {
      }
      %gt3A_593 = arith.constant 3 : i32
      %gt3A_594 = arith.cmpi sgt, %div3A_567, %gt3A_593 : i32
      %convert_element_type3A_595 = arith.extui %gt3A_594 : i1 to i32
      %cond3A_596 = arith.constant 0 : i32
      %cond3A_597 = arith.cmpi ne, %convert_element_type3A_595, %cond3A_596 : i32
      scf.if %cond3A_597 {
        %dma_start3A_973 = arith.constant 48 : i32
        %dma_start3A_974 = arith.constant 0 : i32
        %dma_start3A_975 = tpu.memref_slice %arg12[%dma_start3A_973, %dma_start3A_974] : memref<160x256xf32, #tpu.memory_space<vmem>> -> memref<16x256xf32, #tpu.memory_space<vmem>>
        %dma_start3A_976 = arith.constant 48 : i32
        %dma_start3A_977 = tpu.memref_slice %arg8[%dma_start3A_976] : memref<160xi32, #tpu.memory_space<vmem>> -> memref<16xi32, #tpu.memory_space<vmem>>
        %dma_start3A_978 = arith.constant 0 : i32
        %dma_start3A_979 = arith.constant 0 : i32
        %dma_start3A_980 = tpu.memref_slice %arg3[%dma_start3A_978, %dma_start3A_979] : memref<65536x256xf32, #tpu.memory_space<hbm>> -> memref<65536x256xf32, #tpu.memory_space<hbm>>
        tpu.enqueue_indirect_dma source(%dma_start3A_980 : memref<65536x256xf32, #tpu.memory_space<hbm>>) target(%dma_start3A_975 : memref<16x256xf32, #tpu.memory_space<vmem>>) offsets(%dma_start3A_977 : memref<16xi32, #tpu.memory_space<vmem>>) semaphore(%arg16 : memref<!tpu.dma_semaphore, #tpu.memory_space<semaphore_mem>>)
      } else {
      }
      %gt3A_598 = arith.constant 4 : i32
      %gt3A_599 = arith.cmpi sgt, %div3A_567, %gt3A_598 : i32
      %convert_element_type3A_600 = arith.extui %gt3A_599 : i1 to i32
      %cond3A_601 = arith.constant 0 : i32
      %cond3A_602 = arith.cmpi ne, %convert_element_type3A_600, %cond3A_601 : i32
      scf.if %cond3A_602 {
        %dma_start3A_973 = arith.constant 64 : i32
        %dma_start3A_974 = arith.constant 0 : i32
        %dma_start3A_975 = tpu.memref_slice %arg12[%dma_start3A_973, %dma_start3A_974] : memref<160x256xf32, #tpu.memory_space<vmem>> -> memref<16x256xf32, #tpu.memory_space<vmem>>
        %dma_start3A_976 = arith.constant 64 : i32
        %dma_start3A_977 = tpu.memref_slice %arg8[%dma_start3A_976] : memref<160xi32, #tpu.memory_space<vmem>> -> memref<16xi32, #tpu.memory_space<vmem>>
        %dma_start3A_978 = arith.constant 0 : i32
        %dma_start3A_979 = arith.constant 0 : i32
        %dma_start3A_980 = tpu.memref_slice %arg3[%dma_start3A_978, %dma_start3A_979] : memref<65536x256xf32, #tpu.memory_space<hbm>> -> memref<65536x256xf32, #tpu.memory_space<hbm>>
        tpu.enqueue_indirect_dma source(%dma_start3A_980 : memref<65536x256xf32, #tpu.memory_space<hbm>>) target(%dma_start3A_975 : memref<16x256xf32, #tpu.memory_space<vmem>>) offsets(%dma_start3A_977 : memref<16xi32, #tpu.memory_space<vmem>>) semaphore(%arg16 : memref<!tpu.dma_semaphore, #tpu.memory_space<semaphore_mem>>)
      } else {
      }
      %gt3A_603 = arith.constant 5 : i32
      %gt3A_604 = arith.cmpi sgt, %div3A_567, %gt3A_603 : i32
      %convert_element_type3A_605 = arith.extui %gt3A_604 : i1 to i32
      %cond3A_606 = arith.constant 0 : i32
      %cond3A_607 = arith.cmpi ne, %convert_element_type3A_605, %cond3A_606 : i32
      scf.if %cond3A_607 {
        %dma_start3A_973 = arith.constant 80 : i32
        %dma_start3A_974 = arith.constant 0 : i32
        %dma_start3A_975 = tpu.memref_slice %arg12[%dma_start3A_973, %dma_start3A_974] : memref<160x256xf32, #tpu.memory_space<vmem>> -> memref<16x256xf32, #tpu.memory_space<vmem>>
        %dma_start3A_976 = arith.constant 80 : i32
        %dma_start3A_977 = tpu.memref_slice %arg8[%dma_start3A_976] : memref<160xi32, #tpu.memory_space<vmem>> -> memref<16xi32, #tpu.memory_space<vmem>>
        %dma_start3A_978 = arith.constant 0 : i32
        %dma_start3A_979 = arith.constant 0 : i32
        %dma_start3A_980 = tpu.memref_slice %arg3[%dma_start3A_978, %dma_start3A_979] : memref<65536x256xf32, #tpu.memory_space<hbm>> -> memref<65536x256xf32, #tpu.memory_space<hbm>>
        tpu.enqueue_indirect_dma source(%dma_start3A_980 : memref<65536x256xf32, #tpu.memory_space<hbm>>) target(%dma_start3A_975 : memref<16x256xf32, #tpu.memory_space<vmem>>) offsets(%dma_start3A_977 : memref<16xi32, #tpu.memory_space<vmem>>) semaphore(%arg16 : memref<!tpu.dma_semaphore, #tpu.memory_space<semaphore_mem>>)
      } else {
      }
      %gt3A_608 = arith.constant 6 : i32
      %gt3A_609 = arith.cmpi sgt, %div3A_567, %gt3A_608 : i32
      %convert_element_type3A_610 = arith.extui %gt3A_609 : i1 to i32
      %cond3A_611 = arith.constant 0 : i32
      %cond3A_612 = arith.cmpi ne, %convert_element_type3A_610, %cond3A_611 : i32
      scf.if %cond3A_612 {
        %dma_start3A_973 = arith.constant 96 : i32
        %dma_start3A_974 = arith.constant 0 : i32
        %dma_start3A_975 = tpu.memref_slice %arg12[%dma_start3A_973, %dma_start3A_974] : memref<160x256xf32, #tpu.memory_space<vmem>> -> memref<16x256xf32, #tpu.memory_space<vmem>>
        %dma_start3A_976 = arith.constant 96 : i32
        %dma_start3A_977 = tpu.memref_slice %arg8[%dma_start3A_976] : memref<160xi32, #tpu.memory_space<vmem>> -> memref<16xi32, #tpu.memory_space<vmem>>
        %dma_start3A_978 = arith.constant 0 : i32
        %dma_start3A_979 = arith.constant 0 : i32
        %dma_start3A_980 = tpu.memref_slice %arg3[%dma_start3A_978, %dma_start3A_979] : memref<65536x256xf32, #tpu.memory_space<hbm>> -> memref<65536x256xf32, #tpu.memory_space<hbm>>
        tpu.enqueue_indirect_dma source(%dma_start3A_980 : memref<65536x256xf32, #tpu.memory_space<hbm>>) target(%dma_start3A_975 : memref<16x256xf32, #tpu.memory_space<vmem>>) offsets(%dma_start3A_977 : memref<16xi32, #tpu.memory_space<vmem>>) semaphore(%arg16 : memref<!tpu.dma_semaphore, #tpu.memory_space<semaphore_mem>>)
      } else {
      }
      %gt3A_613 = arith.constant 7 : i32
      %gt3A_614 = arith.cmpi sgt, %div3A_567, %gt3A_613 : i32
      %convert_element_type3A_615 = arith.extui %gt3A_614 : i1 to i32
      %cond3A_616 = arith.constant 0 : i32
      %cond3A_617 = arith.cmpi ne, %convert_element_type3A_615, %cond3A_616 : i32
      scf.if %cond3A_617 {
        %dma_start3A_973 = arith.constant 112 : i32
        %dma_start3A_974 = arith.constant 0 : i32
        %dma_start3A_975 = tpu.memref_slice %arg12[%dma_start3A_973, %dma_start3A_974] : memref<160x256xf32, #tpu.memory_space<vmem>> -> memref<16x256xf32, #tpu.memory_space<vmem>>
        %dma_start3A_976 = arith.constant 112 : i32
        %dma_start3A_977 = tpu.memref_slice %arg8[%dma_start3A_976] : memref<160xi32, #tpu.memory_space<vmem>> -> memref<16xi32, #tpu.memory_space<vmem>>
        %dma_start3A_978 = arith.constant 0 : i32
        %dma_start3A_979 = arith.constant 0 : i32
        %dma_start3A_980 = tpu.memref_slice %arg3[%dma_start3A_978, %dma_start3A_979] : memref<65536x256xf32, #tpu.memory_space<hbm>> -> memref<65536x256xf32, #tpu.memory_space<hbm>>
        tpu.enqueue_indirect_dma source(%dma_start3A_980 : memref<65536x256xf32, #tpu.memory_space<hbm>>) target(%dma_start3A_975 : memref<16x256xf32, #tpu.memory_space<vmem>>) offsets(%dma_start3A_977 : memref<16xi32, #tpu.memory_space<vmem>>) semaphore(%arg16 : memref<!tpu.dma_semaphore, #tpu.memory_space<semaphore_mem>>)
      } else {
      }
      %gt3A_618 = arith.constant 8 : i32
      %gt3A_619 = arith.cmpi sgt, %div3A_567, %gt3A_618 : i32
      %convert_element_type3A_620 = arith.extui %gt3A_619 : i1 to i32
      %cond3A_621 = arith.constant 0 : i32
      %cond3A_622 = arith.cmpi ne, %convert_element_type3A_620, %cond3A_621 : i32
      scf.if %cond3A_622 {
        %dma_start3A_973 = arith.constant 128 : i32
        %dma_start3A_974 = arith.constant 0 : i32
        %dma_start3A_975 = tpu.memref_slice %arg12[%dma_start3A_973, %dma_start3A_974] : memref<160x256xf32, #tpu.memory_space<vmem>> -> memref<16x256xf32, #tpu.memory_space<vmem>>
        %dma_start3A_976 = arith.constant 128 : i32
        %dma_start3A_977 = tpu.memref_slice %arg8[%dma_start3A_976] : memref<160xi32, #tpu.memory_space<vmem>> -> memref<16xi32, #tpu.memory_space<vmem>>
        %dma_start3A_978 = arith.constant 0 : i32
        %dma_start3A_979 = arith.constant 0 : i32
        %dma_start3A_980 = tpu.memref_slice %arg3[%dma_start3A_978, %dma_start3A_979] : memref<65536x256xf32, #tpu.memory_space<hbm>> -> memref<65536x256xf32, #tpu.memory_space<hbm>>
        tpu.enqueue_indirect_dma source(%dma_start3A_980 : memref<65536x256xf32, #tpu.memory_space<hbm>>) target(%dma_start3A_975 : memref<16x256xf32, #tpu.memory_space<vmem>>) offsets(%dma_start3A_977 : memref<16xi32, #tpu.memory_space<vmem>>) semaphore(%arg16 : memref<!tpu.dma_semaphore, #tpu.memory_space<semaphore_mem>>)
      } else {
      }
      %mul3A_623 = arith.constant 16 : i32
      %mul3A_624 = arith.muli %mul3A_371, %mul3A_623 : i32
      %add3A_625 = arith.addi %mul3A_2, %mul3A_624 : i32
      %multiple_of3A_626 = tpu.assume_multiple %add3A_625, 8 : i32
      %dma_wait3A = arith.constant 0 : i32
      %dma_wait3A_627 = tpu.memref_slice %arg2[%multiple_of3A_626, %dma_wait3A] : memref<16384x256xf32, #tpu.memory_space<hbm>> -> memref<16x256xf32, #tpu.memory_space<hbm>>
      %dma_wait3A_628 = arith.constant 0 : i32
      %dma_wait3A_629 = tpu.memref_slice %arg2[%multiple_of3A_626, %dma_wait3A_628] : memref<16384x256xf32, #tpu.memory_space<hbm>> -> memref<16x256xf32, #tpu.memory_space<hbm>>
      tpu.wait_dma2 semaphore(%arg17 : memref<!tpu.dma_semaphore, #tpu.memory_space<semaphore_mem>>) src(%dma_wait3A_629 : memref<16x256xf32, #tpu.memory_space<hbm>>) dst(%arg13 : memref<16x256xf32, #tpu.memory_space<vmem>>)
      %gt3A_630 = arith.constant 0 : i32
      %gt3A_631 = arith.cmpi sgt, %scan3A_368, %gt3A_630 : i32
      %convert_element_type3A_632 = arith.extui %gt3A_631 : i1 to i32
      %cond3A_633 = arith.constant 0 : i32
      %cond3A_634 = arith.cmpi ne, %convert_element_type3A_632, %cond3A_633 : i32
      scf.if %cond3A_634 {
        %dma_wait3A_973 = arith.constant 0 : i32
        %dma_wait3A_974 = arith.constant 0 : i32
        %dma_wait3A_975 = tpu.memref_slice %arg11[%dma_wait3A_973, %dma_wait3A_974] : memref<160x256xf32, #tpu.memory_space<vmem>> -> memref<16x256xf32, #tpu.memory_space<vmem>>
        %dma_wait3A_976 = arith.constant 0 : i32
        %dma_wait3A_977 = tpu.memref_slice %arg7[%dma_wait3A_976] : memref<160xi32, #tpu.memory_space<vmem>> -> memref<16xi32, #tpu.memory_space<vmem>>
        %dma_wait3A_978 = arith.constant 0 : i32
        %dma_wait3A_979 = arith.constant 0 : i32
        %dma_wait3A_980 = tpu.memref_slice %arg3[%dma_wait3A_978, %dma_wait3A_979] : memref<65536x256xf32, #tpu.memory_space<hbm>> -> memref<65536x256xf32, #tpu.memory_space<hbm>>
        tpu.wait_indirect_dma semaphore(%arg15 : memref<!tpu.dma_semaphore, #tpu.memory_space<semaphore_mem>>) src(%dma_wait3A_980 : memref<65536x256xf32, #tpu.memory_space<hbm>>) dst(%dma_wait3A_975 : memref<16x256xf32, #tpu.memory_space<vmem>>)
      } else {
      }
      %gt3A_635 = arith.constant 1 : i32
      %gt3A_636 = arith.cmpi sgt, %scan3A_368, %gt3A_635 : i32
      %convert_element_type3A_637 = arith.extui %gt3A_636 : i1 to i32
      %cond3A_638 = arith.constant 0 : i32
      %cond3A_639 = arith.cmpi ne, %convert_element_type3A_637, %cond3A_638 : i32
      scf.if %cond3A_639 {
        %dma_wait3A_973 = arith.constant 16 : i32
        %dma_wait3A_974 = arith.constant 0 : i32
        %dma_wait3A_975 = tpu.memref_slice %arg11[%dma_wait3A_973, %dma_wait3A_974] : memref<160x256xf32, #tpu.memory_space<vmem>> -> memref<16x256xf32, #tpu.memory_space<vmem>>
        %dma_wait3A_976 = arith.constant 16 : i32
        %dma_wait3A_977 = tpu.memref_slice %arg7[%dma_wait3A_976] : memref<160xi32, #tpu.memory_space<vmem>> -> memref<16xi32, #tpu.memory_space<vmem>>
        %dma_wait3A_978 = arith.constant 0 : i32
        %dma_wait3A_979 = arith.constant 0 : i32
        %dma_wait3A_980 = tpu.memref_slice %arg3[%dma_wait3A_978, %dma_wait3A_979] : memref<65536x256xf32, #tpu.memory_space<hbm>> -> memref<65536x256xf32, #tpu.memory_space<hbm>>
        tpu.wait_indirect_dma semaphore(%arg15 : memref<!tpu.dma_semaphore, #tpu.memory_space<semaphore_mem>>) src(%dma_wait3A_980 : memref<65536x256xf32, #tpu.memory_space<hbm>>) dst(%dma_wait3A_975 : memref<16x256xf32, #tpu.memory_space<vmem>>)
      } else {
      }
      %gt3A_640 = arith.constant 2 : i32
      %gt3A_641 = arith.cmpi sgt, %scan3A_368, %gt3A_640 : i32
      %convert_element_type3A_642 = arith.extui %gt3A_641 : i1 to i32
      %cond3A_643 = arith.constant 0 : i32
      %cond3A_644 = arith.cmpi ne, %convert_element_type3A_642, %cond3A_643 : i32
      scf.if %cond3A_644 {
        %dma_wait3A_973 = arith.constant 32 : i32
        %dma_wait3A_974 = arith.constant 0 : i32
        %dma_wait3A_975 = tpu.memref_slice %arg11[%dma_wait3A_973, %dma_wait3A_974] : memref<160x256xf32, #tpu.memory_space<vmem>> -> memref<16x256xf32, #tpu.memory_space<vmem>>
        %dma_wait3A_976 = arith.constant 32 : i32
        %dma_wait3A_977 = tpu.memref_slice %arg7[%dma_wait3A_976] : memref<160xi32, #tpu.memory_space<vmem>> -> memref<16xi32, #tpu.memory_space<vmem>>
        %dma_wait3A_978 = arith.constant 0 : i32
        %dma_wait3A_979 = arith.constant 0 : i32
        %dma_wait3A_980 = tpu.memref_slice %arg3[%dma_wait3A_978, %dma_wait3A_979] : memref<65536x256xf32, #tpu.memory_space<hbm>> -> memref<65536x256xf32, #tpu.memory_space<hbm>>
        tpu.wait_indirect_dma semaphore(%arg15 : memref<!tpu.dma_semaphore, #tpu.memory_space<semaphore_mem>>) src(%dma_wait3A_980 : memref<65536x256xf32, #tpu.memory_space<hbm>>) dst(%dma_wait3A_975 : memref<16x256xf32, #tpu.memory_space<vmem>>)
      } else {
      }
      %gt3A_645 = arith.constant 3 : i32
      %gt3A_646 = arith.cmpi sgt, %scan3A_368, %gt3A_645 : i32
      %convert_element_type3A_647 = arith.extui %gt3A_646 : i1 to i32
      %cond3A_648 = arith.constant 0 : i32
      %cond3A_649 = arith.cmpi ne, %convert_element_type3A_647, %cond3A_648 : i32
      scf.if %cond3A_649 {
        %dma_wait3A_973 = arith.constant 48 : i32
        %dma_wait3A_974 = arith.constant 0 : i32
        %dma_wait3A_975 = tpu.memref_slice %arg11[%dma_wait3A_973, %dma_wait3A_974] : memref<160x256xf32, #tpu.memory_space<vmem>> -> memref<16x256xf32, #tpu.memory_space<vmem>>
        %dma_wait3A_976 = arith.constant 48 : i32
        %dma_wait3A_977 = tpu.memref_slice %arg7[%dma_wait3A_976] : memref<160xi32, #tpu.memory_space<vmem>> -> memref<16xi32, #tpu.memory_space<vmem>>
        %dma_wait3A_978 = arith.constant 0 : i32
        %dma_wait3A_979 = arith.constant 0 : i32
        %dma_wait3A_980 = tpu.memref_slice %arg3[%dma_wait3A_978, %dma_wait3A_979] : memref<65536x256xf32, #tpu.memory_space<hbm>> -> memref<65536x256xf32, #tpu.memory_space<hbm>>
        tpu.wait_indirect_dma semaphore(%arg15 : memref<!tpu.dma_semaphore, #tpu.memory_space<semaphore_mem>>) src(%dma_wait3A_980 : memref<65536x256xf32, #tpu.memory_space<hbm>>) dst(%dma_wait3A_975 : memref<16x256xf32, #tpu.memory_space<vmem>>)
      } else {
      }
      %gt3A_650 = arith.constant 4 : i32
      %gt3A_651 = arith.cmpi sgt, %scan3A_368, %gt3A_650 : i32
      %convert_element_type3A_652 = arith.extui %gt3A_651 : i1 to i32
      %cond3A_653 = arith.constant 0 : i32
      %cond3A_654 = arith.cmpi ne, %convert_element_type3A_652, %cond3A_653 : i32
      scf.if %cond3A_654 {
        %dma_wait3A_973 = arith.constant 64 : i32
        %dma_wait3A_974 = arith.constant 0 : i32
        %dma_wait3A_975 = tpu.memref_slice %arg11[%dma_wait3A_973, %dma_wait3A_974] : memref<160x256xf32, #tpu.memory_space<vmem>> -> memref<16x256xf32, #tpu.memory_space<vmem>>
        %dma_wait3A_976 = arith.constant 64 : i32
        %dma_wait3A_977 = tpu.memref_slice %arg7[%dma_wait3A_976] : memref<160xi32, #tpu.memory_space<vmem>> -> memref<16xi32, #tpu.memory_space<vmem>>
        %dma_wait3A_978 = arith.constant 0 : i32
        %dma_wait3A_979 = arith.constant 0 : i32
        %dma_wait3A_980 = tpu.memref_slice %arg3[%dma_wait3A_978, %dma_wait3A_979] : memref<65536x256xf32, #tpu.memory_space<hbm>> -> memref<65536x256xf32, #tpu.memory_space<hbm>>
        tpu.wait_indirect_dma semaphore(%arg15 : memref<!tpu.dma_semaphore, #tpu.memory_space<semaphore_mem>>) src(%dma_wait3A_980 : memref<65536x256xf32, #tpu.memory_space<hbm>>) dst(%dma_wait3A_975 : memref<16x256xf32, #tpu.memory_space<vmem>>)
      } else {
      }
      %gt3A_655 = arith.constant 5 : i32
      %gt3A_656 = arith.cmpi sgt, %scan3A_368, %gt3A_655 : i32
      %convert_element_type3A_657 = arith.extui %gt3A_656 : i1 to i32
      %cond3A_658 = arith.constant 0 : i32
      %cond3A_659 = arith.cmpi ne, %convert_element_type3A_657, %cond3A_658 : i32
      scf.if %cond3A_659 {
        %dma_wait3A_973 = arith.constant 80 : i32
        %dma_wait3A_974 = arith.constant 0 : i32
        %dma_wait3A_975 = tpu.memref_slice %arg11[%dma_wait3A_973, %dma_wait3A_974] : memref<160x256xf32, #tpu.memory_space<vmem>> -> memref<16x256xf32, #tpu.memory_space<vmem>>
        %dma_wait3A_976 = arith.constant 80 : i32
        %dma_wait3A_977 = tpu.memref_slice %arg7[%dma_wait3A_976] : memref<160xi32, #tpu.memory_space<vmem>> -> memref<16xi32, #tpu.memory_space<vmem>>
        %dma_wait3A_978 = arith.constant 0 : i32
        %dma_wait3A_979 = arith.constant 0 : i32
        %dma_wait3A_980 = tpu.memref_slice %arg3[%dma_wait3A_978, %dma_wait3A_979] : memref<65536x256xf32, #tpu.memory_space<hbm>> -> memref<65536x256xf32, #tpu.memory_space<hbm>>
        tpu.wait_indirect_dma semaphore(%arg15 : memref<!tpu.dma_semaphore, #tpu.memory_space<semaphore_mem>>) src(%dma_wait3A_980 : memref<65536x256xf32, #tpu.memory_space<hbm>>) dst(%dma_wait3A_975 : memref<16x256xf32, #tpu.memory_space<vmem>>)
      } else {
      }
      %gt3A_660 = arith.constant 6 : i32
      %gt3A_661 = arith.cmpi sgt, %scan3A_368, %gt3A_660 : i32
      %convert_element_type3A_662 = arith.extui %gt3A_661 : i1 to i32
      %cond3A_663 = arith.constant 0 : i32
      %cond3A_664 = arith.cmpi ne, %convert_element_type3A_662, %cond3A_663 : i32
      scf.if %cond3A_664 {
        %dma_wait3A_973 = arith.constant 96 : i32
        %dma_wait3A_974 = arith.constant 0 : i32
        %dma_wait3A_975 = tpu.memref_slice %arg11[%dma_wait3A_973, %dma_wait3A_974] : memref<160x256xf32, #tpu.memory_space<vmem>> -> memref<16x256xf32, #tpu.memory_space<vmem>>
        %dma_wait3A_976 = arith.constant 96 : i32
        %dma_wait3A_977 = tpu.memref_slice %arg7[%dma_wait3A_976] : memref<160xi32, #tpu.memory_space<vmem>> -> memref<16xi32, #tpu.memory_space<vmem>>
        %dma_wait3A_978 = arith.constant 0 : i32
        %dma_wait3A_979 = arith.constant 0 : i32
        %dma_wait3A_980 = tpu.memref_slice %arg3[%dma_wait3A_978, %dma_wait3A_979] : memref<65536x256xf32, #tpu.memory_space<hbm>> -> memref<65536x256xf32, #tpu.memory_space<hbm>>
        tpu.wait_indirect_dma semaphore(%arg15 : memref<!tpu.dma_semaphore, #tpu.memory_space<semaphore_mem>>) src(%dma_wait3A_980 : memref<65536x256xf32, #tpu.memory_space<hbm>>) dst(%dma_wait3A_975 : memref<16x256xf32, #tpu.memory_space<vmem>>)
      } else {
      }
      %gt3A_665 = arith.constant 7 : i32
      %gt3A_666 = arith.cmpi sgt, %scan3A_368, %gt3A_665 : i32
      %convert_element_type3A_667 = arith.extui %gt3A_666 : i1 to i32
      %cond3A_668 = arith.constant 0 : i32
      %cond3A_669 = arith.cmpi ne, %convert_element_type3A_667, %cond3A_668 : i32
      scf.if %cond3A_669 {
        %dma_wait3A_973 = arith.constant 112 : i32
        %dma_wait3A_974 = arith.constant 0 : i32
        %dma_wait3A_975 = tpu.memref_slice %arg11[%dma_wait3A_973, %dma_wait3A_974] : memref<160x256xf32, #tpu.memory_space<vmem>> -> memref<16x256xf32, #tpu.memory_space<vmem>>
        %dma_wait3A_976 = arith.constant 112 : i32
        %dma_wait3A_977 = tpu.memref_slice %arg7[%dma_wait3A_976] : memref<160xi32, #tpu.memory_space<vmem>> -> memref<16xi32, #tpu.memory_space<vmem>>
        %dma_wait3A_978 = arith.constant 0 : i32
        %dma_wait3A_979 = arith.constant 0 : i32
        %dma_wait3A_980 = tpu.memref_slice %arg3[%dma_wait3A_978, %dma_wait3A_979] : memref<65536x256xf32, #tpu.memory_space<hbm>> -> memref<65536x256xf32, #tpu.memory_space<hbm>>
        tpu.wait_indirect_dma semaphore(%arg15 : memref<!tpu.dma_semaphore, #tpu.memory_space<semaphore_mem>>) src(%dma_wait3A_980 : memref<65536x256xf32, #tpu.memory_space<hbm>>) dst(%dma_wait3A_975 : memref<16x256xf32, #tpu.memory_space<vmem>>)
      } else {
      }
      %gt3A_670 = arith.constant 8 : i32
      %gt3A_671 = arith.cmpi sgt, %scan3A_368, %gt3A_670 : i32
      %convert_element_type3A_672 = arith.extui %gt3A_671 : i1 to i32
      %cond3A_673 = arith.constant 0 : i32
      %cond3A_674 = arith.cmpi ne, %convert_element_type3A_672, %cond3A_673 : i32
      scf.if %cond3A_674 {
        %dma_wait3A_973 = arith.constant 128 : i32
        %dma_wait3A_974 = arith.constant 0 : i32
        %dma_wait3A_975 = tpu.memref_slice %arg11[%dma_wait3A_973, %dma_wait3A_974] : memref<160x256xf32, #tpu.memory_space<vmem>> -> memref<16x256xf32, #tpu.memory_space<vmem>>
        %dma_wait3A_976 = arith.constant 128 : i32
        %dma_wait3A_977 = tpu.memref_slice %arg7[%dma_wait3A_976] : memref<160xi32, #tpu.memory_space<vmem>> -> memref<16xi32, #tpu.memory_space<vmem>>
        %dma_wait3A_978 = arith.constant 0 : i32
        %dma_wait3A_979 = arith.constant 0 : i32
        %dma_wait3A_980 = tpu.memref_slice %arg3[%dma_wait3A_978, %dma_wait3A_979] : memref<65536x256xf32, #tpu.memory_space<hbm>> -> memref<65536x256xf32, #tpu.memory_space<hbm>>
        tpu.wait_indirect_dma semaphore(%arg15 : memref<!tpu.dma_semaphore, #tpu.memory_space<semaphore_mem>>) src(%dma_wait3A_980 : memref<65536x256xf32, #tpu.memory_space<hbm>>) dst(%dma_wait3A_975 : memref<16x256xf32, #tpu.memory_space<vmem>>)
      } else {
      }
      %while3A = arith.constant 0 : i32
      %while3A_675 = arith.constant 0 : i32
      %while3A_676 = arith.subi %scan3A_369, %while3A_675 : i32
      %while3A_677 = arith.addi %while3A_675, %while3A_676 : i32
      %while3A_678 = arith.constant 1 : i32
      %while3A_679 = arith.divsi %while3A_676, %while3A_678 : i32
      %while3A_680 = arith.muli %while3A_679, %while3A_678 : i32
      %while3A_681 = arith.addi %while3A_675, %while3A_680 : i32
      %while3A_682 = arith.constant 1 : i32
      scf.for %while3A_973 = %while3A_675 to %while3A_681 step %while3A_682  : i32 {
        %broadcast_in_dim3A_974 = vector.broadcast %while3A_973 : i32 to vector<16xi32>
        %gather3A_975 = tpu.vector_load_idx %arg9[%broadcast_in_dim3A_974] : memref<160xi32, #tpu.memory_space<vmem>>[vector<16xi32>], vector<16xi32>,
        %add3A_976 = arith.constant 0 : i32
        %add3A_977 = vector.broadcast %add3A_976 : i32 to vector<16xi32>
        %add3A_978 = arith.addi %iota3A, %add3A_977 : vector<16xi32>
        %get3A = arith.index_cast %while3A_973 : i32 to index
        %get3A_979 = arith.constant 0 : index
        %get3A_980 = tpu.vector_load %arg11[%get3A, %get3A_979] {strides = array<i32>} : memref<160x256xf32, #tpu.memory_space<vmem>>, vector<16xf32>,
        tpu.vector_store_idx %arg13[%gather3A_975, %add3A_978], %get3A_980 {add = true} : memref<16x256xf32, #tpu.memory_space<vmem>>[vector<16xi32>, vector<16xi32>], vector<16xf32>,
        %add3A_981 = arith.constant 16 : i32
        %add3A_982 = vector.broadcast %add3A_981 : i32 to vector<16xi32>
        %add3A_983 = arith.addi %iota3A, %add3A_982 : vector<16xi32>
        %get3A_984 = arith.index_cast %while3A_973 : i32 to index
        %get3A_985 = arith.constant 16 : index
        %get3A_986 = tpu.vector_load %arg11[%get3A_984, %get3A_985] {strides = array<i32>} : memref<160x256xf32, #tpu.memory_space<vmem>>, vector<16xf32>,
        tpu.vector_store_idx %arg13[%gather3A_975, %add3A_983], %get3A_986 {add = true} : memref<16x256xf32, #tpu.memory_space<vmem>>[vector<16xi32>, vector<16xi32>], vector<16xf32>,
        %add3A_987 = arith.constant 32 : i32
        %add3A_988 = vector.broadcast %add3A_987 : i32 to vector<16xi32>
        %add3A_989 = arith.addi %iota3A, %add3A_988 : vector<16xi32>
        %get3A_990 = arith.index_cast %while3A_973 : i32 to index
        %get3A_991 = arith.constant 32 : index
        %get3A_992 = tpu.vector_load %arg11[%get3A_990, %get3A_991] {strides = array<i32>} : memref<160x256xf32, #tpu.memory_space<vmem>>, vector<16xf32>,
        tpu.vector_store_idx %arg13[%gather3A_975, %add3A_989], %get3A_992 {add = true} : memref<16x256xf32, #tpu.memory_space<vmem>>[vector<16xi32>, vector<16xi32>], vector<16xf32>,
        %add3A_993 = arith.constant 48 : i32
        %add3A_994 = vector.broadcast %add3A_993 : i32 to vector<16xi32>
        %add3A_995 = arith.addi %iota3A, %add3A_994 : vector<16xi32>
        %get3A_996 = arith.index_cast %while3A_973 : i32 to index
        %get3A_997 = arith.constant 48 : index
        %get3A_998 = tpu.vector_load %arg11[%get3A_996, %get3A_997] {strides = array<i32>} : memref<160x256xf32, #tpu.memory_space<vmem>>, vector<16xf32>,
        tpu.vector_store_idx %arg13[%gather3A_975, %add3A_995], %get3A_998 {add = true} : memref<16x256xf32, #tpu.memory_space<vmem>>[vector<16xi32>, vector<16xi32>], vector<16xf32>,
        %add3A_999 = arith.constant 64 : i32
        %add3A_1000 = vector.broadcast %add3A_999 : i32 to vector<16xi32>
        %add3A_1001 = arith.addi %iota3A, %add3A_1000 : vector<16xi32>
        %get3A_1002 = arith.index_cast %while3A_973 : i32 to index
        %get3A_1003 = arith.constant 64 : index
        %get3A_1004 = tpu.vector_load %arg11[%get3A_1002, %get3A_1003] {strides = array<i32>} : memref<160x256xf32, #tpu.memory_space<vmem>>, vector<16xf32>,
        tpu.vector_store_idx %arg13[%gather3A_975, %add3A_1001], %get3A_1004 {add = true} : memref<16x256xf32, #tpu.memory_space<vmem>>[vector<16xi32>, vector<16xi32>], vector<16xf32>,
        %add3A_1005 = arith.constant 80 : i32
        %add3A_1006 = vector.broadcast %add3A_1005 : i32 to vector<16xi32>
        %add3A_1007 = arith.addi %iota3A, %add3A_1006 : vector<16xi32>
        %get3A_1008 = arith.index_cast %while3A_973 : i32 to index
        %get3A_1009 = arith.constant 80 : index
        %get3A_1010 = tpu.vector_load %arg11[%get3A_1008, %get3A_1009] {strides = array<i32>} : memref<160x256xf32, #tpu.memory_space<vmem>>, vector<16xf32>,
        tpu.vector_store_idx %arg13[%gather3A_975, %add3A_1007], %get3A_1010 {add = true} : memref<16x256xf32, #tpu.memory_space<vmem>>[vector<16xi32>, vector<16xi32>], vector<16xf32>,
        %add3A_1011 = arith.constant 96 : i32
        %add3A_1012 = vector.broadcast %add3A_1011 : i32 to vector<16xi32>
        %add3A_1013 = arith.addi %iota3A, %add3A_1012 : vector<16xi32>
        %get3A_1014 = arith.index_cast %while3A_973 : i32 to index
        %get3A_1015 = arith.constant 96 : index
        %get3A_1016 = tpu.vector_load %arg11[%get3A_1014, %get3A_1015] {strides = array<i32>} : memref<160x256xf32, #tpu.memory_space<vmem>>, vector<16xf32>,
        tpu.vector_store_idx %arg13[%gather3A_975, %add3A_1013], %get3A_1016 {add = true} : memref<16x256xf32, #tpu.memory_space<vmem>>[vector<16xi32>, vector<16xi32>], vector<16xf32>,
        %add3A_1017 = arith.constant 112 : i32
        %add3A_1018 = vector.broadcast %add3A_1017 : i32 to vector<16xi32>
        %add3A_1019 = arith.addi %iota3A, %add3A_1018 : vector<16xi32>
        %get3A_1020 = arith.index_cast %while3A_973 : i32 to index
        %get3A_1021 = arith.constant 112 : index
        %get3A_1022 = tpu.vector_load %arg11[%get3A_1020, %get3A_1021] {strides = array<i32>} : memref<160x256xf32, #tpu.memory_space<vmem>>, vector<16xf32>,
        tpu.vector_store_idx %arg13[%gather3A_975, %add3A_1019], %get3A_1022 {add = true} : memref<16x256xf32, #tpu.memory_space<vmem>>[vector<16xi32>, vector<16xi32>], vector<16xf32>,
        %add3A_1023 = arith.constant 128 : i32
        %add3A_1024 = vector.broadcast %add3A_1023 : i32 to vector<16xi32>
        %add3A_1025 = arith.addi %iota3A, %add3A_1024 : vector<16xi32>
        %get3A_1026 = arith.index_cast %while3A_973 : i32 to index
        %get3A_1027 = arith.constant 128 : index
        %get3A_1028 = tpu.vector_load %arg11[%get3A_1026, %get3A_1027] {strides = array<i32>} : memref<160x256xf32, #tpu.memory_space<vmem>>, vector<16xf32>,
        tpu.vector_store_idx %arg13[%gather3A_975, %add3A_1025], %get3A_1028 {add = true} : memref<16x256xf32, #tpu.memory_space<vmem>>[vector<16xi32>, vector<16xi32>], vector<16xf32>,
        %add3A_1029 = arith.constant 144 : i32
        %add3A_1030 = vector.broadcast %add3A_1029 : i32 to vector<16xi32>
        %add3A_1031 = arith.addi %iota3A, %add3A_1030 : vector<16xi32>
        %get3A_1032 = arith.index_cast %while3A_973 : i32 to index
        %get3A_1033 = arith.constant 144 : index
        %get3A_1034 = tpu.vector_load %arg11[%get3A_1032, %get3A_1033] {strides = array<i32>} : memref<160x256xf32, #tpu.memory_space<vmem>>, vector<16xf32>,
        tpu.vector_store_idx %arg13[%gather3A_975, %add3A_1031], %get3A_1034 {add = true} : memref<16x256xf32, #tpu.memory_space<vmem>>[vector<16xi32>, vector<16xi32>], vector<16xf32>,
        %add3A_1035 = arith.constant 160 : i32
        %add3A_1036 = vector.broadcast %add3A_1035 : i32 to vector<16xi32>
        %add3A_1037 = arith.addi %iota3A, %add3A_1036 : vector<16xi32>
        %get3A_1038 = arith.index_cast %while3A_973 : i32 to index
        %get3A_1039 = arith.constant 160 : index
        %get3A_1040 = tpu.vector_load %arg11[%get3A_1038, %get3A_1039] {strides = array<i32>} : memref<160x256xf32, #tpu.memory_space<vmem>>, vector<16xf32>,
        tpu.vector_store_idx %arg13[%gather3A_975, %add3A_1037], %get3A_1040 {add = true} : memref<16x256xf32, #tpu.memory_space<vmem>>[vector<16xi32>, vector<16xi32>], vector<16xf32>,
        %add3A_1041 = arith.constant 176 : i32
        %add3A_1042 = vector.broadcast %add3A_1041 : i32 to vector<16xi32>
        %add3A_1043 = arith.addi %iota3A, %add3A_1042 : vector<16xi32>
        %get3A_1044 = arith.index_cast %while3A_973 : i32 to index
        %get3A_1045 = arith.constant 176 : index
        %get3A_1046 = tpu.vector_load %arg11[%get3A_1044, %get3A_1045] {strides = array<i32>} : memref<160x256xf32, #tpu.memory_space<vmem>>, vector<16xf32>,
        tpu.vector_store_idx %arg13[%gather3A_975, %add3A_1043], %get3A_1046 {add = true} : memref<16x256xf32, #tpu.memory_space<vmem>>[vector<16xi32>, vector<16xi32>], vector<16xf32>,
        %add3A_1047 = arith.constant 192 : i32
        %add3A_1048 = vector.broadcast %add3A_1047 : i32 to vector<16xi32>
        %add3A_1049 = arith.addi %iota3A, %add3A_1048 : vector<16xi32>
        %get3A_1050 = arith.index_cast %while3A_973 : i32 to index
        %get3A_1051 = arith.constant 192 : index
        %get3A_1052 = tpu.vector_load %arg11[%get3A_1050, %get3A_1051] {strides = array<i32>} : memref<160x256xf32, #tpu.memory_space<vmem>>, vector<16xf32>,
        tpu.vector_store_idx %arg13[%gather3A_975, %add3A_1049], %get3A_1052 {add = true} : memref<16x256xf32, #tpu.memory_space<vmem>>[vector<16xi32>, vector<16xi32>], vector<16xf32>,
        %add3A_1053 = arith.constant 208 : i32
        %add3A_1054 = vector.broadcast %add3A_1053 : i32 to vector<16xi32>
        %add3A_1055 = arith.addi %iota3A, %add3A_1054 : vector<16xi32>
        %get3A_1056 = arith.index_cast %while3A_973 : i32 to index
        %get3A_1057 = arith.constant 208 : index
        %get3A_1058 = tpu.vector_load %arg11[%get3A_1056, %get3A_1057] {strides = array<i32>} : memref<160x256xf32, #tpu.memory_space<vmem>>, vector<16xf32>,
        tpu.vector_store_idx %arg13[%gather3A_975, %add3A_1055], %get3A_1058 {add = true} : memref<16x256xf32, #tpu.memory_space<vmem>>[vector<16xi32>, vector<16xi32>], vector<16xf32>,
        %add3A_1059 = arith.constant 224 : i32
        %add3A_1060 = vector.broadcast %add3A_1059 : i32 to vector<16xi32>
        %add3A_1061 = arith.addi %iota3A, %add3A_1060 : vector<16xi32>
        %get3A_1062 = arith.index_cast %while3A_973 : i32 to index
        %get3A_1063 = arith.constant 224 : index
        %get3A_1064 = tpu.vector_load %arg11[%get3A_1062, %get3A_1063] {strides = array<i32>} : memref<160x256xf32, #tpu.memory_space<vmem>>, vector<16xf32>,
        tpu.vector_store_idx %arg13[%gather3A_975, %add3A_1061], %get3A_1064 {add = true} : memref<16x256xf32, #tpu.memory_space<vmem>>[vector<16xi32>, vector<16xi32>], vector<16xf32>,
        %add3A_1065 = arith.constant 240 : i32
        %add3A_1066 = vector.broadcast %add3A_1065 : i32 to vector<16xi32>
        %add3A_1067 = arith.addi %iota3A, %add3A_1066 : vector<16xi32>
        %get3A_1068 = arith.index_cast %while3A_973 : i32 to index
        %get3A_1069 = arith.constant 240 : index
        %get3A_1070 = tpu.vector_load %arg11[%get3A_1068, %get3A_1069] {strides = array<i32>} : memref<160x256xf32, #tpu.memory_space<vmem>>, vector<16xf32>,
        tpu.vector_store_idx %arg13[%gather3A_975, %add3A_1067], %get3A_1070 {add = true} : memref<16x256xf32, #tpu.memory_space<vmem>>[vector<16xi32>, vector<16xi32>], vector<16xf32>,
      }
      %while3A_683 = arith.constant 1 : i32
      scf.for %while3A_973 = %while3A_681 to %while3A_677 step %while3A_683  : i32 {
        %broadcast_in_dim3A_974 = vector.broadcast %while3A_973 : i32 to vector<16xi32>
        %gather3A_975 = tpu.vector_load_idx %arg9[%broadcast_in_dim3A_974] : memref<160xi32, #tpu.memory_space<vmem>>[vector<16xi32>], vector<16xi32>,
        %add3A_976 = arith.constant 0 : i32
        %add3A_977 = vector.broadcast %add3A_976 : i32 to vector<16xi32>
        %add3A_978 = arith.addi %iota3A, %add3A_977 : vector<16xi32>
        %get3A = arith.index_cast %while3A_973 : i32 to index
        %get3A_979 = arith.constant 0 : index
        %get3A_980 = tpu.vector_load %arg11[%get3A, %get3A_979] {strides = array<i32>} : memref<160x256xf32, #tpu.memory_space<vmem>>, vector<16xf32>,
        tpu.vector_store_idx %arg13[%gather3A_975, %add3A_978], %get3A_980 {add = true} : memref<16x256xf32, #tpu.memory_space<vmem>>[vector<16xi32>, vector<16xi32>], vector<16xf32>,
        %add3A_981 = arith.constant 16 : i32
        %add3A_982 = vector.broadcast %add3A_981 : i32 to vector<16xi32>
        %add3A_983 = arith.addi %iota3A, %add3A_982 : vector<16xi32>
        %get3A_984 = arith.index_cast %while3A_973 : i32 to index
        %get3A_985 = arith.constant 16 : index
        %get3A_986 = tpu.vector_load %arg11[%get3A_984, %get3A_985] {strides = array<i32>} : memref<160x256xf32, #tpu.memory_space<vmem>>, vector<16xf32>,
        tpu.vector_store_idx %arg13[%gather3A_975, %add3A_983], %get3A_986 {add = true} : memref<16x256xf32, #tpu.memory_space<vmem>>[vector<16xi32>, vector<16xi32>], vector<16xf32>,
        %add3A_987 = arith.constant 32 : i32
        %add3A_988 = vector.broadcast %add3A_987 : i32 to vector<16xi32>
        %add3A_989 = arith.addi %iota3A, %add3A_988 : vector<16xi32>
        %get3A_990 = arith.index_cast %while3A_973 : i32 to index
        %get3A_991 = arith.constant 32 : index
        %get3A_992 = tpu.vector_load %arg11[%get3A_990, %get3A_991] {strides = array<i32>} : memref<160x256xf32, #tpu.memory_space<vmem>>, vector<16xf32>,
        tpu.vector_store_idx %arg13[%gather3A_975, %add3A_989], %get3A_992 {add = true} : memref<16x256xf32, #tpu.memory_space<vmem>>[vector<16xi32>, vector<16xi32>], vector<16xf32>,
        %add3A_993 = arith.constant 48 : i32
        %add3A_994 = vector.broadcast %add3A_993 : i32 to vector<16xi32>
        %add3A_995 = arith.addi %iota3A, %add3A_994 : vector<16xi32>
        %get3A_996 = arith.index_cast %while3A_973 : i32 to index
        %get3A_997 = arith.constant 48 : index
        %get3A_998 = tpu.vector_load %arg11[%get3A_996, %get3A_997] {strides = array<i32>} : memref<160x256xf32, #tpu.memory_space<vmem>>, vector<16xf32>,
        tpu.vector_store_idx %arg13[%gather3A_975, %add3A_995], %get3A_998 {add = true} : memref<16x256xf32, #tpu.memory_space<vmem>>[vector<16xi32>, vector<16xi32>], vector<16xf32>,
        %add3A_999 = arith.constant 64 : i32
        %add3A_1000 = vector.broadcast %add3A_999 : i32 to vector<16xi32>
        %add3A_1001 = arith.addi %iota3A, %add3A_1000 : vector<16xi32>
        %get3A_1002 = arith.index_cast %while3A_973 : i32 to index
        %get3A_1003 = arith.constant 64 : index
        %get3A_1004 = tpu.vector_load %arg11[%get3A_1002, %get3A_1003] {strides = array<i32>} : memref<160x256xf32, #tpu.memory_space<vmem>>, vector<16xf32>,
        tpu.vector_store_idx %arg13[%gather3A_975, %add3A_1001], %get3A_1004 {add = true} : memref<16x256xf32, #tpu.memory_space<vmem>>[vector<16xi32>, vector<16xi32>], vector<16xf32>,
        %add3A_1005 = arith.constant 80 : i32
        %add3A_1006 = vector.broadcast %add3A_1005 : i32 to vector<16xi32>
        %add3A_1007 = arith.addi %iota3A, %add3A_1006 : vector<16xi32>
        %get3A_1008 = arith.index_cast %while3A_973 : i32 to index
        %get3A_1009 = arith.constant 80 : index
        %get3A_1010 = tpu.vector_load %arg11[%get3A_1008, %get3A_1009] {strides = array<i32>} : memref<160x256xf32, #tpu.memory_space<vmem>>, vector<16xf32>,
        tpu.vector_store_idx %arg13[%gather3A_975, %add3A_1007], %get3A_1010 {add = true} : memref<16x256xf32, #tpu.memory_space<vmem>>[vector<16xi32>, vector<16xi32>], vector<16xf32>,
        %add3A_1011 = arith.constant 96 : i32
        %add3A_1012 = vector.broadcast %add3A_1011 : i32 to vector<16xi32>
        %add3A_1013 = arith.addi %iota3A, %add3A_1012 : vector<16xi32>
        %get3A_1014 = arith.index_cast %while3A_973 : i32 to index
        %get3A_1015 = arith.constant 96 : index
        %get3A_1016 = tpu.vector_load %arg11[%get3A_1014, %get3A_1015] {strides = array<i32>} : memref<160x256xf32, #tpu.memory_space<vmem>>, vector<16xf32>,
        tpu.vector_store_idx %arg13[%gather3A_975, %add3A_1013], %get3A_1016 {add = true} : memref<16x256xf32, #tpu.memory_space<vmem>>[vector<16xi32>, vector<16xi32>], vector<16xf32>,
        %add3A_1017 = arith.constant 112 : i32
        %add3A_1018 = vector.broadcast %add3A_1017 : i32 to vector<16xi32>
        %add3A_1019 = arith.addi %iota3A, %add3A_1018 : vector<16xi32>
        %get3A_1020 = arith.index_cast %while3A_973 : i32 to index
        %get3A_1021 = arith.constant 112 : index
        %get3A_1022 = tpu.vector_load %arg11[%get3A_1020, %get3A_1021] {strides = array<i32>} : memref<160x256xf32, #tpu.memory_space<vmem>>, vector<16xf32>,
        tpu.vector_store_idx %arg13[%gather3A_975, %add3A_1019], %get3A_1022 {add = true} : memref<16x256xf32, #tpu.memory_space<vmem>>[vector<16xi32>, vector<16xi32>], vector<16xf32>,
        %add3A_1023 = arith.constant 128 : i32
        %add3A_1024 = vector.broadcast %add3A_1023 : i32 to vector<16xi32>
        %add3A_1025 = arith.addi %iota3A, %add3A_1024 : vector<16xi32>
        %get3A_1026 = arith.index_cast %while3A_973 : i32 to index
        %get3A_1027 = arith.constant 128 : index
        %get3A_1028 = tpu.vector_load %arg11[%get3A_1026, %get3A_1027] {strides = array<i32>} : memref<160x256xf32, #tpu.memory_space<vmem>>, vector<16xf32>,
        tpu.vector_store_idx %arg13[%gather3A_975, %add3A_1025], %get3A_1028 {add = true} : memref<16x256xf32, #tpu.memory_space<vmem>>[vector<16xi32>, vector<16xi32>], vector<16xf32>,
        %add3A_1029 = arith.constant 144 : i32
        %add3A_1030 = vector.broadcast %add3A_1029 : i32 to vector<16xi32>
        %add3A_1031 = arith.addi %iota3A, %add3A_1030 : vector<16xi32>
        %get3A_1032 = arith.index_cast %while3A_973 : i32 to index
        %get3A_1033 = arith.constant 144 : index
        %get3A_1034 = tpu.vector_load %arg11[%get3A_1032, %get3A_1033] {strides = array<i32>} : memref<160x256xf32, #tpu.memory_space<vmem>>, vector<16xf32>,
        tpu.vector_store_idx %arg13[%gather3A_975, %add3A_1031], %get3A_1034 {add = true} : memref<16x256xf32, #tpu.memory_space<vmem>>[vector<16xi32>, vector<16xi32>], vector<16xf32>,
        %add3A_1035 = arith.constant 160 : i32
        %add3A_1036 = vector.broadcast %add3A_1035 : i32 to vector<16xi32>
        %add3A_1037 = arith.addi %iota3A, %add3A_1036 : vector<16xi32>
        %get3A_1038 = arith.index_cast %while3A_973 : i32 to index
        %get3A_1039 = arith.constant 160 : index
        %get3A_1040 = tpu.vector_load %arg11[%get3A_1038, %get3A_1039] {strides = array<i32>} : memref<160x256xf32, #tpu.memory_space<vmem>>, vector<16xf32>,
        tpu.vector_store_idx %arg13[%gather3A_975, %add3A_1037], %get3A_1040 {add = true} : memref<16x256xf32, #tpu.memory_space<vmem>>[vector<16xi32>, vector<16xi32>], vector<16xf32>,
        %add3A_1041 = arith.constant 176 : i32
        %add3A_1042 = vector.broadcast %add3A_1041 : i32 to vector<16xi32>
        %add3A_1043 = arith.addi %iota3A, %add3A_1042 : vector<16xi32>
        %get3A_1044 = arith.index_cast %while3A_973 : i32 to index
        %get3A_1045 = arith.constant 176 : index
        %get3A_1046 = tpu.vector_load %arg11[%get3A_1044, %get3A_1045] {strides = array<i32>} : memref<160x256xf32, #tpu.memory_space<vmem>>, vector<16xf32>,
        tpu.vector_store_idx %arg13[%gather3A_975, %add3A_1043], %get3A_1046 {add = true} : memref<16x256xf32, #tpu.memory_space<vmem>>[vector<16xi32>, vector<16xi32>], vector<16xf32>,
        %add3A_1047 = arith.constant 192 : i32
        %add3A_1048 = vector.broadcast %add3A_1047 : i32 to vector<16xi32>
        %add3A_1049 = arith.addi %iota3A, %add3A_1048 : vector<16xi32>
        %get3A_1050 = arith.index_cast %while3A_973 : i32 to index
        %get3A_1051 = arith.constant 192 : index
        %get3A_1052 = tpu.vector_load %arg11[%get3A_1050, %get3A_1051] {strides = array<i32>} : memref<160x256xf32, #tpu.memory_space<vmem>>, vector<16xf32>,
        tpu.vector_store_idx %arg13[%gather3A_975, %add3A_1049], %get3A_1052 {add = true} : memref<16x256xf32, #tpu.memory_space<vmem>>[vector<16xi32>, vector<16xi32>], vector<16xf32>,
        %add3A_1053 = arith.constant 208 : i32
        %add3A_1054 = vector.broadcast %add3A_1053 : i32 to vector<16xi32>
        %add3A_1055 = arith.addi %iota3A, %add3A_1054 : vector<16xi32>
        %get3A_1056 = arith.index_cast %while3A_973 : i32 to index
        %get3A_1057 = arith.constant 208 : index
        %get3A_1058 = tpu.vector_load %arg11[%get3A_1056, %get3A_1057] {strides = array<i32>} : memref<160x256xf32, #tpu.memory_space<vmem>>, vector<16xf32>,
        tpu.vector_store_idx %arg13[%gather3A_975, %add3A_1055], %get3A_1058 {add = true} : memref<16x256xf32, #tpu.memory_space<vmem>>[vector<16xi32>, vector<16xi32>], vector<16xf32>,
        %add3A_1059 = arith.constant 224 : i32
        %add3A_1060 = vector.broadcast %add3A_1059 : i32 to vector<16xi32>
        %add3A_1061 = arith.addi %iota3A, %add3A_1060 : vector<16xi32>
        %get3A_1062 = arith.index_cast %while3A_973 : i32 to index
        %get3A_1063 = arith.constant 224 : index
        %get3A_1064 = tpu.vector_load %arg11[%get3A_1062, %get3A_1063] {strides = array<i32>} : memref<160x256xf32, #tpu.memory_space<vmem>>, vector<16xf32>,
        tpu.vector_store_idx %arg13[%gather3A_975, %add3A_1061], %get3A_1064 {add = true} : memref<16x256xf32, #tpu.memory_space<vmem>>[vector<16xi32>, vector<16xi32>], vector<16xf32>,
        %add3A_1065 = arith.constant 240 : i32
        %add3A_1066 = vector.broadcast %add3A_1065 : i32 to vector<16xi32>
        %add3A_1067 = arith.addi %iota3A, %add3A_1066 : vector<16xi32>
        %get3A_1068 = arith.index_cast %while3A_973 : i32 to index
        %get3A_1069 = arith.constant 240 : index
        %get3A_1070 = tpu.vector_load %arg11[%get3A_1068, %get3A_1069] {strides = array<i32>} : memref<160x256xf32, #tpu.memory_space<vmem>>, vector<16xf32>,
        tpu.vector_store_idx %arg13[%gather3A_975, %add3A_1067], %get3A_1070 {add = true} : memref<16x256xf32, #tpu.memory_space<vmem>>[vector<16xi32>, vector<16xi32>], vector<16xf32>,
      }
      %scan3A_684 = arith.constant 0 : i32
      %scan3A_685 = arith.constant 0 : i32
      %scan3A_686 = arith.constant 16 : i32
      %scan3A_687 = arith.addi %scan3A_685, %scan3A_686 : i32
      %scan3A_688 = arith.constant 1 : i32
      scf.for %scan3A_973 = %scan3A_685 to %scan3A_687 step %scan3A_688  : i32 {
        %get3A = arith.index_cast %scan3A_973 : i32 to index
        %get3A_974 = arith.constant 0 : index
        %get3A_975 = tpu.vector_load %arg13[%get3A, %get3A_974] {strides = array<i32>} : memref<16x256xf32, #tpu.memory_space<vmem>>, vector<16xf32>,
        %mul3A_976 = arith.constant 1.000000e-01 : f32
        %mul3A_977 = vector.broadcast %mul3A_976 : f32 to vector<16xf32>
        %mul3A_978 = arith.mulf %get3A_975, %mul3A_977 : vector<16xf32>
        %swap3A_979 = arith.index_cast %scan3A_973 : i32 to index
        %swap3A_980 = arith.constant 0 : index
        %swap3A_981 = tpu.vector_load %arg13[%swap3A_979, %swap3A_980] {strides = array<i32>} : memref<16x256xf32, #tpu.memory_space<vmem>>, vector<16xf32>,
        tpu.vector_store %arg13[%swap3A_979, %swap3A_980], %mul3A_978 {strides = array<i32>} : memref<16x256xf32, #tpu.memory_space<vmem>>, vector<16xf32>,
        %get3A_982 = arith.index_cast %scan3A_973 : i32 to index
        %get3A_983 = arith.constant 16 : index
        %get3A_984 = tpu.vector_load %arg13[%get3A_982, %get3A_983] {strides = array<i32>} : memref<16x256xf32, #tpu.memory_space<vmem>>, vector<16xf32>,
        %mul3A_985 = arith.constant 1.000000e-01 : f32
        %mul3A_986 = vector.broadcast %mul3A_985 : f32 to vector<16xf32>
        %mul3A_987 = arith.mulf %get3A_984, %mul3A_986 : vector<16xf32>
        %swap3A_988 = arith.index_cast %scan3A_973 : i32 to index
        %swap3A_989 = arith.constant 16 : index
        %swap3A_990 = tpu.vector_load %arg13[%swap3A_988, %swap3A_989] {strides = array<i32>} : memref<16x256xf32, #tpu.memory_space<vmem>>, vector<16xf32>,
        tpu.vector_store %arg13[%swap3A_988, %swap3A_989], %mul3A_987 {strides = array<i32>} : memref<16x256xf32, #tpu.memory_space<vmem>>, vector<16xf32>,
        %get3A_991 = arith.index_cast %scan3A_973 : i32 to index
        %get3A_992 = arith.constant 32 : index
        %get3A_993 = tpu.vector_load %arg13[%get3A_991, %get3A_992] {strides = array<i32>} : memref<16x256xf32, #tpu.memory_space<vmem>>, vector<16xf32>,
        %mul3A_994 = arith.constant 1.000000e-01 : f32
        %mul3A_995 = vector.broadcast %mul3A_994 : f32 to vector<16xf32>
        %mul3A_996 = arith.mulf %get3A_993, %mul3A_995 : vector<16xf32>
        %swap3A_997 = arith.index_cast %scan3A_973 : i32 to index
        %swap3A_998 = arith.constant 32 : index
        %swap3A_999 = tpu.vector_load %arg13[%swap3A_997, %swap3A_998] {strides = array<i32>} : memref<16x256xf32, #tpu.memory_space<vmem>>, vector<16xf32>,
        tpu.vector_store %arg13[%swap3A_997, %swap3A_998], %mul3A_996 {strides = array<i32>} : memref<16x256xf32, #tpu.memory_space<vmem>>, vector<16xf32>,
        %get3A_1000 = arith.index_cast %scan3A_973 : i32 to index
        %get3A_1001 = arith.constant 48 : index
        %get3A_1002 = tpu.vector_load %arg13[%get3A_1000, %get3A_1001] {strides = array<i32>} : memref<16x256xf32, #tpu.memory_space<vmem>>, vector<16xf32>,
        %mul3A_1003 = arith.constant 1.000000e-01 : f32
        %mul3A_1004 = vector.broadcast %mul3A_1003 : f32 to vector<16xf32>
        %mul3A_1005 = arith.mulf %get3A_1002, %mul3A_1004 : vector<16xf32>
        %swap3A_1006 = arith.index_cast %scan3A_973 : i32 to index
        %swap3A_1007 = arith.constant 48 : index
        %swap3A_1008 = tpu.vector_load %arg13[%swap3A_1006, %swap3A_1007] {strides = array<i32>} : memref<16x256xf32, #tpu.memory_space<vmem>>, vector<16xf32>,
        tpu.vector_store %arg13[%swap3A_1006, %swap3A_1007], %mul3A_1005 {strides = array<i32>} : memref<16x256xf32, #tpu.memory_space<vmem>>, vector<16xf32>,
        %get3A_1009 = arith.index_cast %scan3A_973 : i32 to index
        %get3A_1010 = arith.constant 64 : index
        %get3A_1011 = tpu.vector_load %arg13[%get3A_1009, %get3A_1010] {strides = array<i32>} : memref<16x256xf32, #tpu.memory_space<vmem>>, vector<16xf32>,
        %mul3A_1012 = arith.constant 1.000000e-01 : f32
        %mul3A_1013 = vector.broadcast %mul3A_1012 : f32 to vector<16xf32>
        %mul3A_1014 = arith.mulf %get3A_1011, %mul3A_1013 : vector<16xf32>
        %swap3A_1015 = arith.index_cast %scan3A_973 : i32 to index
        %swap3A_1016 = arith.constant 64 : index
        %swap3A_1017 = tpu.vector_load %arg13[%swap3A_1015, %swap3A_1016] {strides = array<i32>} : memref<16x256xf32, #tpu.memory_space<vmem>>, vector<16xf32>,
        tpu.vector_store %arg13[%swap3A_1015, %swap3A_1016], %mul3A_1014 {strides = array<i32>} : memref<16x256xf32, #tpu.memory_space<vmem>>, vector<16xf32>,
        %get3A_1018 = arith.index_cast %scan3A_973 : i32 to index
        %get3A_1019 = arith.constant 80 : index
        %get3A_1020 = tpu.vector_load %arg13[%get3A_1018, %get3A_1019] {strides = array<i32>} : memref<16x256xf32, #tpu.memory_space<vmem>>, vector<16xf32>,
        %mul3A_1021 = arith.constant 1.000000e-01 : f32
        %mul3A_1022 = vector.broadcast %mul3A_1021 : f32 to vector<16xf32>
        %mul3A_1023 = arith.mulf %get3A_1020, %mul3A_1022 : vector<16xf32>
        %swap3A_1024 = arith.index_cast %scan3A_973 : i32 to index
        %swap3A_1025 = arith.constant 80 : index
        %swap3A_1026 = tpu.vector_load %arg13[%swap3A_1024, %swap3A_1025] {strides = array<i32>} : memref<16x256xf32, #tpu.memory_space<vmem>>, vector<16xf32>,
        tpu.vector_store %arg13[%swap3A_1024, %swap3A_1025], %mul3A_1023 {strides = array<i32>} : memref<16x256xf32, #tpu.memory_space<vmem>>, vector<16xf32>,
        %get3A_1027 = arith.index_cast %scan3A_973 : i32 to index
        %get3A_1028 = arith.constant 96 : index
        %get3A_1029 = tpu.vector_load %arg13[%get3A_1027, %get3A_1028] {strides = array<i32>} : memref<16x256xf32, #tpu.memory_space<vmem>>, vector<16xf32>,
        %mul3A_1030 = arith.constant 1.000000e-01 : f32
        %mul3A_1031 = vector.broadcast %mul3A_1030 : f32 to vector<16xf32>
        %mul3A_1032 = arith.mulf %get3A_1029, %mul3A_1031 : vector<16xf32>
        %swap3A_1033 = arith.index_cast %scan3A_973 : i32 to index
        %swap3A_1034 = arith.constant 96 : index
        %swap3A_1035 = tpu.vector_load %arg13[%swap3A_1033, %swap3A_1034] {strides = array<i32>} : memref<16x256xf32, #tpu.memory_space<vmem>>, vector<16xf32>,
        tpu.vector_store %arg13[%swap3A_1033, %swap3A_1034], %mul3A_1032 {strides = array<i32>} : memref<16x256xf32, #tpu.memory_space<vmem>>, vector<16xf32>,
        %get3A_1036 = arith.index_cast %scan3A_973 : i32 to index
        %get3A_1037 = arith.constant 112 : index
        %get3A_1038 = tpu.vector_load %arg13[%get3A_1036, %get3A_1037] {strides = array<i32>} : memref<16x256xf32, #tpu.memory_space<vmem>>, vector<16xf32>,
        %mul3A_1039 = arith.constant 1.000000e-01 : f32
        %mul3A_1040 = vector.broadcast %mul3A_1039 : f32 to vector<16xf32>
        %mul3A_1041 = arith.mulf %get3A_1038, %mul3A_1040 : vector<16xf32>
        %swap3A_1042 = arith.index_cast %scan3A_973 : i32 to index
        %swap3A_1043 = arith.constant 112 : index
        %swap3A_1044 = tpu.vector_load %arg13[%swap3A_1042, %swap3A_1043] {strides = array<i32>} : memref<16x256xf32, #tpu.memory_space<vmem>>, vector<16xf32>,
        tpu.vector_store %arg13[%swap3A_1042, %swap3A_1043], %mul3A_1041 {strides = array<i32>} : memref<16x256xf32, #tpu.memory_space<vmem>>, vector<16xf32>,
        %get3A_1045 = arith.index_cast %scan3A_973 : i32 to index
        %get3A_1046 = arith.constant 128 : index
        %get3A_1047 = tpu.vector_load %arg13[%get3A_1045, %get3A_1046] {strides = array<i32>} : memref<16x256xf32, #tpu.memory_space<vmem>>, vector<16xf32>,
        %mul3A_1048 = arith.constant 1.000000e-01 : f32
        %mul3A_1049 = vector.broadcast %mul3A_1048 : f32 to vector<16xf32>
        %mul3A_1050 = arith.mulf %get3A_1047, %mul3A_1049 : vector<16xf32>
        %swap3A_1051 = arith.index_cast %scan3A_973 : i32 to index
        %swap3A_1052 = arith.constant 128 : index
        %swap3A_1053 = tpu.vector_load %arg13[%swap3A_1051, %swap3A_1052] {strides = array<i32>} : memref<16x256xf32, #tpu.memory_space<vmem>>, vector<16xf32>,
        tpu.vector_store %arg13[%swap3A_1051, %swap3A_1052], %mul3A_1050 {strides = array<i32>} : memref<16x256xf32, #tpu.memory_space<vmem>>, vector<16xf32>,
        %get3A_1054 = arith.index_cast %scan3A_973 : i32 to index
        %get3A_1055 = arith.constant 144 : index
        %get3A_1056 = tpu.vector_load %arg13[%get3A_1054, %get3A_1055] {strides = array<i32>} : memref<16x256xf32, #tpu.memory_space<vmem>>, vector<16xf32>,
        %mul3A_1057 = arith.constant 1.000000e-01 : f32
        %mul3A_1058 = vector.broadcast %mul3A_1057 : f32 to vector<16xf32>
        %mul3A_1059 = arith.mulf %get3A_1056, %mul3A_1058 : vector<16xf32>
        %swap3A_1060 = arith.index_cast %scan3A_973 : i32 to index
        %swap3A_1061 = arith.constant 144 : index
        %swap3A_1062 = tpu.vector_load %arg13[%swap3A_1060, %swap3A_1061] {strides = array<i32>} : memref<16x256xf32, #tpu.memory_space<vmem>>, vector<16xf32>,
        tpu.vector_store %arg13[%swap3A_1060, %swap3A_1061], %mul3A_1059 {strides = array<i32>} : memref<16x256xf32, #tpu.memory_space<vmem>>, vector<16xf32>,
        %get3A_1063 = arith.index_cast %scan3A_973 : i32 to index
        %get3A_1064 = arith.constant 160 : index
        %get3A_1065 = tpu.vector_load %arg13[%get3A_1063, %get3A_1064] {strides = array<i32>} : memref<16x256xf32, #tpu.memory_space<vmem>>, vector<16xf32>,
        %mul3A_1066 = arith.constant 1.000000e-01 : f32
        %mul3A_1067 = vector.broadcast %mul3A_1066 : f32 to vector<16xf32>
        %mul3A_1068 = arith.mulf %get3A_1065, %mul3A_1067 : vector<16xf32>
        %swap3A_1069 = arith.index_cast %scan3A_973 : i32 to index
        %swap3A_1070 = arith.constant 160 : index
        %swap3A_1071 = tpu.vector_load %arg13[%swap3A_1069, %swap3A_1070] {strides = array<i32>} : memref<16x256xf32, #tpu.memory_space<vmem>>, vector<16xf32>,
        tpu.vector_store %arg13[%swap3A_1069, %swap3A_1070], %mul3A_1068 {strides = array<i32>} : memref<16x256xf32, #tpu.memory_space<vmem>>, vector<16xf32>,
        %get3A_1072 = arith.index_cast %scan3A_973 : i32 to index
        %get3A_1073 = arith.constant 176 : index
        %get3A_1074 = tpu.vector_load %arg13[%get3A_1072, %get3A_1073] {strides = array<i32>} : memref<16x256xf32, #tpu.memory_space<vmem>>, vector<16xf32>,
        %mul3A_1075 = arith.constant 1.000000e-01 : f32
        %mul3A_1076 = vector.broadcast %mul3A_1075 : f32 to vector<16xf32>
        %mul3A_1077 = arith.mulf %get3A_1074, %mul3A_1076 : vector<16xf32>
        %swap3A_1078 = arith.index_cast %scan3A_973 : i32 to index
        %swap3A_1079 = arith.constant 176 : index
        %swap3A_1080 = tpu.vector_load %arg13[%swap3A_1078, %swap3A_1079] {strides = array<i32>} : memref<16x256xf32, #tpu.memory_space<vmem>>, vector<16xf32>,
        tpu.vector_store %arg13[%swap3A_1078, %swap3A_1079], %mul3A_1077 {strides = array<i32>} : memref<16x256xf32, #tpu.memory_space<vmem>>, vector<16xf32>,
        %get3A_1081 = arith.index_cast %scan3A_973 : i32 to index
        %get3A_1082 = arith.constant 192 : index
        %get3A_1083 = tpu.vector_load %arg13[%get3A_1081, %get3A_1082] {strides = array<i32>} : memref<16x256xf32, #tpu.memory_space<vmem>>, vector<16xf32>,
        %mul3A_1084 = arith.constant 1.000000e-01 : f32
        %mul3A_1085 = vector.broadcast %mul3A_1084 : f32 to vector<16xf32>
        %mul3A_1086 = arith.mulf %get3A_1083, %mul3A_1085 : vector<16xf32>
        %swap3A_1087 = arith.index_cast %scan3A_973 : i32 to index
        %swap3A_1088 = arith.constant 192 : index
        %swap3A_1089 = tpu.vector_load %arg13[%swap3A_1087, %swap3A_1088] {strides = array<i32>} : memref<16x256xf32, #tpu.memory_space<vmem>>, vector<16xf32>,
        tpu.vector_store %arg13[%swap3A_1087, %swap3A_1088], %mul3A_1086 {strides = array<i32>} : memref<16x256xf32, #tpu.memory_space<vmem>>, vector<16xf32>,
        %get3A_1090 = arith.index_cast %scan3A_973 : i32 to index
        %get3A_1091 = arith.constant 208 : index
        %get3A_1092 = tpu.vector_load %arg13[%get3A_1090, %get3A_1091] {strides = array<i32>} : memref<16x256xf32, #tpu.memory_space<vmem>>, vector<16xf32>,
        %mul3A_1093 = arith.constant 1.000000e-01 : f32
        %mul3A_1094 = vector.broadcast %mul3A_1093 : f32 to vector<16xf32>
        %mul3A_1095 = arith.mulf %get3A_1092, %mul3A_1094 : vector<16xf32>
        %swap3A_1096 = arith.index_cast %scan3A_973 : i32 to index
        %swap3A_1097 = arith.constant 208 : index
        %swap3A_1098 = tpu.vector_load %arg13[%swap3A_1096, %swap3A_1097] {strides = array<i32>} : memref<16x256xf32, #tpu.memory_space<vmem>>, vector<16xf32>,
        tpu.vector_store %arg13[%swap3A_1096, %swap3A_1097], %mul3A_1095 {strides = array<i32>} : memref<16x256xf32, #tpu.memory_space<vmem>>, vector<16xf32>,
        %get3A_1099 = arith.index_cast %scan3A_973 : i32 to index
        %get3A_1100 = arith.constant 224 : index
        %get3A_1101 = tpu.vector_load %arg13[%get3A_1099, %get3A_1100] {strides = array<i32>} : memref<16x256xf32, #tpu.memory_space<vmem>>, vector<16xf32>,
        %mul3A_1102 = arith.constant 1.000000e-01 : f32
        %mul3A_1103 = vector.broadcast %mul3A_1102 : f32 to vector<16xf32>
        %mul3A_1104 = arith.mulf %get3A_1101, %mul3A_1103 : vector<16xf32>
        %swap3A_1105 = arith.index_cast %scan3A_973 : i32 to index
        %swap3A_1106 = arith.constant 224 : index
        %swap3A_1107 = tpu.vector_load %arg13[%swap3A_1105, %swap3A_1106] {strides = array<i32>} : memref<16x256xf32, #tpu.memory_space<vmem>>, vector<16xf32>,
        tpu.vector_store %arg13[%swap3A_1105, %swap3A_1106], %mul3A_1104 {strides = array<i32>} : memref<16x256xf32, #tpu.memory_space<vmem>>, vector<16xf32>,
        %get3A_1108 = arith.index_cast %scan3A_973 : i32 to index
        %get3A_1109 = arith.constant 240 : index
        %get3A_1110 = tpu.vector_load %arg13[%get3A_1108, %get3A_1109] {strides = array<i32>} : memref<16x256xf32, #tpu.memory_space<vmem>>, vector<16xf32>,
        %mul3A_1111 = arith.constant 1.000000e-01 : f32
        %mul3A_1112 = vector.broadcast %mul3A_1111 : f32 to vector<16xf32>
        %mul3A_1113 = arith.mulf %get3A_1110, %mul3A_1112 : vector<16xf32>
        %swap3A_1114 = arith.index_cast %scan3A_973 : i32 to index
        %swap3A_1115 = arith.constant 240 : index
        %swap3A_1116 = tpu.vector_load %arg13[%swap3A_1114, %swap3A_1115] {strides = array<i32>} : memref<16x256xf32, #tpu.memory_space<vmem>>, vector<16xf32>,
        tpu.vector_store %arg13[%swap3A_1114, %swap3A_1115], %mul3A_1113 {strides = array<i32>} : memref<16x256xf32, #tpu.memory_space<vmem>>, vector<16xf32>,
      }
      %scan3A_689 = arith.constant 16 : i32
      %mul3A_690 = arith.constant 16 : i32
      %mul3A_691 = arith.muli %mul3A_371, %mul3A_690 : i32
      %add3A_692 = arith.addi %mul3A_2, %mul3A_691 : i32
      %multiple_of3A_693 = tpu.assume_multiple %add3A_692, 8 : i32
      "tpu.region"() ({
        %run_scoped3A = tpu.sem_alloc : memref<!tpu.dma_semaphore, #tpu.memory_space<semaphore_mem>>
        %dma_start3A_973 = arith.constant 0 : i32
        %dma_start3A_974 = tpu.memref_slice %arg5[%multiple_of3A_693, %dma_start3A_973] : memref<16384x256xf32, #tpu.memory_space<hbm>> -> memref<16x256xf32, #tpu.memory_space<hbm>>
        %dma_start3A_975 = arith.constant 0 : i32
        %dma_start3A_976 = tpu.memref_slice %arg5[%multiple_of3A_693, %dma_start3A_975] : memref<16384x256xf32, #tpu.memory_space<hbm>> -> memref<16x256xf32, #tpu.memory_space<hbm>>
        tpu.enqueue_dma source(%arg13 : memref<16x256xf32, #tpu.memory_space<vmem>>) target(%dma_start3A_976 : memref<16x256xf32, #tpu.memory_space<hbm>>) target_semaphore(%run_scoped3A : memref<!tpu.dma_semaphore, #tpu.memory_space<semaphore_mem>>)
        %dma_wait3A_977 = arith.constant 0 : i32
        %dma_wait3A_978 = tpu.memref_slice %arg5[%multiple_of3A_693, %dma_wait3A_977] : memref<16384x256xf32, #tpu.memory_space<hbm>> -> memref<16x256xf32, #tpu.memory_space<hbm>>
        %dma_wait3A_979 = arith.constant 0 : i32
        %dma_wait3A_980 = tpu.memref_slice %arg5[%multiple_of3A_693, %dma_wait3A_979] : memref<16384x256xf32, #tpu.memory_space<hbm>> -> memref<16x256xf32, #tpu.memory_space<hbm>>
        tpu.wait_dma2 semaphore(%run_scoped3A : memref<!tpu.dma_semaphore, #tpu.memory_space<semaphore_mem>>) src(%arg13 : memref<16x256xf32, #tpu.memory_space<vmem>>) dst(%dma_wait3A_980 : memref<16x256xf32, #tpu.memory_space<hbm>>)
        tpu.yield
      }) : () -> ()
      %add3A_694 = arith.constant 2 : i32
      %add3A_695 = arith.addi %mul3A_371, %add3A_694 : i32
      %min3A_696 = arith.constant 31 : i32
      %min3A_697 = arith.minsi %add3A_695, %min3A_696 : i32
      %mul3A_698 = arith.constant 16 : i32
      %mul3A_699 = arith.muli %min3A_697, %mul3A_698 : i32
      %add3A_700 = vector.broadcast %mul3A_699 : i32 to vector<16xi32>
      %add3A_701 = arith.addi %iota3A, %add3A_700 : vector<16xi32>
      %gather3A_702 = tpu.vector_load_idx %arg6[%add3A_701] : memref<544xi32, #tpu.memory_space<vmem>>[vector<16xi32>], vector<16xi32>,
      %mul3A_703 = arith.constant 16 : i32
      %mul3A_704 = arith.muli %min3A_697, %mul3A_703 : i32
      %add3A_705 = arith.constant 1 : i32
      %add3A_706 = arith.addi %mul3A_704, %add3A_705 : i32
      %add3A_707 = vector.broadcast %add3A_706 : i32 to vector<16xi32>
      %add3A_708 = arith.addi %iota3A, %add3A_707 : vector<16xi32>
      %gather3A_709 = tpu.vector_load_idx %arg6[%add3A_708] : memref<544xi32, #tpu.memory_space<vmem>>[vector<16xi32>], vector<16xi32>,
      %sub3A_710 = arith.subi %gather3A_709, %gather3A_702 : vector<16xi32>
      %min3A_711 = arith.constant 9 : i32
      %min3A_712 = vector.broadcast %min3A_711 : i32 to vector<16xi32>
      %min3A_713 = arith.minsi %sub3A_710, %min3A_712 : vector<16xi32>
      %broadcast_in_dim3A_714 = arith.constant true
      %broadcast_in_dim3A_715 = vector.broadcast %broadcast_in_dim3A_714 : i1 to vector<16xi1>
      %masked_cumsum3A_716 = tpu.scan <sum>, %min3A_713 masked %broadcast_in_dim3A_715 : vector<16xi32>, vector<16xi1> -> vector<16xi32>
      %sub3A_717 = arith.subi %masked_cumsum3A_716, %min3A_713 : vector<16xi32>
      %add3A_718 = arith.constant 0 : i32
      %add3A_719 = vector.broadcast %add3A_718 : i32 to vector<16xi32>
      %add3A_720 = arith.addi %sub3A_717, %add3A_719 : vector<16xi32>
      %add3A_721 = arith.constant 0 : i32
      %add3A_722 = vector.broadcast %add3A_721 : i32 to vector<16xi32>
      %add3A_723 = arith.addi %gather3A_702, %add3A_722 : vector<16xi32>
      %min3A_724 = arith.constant 65535 : i32
      %min3A_725 = vector.broadcast %min3A_724 : i32 to vector<16xi32>
      %min3A_726 = arith.minsi %add3A_723, %min3A_725 : vector<16xi32>
      %gt3A_727 = arith.constant 0 : i32
      %gt3A_728 = vector.broadcast %gt3A_727 : i32 to vector<16xi32>
      %gt3A_729 = arith.cmpi sgt, %min3A_713, %gt3A_728 : vector<16xi32>
      tpu.vector_store_idx %arg7[%add3A_720], %min3A_726 masked %gt3A_729 : memref<160xi32, #tpu.memory_space<vmem>>[vector<16xi32>], vector<16xi32>, vector<16xi1>
      %add3A_730 = arith.constant 0 : i32
      %add3A_731 = vector.broadcast %add3A_730 : i32 to vector<16xi32>
      %add3A_732 = arith.addi %sub3A_717, %add3A_731 : vector<16xi32>
      %gt3A_733 = arith.constant 0 : i32
      %gt3A_734 = vector.broadcast %gt3A_733 : i32 to vector<16xi32>
      %gt3A_735 = arith.cmpi sgt, %min3A_713, %gt3A_734 : vector<16xi32>
      tpu.vector_store_idx %arg9[%add3A_732], %iota3A masked %gt3A_735 : memref<160xi32, #tpu.memory_space<vmem>>[vector<16xi32>], vector<16xi32>, vector<16xi1>
      %add3A_736 = arith.constant 1 : i32
      %add3A_737 = vector.broadcast %add3A_736 : i32 to vector<16xi32>
      %add3A_738 = arith.addi %sub3A_717, %add3A_737 : vector<16xi32>
      %add3A_739 = arith.constant 1 : i32
      %add3A_740 = vector.broadcast %add3A_739 : i32 to vector<16xi32>
      %add3A_741 = arith.addi %gather3A_702, %add3A_740 : vector<16xi32>
      %min3A_742 = arith.constant 65535 : i32
      %min3A_743 = vector.broadcast %min3A_742 : i32 to vector<16xi32>
      %min3A_744 = arith.minsi %add3A_741, %min3A_743 : vector<16xi32>
      %gt3A_745 = arith.constant 1 : i32
      %gt3A_746 = vector.broadcast %gt3A_745 : i32 to vector<16xi32>
      %gt3A_747 = arith.cmpi sgt, %min3A_713, %gt3A_746 : vector<16xi32>
      tpu.vector_store_idx %arg7[%add3A_738], %min3A_744 masked %gt3A_747 : memref<160xi32, #tpu.memory_space<vmem>>[vector<16xi32>], vector<16xi32>, vector<16xi1>
      %add3A_748 = arith.constant 1 : i32
      %add3A_749 = vector.broadcast %add3A_748 : i32 to vector<16xi32>
      %add3A_750 = arith.addi %sub3A_717, %add3A_749 : vector<16xi32>
      %gt3A_751 = arith.constant 1 : i32
      %gt3A_752 = vector.broadcast %gt3A_751 : i32 to vector<16xi32>
      %gt3A_753 = arith.cmpi sgt, %min3A_713, %gt3A_752 : vector<16xi32>
      tpu.vector_store_idx %arg9[%add3A_750], %iota3A masked %gt3A_753 : memref<160xi32, #tpu.memory_space<vmem>>[vector<16xi32>], vector<16xi32>, vector<16xi1>
      %add3A_754 = arith.constant 2 : i32
      %add3A_755 = vector.broadcast %add3A_754 : i32 to vector<16xi32>
      %add3A_756 = arith.addi %sub3A_717, %add3A_755 : vector<16xi32>
      %add3A_757 = arith.constant 2 : i32
      %add3A_758 = vector.broadcast %add3A_757 : i32 to vector<16xi32>
      %add3A_759 = arith.addi %gather3A_702, %add3A_758 : vector<16xi32>
      %min3A_760 = arith.constant 65535 : i32
      %min3A_761 = vector.broadcast %min3A_760 : i32 to vector<16xi32>
      %min3A_762 = arith.minsi %add3A_759, %min3A_761 : vector<16xi32>
      %gt3A_763 = arith.constant 2 : i32
      %gt3A_764 = vector.broadcast %gt3A_763 : i32 to vector<16xi32>
      %gt3A_765 = arith.cmpi sgt, %min3A_713, %gt3A_764 : vector<16xi32>
      tpu.vector_store_idx %arg7[%add3A_756], %min3A_762 masked %gt3A_765 : memref<160xi32, #tpu.memory_space<vmem>>[vector<16xi32>], vector<16xi32>, vector<16xi1>
      %add3A_766 = arith.constant 2 : i32
      %add3A_767 = vector.broadcast %add3A_766 : i32 to vector<16xi32>
      %add3A_768 = arith.addi %sub3A_717, %add3A_767 : vector<16xi32>
      %gt3A_769 = arith.constant 2 : i32
      %gt3A_770 = vector.broadcast %gt3A_769 : i32 to vector<16xi32>
      %gt3A_771 = arith.cmpi sgt, %min3A_713, %gt3A_770 : vector<16xi32>
      tpu.vector_store_idx %arg9[%add3A_768], %iota3A masked %gt3A_771 : memref<160xi32, #tpu.memory_space<vmem>>[vector<16xi32>], vector<16xi32>, vector<16xi1>
      %add3A_772 = arith.constant 3 : i32
      %add3A_773 = vector.broadcast %add3A_772 : i32 to vector<16xi32>
      %add3A_774 = arith.addi %sub3A_717, %add3A_773 : vector<16xi32>
      %add3A_775 = arith.constant 3 : i32
      %add3A_776 = vector.broadcast %add3A_775 : i32 to vector<16xi32>
      %add3A_777 = arith.addi %gather3A_702, %add3A_776 : vector<16xi32>
      %min3A_778 = arith.constant 65535 : i32
      %min3A_779 = vector.broadcast %min3A_778 : i32 to vector<16xi32>
      %min3A_780 = arith.minsi %add3A_777, %min3A_779 : vector<16xi32>
      %gt3A_781 = arith.constant 3 : i32
      %gt3A_782 = vector.broadcast %gt3A_781 : i32 to vector<16xi32>
      %gt3A_783 = arith.cmpi sgt, %min3A_713, %gt3A_782 : vector<16xi32>
      tpu.vector_store_idx %arg7[%add3A_774], %min3A_780 masked %gt3A_783 : memref<160xi32, #tpu.memory_space<vmem>>[vector<16xi32>], vector<16xi32>, vector<16xi1>
      %add3A_784 = arith.constant 3 : i32
      %add3A_785 = vector.broadcast %add3A_784 : i32 to vector<16xi32>
      %add3A_786 = arith.addi %sub3A_717, %add3A_785 : vector<16xi32>
      %gt3A_787 = arith.constant 3 : i32
      %gt3A_788 = vector.broadcast %gt3A_787 : i32 to vector<16xi32>
      %gt3A_789 = arith.cmpi sgt, %min3A_713, %gt3A_788 : vector<16xi32>
      tpu.vector_store_idx %arg9[%add3A_786], %iota3A masked %gt3A_789 : memref<160xi32, #tpu.memory_space<vmem>>[vector<16xi32>], vector<16xi32>, vector<16xi1>
      %add3A_790 = arith.constant 4 : i32
      %add3A_791 = vector.broadcast %add3A_790 : i32 to vector<16xi32>
      %add3A_792 = arith.addi %sub3A_717, %add3A_791 : vector<16xi32>
      %add3A_793 = arith.constant 4 : i32
      %add3A_794 = vector.broadcast %add3A_793 : i32 to vector<16xi32>
      %add3A_795 = arith.addi %gather3A_702, %add3A_794 : vector<16xi32>
      %min3A_796 = arith.constant 65535 : i32
      %min3A_797 = vector.broadcast %min3A_796 : i32 to vector<16xi32>
      %min3A_798 = arith.minsi %add3A_795, %min3A_797 : vector<16xi32>
      %gt3A_799 = arith.constant 4 : i32
      %gt3A_800 = vector.broadcast %gt3A_799 : i32 to vector<16xi32>
      %gt3A_801 = arith.cmpi sgt, %min3A_713, %gt3A_800 : vector<16xi32>
      tpu.vector_store_idx %arg7[%add3A_792], %min3A_798 masked %gt3A_801 : memref<160xi32, #tpu.memory_space<vmem>>[vector<16xi32>], vector<16xi32>, vector<16xi1>
      %add3A_802 = arith.constant 4 : i32
      %add3A_803 = vector.broadcast %add3A_802 : i32 to vector<16xi32>
      %add3A_804 = arith.addi %sub3A_717, %add3A_803 : vector<16xi32>
      %gt3A_805 = arith.constant 4 : i32
      %gt3A_806 = vector.broadcast %gt3A_805 : i32 to vector<16xi32>
      %gt3A_807 = arith.cmpi sgt, %min3A_713, %gt3A_806 : vector<16xi32>
      tpu.vector_store_idx %arg9[%add3A_804], %iota3A masked %gt3A_807 : memref<160xi32, #tpu.memory_space<vmem>>[vector<16xi32>], vector<16xi32>, vector<16xi1>
      %add3A_808 = arith.constant 5 : i32
      %add3A_809 = vector.broadcast %add3A_808 : i32 to vector<16xi32>
      %add3A_810 = arith.addi %sub3A_717, %add3A_809 : vector<16xi32>
      %add3A_811 = arith.constant 5 : i32
      %add3A_812 = vector.broadcast %add3A_811 : i32 to vector<16xi32>
      %add3A_813 = arith.addi %gather3A_702, %add3A_812 : vector<16xi32>
      %min3A_814 = arith.constant 65535 : i32
      %min3A_815 = vector.broadcast %min3A_814 : i32 to vector<16xi32>
      %min3A_816 = arith.minsi %add3A_813, %min3A_815 : vector<16xi32>
      %gt3A_817 = arith.constant 5 : i32
      %gt3A_818 = vector.broadcast %gt3A_817 : i32 to vector<16xi32>
      %gt3A_819 = arith.cmpi sgt, %min3A_713, %gt3A_818 : vector<16xi32>
      tpu.vector_store_idx %arg7[%add3A_810], %min3A_816 masked %gt3A_819 : memref<160xi32, #tpu.memory_space<vmem>>[vector<16xi32>], vector<16xi32>, vector<16xi1>
      %add3A_820 = arith.constant 5 : i32
      %add3A_821 = vector.broadcast %add3A_820 : i32 to vector<16xi32>
      %add3A_822 = arith.addi %sub3A_717, %add3A_821 : vector<16xi32>
      %gt3A_823 = arith.constant 5 : i32
      %gt3A_824 = vector.broadcast %gt3A_823 : i32 to vector<16xi32>
      %gt3A_825 = arith.cmpi sgt, %min3A_713, %gt3A_824 : vector<16xi32>
      tpu.vector_store_idx %arg9[%add3A_822], %iota3A masked %gt3A_825 : memref<160xi32, #tpu.memory_space<vmem>>[vector<16xi32>], vector<16xi32>, vector<16xi1>
      %add3A_826 = arith.constant 6 : i32
      %add3A_827 = vector.broadcast %add3A_826 : i32 to vector<16xi32>
      %add3A_828 = arith.addi %sub3A_717, %add3A_827 : vector<16xi32>
      %add3A_829 = arith.constant 6 : i32
      %add3A_830 = vector.broadcast %add3A_829 : i32 to vector<16xi32>
      %add3A_831 = arith.addi %gather3A_702, %add3A_830 : vector<16xi32>
      %min3A_832 = arith.constant 65535 : i32
      %min3A_833 = vector.broadcast %min3A_832 : i32 to vector<16xi32>
      %min3A_834 = arith.minsi %add3A_831, %min3A_833 : vector<16xi32>
      %gt3A_835 = arith.constant 6 : i32
      %gt3A_836 = vector.broadcast %gt3A_835 : i32 to vector<16xi32>
      %gt3A_837 = arith.cmpi sgt, %min3A_713, %gt3A_836 : vector<16xi32>
      tpu.vector_store_idx %arg7[%add3A_828], %min3A_834 masked %gt3A_837 : memref<160xi32, #tpu.memory_space<vmem>>[vector<16xi32>], vector<16xi32>, vector<16xi1>
      %add3A_838 = arith.constant 6 : i32
      %add3A_839 = vector.broadcast %add3A_838 : i32 to vector<16xi32>
      %add3A_840 = arith.addi %sub3A_717, %add3A_839 : vector<16xi32>
      %gt3A_841 = arith.constant 6 : i32
      %gt3A_842 = vector.broadcast %gt3A_841 : i32 to vector<16xi32>
      %gt3A_843 = arith.cmpi sgt, %min3A_713, %gt3A_842 : vector<16xi32>
      tpu.vector_store_idx %arg9[%add3A_840], %iota3A masked %gt3A_843 : memref<160xi32, #tpu.memory_space<vmem>>[vector<16xi32>], vector<16xi32>, vector<16xi1>
      %add3A_844 = arith.constant 7 : i32
      %add3A_845 = vector.broadcast %add3A_844 : i32 to vector<16xi32>
      %add3A_846 = arith.addi %sub3A_717, %add3A_845 : vector<16xi32>
      %add3A_847 = arith.constant 7 : i32
      %add3A_848 = vector.broadcast %add3A_847 : i32 to vector<16xi32>
      %add3A_849 = arith.addi %gather3A_702, %add3A_848 : vector<16xi32>
      %min3A_850 = arith.constant 65535 : i32
      %min3A_851 = vector.broadcast %min3A_850 : i32 to vector<16xi32>
      %min3A_852 = arith.minsi %add3A_849, %min3A_851 : vector<16xi32>
      %gt3A_853 = arith.constant 7 : i32
      %gt3A_854 = vector.broadcast %gt3A_853 : i32 to vector<16xi32>
      %gt3A_855 = arith.cmpi sgt, %min3A_713, %gt3A_854 : vector<16xi32>
      tpu.vector_store_idx %arg7[%add3A_846], %min3A_852 masked %gt3A_855 : memref<160xi32, #tpu.memory_space<vmem>>[vector<16xi32>], vector<16xi32>, vector<16xi1>
      %add3A_856 = arith.constant 7 : i32
      %add3A_857 = vector.broadcast %add3A_856 : i32 to vector<16xi32>
      %add3A_858 = arith.addi %sub3A_717, %add3A_857 : vector<16xi32>
      %gt3A_859 = arith.constant 7 : i32
      %gt3A_860 = vector.broadcast %gt3A_859 : i32 to vector<16xi32>
      %gt3A_861 = arith.cmpi sgt, %min3A_713, %gt3A_860 : vector<16xi32>
      tpu.vector_store_idx %arg9[%add3A_858], %iota3A masked %gt3A_861 : memref<160xi32, #tpu.memory_space<vmem>>[vector<16xi32>], vector<16xi32>, vector<16xi1>
      %add3A_862 = arith.constant 8 : i32
      %add3A_863 = vector.broadcast %add3A_862 : i32 to vector<16xi32>
      %add3A_864 = arith.addi %sub3A_717, %add3A_863 : vector<16xi32>
      %add3A_865 = arith.constant 8 : i32
      %add3A_866 = vector.broadcast %add3A_865 : i32 to vector<16xi32>
      %add3A_867 = arith.addi %gather3A_702, %add3A_866 : vector<16xi32>
      %min3A_868 = arith.constant 65535 : i32
      %min3A_869 = vector.broadcast %min3A_868 : i32 to vector<16xi32>
      %min3A_870 = arith.minsi %add3A_867, %min3A_869 : vector<16xi32>
      %gt3A_871 = arith.constant 8 : i32
      %gt3A_872 = vector.broadcast %gt3A_871 : i32 to vector<16xi32>
      %gt3A_873 = arith.cmpi sgt, %min3A_713, %gt3A_872 : vector<16xi32>
      tpu.vector_store_idx %arg7[%add3A_864], %min3A_870 masked %gt3A_873 : memref<160xi32, #tpu.memory_space<vmem>>[vector<16xi32>], vector<16xi32>, vector<16xi1>
      %add3A_874 = arith.constant 8 : i32
      %add3A_875 = vector.broadcast %add3A_874 : i32 to vector<16xi32>
      %add3A_876 = arith.addi %sub3A_717, %add3A_875 : vector<16xi32>
      %gt3A_877 = arith.constant 8 : i32
      %gt3A_878 = vector.broadcast %gt3A_877 : i32 to vector<16xi32>
      %gt3A_879 = arith.cmpi sgt, %min3A_713, %gt3A_878 : vector<16xi32>
      tpu.vector_store_idx %arg9[%add3A_876], %iota3A masked %gt3A_879 : memref<160xi32, #tpu.memory_space<vmem>>[vector<16xi32>], vector<16xi32>, vector<16xi1>
      %slice3A_880 = vector.extract_strided_slice %masked_cumsum3A_716 {offsets = [15], sizes = [1], strides = [1]} : vector<16xi32> to vector<1xi32>
      %squeeze3A_881 = vector.extract %slice3A_880[0] : i32 from vector<1xi32>
      %broadcast_in_dim3A_882 = vector.broadcast %squeeze3A_881 : i32 to vector<16xi32>
      %add3A_883 = arith.addi %broadcast_in_dim3A_882, %iota3A : vector<16xi32>
      %add3A_884 = arith.addi %gather3A_702, %iota3A : vector<16xi32>
      %min3A_885 = arith.constant 65535 : i32
      %min3A_886 = vector.broadcast %min3A_885 : i32 to vector<16xi32>
      %min3A_887 = arith.minsi %add3A_884, %min3A_886 : vector<16xi32>
      tpu.vector_store_idx %arg7[%add3A_883], %min3A_887 : memref<160xi32, #tpu.memory_space<vmem>>[vector<16xi32>], vector<16xi32>,
      %add3A_888 = arith.constant 15 : i32
      %add3A_889 = arith.addi %squeeze3A_881, %add3A_888 : i32
      %div3A_890 = arith.constant 16 : i32
      %div3A_891 = arith.divsi %add3A_889, %div3A_890 : i32
      %lt3A = arith.constant 15 : i32
      %lt3A_892 = arith.cmpi slt, %scan3A_367, %lt3A : i32
      %convert_element_type3A_893 = arith.extui %lt3A_892 : i1 to i32
      %cond3A_894 = arith.constant 0 : i32
      %cond3A_895 = arith.cmpi ne, %convert_element_type3A_893, %cond3A_894 : i32
      scf.if %cond3A_895 {
        %add3A_973 = arith.constant 2 : i32
        %add3A_974 = arith.addi %mul3A_371, %add3A_973 : i32
        %mul3A_975 = arith.constant 16 : i32
        %mul3A_976 = arith.muli %add3A_974, %mul3A_975 : i32
        %add3A_977 = arith.addi %mul3A_2, %mul3A_976 : i32
        %multiple_of3A_978 = tpu.assume_multiple %add3A_977, 8 : i32
        %dma_start3A_979 = arith.constant 0 : i32
        %dma_start3A_980 = tpu.memref_slice %arg2[%multiple_of3A_978, %dma_start3A_979] : memref<16384x256xf32, #tpu.memory_space<hbm>> -> memref<16x256xf32, #tpu.memory_space<hbm>>
        %dma_start3A_981 = arith.constant 0 : i32
        %dma_start3A_982 = tpu.memref_slice %arg2[%multiple_of3A_978, %dma_start3A_981] : memref<16384x256xf32, #tpu.memory_space<hbm>> -> memref<16x256xf32, #tpu.memory_space<hbm>>
        tpu.enqueue_dma source(%dma_start3A_982 : memref<16x256xf32, #tpu.memory_space<hbm>>) target(%arg13 : memref<16x256xf32, #tpu.memory_space<vmem>>) target_semaphore(%arg17 : memref<!tpu.dma_semaphore, #tpu.memory_space<semaphore_mem>>)
        %gt3A_983 = arith.constant 0 : i32
        %gt3A_984 = arith.cmpi sgt, %div3A_891, %gt3A_983 : i32
        %convert_element_type3A_985 = arith.extui %gt3A_984 : i1 to i32
        %cond3A_986 = arith.constant 0 : i32
        %cond3A_987 = arith.cmpi ne, %convert_element_type3A_985, %cond3A_986 : i32
        scf.if %cond3A_987 {
          %dma_start3A_1028 = arith.constant 0 : i32
          %dma_start3A_1029 = arith.constant 0 : i32
          %dma_start3A_1030 = tpu.memref_slice %arg11[%dma_start3A_1028, %dma_start3A_1029] : memref<160x256xf32, #tpu.memory_space<vmem>> -> memref<16x256xf32, #tpu.memory_space<vmem>>
          %dma_start3A_1031 = arith.constant 0 : i32
          %dma_start3A_1032 = tpu.memref_slice %arg7[%dma_start3A_1031] : memref<160xi32, #tpu.memory_space<vmem>> -> memref<16xi32, #tpu.memory_space<vmem>>
          %dma_start3A_1033 = arith.constant 0 : i32
          %dma_start3A_1034 = arith.constant 0 : i32
          %dma_start3A_1035 = tpu.memref_slice %arg3[%dma_start3A_1033, %dma_start3A_1034] : memref<65536x256xf32, #tpu.memory_space<hbm>> -> memref<65536x256xf32, #tpu.memory_space<hbm>>
          tpu.enqueue_indirect_dma source(%dma_start3A_1035 : memref<65536x256xf32, #tpu.memory_space<hbm>>) target(%dma_start3A_1030 : memref<16x256xf32, #tpu.memory_space<vmem>>) offsets(%dma_start3A_1032 : memref<16xi32, #tpu.memory_space<vmem>>) semaphore(%arg15 : memref<!tpu.dma_semaphore, #tpu.memory_space<semaphore_mem>>)
        } else {
        }
        %gt3A_988 = arith.constant 1 : i32
        %gt3A_989 = arith.cmpi sgt, %div3A_891, %gt3A_988 : i32
        %convert_element_type3A_990 = arith.extui %gt3A_989 : i1 to i32
        %cond3A_991 = arith.constant 0 : i32
        %cond3A_992 = arith.cmpi ne, %convert_element_type3A_990, %cond3A_991 : i32
        scf.if %cond3A_992 {
          %dma_start3A_1028 = arith.constant 16 : i32
          %dma_start3A_1029 = arith.constant 0 : i32
          %dma_start3A_1030 = tpu.memref_slice %arg11[%dma_start3A_1028, %dma_start3A_1029] : memref<160x256xf32, #tpu.memory_space<vmem>> -> memref<16x256xf32, #tpu.memory_space<vmem>>
          %dma_start3A_1031 = arith.constant 16 : i32
          %dma_start3A_1032 = tpu.memref_slice %arg7[%dma_start3A_1031] : memref<160xi32, #tpu.memory_space<vmem>> -> memref<16xi32, #tpu.memory_space<vmem>>
          %dma_start3A_1033 = arith.constant 0 : i32
          %dma_start3A_1034 = arith.constant 0 : i32
          %dma_start3A_1035 = tpu.memref_slice %arg3[%dma_start3A_1033, %dma_start3A_1034] : memref<65536x256xf32, #tpu.memory_space<hbm>> -> memref<65536x256xf32, #tpu.memory_space<hbm>>
          tpu.enqueue_indirect_dma source(%dma_start3A_1035 : memref<65536x256xf32, #tpu.memory_space<hbm>>) target(%dma_start3A_1030 : memref<16x256xf32, #tpu.memory_space<vmem>>) offsets(%dma_start3A_1032 : memref<16xi32, #tpu.memory_space<vmem>>) semaphore(%arg15 : memref<!tpu.dma_semaphore, #tpu.memory_space<semaphore_mem>>)
        } else {
        }
        %gt3A_993 = arith.constant 2 : i32
        %gt3A_994 = arith.cmpi sgt, %div3A_891, %gt3A_993 : i32
        %convert_element_type3A_995 = arith.extui %gt3A_994 : i1 to i32
        %cond3A_996 = arith.constant 0 : i32
        %cond3A_997 = arith.cmpi ne, %convert_element_type3A_995, %cond3A_996 : i32
        scf.if %cond3A_997 {
          %dma_start3A_1028 = arith.constant 32 : i32
          %dma_start3A_1029 = arith.constant 0 : i32
          %dma_start3A_1030 = tpu.memref_slice %arg11[%dma_start3A_1028, %dma_start3A_1029] : memref<160x256xf32, #tpu.memory_space<vmem>> -> memref<16x256xf32, #tpu.memory_space<vmem>>
          %dma_start3A_1031 = arith.constant 32 : i32
          %dma_start3A_1032 = tpu.memref_slice %arg7[%dma_start3A_1031] : memref<160xi32, #tpu.memory_space<vmem>> -> memref<16xi32, #tpu.memory_space<vmem>>
          %dma_start3A_1033 = arith.constant 0 : i32
          %dma_start3A_1034 = arith.constant 0 : i32
          %dma_start3A_1035 = tpu.memref_slice %arg3[%dma_start3A_1033, %dma_start3A_1034] : memref<65536x256xf32, #tpu.memory_space<hbm>> -> memref<65536x256xf32, #tpu.memory_space<hbm>>
          tpu.enqueue_indirect_dma source(%dma_start3A_1035 : memref<65536x256xf32, #tpu.memory_space<hbm>>) target(%dma_start3A_1030 : memref<16x256xf32, #tpu.memory_space<vmem>>) offsets(%dma_start3A_1032 : memref<16xi32, #tpu.memory_space<vmem>>) semaphore(%arg15 : memref<!tpu.dma_semaphore, #tpu.memory_space<semaphore_mem>>)
        } else {
        }
        %gt3A_998 = arith.constant 3 : i32
        %gt3A_999 = arith.cmpi sgt, %div3A_891, %gt3A_998 : i32
        %convert_element_type3A_1000 = arith.extui %gt3A_999 : i1 to i32
        %cond3A_1001 = arith.constant 0 : i32
        %cond3A_1002 = arith.cmpi ne, %convert_element_type3A_1000, %cond3A_1001 : i32
        scf.if %cond3A_1002 {
          %dma_start3A_1028 = arith.constant 48 : i32
          %dma_start3A_1029 = arith.constant 0 : i32
          %dma_start3A_1030 = tpu.memref_slice %arg11[%dma_start3A_1028, %dma_start3A_1029] : memref<160x256xf32, #tpu.memory_space<vmem>> -> memref<16x256xf32, #tpu.memory_space<vmem>>
          %dma_start3A_1031 = arith.constant 48 : i32
          %dma_start3A_1032 = tpu.memref_slice %arg7[%dma_start3A_1031] : memref<160xi32, #tpu.memory_space<vmem>> -> memref<16xi32, #tpu.memory_space<vmem>>
          %dma_start3A_1033 = arith.constant 0 : i32
          %dma_start3A_1034 = arith.constant 0 : i32
          %dma_start3A_1035 = tpu.memref_slice %arg3[%dma_start3A_1033, %dma_start3A_1034] : memref<65536x256xf32, #tpu.memory_space<hbm>> -> memref<65536x256xf32, #tpu.memory_space<hbm>>
          tpu.enqueue_indirect_dma source(%dma_start3A_1035 : memref<65536x256xf32, #tpu.memory_space<hbm>>) target(%dma_start3A_1030 : memref<16x256xf32, #tpu.memory_space<vmem>>) offsets(%dma_start3A_1032 : memref<16xi32, #tpu.memory_space<vmem>>) semaphore(%arg15 : memref<!tpu.dma_semaphore, #tpu.memory_space<semaphore_mem>>)
        } else {
        }
        %gt3A_1003 = arith.constant 4 : i32
        %gt3A_1004 = arith.cmpi sgt, %div3A_891, %gt3A_1003 : i32
        %convert_element_type3A_1005 = arith.extui %gt3A_1004 : i1 to i32
        %cond3A_1006 = arith.constant 0 : i32
        %cond3A_1007 = arith.cmpi ne, %convert_element_type3A_1005, %cond3A_1006 : i32
        scf.if %cond3A_1007 {
          %dma_start3A_1028 = arith.constant 64 : i32
          %dma_start3A_1029 = arith.constant 0 : i32
          %dma_start3A_1030 = tpu.memref_slice %arg11[%dma_start3A_1028, %dma_start3A_1029] : memref<160x256xf32, #tpu.memory_space<vmem>> -> memref<16x256xf32, #tpu.memory_space<vmem>>
          %dma_start3A_1031 = arith.constant 64 : i32
          %dma_start3A_1032 = tpu.memref_slice %arg7[%dma_start3A_1031] : memref<160xi32, #tpu.memory_space<vmem>> -> memref<16xi32, #tpu.memory_space<vmem>>
          %dma_start3A_1033 = arith.constant 0 : i32
          %dma_start3A_1034 = arith.constant 0 : i32
          %dma_start3A_1035 = tpu.memref_slice %arg3[%dma_start3A_1033, %dma_start3A_1034] : memref<65536x256xf32, #tpu.memory_space<hbm>> -> memref<65536x256xf32, #tpu.memory_space<hbm>>
          tpu.enqueue_indirect_dma source(%dma_start3A_1035 : memref<65536x256xf32, #tpu.memory_space<hbm>>) target(%dma_start3A_1030 : memref<16x256xf32, #tpu.memory_space<vmem>>) offsets(%dma_start3A_1032 : memref<16xi32, #tpu.memory_space<vmem>>) semaphore(%arg15 : memref<!tpu.dma_semaphore, #tpu.memory_space<semaphore_mem>>)
        } else {
        }
        %gt3A_1008 = arith.constant 5 : i32
        %gt3A_1009 = arith.cmpi sgt, %div3A_891, %gt3A_1008 : i32
        %convert_element_type3A_1010 = arith.extui %gt3A_1009 : i1 to i32
        %cond3A_1011 = arith.constant 0 : i32
        %cond3A_1012 = arith.cmpi ne, %convert_element_type3A_1010, %cond3A_1011 : i32
        scf.if %cond3A_1012 {
          %dma_start3A_1028 = arith.constant 80 : i32
          %dma_start3A_1029 = arith.constant 0 : i32
          %dma_start3A_1030 = tpu.memref_slice %arg11[%dma_start3A_1028, %dma_start3A_1029] : memref<160x256xf32, #tpu.memory_space<vmem>> -> memref<16x256xf32, #tpu.memory_space<vmem>>
          %dma_start3A_1031 = arith.constant 80 : i32
          %dma_start3A_1032 = tpu.memref_slice %arg7[%dma_start3A_1031] : memref<160xi32, #tpu.memory_space<vmem>> -> memref<16xi32, #tpu.memory_space<vmem>>
          %dma_start3A_1033 = arith.constant 0 : i32
          %dma_start3A_1034 = arith.constant 0 : i32
          %dma_start3A_1035 = tpu.memref_slice %arg3[%dma_start3A_1033, %dma_start3A_1034] : memref<65536x256xf32, #tpu.memory_space<hbm>> -> memref<65536x256xf32, #tpu.memory_space<hbm>>
          tpu.enqueue_indirect_dma source(%dma_start3A_1035 : memref<65536x256xf32, #tpu.memory_space<hbm>>) target(%dma_start3A_1030 : memref<16x256xf32, #tpu.memory_space<vmem>>) offsets(%dma_start3A_1032 : memref<16xi32, #tpu.memory_space<vmem>>) semaphore(%arg15 : memref<!tpu.dma_semaphore, #tpu.memory_space<semaphore_mem>>)
        } else {
        }
        %gt3A_1013 = arith.constant 6 : i32
        %gt3A_1014 = arith.cmpi sgt, %div3A_891, %gt3A_1013 : i32
        %convert_element_type3A_1015 = arith.extui %gt3A_1014 : i1 to i32
        %cond3A_1016 = arith.constant 0 : i32
        %cond3A_1017 = arith.cmpi ne, %convert_element_type3A_1015, %cond3A_1016 : i32
        scf.if %cond3A_1017 {
          %dma_start3A_1028 = arith.constant 96 : i32
          %dma_start3A_1029 = arith.constant 0 : i32
          %dma_start3A_1030 = tpu.memref_slice %arg11[%dma_start3A_1028, %dma_start3A_1029] : memref<160x256xf32, #tpu.memory_space<vmem>> -> memref<16x256xf32, #tpu.memory_space<vmem>>
          %dma_start3A_1031 = arith.constant 96 : i32
          %dma_start3A_1032 = tpu.memref_slice %arg7[%dma_start3A_1031] : memref<160xi32, #tpu.memory_space<vmem>> -> memref<16xi32, #tpu.memory_space<vmem>>
          %dma_start3A_1033 = arith.constant 0 : i32
          %dma_start3A_1034 = arith.constant 0 : i32
          %dma_start3A_1035 = tpu.memref_slice %arg3[%dma_start3A_1033, %dma_start3A_1034] : memref<65536x256xf32, #tpu.memory_space<hbm>> -> memref<65536x256xf32, #tpu.memory_space<hbm>>
          tpu.enqueue_indirect_dma source(%dma_start3A_1035 : memref<65536x256xf32, #tpu.memory_space<hbm>>) target(%dma_start3A_1030 : memref<16x256xf32, #tpu.memory_space<vmem>>) offsets(%dma_start3A_1032 : memref<16xi32, #tpu.memory_space<vmem>>) semaphore(%arg15 : memref<!tpu.dma_semaphore, #tpu.memory_space<semaphore_mem>>)
        } else {
        }
        %gt3A_1018 = arith.constant 7 : i32
        %gt3A_1019 = arith.cmpi sgt, %div3A_891, %gt3A_1018 : i32
        %convert_element_type3A_1020 = arith.extui %gt3A_1019 : i1 to i32
        %cond3A_1021 = arith.constant 0 : i32
        %cond3A_1022 = arith.cmpi ne, %convert_element_type3A_1020, %cond3A_1021 : i32
        scf.if %cond3A_1022 {
          %dma_start3A_1028 = arith.constant 112 : i32
          %dma_start3A_1029 = arith.constant 0 : i32
          %dma_start3A_1030 = tpu.memref_slice %arg11[%dma_start3A_1028, %dma_start3A_1029] : memref<160x256xf32, #tpu.memory_space<vmem>> -> memref<16x256xf32, #tpu.memory_space<vmem>>
          %dma_start3A_1031 = arith.constant 112 : i32
          %dma_start3A_1032 = tpu.memref_slice %arg7[%dma_start3A_1031] : memref<160xi32, #tpu.memory_space<vmem>> -> memref<16xi32, #tpu.memory_space<vmem>>
          %dma_start3A_1033 = arith.constant 0 : i32
          %dma_start3A_1034 = arith.constant 0 : i32
          %dma_start3A_1035 = tpu.memref_slice %arg3[%dma_start3A_1033, %dma_start3A_1034] : memref<65536x256xf32, #tpu.memory_space<hbm>> -> memref<65536x256xf32, #tpu.memory_space<hbm>>
          tpu.enqueue_indirect_dma source(%dma_start3A_1035 : memref<65536x256xf32, #tpu.memory_space<hbm>>) target(%dma_start3A_1030 : memref<16x256xf32, #tpu.memory_space<vmem>>) offsets(%dma_start3A_1032 : memref<16xi32, #tpu.memory_space<vmem>>) semaphore(%arg15 : memref<!tpu.dma_semaphore, #tpu.memory_space<semaphore_mem>>)
        } else {
        }
        %gt3A_1023 = arith.constant 8 : i32
        %gt3A_1024 = arith.cmpi sgt, %div3A_891, %gt3A_1023 : i32
        %convert_element_type3A_1025 = arith.extui %gt3A_1024 : i1 to i32
        %cond3A_1026 = arith.constant 0 : i32
        %cond3A_1027 = arith.cmpi ne, %convert_element_type3A_1025, %cond3A_1026 : i32
        scf.if %cond3A_1027 {
          %dma_start3A_1028 = arith.constant 128 : i32
          %dma_start3A_1029 = arith.constant 0 : i32
          %dma_start3A_1030 = tpu.memref_slice %arg11[%dma_start3A_1028, %dma_start3A_1029] : memref<160x256xf32, #tpu.memory_space<vmem>> -> memref<16x256xf32, #tpu.memory_space<vmem>>
          %dma_start3A_1031 = arith.constant 128 : i32
          %dma_start3A_1032 = tpu.memref_slice %arg7[%dma_start3A_1031] : memref<160xi32, #tpu.memory_space<vmem>> -> memref<16xi32, #tpu.memory_space<vmem>>
          %dma_start3A_1033 = arith.constant 0 : i32
          %dma_start3A_1034 = arith.constant 0 : i32
          %dma_start3A_1035 = tpu.memref_slice %arg3[%dma_start3A_1033, %dma_start3A_1034] : memref<65536x256xf32, #tpu.memory_space<hbm>> -> memref<65536x256xf32, #tpu.memory_space<hbm>>
          tpu.enqueue_indirect_dma source(%dma_start3A_1035 : memref<65536x256xf32, #tpu.memory_space<hbm>>) target(%dma_start3A_1030 : memref<16x256xf32, #tpu.memory_space<vmem>>) offsets(%dma_start3A_1032 : memref<16xi32, #tpu.memory_space<vmem>>) semaphore(%arg15 : memref<!tpu.dma_semaphore, #tpu.memory_space<semaphore_mem>>)
        } else {
        }
      } else {
      }
      %add3A_896 = arith.constant 1 : i32
      %add3A_897 = arith.addi %mul3A_371, %add3A_896 : i32
      %mul3A_898 = arith.constant 16 : i32
      %mul3A_899 = arith.muli %add3A_897, %mul3A_898 : i32
      %add3A_900 = arith.addi %mul3A_2, %mul3A_899 : i32
      %multiple_of3A_901 = tpu.assume_multiple %add3A_900, 8 : i32
      %dma_wait3A_902 = arith.constant 0 : i32
      %dma_wait3A_903 = tpu.memref_slice %arg2[%multiple_of3A_901, %dma_wait3A_902] : memref<16384x256xf32, #tpu.memory_space<hbm>> -> memref<16x256xf32, #tpu.memory_space<hbm>>
      %dma_wait3A_904 = arith.constant 0 : i32
      %dma_wait3A_905 = tpu.memref_slice %arg2[%multiple_of3A_901, %dma_wait3A_904] : memref<16384x256xf32, #tpu.memory_space<hbm>> -> memref<16x256xf32, #tpu.memory_space<hbm>>
      tpu.wait_dma2 semaphore(%arg18 : memref<!tpu.dma_semaphore, #tpu.memory_space<semaphore_mem>>) src(%dma_wait3A_905 : memref<16x256xf32, #tpu.memory_space<hbm>>) dst(%arg14 : memref<16x256xf32, #tpu.memory_space<vmem>>)
      %gt3A_906 = arith.constant 0 : i32
      %gt3A_907 = arith.cmpi sgt, %div3A_567, %gt3A_906 : i32
      %convert_element_type3A_908 = arith.extui %gt3A_907 : i1 to i32
      %cond3A_909 = arith.constant 0 : i32
      %cond3A_910 = arith.cmpi ne, %convert_element_type3A_908, %cond3A_909 : i32
      scf.if %cond3A_910 {
        %dma_wait3A_973 = arith.constant 0 : i32
        %dma_wait3A_974 = arith.constant 0 : i32
        %dma_wait3A_975 = tpu.memref_slice %arg12[%dma_wait3A_973, %dma_wait3A_974] : memref<160x256xf32, #tpu.memory_space<vmem>> -> memref<16x256xf32, #tpu.memory_space<vmem>>
        %dma_wait3A_976 = arith.constant 0 : i32
        %dma_wait3A_977 = tpu.memref_slice %arg8[%dma_wait3A_976] : memref<160xi32, #tpu.memory_space<vmem>> -> memref<16xi32, #tpu.memory_space<vmem>>
        %dma_wait3A_978 = arith.constant 0 : i32
        %dma_wait3A_979 = arith.constant 0 : i32
        %dma_wait3A_980 = tpu.memref_slice %arg3[%dma_wait3A_978, %dma_wait3A_979] : memref<65536x256xf32, #tpu.memory_space<hbm>> -> memref<65536x256xf32, #tpu.memory_space<hbm>>
        tpu.wait_indirect_dma semaphore(%arg16 : memref<!tpu.dma_semaphore, #tpu.memory_space<semaphore_mem>>) src(%dma_wait3A_980 : memref<65536x256xf32, #tpu.memory_space<hbm>>) dst(%dma_wait3A_975 : memref<16x256xf32, #tpu.memory_space<vmem>>)
      } else {
      }
      %gt3A_911 = arith.constant 1 : i32
      %gt3A_912 = arith.cmpi sgt, %div3A_567, %gt3A_911 : i32
      %convert_element_type3A_913 = arith.extui %gt3A_912 : i1 to i32
      %cond3A_914 = arith.constant 0 : i32
      %cond3A_915 = arith.cmpi ne, %convert_element_type3A_913, %cond3A_914 : i32
      scf.if %cond3A_915 {
        %dma_wait3A_973 = arith.constant 16 : i32
        %dma_wait3A_974 = arith.constant 0 : i32
        %dma_wait3A_975 = tpu.memref_slice %arg12[%dma_wait3A_973, %dma_wait3A_974] : memref<160x256xf32, #tpu.memory_space<vmem>> -> memref<16x256xf32, #tpu.memory_space<vmem>>
        %dma_wait3A_976 = arith.constant 16 : i32
        %dma_wait3A_977 = tpu.memref_slice %arg8[%dma_wait3A_976] : memref<160xi32, #tpu.memory_space<vmem>> -> memref<16xi32, #tpu.memory_space<vmem>>
        %dma_wait3A_978 = arith.constant 0 : i32
        %dma_wait3A_979 = arith.constant 0 : i32
        %dma_wait3A_980 = tpu.memref_slice %arg3[%dma_wait3A_978, %dma_wait3A_979] : memref<65536x256xf32, #tpu.memory_space<hbm>> -> memref<65536x256xf32, #tpu.memory_space<hbm>>
        tpu.wait_indirect_dma semaphore(%arg16 : memref<!tpu.dma_semaphore, #tpu.memory_space<semaphore_mem>>) src(%dma_wait3A_980 : memref<65536x256xf32, #tpu.memory_space<hbm>>) dst(%dma_wait3A_975 : memref<16x256xf32, #tpu.memory_space<vmem>>)
      } else {
      }
      %gt3A_916 = arith.constant 2 : i32
      %gt3A_917 = arith.cmpi sgt, %div3A_567, %gt3A_916 : i32
      %convert_element_type3A_918 = arith.extui %gt3A_917 : i1 to i32
      %cond3A_919 = arith.constant 0 : i32
      %cond3A_920 = arith.cmpi ne, %convert_element_type3A_918, %cond3A_919 : i32
      scf.if %cond3A_920 {
        %dma_wait3A_973 = arith.constant 32 : i32
        %dma_wait3A_974 = arith.constant 0 : i32
        %dma_wait3A_975 = tpu.memref_slice %arg12[%dma_wait3A_973, %dma_wait3A_974] : memref<160x256xf32, #tpu.memory_space<vmem>> -> memref<16x256xf32, #tpu.memory_space<vmem>>
        %dma_wait3A_976 = arith.constant 32 : i32
        %dma_wait3A_977 = tpu.memref_slice %arg8[%dma_wait3A_976] : memref<160xi32, #tpu.memory_space<vmem>> -> memref<16xi32, #tpu.memory_space<vmem>>
        %dma_wait3A_978 = arith.constant 0 : i32
        %dma_wait3A_979 = arith.constant 0 : i32
        %dma_wait3A_980 = tpu.memref_slice %arg3[%dma_wait3A_978, %dma_wait3A_979] : memref<65536x256xf32, #tpu.memory_space<hbm>> -> memref<65536x256xf32, #tpu.memory_space<hbm>>
        tpu.wait_indirect_dma semaphore(%arg16 : memref<!tpu.dma_semaphore, #tpu.memory_space<semaphore_mem>>) src(%dma_wait3A_980 : memref<65536x256xf32, #tpu.memory_space<hbm>>) dst(%dma_wait3A_975 : memref<16x256xf32, #tpu.memory_space<vmem>>)
      } else {
      }
      %gt3A_921 = arith.constant 3 : i32
      %gt3A_922 = arith.cmpi sgt, %div3A_567, %gt3A_921 : i32
      %convert_element_type3A_923 = arith.extui %gt3A_922 : i1 to i32
      %cond3A_924 = arith.constant 0 : i32
      %cond3A_925 = arith.cmpi ne, %convert_element_type3A_923, %cond3A_924 : i32
      scf.if %cond3A_925 {
        %dma_wait3A_973 = arith.constant 48 : i32
        %dma_wait3A_974 = arith.constant 0 : i32
        %dma_wait3A_975 = tpu.memref_slice %arg12[%dma_wait3A_973, %dma_wait3A_974] : memref<160x256xf32, #tpu.memory_space<vmem>> -> memref<16x256xf32, #tpu.memory_space<vmem>>
        %dma_wait3A_976 = arith.constant 48 : i32
        %dma_wait3A_977 = tpu.memref_slice %arg8[%dma_wait3A_976] : memref<160xi32, #tpu.memory_space<vmem>> -> memref<16xi32, #tpu.memory_space<vmem>>
        %dma_wait3A_978 = arith.constant 0 : i32
        %dma_wait3A_979 = arith.constant 0 : i32
        %dma_wait3A_980 = tpu.memref_slice %arg3[%dma_wait3A_978, %dma_wait3A_979] : memref<65536x256xf32, #tpu.memory_space<hbm>> -> memref<65536x256xf32, #tpu.memory_space<hbm>>
        tpu.wait_indirect_dma semaphore(%arg16 : memref<!tpu.dma_semaphore, #tpu.memory_space<semaphore_mem>>) src(%dma_wait3A_980 : memref<65536x256xf32, #tpu.memory_space<hbm>>) dst(%dma_wait3A_975 : memref<16x256xf32, #tpu.memory_space<vmem>>)
      } else {
      }
      %gt3A_926 = arith.constant 4 : i32
      %gt3A_927 = arith.cmpi sgt, %div3A_567, %gt3A_926 : i32
      %convert_element_type3A_928 = arith.extui %gt3A_927 : i1 to i32
      %cond3A_929 = arith.constant 0 : i32
      %cond3A_930 = arith.cmpi ne, %convert_element_type3A_928, %cond3A_929 : i32
      scf.if %cond3A_930 {
        %dma_wait3A_973 = arith.constant 64 : i32
        %dma_wait3A_974 = arith.constant 0 : i32
        %dma_wait3A_975 = tpu.memref_slice %arg12[%dma_wait3A_973, %dma_wait3A_974] : memref<160x256xf32, #tpu.memory_space<vmem>> -> memref<16x256xf32, #tpu.memory_space<vmem>>
        %dma_wait3A_976 = arith.constant 64 : i32
        %dma_wait3A_977 = tpu.memref_slice %arg8[%dma_wait3A_976] : memref<160xi32, #tpu.memory_space<vmem>> -> memref<16xi32, #tpu.memory_space<vmem>>
        %dma_wait3A_978 = arith.constant 0 : i32
        %dma_wait3A_979 = arith.constant 0 : i32
        %dma_wait3A_980 = tpu.memref_slice %arg3[%dma_wait3A_978, %dma_wait3A_979] : memref<65536x256xf32, #tpu.memory_space<hbm>> -> memref<65536x256xf32, #tpu.memory_space<hbm>>
        tpu.wait_indirect_dma semaphore(%arg16 : memref<!tpu.dma_semaphore, #tpu.memory_space<semaphore_mem>>) src(%dma_wait3A_980 : memref<65536x256xf32, #tpu.memory_space<hbm>>) dst(%dma_wait3A_975 : memref<16x256xf32, #tpu.memory_space<vmem>>)
      } else {
      }
      %gt3A_931 = arith.constant 5 : i32
      %gt3A_932 = arith.cmpi sgt, %div3A_567, %gt3A_931 : i32
      %convert_element_type3A_933 = arith.extui %gt3A_932 : i1 to i32
      %cond3A_934 = arith.constant 0 : i32
      %cond3A_935 = arith.cmpi ne, %convert_element_type3A_933, %cond3A_934 : i32
      scf.if %cond3A_935 {
        %dma_wait3A_973 = arith.constant 80 : i32
        %dma_wait3A_974 = arith.constant 0 : i32
        %dma_wait3A_975 = tpu.memref_slice %arg12[%dma_wait3A_973, %dma_wait3A_974] : memref<160x256xf32, #tpu.memory_space<vmem>> -> memref<16x256xf32, #tpu.memory_space<vmem>>
        %dma_wait3A_976 = arith.constant 80 : i32
        %dma_wait3A_977 = tpu.memref_slice %arg8[%dma_wait3A_976] : memref<160xi32, #tpu.memory_space<vmem>> -> memref<16xi32, #tpu.memory_space<vmem>>
        %dma_wait3A_978 = arith.constant 0 : i32
        %dma_wait3A_979 = arith.constant 0 : i32
        %dma_wait3A_980 = tpu.memref_slice %arg3[%dma_wait3A_978, %dma_wait3A_979] : memref<65536x256xf32, #tpu.memory_space<hbm>> -> memref<65536x256xf32, #tpu.memory_space<hbm>>
        tpu.wait_indirect_dma semaphore(%arg16 : memref<!tpu.dma_semaphore, #tpu.memory_space<semaphore_mem>>) src(%dma_wait3A_980 : memref<65536x256xf32, #tpu.memory_space<hbm>>) dst(%dma_wait3A_975 : memref<16x256xf32, #tpu.memory_space<vmem>>)
      } else {
      }
      %gt3A_936 = arith.constant 6 : i32
      %gt3A_937 = arith.cmpi sgt, %div3A_567, %gt3A_936 : i32
      %convert_element_type3A_938 = arith.extui %gt3A_937 : i1 to i32
      %cond3A_939 = arith.constant 0 : i32
      %cond3A_940 = arith.cmpi ne, %convert_element_type3A_938, %cond3A_939 : i32
      scf.if %cond3A_940 {
        %dma_wait3A_973 = arith.constant 96 : i32
        %dma_wait3A_974 = arith.constant 0 : i32
        %dma_wait3A_975 = tpu.memref_slice %arg12[%dma_wait3A_973, %dma_wait3A_974] : memref<160x256xf32, #tpu.memory_space<vmem>> -> memref<16x256xf32, #tpu.memory_space<vmem>>
        %dma_wait3A_976 = arith.constant 96 : i32
        %dma_wait3A_977 = tpu.memref_slice %arg8[%dma_wait3A_976] : memref<160xi32, #tpu.memory_space<vmem>> -> memref<16xi32, #tpu.memory_space<vmem>>
        %dma_wait3A_978 = arith.constant 0 : i32
        %dma_wait3A_979 = arith.constant 0 : i32
        %dma_wait3A_980 = tpu.memref_slice %arg3[%dma_wait3A_978, %dma_wait3A_979] : memref<65536x256xf32, #tpu.memory_space<hbm>> -> memref<65536x256xf32, #tpu.memory_space<hbm>>
        tpu.wait_indirect_dma semaphore(%arg16 : memref<!tpu.dma_semaphore, #tpu.memory_space<semaphore_mem>>) src(%dma_wait3A_980 : memref<65536x256xf32, #tpu.memory_space<hbm>>) dst(%dma_wait3A_975 : memref<16x256xf32, #tpu.memory_space<vmem>>)
      } else {
      }
      %gt3A_941 = arith.constant 7 : i32
      %gt3A_942 = arith.cmpi sgt, %div3A_567, %gt3A_941 : i32
      %convert_element_type3A_943 = arith.extui %gt3A_942 : i1 to i32
      %cond3A_944 = arith.constant 0 : i32
      %cond3A_945 = arith.cmpi ne, %convert_element_type3A_943, %cond3A_944 : i32
      scf.if %cond3A_945 {
        %dma_wait3A_973 = arith.constant 112 : i32
        %dma_wait3A_974 = arith.constant 0 : i32
        %dma_wait3A_975 = tpu.memref_slice %arg12[%dma_wait3A_973, %dma_wait3A_974] : memref<160x256xf32, #tpu.memory_space<vmem>> -> memref<16x256xf32, #tpu.memory_space<vmem>>
        %dma_wait3A_976 = arith.constant 112 : i32
        %dma_wait3A_977 = tpu.memref_slice %arg8[%dma_wait3A_976] : memref<160xi32, #tpu.memory_space<vmem>> -> memref<16xi32, #tpu.memory_space<vmem>>
        %dma_wait3A_978 = arith.constant 0 : i32
        %dma_wait3A_979 = arith.constant 0 : i32
        %dma_wait3A_980 = tpu.memref_slice %arg3[%dma_wait3A_978, %dma_wait3A_979] : memref<65536x256xf32, #tpu.memory_space<hbm>> -> memref<65536x256xf32, #tpu.memory_space<hbm>>
        tpu.wait_indirect_dma semaphore(%arg16 : memref<!tpu.dma_semaphore, #tpu.memory_space<semaphore_mem>>) src(%dma_wait3A_980 : memref<65536x256xf32, #tpu.memory_space<hbm>>) dst(%dma_wait3A_975 : memref<16x256xf32, #tpu.memory_space<vmem>>)
      } else {
      }
      %gt3A_946 = arith.constant 8 : i32
      %gt3A_947 = arith.cmpi sgt, %div3A_567, %gt3A_946 : i32
      %convert_element_type3A_948 = arith.extui %gt3A_947 : i1 to i32
      %cond3A_949 = arith.constant 0 : i32
      %cond3A_950 = arith.cmpi ne, %convert_element_type3A_948, %cond3A_949 : i32
      scf.if %cond3A_950 {
        %dma_wait3A_973 = arith.constant 128 : i32
        %dma_wait3A_974 = arith.constant 0 : i32
        %dma_wait3A_975 = tpu.memref_slice %arg12[%dma_wait3A_973, %dma_wait3A_974] : memref<160x256xf32, #tpu.memory_space<vmem>> -> memref<16x256xf32, #tpu.memory_space<vmem>>
        %dma_wait3A_976 = arith.constant 128 : i32
        %dma_wait3A_977 = tpu.memref_slice %arg8[%dma_wait3A_976] : memref<160xi32, #tpu.memory_space<vmem>> -> memref<16xi32, #tpu.memory_space<vmem>>
        %dma_wait3A_978 = arith.constant 0 : i32
        %dma_wait3A_979 = arith.constant 0 : i32
        %dma_wait3A_980 = tpu.memref_slice %arg3[%dma_wait3A_978, %dma_wait3A_979] : memref<65536x256xf32, #tpu.memory_space<hbm>> -> memref<65536x256xf32, #tpu.memory_space<hbm>>
        tpu.wait_indirect_dma semaphore(%arg16 : memref<!tpu.dma_semaphore, #tpu.memory_space<semaphore_mem>>) src(%dma_wait3A_980 : memref<65536x256xf32, #tpu.memory_space<hbm>>) dst(%dma_wait3A_975 : memref<16x256xf32, #tpu.memory_space<vmem>>)
      } else {
      }
      %add3A_951 = arith.constant 1 : i32
      %add3A_952 = arith.addi %mul3A_371, %add3A_951 : i32
      %while3A_953 = arith.constant 0 : i32
      %while3A_954 = arith.constant 0 : i32
      %while3A_955 = arith.subi %squeeze3A_557, %while3A_954 : i32
      %while3A_956 = arith.addi %while3A_954, %while3A_955 : i32
      %while3A_957 = arith.constant 1 : i32
      %while3A_958 = arith.divsi %while3A_955, %while3A_957 : i32
      %while3A_959 = arith.muli %while3A_958, %while3A_957 : i32
      %while3A_960 = arith.addi %while3A_954, %while3A_959 : i32
      %while3A_961 = arith.constant 1 : i32
      scf.for %while3A_973 = %while3A_954 to %while3A_960 step %while3A_961  : i32 {
        %broadcast_in_dim3A_974 = vector.broadcast %while3A_973 : i32 to vector<16xi32>
        %gather3A_975 = tpu.vector_load_idx %arg10[%broadcast_in_dim3A_974] : memref<160xi32, #tpu.memory_space<vmem>>[vector<16xi32>], vector<16xi32>,
        %add3A_976 = arith.constant 0 : i32
        %add3A_977 = vector.broadcast %add3A_976 : i32 to vector<16xi32>
        %add3A_978 = arith.addi %iota3A, %add3A_977 : vector<16xi32>
        %get3A = arith.index_cast %while3A_973 : i32 to index
        %get3A_979 = arith.constant 0 : index
        %get3A_980 = tpu.vector_load %arg12[%get3A, %get3A_979] {strides = array<i32>} : memref<160x256xf32, #tpu.memory_space<vmem>>, vector<16xf32>,
        tpu.vector_store_idx %arg14[%gather3A_975, %add3A_978], %get3A_980 {add = true} : memref<16x256xf32, #tpu.memory_space<vmem>>[vector<16xi32>, vector<16xi32>], vector<16xf32>,
        %add3A_981 = arith.constant 16 : i32
        %add3A_982 = vector.broadcast %add3A_981 : i32 to vector<16xi32>
        %add3A_983 = arith.addi %iota3A, %add3A_982 : vector<16xi32>
        %get3A_984 = arith.index_cast %while3A_973 : i32 to index
        %get3A_985 = arith.constant 16 : index
        %get3A_986 = tpu.vector_load %arg12[%get3A_984, %get3A_985] {strides = array<i32>} : memref<160x256xf32, #tpu.memory_space<vmem>>, vector<16xf32>,
        tpu.vector_store_idx %arg14[%gather3A_975, %add3A_983], %get3A_986 {add = true} : memref<16x256xf32, #tpu.memory_space<vmem>>[vector<16xi32>, vector<16xi32>], vector<16xf32>,
        %add3A_987 = arith.constant 32 : i32
        %add3A_988 = vector.broadcast %add3A_987 : i32 to vector<16xi32>
        %add3A_989 = arith.addi %iota3A, %add3A_988 : vector<16xi32>
        %get3A_990 = arith.index_cast %while3A_973 : i32 to index
        %get3A_991 = arith.constant 32 : index
        %get3A_992 = tpu.vector_load %arg12[%get3A_990, %get3A_991] {strides = array<i32>} : memref<160x256xf32, #tpu.memory_space<vmem>>, vector<16xf32>,
        tpu.vector_store_idx %arg14[%gather3A_975, %add3A_989], %get3A_992 {add = true} : memref<16x256xf32, #tpu.memory_space<vmem>>[vector<16xi32>, vector<16xi32>], vector<16xf32>,
        %add3A_993 = arith.constant 48 : i32
        %add3A_994 = vector.broadcast %add3A_993 : i32 to vector<16xi32>
        %add3A_995 = arith.addi %iota3A, %add3A_994 : vector<16xi32>
        %get3A_996 = arith.index_cast %while3A_973 : i32 to index
        %get3A_997 = arith.constant 48 : index
        %get3A_998 = tpu.vector_load %arg12[%get3A_996, %get3A_997] {strides = array<i32>} : memref<160x256xf32, #tpu.memory_space<vmem>>, vector<16xf32>,
        tpu.vector_store_idx %arg14[%gather3A_975, %add3A_995], %get3A_998 {add = true} : memref<16x256xf32, #tpu.memory_space<vmem>>[vector<16xi32>, vector<16xi32>], vector<16xf32>,
        %add3A_999 = arith.constant 64 : i32
        %add3A_1000 = vector.broadcast %add3A_999 : i32 to vector<16xi32>
        %add3A_1001 = arith.addi %iota3A, %add3A_1000 : vector<16xi32>
        %get3A_1002 = arith.index_cast %while3A_973 : i32 to index
        %get3A_1003 = arith.constant 64 : index
        %get3A_1004 = tpu.vector_load %arg12[%get3A_1002, %get3A_1003] {strides = array<i32>} : memref<160x256xf32, #tpu.memory_space<vmem>>, vector<16xf32>,
        tpu.vector_store_idx %arg14[%gather3A_975, %add3A_1001], %get3A_1004 {add = true} : memref<16x256xf32, #tpu.memory_space<vmem>>[vector<16xi32>, vector<16xi32>], vector<16xf32>,
        %add3A_1005 = arith.constant 80 : i32
        %add3A_1006 = vector.broadcast %add3A_1005 : i32 to vector<16xi32>
        %add3A_1007 = arith.addi %iota3A, %add3A_1006 : vector<16xi32>
        %get3A_1008 = arith.index_cast %while3A_973 : i32 to index
        %get3A_1009 = arith.constant 80 : index
        %get3A_1010 = tpu.vector_load %arg12[%get3A_1008, %get3A_1009] {strides = array<i32>} : memref<160x256xf32, #tpu.memory_space<vmem>>, vector<16xf32>,
        tpu.vector_store_idx %arg14[%gather3A_975, %add3A_1007], %get3A_1010 {add = true} : memref<16x256xf32, #tpu.memory_space<vmem>>[vector<16xi32>, vector<16xi32>], vector<16xf32>,
        %add3A_1011 = arith.constant 96 : i32
        %add3A_1012 = vector.broadcast %add3A_1011 : i32 to vector<16xi32>
        %add3A_1013 = arith.addi %iota3A, %add3A_1012 : vector<16xi32>
        %get3A_1014 = arith.index_cast %while3A_973 : i32 to index
        %get3A_1015 = arith.constant 96 : index
        %get3A_1016 = tpu.vector_load %arg12[%get3A_1014, %get3A_1015] {strides = array<i32>} : memref<160x256xf32, #tpu.memory_space<vmem>>, vector<16xf32>,
        tpu.vector_store_idx %arg14[%gather3A_975, %add3A_1013], %get3A_1016 {add = true} : memref<16x256xf32, #tpu.memory_space<vmem>>[vector<16xi32>, vector<16xi32>], vector<16xf32>,
        %add3A_1017 = arith.constant 112 : i32
        %add3A_1018 = vector.broadcast %add3A_1017 : i32 to vector<16xi32>
        %add3A_1019 = arith.addi %iota3A, %add3A_1018 : vector<16xi32>
        %get3A_1020 = arith.index_cast %while3A_973 : i32 to index
        %get3A_1021 = arith.constant 112 : index
        %get3A_1022 = tpu.vector_load %arg12[%get3A_1020, %get3A_1021] {strides = array<i32>} : memref<160x256xf32, #tpu.memory_space<vmem>>, vector<16xf32>,
        tpu.vector_store_idx %arg14[%gather3A_975, %add3A_1019], %get3A_1022 {add = true} : memref<16x256xf32, #tpu.memory_space<vmem>>[vector<16xi32>, vector<16xi32>], vector<16xf32>,
        %add3A_1023 = arith.constant 128 : i32
        %add3A_1024 = vector.broadcast %add3A_1023 : i32 to vector<16xi32>
        %add3A_1025 = arith.addi %iota3A, %add3A_1024 : vector<16xi32>
        %get3A_1026 = arith.index_cast %while3A_973 : i32 to index
        %get3A_1027 = arith.constant 128 : index
        %get3A_1028 = tpu.vector_load %arg12[%get3A_1026, %get3A_1027] {strides = array<i32>} : memref<160x256xf32, #tpu.memory_space<vmem>>, vector<16xf32>,
        tpu.vector_store_idx %arg14[%gather3A_975, %add3A_1025], %get3A_1028 {add = true} : memref<16x256xf32, #tpu.memory_space<vmem>>[vector<16xi32>, vector<16xi32>], vector<16xf32>,
        %add3A_1029 = arith.constant 144 : i32
        %add3A_1030 = vector.broadcast %add3A_1029 : i32 to vector<16xi32>
        %add3A_1031 = arith.addi %iota3A, %add3A_1030 : vector<16xi32>
        %get3A_1032 = arith.index_cast %while3A_973 : i32 to index
        %get3A_1033 = arith.constant 144 : index
        %get3A_1034 = tpu.vector_load %arg12[%get3A_1032, %get3A_1033] {strides = array<i32>} : memref<160x256xf32, #tpu.memory_space<vmem>>, vector<16xf32>,
        tpu.vector_store_idx %arg14[%gather3A_975, %add3A_1031], %get3A_1034 {add = true} : memref<16x256xf32, #tpu.memory_space<vmem>>[vector<16xi32>, vector<16xi32>], vector<16xf32>,
        %add3A_1035 = arith.constant 160 : i32
        %add3A_1036 = vector.broadcast %add3A_1035 : i32 to vector<16xi32>
        %add3A_1037 = arith.addi %iota3A, %add3A_1036 : vector<16xi32>
        %get3A_1038 = arith.index_cast %while3A_973 : i32 to index
        %get3A_1039 = arith.constant 160 : index
        %get3A_1040 = tpu.vector_load %arg12[%get3A_1038, %get3A_1039] {strides = array<i32>} : memref<160x256xf32, #tpu.memory_space<vmem>>, vector<16xf32>,
        tpu.vector_store_idx %arg14[%gather3A_975, %add3A_1037], %get3A_1040 {add = true} : memref<16x256xf32, #tpu.memory_space<vmem>>[vector<16xi32>, vector<16xi32>], vector<16xf32>,
        %add3A_1041 = arith.constant 176 : i32
        %add3A_1042 = vector.broadcast %add3A_1041 : i32 to vector<16xi32>
        %add3A_1043 = arith.addi %iota3A, %add3A_1042 : vector<16xi32>
        %get3A_1044 = arith.index_cast %while3A_973 : i32 to index
        %get3A_1045 = arith.constant 176 : index
        %get3A_1046 = tpu.vector_load %arg12[%get3A_1044, %get3A_1045] {strides = array<i32>} : memref<160x256xf32, #tpu.memory_space<vmem>>, vector<16xf32>,
        tpu.vector_store_idx %arg14[%gather3A_975, %add3A_1043], %get3A_1046 {add = true} : memref<16x256xf32, #tpu.memory_space<vmem>>[vector<16xi32>, vector<16xi32>], vector<16xf32>,
        %add3A_1047 = arith.constant 192 : i32
        %add3A_1048 = vector.broadcast %add3A_1047 : i32 to vector<16xi32>
        %add3A_1049 = arith.addi %iota3A, %add3A_1048 : vector<16xi32>
        %get3A_1050 = arith.index_cast %while3A_973 : i32 to index
        %get3A_1051 = arith.constant 192 : index
        %get3A_1052 = tpu.vector_load %arg12[%get3A_1050, %get3A_1051] {strides = array<i32>} : memref<160x256xf32, #tpu.memory_space<vmem>>, vector<16xf32>,
        tpu.vector_store_idx %arg14[%gather3A_975, %add3A_1049], %get3A_1052 {add = true} : memref<16x256xf32, #tpu.memory_space<vmem>>[vector<16xi32>, vector<16xi32>], vector<16xf32>,
        %add3A_1053 = arith.constant 208 : i32
        %add3A_1054 = vector.broadcast %add3A_1053 : i32 to vector<16xi32>
        %add3A_1055 = arith.addi %iota3A, %add3A_1054 : vector<16xi32>
        %get3A_1056 = arith.index_cast %while3A_973 : i32 to index
        %get3A_1057 = arith.constant 208 : index
        %get3A_1058 = tpu.vector_load %arg12[%get3A_1056, %get3A_1057] {strides = array<i32>} : memref<160x256xf32, #tpu.memory_space<vmem>>, vector<16xf32>,
        tpu.vector_store_idx %arg14[%gather3A_975, %add3A_1055], %get3A_1058 {add = true} : memref<16x256xf32, #tpu.memory_space<vmem>>[vector<16xi32>, vector<16xi32>], vector<16xf32>,
        %add3A_1059 = arith.constant 224 : i32
        %add3A_1060 = vector.broadcast %add3A_1059 : i32 to vector<16xi32>
        %add3A_1061 = arith.addi %iota3A, %add3A_1060 : vector<16xi32>
        %get3A_1062 = arith.index_cast %while3A_973 : i32 to index
        %get3A_1063 = arith.constant 224 : index
        %get3A_1064 = tpu.vector_load %arg12[%get3A_1062, %get3A_1063] {strides = array<i32>} : memref<160x256xf32, #tpu.memory_space<vmem>>, vector<16xf32>,
        tpu.vector_store_idx %arg14[%gather3A_975, %add3A_1061], %get3A_1064 {add = true} : memref<16x256xf32, #tpu.memory_space<vmem>>[vector<16xi32>, vector<16xi32>], vector<16xf32>,
        %add3A_1065 = arith.constant 240 : i32
        %add3A_1066 = vector.broadcast %add3A_1065 : i32 to vector<16xi32>
        %add3A_1067 = arith.addi %iota3A, %add3A_1066 : vector<16xi32>
        %get3A_1068 = arith.index_cast %while3A_973 : i32 to index
        %get3A_1069 = arith.constant 240 : index
        %get3A_1070 = tpu.vector_load %arg12[%get3A_1068, %get3A_1069] {strides = array<i32>} : memref<160x256xf32, #tpu.memory_space<vmem>>, vector<16xf32>,
        tpu.vector_store_idx %arg14[%gather3A_975, %add3A_1067], %get3A_1070 {add = true} : memref<16x256xf32, #tpu.memory_space<vmem>>[vector<16xi32>, vector<16xi32>], vector<16xf32>,
      }
      %while3A_962 = arith.constant 1 : i32
      scf.for %while3A_973 = %while3A_960 to %while3A_956 step %while3A_962  : i32 {
        %broadcast_in_dim3A_974 = vector.broadcast %while3A_973 : i32 to vector<16xi32>
        %gather3A_975 = tpu.vector_load_idx %arg10[%broadcast_in_dim3A_974] : memref<160xi32, #tpu.memory_space<vmem>>[vector<16xi32>], vector<16xi32>,
        %add3A_976 = arith.constant 0 : i32
        %add3A_977 = vector.broadcast %add3A_976 : i32 to vector<16xi32>
        %add3A_978 = arith.addi %iota3A, %add3A_977 : vector<16xi32>
        %get3A = arith.index_cast %while3A_973 : i32 to index
        %get3A_979 = arith.constant 0 : index
        %get3A_980 = tpu.vector_load %arg12[%get3A, %get3A_979] {strides = array<i32>} : memref<160x256xf32, #tpu.memory_space<vmem>>, vector<16xf32>,
        tpu.vector_store_idx %arg14[%gather3A_975, %add3A_978], %get3A_980 {add = true} : memref<16x256xf32, #tpu.memory_space<vmem>>[vector<16xi32>, vector<16xi32>], vector<16xf32>,
        %add3A_981 = arith.constant 16 : i32
        %add3A_982 = vector.broadcast %add3A_981 : i32 to vector<16xi32>
        %add3A_983 = arith.addi %iota3A, %add3A_982 : vector<16xi32>
        %get3A_984 = arith.index_cast %while3A_973 : i32 to index
        %get3A_985 = arith.constant 16 : index
        %get3A_986 = tpu.vector_load %arg12[%get3A_984, %get3A_985] {strides = array<i32>} : memref<160x256xf32, #tpu.memory_space<vmem>>, vector<16xf32>,
        tpu.vector_store_idx %arg14[%gather3A_975, %add3A_983], %get3A_986 {add = true} : memref<16x256xf32, #tpu.memory_space<vmem>>[vector<16xi32>, vector<16xi32>], vector<16xf32>,
        %add3A_987 = arith.constant 32 : i32
        %add3A_988 = vector.broadcast %add3A_987 : i32 to vector<16xi32>
        %add3A_989 = arith.addi %iota3A, %add3A_988 : vector<16xi32>
        %get3A_990 = arith.index_cast %while3A_973 : i32 to index
        %get3A_991 = arith.constant 32 : index
        %get3A_992 = tpu.vector_load %arg12[%get3A_990, %get3A_991] {strides = array<i32>} : memref<160x256xf32, #tpu.memory_space<vmem>>, vector<16xf32>,
        tpu.vector_store_idx %arg14[%gather3A_975, %add3A_989], %get3A_992 {add = true} : memref<16x256xf32, #tpu.memory_space<vmem>>[vector<16xi32>, vector<16xi32>], vector<16xf32>,
        %add3A_993 = arith.constant 48 : i32
        %add3A_994 = vector.broadcast %add3A_993 : i32 to vector<16xi32>
        %add3A_995 = arith.addi %iota3A, %add3A_994 : vector<16xi32>
        %get3A_996 = arith.index_cast %while3A_973 : i32 to index
        %get3A_997 = arith.constant 48 : index
        %get3A_998 = tpu.vector_load %arg12[%get3A_996, %get3A_997] {strides = array<i32>} : memref<160x256xf32, #tpu.memory_space<vmem>>, vector<16xf32>,
        tpu.vector_store_idx %arg14[%gather3A_975, %add3A_995], %get3A_998 {add = true} : memref<16x256xf32, #tpu.memory_space<vmem>>[vector<16xi32>, vector<16xi32>], vector<16xf32>,
        %add3A_999 = arith.constant 64 : i32
        %add3A_1000 = vector.broadcast %add3A_999 : i32 to vector<16xi32>
        %add3A_1001 = arith.addi %iota3A, %add3A_1000 : vector<16xi32>
        %get3A_1002 = arith.index_cast %while3A_973 : i32 to index
        %get3A_1003 = arith.constant 64 : index
        %get3A_1004 = tpu.vector_load %arg12[%get3A_1002, %get3A_1003] {strides = array<i32>} : memref<160x256xf32, #tpu.memory_space<vmem>>, vector<16xf32>,
        tpu.vector_store_idx %arg14[%gather3A_975, %add3A_1001], %get3A_1004 {add = true} : memref<16x256xf32, #tpu.memory_space<vmem>>[vector<16xi32>, vector<16xi32>], vector<16xf32>,
        %add3A_1005 = arith.constant 80 : i32
        %add3A_1006 = vector.broadcast %add3A_1005 : i32 to vector<16xi32>
        %add3A_1007 = arith.addi %iota3A, %add3A_1006 : vector<16xi32>
        %get3A_1008 = arith.index_cast %while3A_973 : i32 to index
        %get3A_1009 = arith.constant 80 : index
        %get3A_1010 = tpu.vector_load %arg12[%get3A_1008, %get3A_1009] {strides = array<i32>} : memref<160x256xf32, #tpu.memory_space<vmem>>, vector<16xf32>,
        tpu.vector_store_idx %arg14[%gather3A_975, %add3A_1007], %get3A_1010 {add = true} : memref<16x256xf32, #tpu.memory_space<vmem>>[vector<16xi32>, vector<16xi32>], vector<16xf32>,
        %add3A_1011 = arith.constant 96 : i32
        %add3A_1012 = vector.broadcast %add3A_1011 : i32 to vector<16xi32>
        %add3A_1013 = arith.addi %iota3A, %add3A_1012 : vector<16xi32>
        %get3A_1014 = arith.index_cast %while3A_973 : i32 to index
        %get3A_1015 = arith.constant 96 : index
        %get3A_1016 = tpu.vector_load %arg12[%get3A_1014, %get3A_1015] {strides = array<i32>} : memref<160x256xf32, #tpu.memory_space<vmem>>, vector<16xf32>,
        tpu.vector_store_idx %arg14[%gather3A_975, %add3A_1013], %get3A_1016 {add = true} : memref<16x256xf32, #tpu.memory_space<vmem>>[vector<16xi32>, vector<16xi32>], vector<16xf32>,
        %add3A_1017 = arith.constant 112 : i32
        %add3A_1018 = vector.broadcast %add3A_1017 : i32 to vector<16xi32>
        %add3A_1019 = arith.addi %iota3A, %add3A_1018 : vector<16xi32>
        %get3A_1020 = arith.index_cast %while3A_973 : i32 to index
        %get3A_1021 = arith.constant 112 : index
        %get3A_1022 = tpu.vector_load %arg12[%get3A_1020, %get3A_1021] {strides = array<i32>} : memref<160x256xf32, #tpu.memory_space<vmem>>, vector<16xf32>,
        tpu.vector_store_idx %arg14[%gather3A_975, %add3A_1019], %get3A_1022 {add = true} : memref<16x256xf32, #tpu.memory_space<vmem>>[vector<16xi32>, vector<16xi32>], vector<16xf32>,
        %add3A_1023 = arith.constant 128 : i32
        %add3A_1024 = vector.broadcast %add3A_1023 : i32 to vector<16xi32>
        %add3A_1025 = arith.addi %iota3A, %add3A_1024 : vector<16xi32>
        %get3A_1026 = arith.index_cast %while3A_973 : i32 to index
        %get3A_1027 = arith.constant 128 : index
        %get3A_1028 = tpu.vector_load %arg12[%get3A_1026, %get3A_1027] {strides = array<i32>} : memref<160x256xf32, #tpu.memory_space<vmem>>, vector<16xf32>,
        tpu.vector_store_idx %arg14[%gather3A_975, %add3A_1025], %get3A_1028 {add = true} : memref<16x256xf32, #tpu.memory_space<vmem>>[vector<16xi32>, vector<16xi32>], vector<16xf32>,
        %add3A_1029 = arith.constant 144 : i32
        %add3A_1030 = vector.broadcast %add3A_1029 : i32 to vector<16xi32>
        %add3A_1031 = arith.addi %iota3A, %add3A_1030 : vector<16xi32>
        %get3A_1032 = arith.index_cast %while3A_973 : i32 to index
        %get3A_1033 = arith.constant 144 : index
        %get3A_1034 = tpu.vector_load %arg12[%get3A_1032, %get3A_1033] {strides = array<i32>} : memref<160x256xf32, #tpu.memory_space<vmem>>, vector<16xf32>,
        tpu.vector_store_idx %arg14[%gather3A_975, %add3A_1031], %get3A_1034 {add = true} : memref<16x256xf32, #tpu.memory_space<vmem>>[vector<16xi32>, vector<16xi32>], vector<16xf32>,
        %add3A_1035 = arith.constant 160 : i32
        %add3A_1036 = vector.broadcast %add3A_1035 : i32 to vector<16xi32>
        %add3A_1037 = arith.addi %iota3A, %add3A_1036 : vector<16xi32>
        %get3A_1038 = arith.index_cast %while3A_973 : i32 to index
        %get3A_1039 = arith.constant 160 : index
        %get3A_1040 = tpu.vector_load %arg12[%get3A_1038, %get3A_1039] {strides = array<i32>} : memref<160x256xf32, #tpu.memory_space<vmem>>, vector<16xf32>,
        tpu.vector_store_idx %arg14[%gather3A_975, %add3A_1037], %get3A_1040 {add = true} : memref<16x256xf32, #tpu.memory_space<vmem>>[vector<16xi32>, vector<16xi32>], vector<16xf32>,
        %add3A_1041 = arith.constant 176 : i32
        %add3A_1042 = vector.broadcast %add3A_1041 : i32 to vector<16xi32>
        %add3A_1043 = arith.addi %iota3A, %add3A_1042 : vector<16xi32>
        %get3A_1044 = arith.index_cast %while3A_973 : i32 to index
        %get3A_1045 = arith.constant 176 : index
        %get3A_1046 = tpu.vector_load %arg12[%get3A_1044, %get3A_1045] {strides = array<i32>} : memref<160x256xf32, #tpu.memory_space<vmem>>, vector<16xf32>,
        tpu.vector_store_idx %arg14[%gather3A_975, %add3A_1043], %get3A_1046 {add = true} : memref<16x256xf32, #tpu.memory_space<vmem>>[vector<16xi32>, vector<16xi32>], vector<16xf32>,
        %add3A_1047 = arith.constant 192 : i32
        %add3A_1048 = vector.broadcast %add3A_1047 : i32 to vector<16xi32>
        %add3A_1049 = arith.addi %iota3A, %add3A_1048 : vector<16xi32>
        %get3A_1050 = arith.index_cast %while3A_973 : i32 to index
        %get3A_1051 = arith.constant 192 : index
        %get3A_1052 = tpu.vector_load %arg12[%get3A_1050, %get3A_1051] {strides = array<i32>} : memref<160x256xf32, #tpu.memory_space<vmem>>, vector<16xf32>,
        tpu.vector_store_idx %arg14[%gather3A_975, %add3A_1049], %get3A_1052 {add = true} : memref<16x256xf32, #tpu.memory_space<vmem>>[vector<16xi32>, vector<16xi32>], vector<16xf32>,
        %add3A_1053 = arith.constant 208 : i32
        %add3A_1054 = vector.broadcast %add3A_1053 : i32 to vector<16xi32>
        %add3A_1055 = arith.addi %iota3A, %add3A_1054 : vector<16xi32>
        %get3A_1056 = arith.index_cast %while3A_973 : i32 to index
        %get3A_1057 = arith.constant 208 : index
        %get3A_1058 = tpu.vector_load %arg12[%get3A_1056, %get3A_1057] {strides = array<i32>} : memref<160x256xf32, #tpu.memory_space<vmem>>, vector<16xf32>,
        tpu.vector_store_idx %arg14[%gather3A_975, %add3A_1055], %get3A_1058 {add = true} : memref<16x256xf32, #tpu.memory_space<vmem>>[vector<16xi32>, vector<16xi32>], vector<16xf32>,
        %add3A_1059 = arith.constant 224 : i32
        %add3A_1060 = vector.broadcast %add3A_1059 : i32 to vector<16xi32>
        %add3A_1061 = arith.addi %iota3A, %add3A_1060 : vector<16xi32>
        %get3A_1062 = arith.index_cast %while3A_973 : i32 to index
        %get3A_1063 = arith.constant 224 : index
        %get3A_1064 = tpu.vector_load %arg12[%get3A_1062, %get3A_1063] {strides = array<i32>} : memref<160x256xf32, #tpu.memory_space<vmem>>, vector<16xf32>,
        tpu.vector_store_idx %arg14[%gather3A_975, %add3A_1061], %get3A_1064 {add = true} : memref<16x256xf32, #tpu.memory_space<vmem>>[vector<16xi32>, vector<16xi32>], vector<16xf32>,
        %add3A_1065 = arith.constant 240 : i32
        %add3A_1066 = vector.broadcast %add3A_1065 : i32 to vector<16xi32>
        %add3A_1067 = arith.addi %iota3A, %add3A_1066 : vector<16xi32>
        %get3A_1068 = arith.index_cast %while3A_973 : i32 to index
        %get3A_1069 = arith.constant 240 : index
        %get3A_1070 = tpu.vector_load %arg12[%get3A_1068, %get3A_1069] {strides = array<i32>} : memref<160x256xf32, #tpu.memory_space<vmem>>, vector<16xf32>,
        tpu.vector_store_idx %arg14[%gather3A_975, %add3A_1067], %get3A_1070 {add = true} : memref<16x256xf32, #tpu.memory_space<vmem>>[vector<16xi32>, vector<16xi32>], vector<16xf32>,
      }
      %scan3A_963 = arith.constant 0 : i32
      %scan3A_964 = arith.constant 0 : i32
      %scan3A_965 = arith.constant 16 : i32
      %scan3A_966 = arith.addi %scan3A_964, %scan3A_965 : i32
      %scan3A_967 = arith.constant 1 : i32
      scf.for %scan3A_973 = %scan3A_964 to %scan3A_966 step %scan3A_967  : i32 {
        %get3A = arith.index_cast %scan3A_973 : i32 to index
        %get3A_974 = arith.constant 0 : index
        %get3A_975 = tpu.vector_load %arg14[%get3A, %get3A_974] {strides = array<i32>} : memref<16x256xf32, #tpu.memory_space<vmem>>, vector<16xf32>,
        %mul3A_976 = arith.constant 1.000000e-01 : f32
        %mul3A_977 = vector.broadcast %mul3A_976 : f32 to vector<16xf32>
        %mul3A_978 = arith.mulf %get3A_975, %mul3A_977 : vector<16xf32>
        %swap3A_979 = arith.index_cast %scan3A_973 : i32 to index
        %swap3A_980 = arith.constant 0 : index
        %swap3A_981 = tpu.vector_load %arg14[%swap3A_979, %swap3A_980] {strides = array<i32>} : memref<16x256xf32, #tpu.memory_space<vmem>>, vector<16xf32>,
        tpu.vector_store %arg14[%swap3A_979, %swap3A_980], %mul3A_978 {strides = array<i32>} : memref<16x256xf32, #tpu.memory_space<vmem>>, vector<16xf32>,
        %get3A_982 = arith.index_cast %scan3A_973 : i32 to index
        %get3A_983 = arith.constant 16 : index
        %get3A_984 = tpu.vector_load %arg14[%get3A_982, %get3A_983] {strides = array<i32>} : memref<16x256xf32, #tpu.memory_space<vmem>>, vector<16xf32>,
        %mul3A_985 = arith.constant 1.000000e-01 : f32
        %mul3A_986 = vector.broadcast %mul3A_985 : f32 to vector<16xf32>
        %mul3A_987 = arith.mulf %get3A_984, %mul3A_986 : vector<16xf32>
        %swap3A_988 = arith.index_cast %scan3A_973 : i32 to index
        %swap3A_989 = arith.constant 16 : index
        %swap3A_990 = tpu.vector_load %arg14[%swap3A_988, %swap3A_989] {strides = array<i32>} : memref<16x256xf32, #tpu.memory_space<vmem>>, vector<16xf32>,
        tpu.vector_store %arg14[%swap3A_988, %swap3A_989], %mul3A_987 {strides = array<i32>} : memref<16x256xf32, #tpu.memory_space<vmem>>, vector<16xf32>,
        %get3A_991 = arith.index_cast %scan3A_973 : i32 to index
        %get3A_992 = arith.constant 32 : index
        %get3A_993 = tpu.vector_load %arg14[%get3A_991, %get3A_992] {strides = array<i32>} : memref<16x256xf32, #tpu.memory_space<vmem>>, vector<16xf32>,
        %mul3A_994 = arith.constant 1.000000e-01 : f32
        %mul3A_995 = vector.broadcast %mul3A_994 : f32 to vector<16xf32>
        %mul3A_996 = arith.mulf %get3A_993, %mul3A_995 : vector<16xf32>
        %swap3A_997 = arith.index_cast %scan3A_973 : i32 to index
        %swap3A_998 = arith.constant 32 : index
        %swap3A_999 = tpu.vector_load %arg14[%swap3A_997, %swap3A_998] {strides = array<i32>} : memref<16x256xf32, #tpu.memory_space<vmem>>, vector<16xf32>,
        tpu.vector_store %arg14[%swap3A_997, %swap3A_998], %mul3A_996 {strides = array<i32>} : memref<16x256xf32, #tpu.memory_space<vmem>>, vector<16xf32>,
        %get3A_1000 = arith.index_cast %scan3A_973 : i32 to index
        %get3A_1001 = arith.constant 48 : index
        %get3A_1002 = tpu.vector_load %arg14[%get3A_1000, %get3A_1001] {strides = array<i32>} : memref<16x256xf32, #tpu.memory_space<vmem>>, vector<16xf32>,
        %mul3A_1003 = arith.constant 1.000000e-01 : f32
        %mul3A_1004 = vector.broadcast %mul3A_1003 : f32 to vector<16xf32>
        %mul3A_1005 = arith.mulf %get3A_1002, %mul3A_1004 : vector<16xf32>
        %swap3A_1006 = arith.index_cast %scan3A_973 : i32 to index
        %swap3A_1007 = arith.constant 48 : index
        %swap3A_1008 = tpu.vector_load %arg14[%swap3A_1006, %swap3A_1007] {strides = array<i32>} : memref<16x256xf32, #tpu.memory_space<vmem>>, vector<16xf32>,
        tpu.vector_store %arg14[%swap3A_1006, %swap3A_1007], %mul3A_1005 {strides = array<i32>} : memref<16x256xf32, #tpu.memory_space<vmem>>, vector<16xf32>,
        %get3A_1009 = arith.index_cast %scan3A_973 : i32 to index
        %get3A_1010 = arith.constant 64 : index
        %get3A_1011 = tpu.vector_load %arg14[%get3A_1009, %get3A_1010] {strides = array<i32>} : memref<16x256xf32, #tpu.memory_space<vmem>>, vector<16xf32>,
        %mul3A_1012 = arith.constant 1.000000e-01 : f32
        %mul3A_1013 = vector.broadcast %mul3A_1012 : f32 to vector<16xf32>
        %mul3A_1014 = arith.mulf %get3A_1011, %mul3A_1013 : vector<16xf32>
        %swap3A_1015 = arith.index_cast %scan3A_973 : i32 to index
        %swap3A_1016 = arith.constant 64 : index
        %swap3A_1017 = tpu.vector_load %arg14[%swap3A_1015, %swap3A_1016] {strides = array<i32>} : memref<16x256xf32, #tpu.memory_space<vmem>>, vector<16xf32>,
        tpu.vector_store %arg14[%swap3A_1015, %swap3A_1016], %mul3A_1014 {strides = array<i32>} : memref<16x256xf32, #tpu.memory_space<vmem>>, vector<16xf32>,
        %get3A_1018 = arith.index_cast %scan3A_973 : i32 to index
        %get3A_1019 = arith.constant 80 : index
        %get3A_1020 = tpu.vector_load %arg14[%get3A_1018, %get3A_1019] {strides = array<i32>} : memref<16x256xf32, #tpu.memory_space<vmem>>, vector<16xf32>,
        %mul3A_1021 = arith.constant 1.000000e-01 : f32
        %mul3A_1022 = vector.broadcast %mul3A_1021 : f32 to vector<16xf32>
        %mul3A_1023 = arith.mulf %get3A_1020, %mul3A_1022 : vector<16xf32>
        %swap3A_1024 = arith.index_cast %scan3A_973 : i32 to index
        %swap3A_1025 = arith.constant 80 : index
        %swap3A_1026 = tpu.vector_load %arg14[%swap3A_1024, %swap3A_1025] {strides = array<i32>} : memref<16x256xf32, #tpu.memory_space<vmem>>, vector<16xf32>,
        tpu.vector_store %arg14[%swap3A_1024, %swap3A_1025], %mul3A_1023 {strides = array<i32>} : memref<16x256xf32, #tpu.memory_space<vmem>>, vector<16xf32>,
        %get3A_1027 = arith.index_cast %scan3A_973 : i32 to index
        %get3A_1028 = arith.constant 96 : index
        %get3A_1029 = tpu.vector_load %arg14[%get3A_1027, %get3A_1028] {strides = array<i32>} : memref<16x256xf32, #tpu.memory_space<vmem>>, vector<16xf32>,
        %mul3A_1030 = arith.constant 1.000000e-01 : f32
        %mul3A_1031 = vector.broadcast %mul3A_1030 : f32 to vector<16xf32>
        %mul3A_1032 = arith.mulf %get3A_1029, %mul3A_1031 : vector<16xf32>
        %swap3A_1033 = arith.index_cast %scan3A_973 : i32 to index
        %swap3A_1034 = arith.constant 96 : index
        %swap3A_1035 = tpu.vector_load %arg14[%swap3A_1033, %swap3A_1034] {strides = array<i32>} : memref<16x256xf32, #tpu.memory_space<vmem>>, vector<16xf32>,
        tpu.vector_store %arg14[%swap3A_1033, %swap3A_1034], %mul3A_1032 {strides = array<i32>} : memref<16x256xf32, #tpu.memory_space<vmem>>, vector<16xf32>,
        %get3A_1036 = arith.index_cast %scan3A_973 : i32 to index
        %get3A_1037 = arith.constant 112 : index
        %get3A_1038 = tpu.vector_load %arg14[%get3A_1036, %get3A_1037] {strides = array<i32>} : memref<16x256xf32, #tpu.memory_space<vmem>>, vector<16xf32>,
        %mul3A_1039 = arith.constant 1.000000e-01 : f32
        %mul3A_1040 = vector.broadcast %mul3A_1039 : f32 to vector<16xf32>
        %mul3A_1041 = arith.mulf %get3A_1038, %mul3A_1040 : vector<16xf32>
        %swap3A_1042 = arith.index_cast %scan3A_973 : i32 to index
        %swap3A_1043 = arith.constant 112 : index
        %swap3A_1044 = tpu.vector_load %arg14[%swap3A_1042, %swap3A_1043] {strides = array<i32>} : memref<16x256xf32, #tpu.memory_space<vmem>>, vector<16xf32>,
        tpu.vector_store %arg14[%swap3A_1042, %swap3A_1043], %mul3A_1041 {strides = array<i32>} : memref<16x256xf32, #tpu.memory_space<vmem>>, vector<16xf32>,
        %get3A_1045 = arith.index_cast %scan3A_973 : i32 to index
        %get3A_1046 = arith.constant 128 : index
        %get3A_1047 = tpu.vector_load %arg14[%get3A_1045, %get3A_1046] {strides = array<i32>} : memref<16x256xf32, #tpu.memory_space<vmem>>, vector<16xf32>,
        %mul3A_1048 = arith.constant 1.000000e-01 : f32
        %mul3A_1049 = vector.broadcast %mul3A_1048 : f32 to vector<16xf32>
        %mul3A_1050 = arith.mulf %get3A_1047, %mul3A_1049 : vector<16xf32>
        %swap3A_1051 = arith.index_cast %scan3A_973 : i32 to index
        %swap3A_1052 = arith.constant 128 : index
        %swap3A_1053 = tpu.vector_load %arg14[%swap3A_1051, %swap3A_1052] {strides = array<i32>} : memref<16x256xf32, #tpu.memory_space<vmem>>, vector<16xf32>,
        tpu.vector_store %arg14[%swap3A_1051, %swap3A_1052], %mul3A_1050 {strides = array<i32>} : memref<16x256xf32, #tpu.memory_space<vmem>>, vector<16xf32>,
        %get3A_1054 = arith.index_cast %scan3A_973 : i32 to index
        %get3A_1055 = arith.constant 144 : index
        %get3A_1056 = tpu.vector_load %arg14[%get3A_1054, %get3A_1055] {strides = array<i32>} : memref<16x256xf32, #tpu.memory_space<vmem>>, vector<16xf32>,
        %mul3A_1057 = arith.constant 1.000000e-01 : f32
        %mul3A_1058 = vector.broadcast %mul3A_1057 : f32 to vector<16xf32>
        %mul3A_1059 = arith.mulf %get3A_1056, %mul3A_1058 : vector<16xf32>
        %swap3A_1060 = arith.index_cast %scan3A_973 : i32 to index
        %swap3A_1061 = arith.constant 144 : index
        %swap3A_1062 = tpu.vector_load %arg14[%swap3A_1060, %swap3A_1061] {strides = array<i32>} : memref<16x256xf32, #tpu.memory_space<vmem>>, vector<16xf32>,
        tpu.vector_store %arg14[%swap3A_1060, %swap3A_1061], %mul3A_1059 {strides = array<i32>} : memref<16x256xf32, #tpu.memory_space<vmem>>, vector<16xf32>,
        %get3A_1063 = arith.index_cast %scan3A_973 : i32 to index
        %get3A_1064 = arith.constant 160 : index
        %get3A_1065 = tpu.vector_load %arg14[%get3A_1063, %get3A_1064] {strides = array<i32>} : memref<16x256xf32, #tpu.memory_space<vmem>>, vector<16xf32>,
        %mul3A_1066 = arith.constant 1.000000e-01 : f32
        %mul3A_1067 = vector.broadcast %mul3A_1066 : f32 to vector<16xf32>
        %mul3A_1068 = arith.mulf %get3A_1065, %mul3A_1067 : vector<16xf32>
        %swap3A_1069 = arith.index_cast %scan3A_973 : i32 to index
        %swap3A_1070 = arith.constant 160 : index
        %swap3A_1071 = tpu.vector_load %arg14[%swap3A_1069, %swap3A_1070] {strides = array<i32>} : memref<16x256xf32, #tpu.memory_space<vmem>>, vector<16xf32>,
        tpu.vector_store %arg14[%swap3A_1069, %swap3A_1070], %mul3A_1068 {strides = array<i32>} : memref<16x256xf32, #tpu.memory_space<vmem>>, vector<16xf32>,
        %get3A_1072 = arith.index_cast %scan3A_973 : i32 to index
        %get3A_1073 = arith.constant 176 : index
        %get3A_1074 = tpu.vector_load %arg14[%get3A_1072, %get3A_1073] {strides = array<i32>} : memref<16x256xf32, #tpu.memory_space<vmem>>, vector<16xf32>,
        %mul3A_1075 = arith.constant 1.000000e-01 : f32
        %mul3A_1076 = vector.broadcast %mul3A_1075 : f32 to vector<16xf32>
        %mul3A_1077 = arith.mulf %get3A_1074, %mul3A_1076 : vector<16xf32>
        %swap3A_1078 = arith.index_cast %scan3A_973 : i32 to index
        %swap3A_1079 = arith.constant 176 : index
        %swap3A_1080 = tpu.vector_load %arg14[%swap3A_1078, %swap3A_1079] {strides = array<i32>} : memref<16x256xf32, #tpu.memory_space<vmem>>, vector<16xf32>,
        tpu.vector_store %arg14[%swap3A_1078, %swap3A_1079], %mul3A_1077 {strides = array<i32>} : memref<16x256xf32, #tpu.memory_space<vmem>>, vector<16xf32>,
        %get3A_1081 = arith.index_cast %scan3A_973 : i32 to index
        %get3A_1082 = arith.constant 192 : index
        %get3A_1083 = tpu.vector_load %arg14[%get3A_1081, %get3A_1082] {strides = array<i32>} : memref<16x256xf32, #tpu.memory_space<vmem>>, vector<16xf32>,
        %mul3A_1084 = arith.constant 1.000000e-01 : f32
        %mul3A_1085 = vector.broadcast %mul3A_1084 : f32 to vector<16xf32>
        %mul3A_1086 = arith.mulf %get3A_1083, %mul3A_1085 : vector<16xf32>
        %swap3A_1087 = arith.index_cast %scan3A_973 : i32 to index
        %swap3A_1088 = arith.constant 192 : index
        %swap3A_1089 = tpu.vector_load %arg14[%swap3A_1087, %swap3A_1088] {strides = array<i32>} : memref<16x256xf32, #tpu.memory_space<vmem>>, vector<16xf32>,
        tpu.vector_store %arg14[%swap3A_1087, %swap3A_1088], %mul3A_1086 {strides = array<i32>} : memref<16x256xf32, #tpu.memory_space<vmem>>, vector<16xf32>,
        %get3A_1090 = arith.index_cast %scan3A_973 : i32 to index
        %get3A_1091 = arith.constant 208 : index
        %get3A_1092 = tpu.vector_load %arg14[%get3A_1090, %get3A_1091] {strides = array<i32>} : memref<16x256xf32, #tpu.memory_space<vmem>>, vector<16xf32>,
        %mul3A_1093 = arith.constant 1.000000e-01 : f32
        %mul3A_1094 = vector.broadcast %mul3A_1093 : f32 to vector<16xf32>
        %mul3A_1095 = arith.mulf %get3A_1092, %mul3A_1094 : vector<16xf32>
        %swap3A_1096 = arith.index_cast %scan3A_973 : i32 to index
        %swap3A_1097 = arith.constant 208 : index
        %swap3A_1098 = tpu.vector_load %arg14[%swap3A_1096, %swap3A_1097] {strides = array<i32>} : memref<16x256xf32, #tpu.memory_space<vmem>>, vector<16xf32>,
        tpu.vector_store %arg14[%swap3A_1096, %swap3A_1097], %mul3A_1095 {strides = array<i32>} : memref<16x256xf32, #tpu.memory_space<vmem>>, vector<16xf32>,
        %get3A_1099 = arith.index_cast %scan3A_973 : i32 to index
        %get3A_1100 = arith.constant 224 : index
        %get3A_1101 = tpu.vector_load %arg14[%get3A_1099, %get3A_1100] {strides = array<i32>} : memref<16x256xf32, #tpu.memory_space<vmem>>, vector<16xf32>,
        %mul3A_1102 = arith.constant 1.000000e-01 : f32
        %mul3A_1103 = vector.broadcast %mul3A_1102 : f32 to vector<16xf32>
        %mul3A_1104 = arith.mulf %get3A_1101, %mul3A_1103 : vector<16xf32>
        %swap3A_1105 = arith.index_cast %scan3A_973 : i32 to index
        %swap3A_1106 = arith.constant 224 : index
        %swap3A_1107 = tpu.vector_load %arg14[%swap3A_1105, %swap3A_1106] {strides = array<i32>} : memref<16x256xf32, #tpu.memory_space<vmem>>, vector<16xf32>,
        tpu.vector_store %arg14[%swap3A_1105, %swap3A_1106], %mul3A_1104 {strides = array<i32>} : memref<16x256xf32, #tpu.memory_space<vmem>>, vector<16xf32>,
        %get3A_1108 = arith.index_cast %scan3A_973 : i32 to index
        %get3A_1109 = arith.constant 240 : index
        %get3A_1110 = tpu.vector_load %arg14[%get3A_1108, %get3A_1109] {strides = array<i32>} : memref<16x256xf32, #tpu.memory_space<vmem>>, vector<16xf32>,
        %mul3A_1111 = arith.constant 1.000000e-01 : f32
        %mul3A_1112 = vector.broadcast %mul3A_1111 : f32 to vector<16xf32>
        %mul3A_1113 = arith.mulf %get3A_1110, %mul3A_1112 : vector<16xf32>
        %swap3A_1114 = arith.index_cast %scan3A_973 : i32 to index
        %swap3A_1115 = arith.constant 240 : index
        %swap3A_1116 = tpu.vector_load %arg14[%swap3A_1114, %swap3A_1115] {strides = array<i32>} : memref<16x256xf32, #tpu.memory_space<vmem>>, vector<16xf32>,
        tpu.vector_store %arg14[%swap3A_1114, %swap3A_1115], %mul3A_1113 {strides = array<i32>} : memref<16x256xf32, #tpu.memory_space<vmem>>, vector<16xf32>,
      }
      %scan3A_968 = arith.constant 16 : i32
      %mul3A_969 = arith.constant 16 : i32
      %mul3A_970 = arith.muli %add3A_952, %mul3A_969 : i32
      %add3A_971 = arith.addi %mul3A_2, %mul3A_970 : i32
      %multiple_of3A_972 = tpu.assume_multiple %add3A_971, 8 : i32
      "tpu.region"() ({
        %run_scoped3A = tpu.sem_alloc : memref<!tpu.dma_semaphore, #tpu.memory_space<semaphore_mem>>
        %dma_start3A_973 = arith.constant 0 : i32
        %dma_start3A_974 = tpu.memref_slice %arg5[%multiple_of3A_972, %dma_start3A_973] : memref<16384x256xf32, #tpu.memory_space<hbm>> -> memref<16x256xf32, #tpu.memory_space<hbm>>
        %dma_start3A_975 = arith.constant 0 : i32
        %dma_start3A_976 = tpu.memref_slice %arg5[%multiple_of3A_972, %dma_start3A_975] : memref<16384x256xf32, #tpu.memory_space<hbm>> -> memref<16x256xf32, #tpu.memory_space<hbm>>
        tpu.enqueue_dma source(%arg14 : memref<16x256xf32, #tpu.memory_space<vmem>>) target(%dma_start3A_976 : memref<16x256xf32, #tpu.memory_space<hbm>>) target_semaphore(%run_scoped3A : memref<!tpu.dma_semaphore, #tpu.memory_space<semaphore_mem>>)
        %dma_wait3A_977 = arith.constant 0 : i32
        %dma_wait3A_978 = tpu.memref_slice %arg5[%multiple_of3A_972, %dma_wait3A_977] : memref<16384x256xf32, #tpu.memory_space<hbm>> -> memref<16x256xf32, #tpu.memory_space<hbm>>
        %dma_wait3A_979 = arith.constant 0 : i32
        %dma_wait3A_980 = tpu.memref_slice %arg5[%multiple_of3A_972, %dma_wait3A_979] : memref<16384x256xf32, #tpu.memory_space<hbm>> -> memref<16x256xf32, #tpu.memory_space<hbm>>
        tpu.wait_dma2 semaphore(%run_scoped3A : memref<!tpu.dma_semaphore, #tpu.memory_space<semaphore_mem>>) src(%arg14 : memref<16x256xf32, #tpu.memory_space<vmem>>) dst(%dma_wait3A_980 : memref<16x256xf32, #tpu.memory_space<hbm>>)
        tpu.yield
      }) : () -> ()
      scf.yield %div3A_891, %squeeze3A_881 : i32, i32
    }
    %scan3A_366 = arith.constant 16 : i32
    return
  }
}

</mosaic_0001>

<sc_bundles>
// kernel: kernel.3.cloned.1.call-start
scs
__scs_entry_jumppad:
0x0: {  	(pc) =	sbr.rel $0x88, $3  }
0x1: {  	(tag) =	ssettag $0x0;
	lr =	simm.s32 $0x1  }
0x2: {  	[smem:$0x3F9E] =	sst lr;
	_ =	strace $0xD0000000  }
0x3: {  	_ = 	snop  }
0x4: {  	_ = 	snop  }
0x5: {  	_ = 	snop  }
0x6: {  	_ = 	snop  }
0x7: {  	_ = 	snop  }
__scs_overlays_trampoline_lowered:
0x8: {  	[smem:$0x3FAD] =	sst s0  }
0x9: {  	[smem:$0x3FAE] =	sst s1  }
0xa: {  	[smem:$0x3FAF] =	sst s2  }
0xb: {  	[smem:$0x3FB0] =	sst s3  }
0xc: {  	[smem:$0x3FB1] =	sst s4  }
0xd: {  	[smem:$0x3FB2] =	sst s5  }
0xe: {  	[smem:$0x3FB3] =	sst s6  }
0xf: {  	[smem:$0x3FB4] =	sst s7  }
0x10: {  	[smem:$0x3FB5] =	sst s8  }
0x11: {  	[smem:$0x3FB6] =	sst s9;
	s0 =	simm.s32 @!p0 $0x0  }
0x12: {  	s1 =	sld [smem:$0x3F9C];
	s0 =	simm.s32 @p0 $0x1  }
0x13: {  	[smem:$0x3FB7] =	sst s0;
	s0 =	simm.s32 @!p1 $0x0  }
0x14: {  	s2 =	sld [smem:$0x3F9B];
	s0 =	simm.s32 @p1 $0x1  }
0x15: {  	[smem:$0x3FB8] =	sst s0;
	s0 =	simm.s32 @!p2 $0x0  }
0x16: {  	s3 =	sld [smem:$0x3FDB];
	s0 =	simm.s32 @p2 $0x1  }
0x17: {  	s4 =	simm.s32 $0x1BF5;
	[smem:$0x3FBA] =	sst s0  }
0x18: {  	s0 =	sld [smem:$0x3F9D];
	_ =	swait.ge [sflag:s4], $0x0  }
0x19: {  	s7 =	sld [smem:$0x3F9E]  }
0x1a: {  	s8 =	sadd.s32 $0xFFFFE003, lr  }
0x1b: {  	s9 =	sadd.s32 $0xFFFFFEF7, lr;
	s5 =	simm.s32 $0xFFFFFFFF;
	p2 =	slt.u32 s8, $0xFFFFF086  }
0x1c: {  	p1 =	slt.u32 s9, $0xF7A;
	s5 =	simm.s32 @!p2 $0x0  }
0x1d: {  	s5 =	simm.s32 @p1 $0x1;
	p0 =	seq.s32 s7, s2  }
0x1e: {  	s7 =	smul.u32 @!p0 $0xF7A, s2;
	p2 =	seq.s32 @!p0 s5, $0x0  }
0x1f: {  	s9 =	smul.u32 $0xF7A, s1;
	s8 =	simm.s32 @!p0 $0x1BF5;
	p2 =	por !p2, p0  }
0x20: {  	[sflag:s8] =	ssyncset.s32 @!p0 $0xFFFFF086;
	s6 =	sadd.s32 @!p0 s3, s7;
	s7 =	simm.s32 @!p0 $0x108  }
0x21: {  	s3 =	sadd.s32 s3, s9;
	s6 =	sadd.s32 @!p0 $0x88, s6;
	s7 =	simm.s32 @p2 $0x1082  }
0x22: {  	[simem:s7], [sflag:s8] =	dma.local @!p0 [hbm:s6], $0xF7A  }
0x23: {  	s9 =	sor.u32 $0xD0000000, s2;
	s6 =	simm.s32 $0x108;
	_ =	swait.ge @!p0 [sflag:s8], $0x0  }
0x24: {  	s3 =	sadd.s32 $0x88, s3;
	s6 =	simm.s32 @!p1 $0x1082;
	[sflag:s4] =	ssyncset.s32 $0xFFFFF086  }
0x25: {  	[simem:s6], [sflag:s4] =	dma.local [hbm:s3], $0xF7A  }
0x26: {  	[smem:$0x3F9E] =	sst s1;
	(tag) =	ssettag s2;
	_ =	strace s9  }
0x27: {  	s1 =	sld [smem:$0x3FAE]  }
0x28: {  	s2 =	sld [smem:$0x3FAF]  }
0x29: {  	s4 =	sld [smem:$0x3FB1]  }
0x2a: {  	p0 =	seq.s32 s5, $0x0;
	s5 =	sld [smem:$0x3FB2]  }
0x2b: {  	s6 =	sld [smem:$0x3FB3]  }
0x2c: {  	s7 =	sld [smem:$0x3FB4]  }
0x2d: {  	s3 =	simm.s32 $0x108;
	s8 =	sld [smem:$0x3FB5]  }
0x2e: {  	s3 =	simm.s32 @!p0 $0x1082;
	s9 =	sld [smem:$0x3FB6]  }
0x2f: {  	lr =	sadd.s32 s0, s3;
	s0 =	sld [smem:$0x3FAD]  }
0x30: {  	s3 =	sld [smem:$0x3FB0]  }
0x31: {  	[smem:$0x3FB9] =	sst s10  }
0x32: {  	s10 =	sld [smem:$0x3FB7];
	_ =	sdelay $0x3  }
0x33: {  	p0 =	seq.s32 s10, $0x1;
	s10 =	sld [smem:$0x3FB9];
	_ =	sdelay $0x3  }
0x34: {  	[smem:$0x3FB9] =	sst s10  }
0x35: {  	s10 =	sld [smem:$0x3FB8];
	_ =	sdelay $0x3  }
0x36: {  	p1 =	seq.s32 s10, $0x1;
	s10 =	sld [smem:$0x3FB9];
	_ =	sdelay $0x3  }
0x37: {  	[smem:$0x3FB9] =	sst s10  }
0x38: {  	s10 =	sld [smem:$0x3FBA]  }
0x39: {  	_ = 	snop;
	(pc) =	sbr.ind lr, $3  }
0x3a: {  	_ = 	snop  }
0x3b: {  	_ = 	snop  }
0x3c: {  	p2 =	seq.s32 s10, $0x1;
	s10 =	sld [smem:$0x3FB9]  }
0x3d: {  	_ =	shalt  }
0x3e: {  	_ =	shalt  }
0x3f: {  	_ =	shalt  }
0x40: {  	_ =	shalt  }
0x41: {  	_ =	shalt  }
0x42: {  	_ =	shalt  }
0x43: {  	_ =	shalt  }
0x44: {  	_ =	shalt  }
0x45: {  	_ =	shalt  }
0x46: {  	_ =	shalt  }
0x47: {  	_ =	shalt  }
0x48: {  	_ =	shalt  }
0x49: {  	_ =	shalt  }
0x4a: {  	_ =	shalt  }
0x4b: {  	_ =	shalt  }
0x4c: {  	_ =	shalt  }
0x4d: {  	_ =	shalt  }
0x4e: {  	_ =	shalt  }
0x4f: {  	_ =	shalt  }
0x50: {  	_ =	shalt  }
0x51: {  	_ =	shalt  }
0x52: {  	_ =	shalt  }
0x53: {  	_ =	shalt  }
0x54: {  	_ =	shalt  }
0x55: {  	_ =	shalt  }
0x56: {  	_ =	shalt  }
0x57: {  	_ =	shalt  }
0x58: {  	_ =	shalt  }
0x59: {  	_ =	shalt  }
0x5a: {  	_ =	shalt  }
0x5b: {  	_ =	shalt  }
0x5c: {  	_ =	shalt  }
0x5d: {  	_ =	shalt  }
0x5e: {  	_ =	shalt  }
0x5f: {  	_ =	shalt  }
0x60: {  	_ =	shalt  }
0x61: {  	_ =	shalt  }
0x62: {  	_ =	shalt  }
0x63: {  	_ =	shalt  }
0x64: {  	_ =	shalt  }
0x65: {  	_ =	shalt  }
0x66: {  	_ =	shalt  }
0x67: {  	_ =	shalt  }
0x68: {  	_ =	shalt  }
0x69: {  	_ =	shalt  }
0x6a: {  	_ =	shalt  }
0x6b: {  	_ =	shalt  }
0x6c: {  	_ =	shalt  }
0x6d: {  	_ =	shalt  }
0x6e: {  	_ =	shalt  }
0x6f: {  	_ =	shalt  }
0x70: {  	_ =	shalt  }
0x71: {  	_ =	shalt  }
0x72: {  	_ =	shalt  }
0x73: {  	_ =	shalt  }
0x74: {  	_ =	shalt  }
0x75: {  	_ =	shalt  }
0x76: {  	_ =	shalt  }
0x77: {  	_ =	shalt  }
0x78: {  	_ =	shalt  }
0x79: {  	_ =	shalt  }
0x7a: {  	_ =	shalt  }
0x7b: {  	_ =	shalt  }
0x7c: {  	_ =	shalt  }
0x7d: {  	_ =	shalt  }
0x7e: {  	_ =	shalt  }
0x7f: {  	_ =	shalt  }
0x80: {  	_ =	shalt  }
0x81: {  	_ =	shalt  }
0x82: {  	_ =	shalt  }
0x83: {  	_ =	shalt  }
0x84: {  	_ =	shalt  }
0x85: {  	_ =	shalt  }
0x86: {  	_ =	shalt  }
0x87: {  	_ =	shalt  }
.Lfunc_end0:
.L_simem_size_0:
called_computation_lowered:
.L_overlay_start_0:
0x88: {  	s2 =	sld [smem:$0x3FD9]  }
0x89: {  	s3 =	sld [smem:$0x3FFE];
	_ =	sdelay $0x1  }
0x8a: {  	s1 =	srdreg.scid  }
0x8b: {  	s0 =	sand.u32 $0x1, s1  }
0x8c: {  	s17 =	sshll.u32 s0, $0xA;
	s2 =	sadd.s32 s3, s2  }
0x8d: {  	s2 =	sadd.s32 s2, s17  }
0x8e: {  	[smem:$0x3FC5] =	sst s2  }
0x8f: {  	_ = 	snop  }
0x90: {  	s2 =	sld [smem:$0x3FC9]  }
0x91: {  	s18 =	sld [smem:$0x3FC8]  }
0x92: {  	s4 =	sld [smem:$0x3FD0];
	(tm) =	ssettm $0x1  }
0x93: {  	s5 =	sld [smem:$0x3FFB];
	_ =	sdelay $0x3  }
0x94: {  	_ =	strace s5  }
0x95: {  	s5 =	sld [smem:$0x3FFC];
	_ =	sdelay $0x3  }
0x96: {  	_ =	strace s5  }
0x97: {  	s5 =	sld [smem:$0x3FFD];
	_ =	sdelay $0x3  }
0x98: {  	_ =	strace s5  }
0x99: {  	_ =	strace $0x8FFFFFFF  }
0x9a: {  	s19 =	sld [smem:$0x3FDB];
	_ =	sdelay $0x1  }
0x9b: {  	s6 =	simm.s32 $_scs_section_size  }
0x9c: {  	s7 =	simm.s32 $_size__tile_overlayer_lowered;
	s8 =	simm.s32 $_tile_overlayer_lowered  }
0x9d: {  	s22 =	simm.s32 $0x1BFF;
	s21 =	sshll.u32 s8, $0x1;
	s5 =	sadd.s32 s6, s19  }
0x9e: {  	s9 =	simm.s32 $0x0;
	s20 =	sshll.u32 s7, $0x1;
	s7 =	sadd.s32 s21, s5  }
0x9f: {  	[timem:s9], [sflag:s22] =	dma.local [hbm:s7], s20  }
0xa0: {  	_ =	swait.ge [sflag:s22], s20  }
0xa1: {  	s6 =	ssub.s32 $0x0, s20;
	[sflag:s22] =	ssyncset.done $0x0  }
0xa2: {  	[sflag:s22] =	ssyncadd.s32 s6;
	_ =	sdelay $0x1  }
0xa3: {  	s23 =	simm.s32 $0x1B8B  }
0xa4: {  	_ =	swait.ge [sflag:s23], $0x1  }
0xa5: {  	[sflag:s23] =	ssyncset.done $0x0  }
0xa6: {  	s25 =	simm.s32 $0x1B8E;
	s24 =	sld [smem:$0x3FFE];
	[sflag:s23] =	ssyncadd.s32 $0xFFFFFFFF  }
0xa7: {  	s26 =	simm.s32 $execute0_lowered;
	[smem:$0x3FD2] =	sst s25  }
0xa8: {  	s7 =	sshll.u32 s26, $0x1;
	_ =	strace $0x80000046;
	[dreg:$0x1] =	wrdreg $0xFFFFFFFF  }
0xa9: {  	s28 =	simm.s32 $_size_execute0_lowered;
	s5 =	sadd.s32 s5, s7;
	[dreg:$0x0] =	wrdreg $0x0  }
0xaa: {  	s7 =	sshll.u32 s28, $0x1;
	[dreg:$0x2] =	wrdreg s5  }
0xab: {  	[dreg:$0x3] =	wrdreg s7  }
0xac: {  	[dreg:$0x4] =	wrdreg $0xC0  }
0xad: {  	_ =	task [dreg:s9], $0x5FFFF  }
0xae: {  	[dreg:$0x1] =	wrdreg $0xFFFFFFFF  }
0xaf: {  	[dreg:$0x0] =	wrdreg $0x60  }
0xb0: {  	[dreg:$0x2] =	wrdreg s2  }
0xb1: {  	[dreg:$0x3] =	wrdreg s18  }
0xb2: {  	[dreg:$0x4] =	wrdreg s24  }
0xb3: {  	[dreg:$0x5] =	wrdreg s4  }
0xb4: {  	[dreg:$0x6] =	wrdreg $0x9  }
0xb5: {  	_ =	task.clear_ibuf [dreg:s9], $0x7FFFF;
	_ =	strace $0x90000046  }
0xb6: {  	s29 =	simm.s32 $0x9;
	_ =	strace $0x80000048  }
0xb7: {  	_ =	swait.ge [sflag:s29], $0x1  }
0xb8: {  	[sflag:s29] =	ssyncadd.s32 $0xFFFFFFFF  }
0xb9: {  	_ =	strace $0x90000048  }
0xba: {  	_ =	sfence  }
0xbb: {  	s30 =	sld [smem:$0x0];
	_ =	sdelay $0x2  }
0xbc: {  	s31 =	sshll.u32 s1, $0xD;
	s1 =	sshrl.u32 s1, $0x2  }
0xbd: {  	s3 =	sand.u32 $0x4000, s31;
	s1 =	sadd.s32 s1, s30  }
0xbe: {  	s0 =	sor.u32 s3, s0;
	s1 =	sshll.u32 s1, $0x11  }
0xbf: {  	s0 =	sor.u32 s1, s0  }
0xc0: {  	s0 =	sadd.s32 $0x8F2B, s0  }
0xc1: {  	[sflag:s0] =	ssyncadd.remote.s32 $0x1  }
0xc2: {  	_ =	sfence.sel $0xFFFF  }
0xc3: {  	[dreg:$0x0] =	wrdreg $0xFFFFFFFF;
	(pc) =	sbr.abs _section_cstart, $3  }
0xc4: {  	[dreg:$0x1] =	wrdreg $0xFFFFFFFF  }
0xc5: {  	_ =	task.clear_ibuf [dreg:s9], $0x2FFFF;
	_ =	strace $0x9FFFFFFF  }
0xc6: {  	(tm) =	ssettm $0x7FFFFFFF  }
0xc7: {  	_ =	shalt  }
tec
execute0_lowered:
.L_overlay_start_1:
0x0: {  	(tag) =	ssettag $0x1  }
0x1: {  	s1 =	rddreg [dreg:$0x0]  }
0x2: {  	s2 =	rddreg [dreg:$0x1]  }
0x3: {  	s0 =	rddreg [dreg:$0x2]  }
0x4: {  	s4 =	rddreg [dreg:$0x3]  }
0x5: {  	s3 =	srdreg.scid;
	s6 =	stileid.u32  }
0x6: {  	s5 =	simm.s32 $0x0;
	s11 =	simm.s32 $0x5;
	s12 =	simm.s32 $0x280  }
0x7: {  	s13 =	simm.s32 $0x480;
	s17 =	simm.s32 $0x380;
	s18 =	simm.s32 $0x580  }
0x8: {  	s19 =	simm.s32 $0x15680;
	s22 =	simm.s32 $0x3;
	s23 =	simm.s32 $0x1  }
0x9: {  	s3 =	sand.u32 $0x1, s3;
	s6 =	sshll.u32 s6, $0x1;
	[smem:$0x7FF] =	sst s5  }
0xa: {  	s24 =	simm.s32 $0x4;
	s6 =	sor.u32 s3, s6;
	_ =	strace $0x80000047  }
0xb: {  	v0 =	vlaneseq.u32;
	vm0 =	vmmov $0xffff;
	s3 =	ssub.s32 $0x2, s3;
	s7 =	sshll.u32 s6, $0x6;
	s8 =	sshll.u32 s6, $0xB  }
0xc: {  	v11 =	vadd.s32 $0x1, v0;
	v12 =	vand.u32 $0x7, v0;
	v13 =	vshrl.u32 v0, $0x3;
	s25 =	sshrl.u32 s3, $0x1;
	s0 =	sadd.s32 s7, s0;
	s26 =	sor.u32 $0x10, s8  }
0xd: {  	v14 =	vor.u32 $0x8, v0;
	v13 =	vmul.u32 $0x8, v13;
	v1 =	vor.u32 s8, v0;
	s28 =	sor.u32 $0x20, s8;
	s9 =	sor.u32 $0x30, s8;
	s10 =	sor.u32 $0x40, s8  }
0xe: {  	s29 =	sor.u32 $0x50, s8;
	s30 =	sor.u32 $0x60, s8;
	s14 =	sor.u32 $0x70, s8;
	v2 =	vor.u32 s26, v0;
	v3 =	vor.u32 s28, v0;
	v4 =	vor.u32 s9, v0  }
.Ltmp0:
0xf: {  	s15 =	sor.u32 $0x80, s8;
	s16 =	sor.u32 $0x90, s8;
	v5 =	vor.u32 s10, v0;
	v6 =	vor.u32 s29, v0;
	v7 =	vor.u32 s30, v0;
	(pc) =	sbr.rel .LBB2_1-.Ltmp0, $4  }
0x10: {  	s3 =	ssub.s32 s3, s25;
	s7 =	sshll.u32 s6, $0xE;
	s0 =	sadd.s32 $0x400, s0;
	v8 =	vor.u32 s14, v0;
	v9 =	vor.u32 s15, v0;
	v10 =	vor.u32 s16, v0  }
0x11: {  	s8 =	sadd.s32 s1, s7;
	s9 =	sadd.s32 s4, s7;
	s31 =	smax.u32 s3, $0x1;
	v2 =	vmin.u32 v2, $0xFFFF;
	v3 =	vmin.u32 v3, $0xFFFF;
	v4 =	vmin.u32 v4, $0xFFFF  }
0x12: {  	s14 =	simm.s32 $0x14680;
	s15 =	simm.s32 $0x6680;
	[dreg:$0x5] =	wrdreg s0;
	v5 =	vmin.u32 v5, $0xFFFF;
	v6 =	vmin.u32 v6, $0xFFFF;
	v7 =	vmin.u32 v7, $0xFFFF  }
0x13: {  	s16 =	simm.s32 $0x6E80;
	s3 =	simm.s32 $0x0;
	[dreg:$0x6] =	wrdreg s31;
	v8 =	vmin.u32 v8, $0xFFFF;
	v9 =	vmin.u32 v9, $0xFFFF;
	v10 =	vmin.u32 v10, $0xFFFF  }
.LBB2_30:
0x14: {  	s3 =	rddreg [dreg:$0x7]  }
0x15: {  	s0 =	rddreg [dreg:$0x6];
	s3 =	sadd.s32 $0x1, s3  }
0x16: {  	p0 =	sne.s32 s3, s0  }
.Ltmp1:
0x17: {  	_ = 	snop;
	(pc) =	sbr.rel @!p0 .LBB2_31-.Ltmp1, $1  }
0x18: {  	_ =	sdelay $0x3  }
.LBB2_1:
0x19: {  	[dreg:$0x7] =	wrdreg s3  }
0x1a: {  	s0 =	rddreg [dreg:$0x5]  }
0x1b: {  	[tilespmem:s5], [sflag:$0x5] =	stream.linear.gather [hbm4b:s0+s5], $0x220, $0x38;
	[tilespmem:$0x16680] =	vst v63  }
0x1c: {  	_ =	swait.ge [sflag:s11], $0x220  }
0x1d: {  	[sflag:s11] =	ssyncset.done $0x0  }
0x1e: {  	[sflag:s11] =	ssyncadd.s32 $0xFFFFFDE0  }
0x1f: {  	[tilespmem:$0x280] =	vst v1  }
0x20: {  	[tilespmem:$0x380] =	vst v1  }
0x21: {  	[tilespmem:$0x290] =	vst v2  }
0x22: {  	[tilespmem:$0x390] =	vst v2  }
0x23: {  	[tilespmem:$0x2A0] =	vst v3  }
0x24: {  	[tilespmem:$0x3A0] =	vst v3  }
0x25: {  	[tilespmem:$0x2B0] =	vst v4  }
0x26: {  	[tilespmem:$0x3B0] =	vst v4  }
0x27: {  	[tilespmem:$0x2C0] =	vst v5  }
0x28: {  	[tilespmem:$0x3C0] =	vst v5  }
0x29: {  	[tilespmem:$0x2D0] =	vst v6  }
0x2a: {  	[tilespmem:$0x3D0] =	vst v6  }
0x2b: {  	[tilespmem:$0x2E0] =	vst v7  }
0x2c: {  	[tilespmem:$0x3E0] =	vst v7  }
0x2d: {  	[tilespmem:$0x2F0] =	vst v8  }
0x2e: {  	[tilespmem:$0x3F0] =	vst v8  }
0x2f: {  	[tilespmem:$0x300] =	vst v9  }
0x30: {  	[tilespmem:$0x400] =	vst v9  }
0x31: {  	[tilespmem:$0x310] =	vst v10  }
0x32: {  	[tilespmem:$0x410] =	vst v10  }
0x33: {  	v15 =	vld.idx.msk [tilespmem:v0+s5+$0x0], $0xffff  }
0x34: {  	v16 =	vld.idx.msk [tilespmem:v11+s5+$0x0], $0xffff;
	_ =	sdelay $0x4  }
0x35: {  	v16 =	vsub.s32 v16, v15  }
0x36: {  	vm1 =	vlt.s32 v16, $0x9  }
0x37: {  	v17 =	vnsel vm1, $0x9, v16  }
0x38: {  	(xrf0) =	vadd.scan.msk.s32 $0xffff, v17;
	_ =	sdelay $0x5  }
0x39: {  	vm1 =	vgt.s32 v16, $0x0;
	v18, _, _ =	vpop (xrf0)  }
0x3a: {  	v17 =	vsub.s32 v18, v17  }
0x3b: {  	vm2 =	vgt.s32 v16, $0x1  }
0x3c: {  	v19 =	vadd.s32 $0x1, v17  }
0x3d: {  	vm3 =	vlt.s32 v15, $0xFFFF;
	vm4 =	vgt.s32 v16, $0x2  }
0x3e: {  	v21 =	vadd.s32 $0x1, v15;
	v20 =	vnsel vm3, $0xFFFF, v15;
	v22 =	vadd.s32 $0x2, v17  }
0x3f: {  	v49 =	vadd.s32 $0x2, v15;
	vm3 =	vlt.s32 v21, $0xFFFF;
	vm5 =	vgt.s32 v16, $0x3;
	[tilespmem:v17+s12+$0x0] =	vst.idx.msk vm1, v20  }
0x40: {  	v48 =	vnsel vm3, $0xFFFF, v21;
	(v2sf) =	vpush v18, $0xF;
	v23 =	vadd.s32 $0x3, v17;
	[tilespmem:v17+s13+$0x0] =	vst.idx.msk vm1, v0  }
0x41: {  	vm3 =	vgt.s32 v16, $0x4;
	vm1 =	vlt.s32 v49, $0xFFFF;
	[tilespmem:v19+s12+$0x0] =	vst.idx.msk vm2, v48  }
0x42: {  	v51 =	vadd.s32 $0x3, v15;
	v52 =	vadd.s32 $0x4, v17;
	v50 =	vnsel vm1, $0xFFFF, v49;
	[tilespmem:v19+s13+$0x0] =	vst.idx.msk vm2, v0  }
0x43: {  	vm1 =	vlt.s32 v51, $0xFFFF;
	vm2 =	vgt.s32 v16, $0x5;
	[tilespmem:v22+s12+$0x0] =	vst.idx.msk vm4, v50  }
0x44: {  	v54 =	vadd.s32 $0x4, v15;
	v55 =	vadd.s32 $0x5, v17;
	v53 =	vnsel vm1, $0xFFFF, v51;
	[tilespmem:v22+s13+$0x0] =	vst.idx.msk vm4, v0  }
0x45: {  	vm14 =	vgt.s32 v16, $0x6;
	vm1 =	vlt.s32 v54, $0xFFFF;
	[tilespmem:v23+s12+$0x0] =	vst.idx.msk vm5, v53  }
0x46: {  	v57 =	vadd.s32 $0x5, v15;
	v58 =	vadd.s32 $0x6, v17;
	v56 =	vnsel vm1, $0xFFFF, v54;
	[tilespmem:v23+s13+$0x0] =	vst.idx.msk vm5, v0  }
0x47: {  	v59 =	vadd.s32 $0x6, v15;
	vm15 =	vgt.s32 v16, $0x7;
	vm1 =	vlt.s32 v57, $0xFFFF;
	[tilespmem:v52+s12+$0x0] =	vst.idx.msk vm3, v56  }
0x48: {  	v60 =	vadd.s32 $0x7, v17;
	v20 =	vnsel vm1, $0xFFFF, v57;
	vm1 =	vlt.s32 v59, $0xFFFF;
	[tilespmem:v52+s13+$0x0] =	vst.idx.msk vm3, v0  }
0x49: {  	v19 =	vnsel vm1, $0xFFFF, v59;
	vm1 =	vgt.s32 v16, $0x8;
	[tilespmem:v55+s12+$0x0] =	vst.idx.msk vm2, v20  }
0x4a: {  	v61 =	vadd.s32 $0x7, v15;
	v18 =	vbroadcast v18, $0xF;
	v17 =	vadd.s32 $0x8, v17;
	[tilespmem:v55+s13+$0x0] =	vst.idx.msk vm2, v0  }
0x4b: {  	vm2 =	vlt.s32 v61, $0xFFFF;
	[tilespmem:v58+s12+$0x0] =	vst.idx.msk vm14, v19  }
0x4c: {  	v62 =	vadd.s32 $0x8, v15;
	v18 =	vadd.s32 v0, v18;
	v16 =	vnsel vm2, $0xFFFF, v61;
	[tilespmem:v58+s13+$0x0] =	vst.idx.msk vm14, v0  }
0x4d: {  	vm2 =	vlt.s32 v62, $0xFFFF;
	[tilespmem:v60+s12+$0x0] =	vst.idx.msk vm15, v16  }
0x4e: {  	v15 =	vadd.s32 v0, v15;
	v63 =	vnsel vm2, $0xFFFF, v62;
	[tilespmem:v60+s13+$0x0] =	vst.idx.msk vm15, v0  }
0x4f: {  	s29 =	spop (v2sf);
	vm2 =	vlt.s32 v15, $0xFFFF;
	[tilespmem:v17+s12+$0x0] =	vst.idx.msk vm1, v63  }
0x50: {  	s31 =	sadd.s32 $0xF, s29;
	v15 =	vnsel vm2, $0xFFFF, v15;
	[tilespmem:v17+s13+$0x0] =	vst.idx.msk vm1, v0  }
0x51: {  	p0 =	slt.s32 s31, $0x10;
	[tilespmem:v18+s12+$0x0] =	vst.idx.msk $0xffff, v15  }
0x52: {  	[tilespmem:s14], [sflag:$0x3] =	stream.linear.gather [hbm4b:s8+s5], $0x1000, $0x38;
	[tilespmem:$0x16680] =	vst v63  }
0x53: {  	v15 =	vld @!p0 [tilespmem:$0x280];
	_ =	sdelay $0x4  }
0x54: {  	v16 =	vshll.u32 @!p0 v15, $0x1  }
0x55: {  	v17 =	vlaneseq.u32 @!p0;
	v15 =	vand.u32 @!p0 $0x7, v15;
	v16 =	vand.u32 @!p0 $0xFFFFFFF0, v16  }
0x56: {  	v18 =	vshrl.u32 @!p0 v17, $0x3;
	v15 =	vor.u32 @!p0 v15, v16;
	v16 =	vand.u32 @!p0 $0x7, v17  }
0x57: {  	v18 =	vmul.u32 @!p0 $0x8, v18;
	v16 =	vperm.xlane @!p0 v15, v16  }
0x58: {  	v17 =	vor.u32 @!p0 $0x8, v17  }
0x59: {  	v15 =	vperm.xlane @!p0 v15, v17;
	v16 =	vadd.s32 @!p0 v18, v16;
	_ =	sdelay $0x1  }
0x5a: {  	v15 =	vadd.s32 @!p0 v18, v15;
	_ =	sdelay $0x1  }
0x5b: {  	s0 =	simm.s32 @!p0 $0x0;
	s3 =	simm.s32 @!p0 $0x680;
	vm1 =	vmmov @!p0 $0xffff  }
0x5c: {  	[tilespmem:s3], [sflag:$0x1] =	stream.indirect_vreg.gather @!p0 [hbm4b:s2+s0], $0x80, v16, vm1, $0xb8;
	[tilespmem:$0x16680] =	vst v63  }
0x5d: {  	p1 =	slt.u32 @!p0 s31, $0x20;
	s3 =	simm.s32 @!p0 $0xE80  }
0x5e: {  	[tilespmem:s3], [sflag:$0x1] =	stream.indirect_vreg.gather @!p0 [hbm4b:s2+s0], $0x80, v15, vm1, $0xb8;
	[tilespmem:$0x16680] =	vst v63  }
0x5f: {  	p0 =	por p0, p1  }
0x60: {  	v15 =	vld @!p0 [tilespmem:$0x290];
	_ =	sdelay $0x4  }
0x61: {  	v16 =	vshll.u32 @!p0 v15, $0x1  }
0x62: {  	v17 =	vlaneseq.u32 @!p0;
	v15 =	vand.u32 @!p0 $0x7, v15;
	v16 =	vand.u32 @!p0 $0xFFFFFFF0, v16  }
0x63: {  	v18 =	vshrl.u32 @!p0 v17, $0x3;
	v15 =	vor.u32 @!p0 v15, v16;
	v16 =	vand.u32 @!p0 $0x7, v17  }
0x64: {  	v18 =	vmul.u32 @!p0 $0x8, v18;
	v16 =	vperm.xlane @!p0 v15, v16  }
0x65: {  	v17 =	vor.u32 @!p0 $0x8, v17  }
0x66: {  	v15 =	vperm.xlane @!p0 v15, v17;
	v16 =	vadd.s32 @!p0 v18, v16;
	_ =	sdelay $0x1  }
0x67: {  	v15 =	vadd.s32 @!p0 v18, v15;
	_ =	sdelay $0x1  }
0x68: {  	vm1 =	vmmov @!p0 $0xffff;
	s0 =	simm.s32 @!p0 $0x0;
	s3 =	simm.s32 @!p0 $0x1680  }
0x69: {  	[tilespmem:s3], [sflag:$0x1] =	stream.indirect_vreg.gather @!p0 [hbm4b:s2+s0], $0x80, v16, vm1, $0xb8;
	[tilespmem:$0x16680] =	vst v63  }
0x6a: {  	p1 =	slt.u32 @!p0 s31, $0x30;
	s3 =	simm.s32 @!p0 $0x1E80  }
0x6b: {  	[tilespmem:s3], [sflag:$0x1] =	stream.indirect_vreg.gather @!p0 [hbm4b:s2+s0], $0x80, v15, vm1, $0xb8;
	[tilespmem:$0x16680] =	vst v63  }
0x6c: {  	p0 =	por p0, p1  }
0x6d: {  	v15 =	vld @!p0 [tilespmem:$0x2A0];
	_ =	sdelay $0x4  }
0x6e: {  	v16 =	vshll.u32 @!p0 v15, $0x1  }
0x6f: {  	v17 =	vlaneseq.u32 @!p0;
	v15 =	vand.u32 @!p0 $0x7, v15;
	v16 =	vand.u32 @!p0 $0xFFFFFFF0, v16  }
0x70: {  	v18 =	vshrl.u32 @!p0 v17, $0x3;
	v15 =	vor.u32 @!p0 v15, v16;
	v16 =	vand.u32 @!p0 $0x7, v17  }
0x71: {  	v18 =	vmul.u32 @!p0 $0x8, v18;
	v16 =	vperm.xlane @!p0 v15, v16  }
0x72: {  	v17 =	vor.u32 @!p0 $0x8, v17  }
0x73: {  	v15 =	vperm.xlane @!p0 v15, v17;
	v16 =	vadd.s32 @!p0 v18, v16;
	_ =	sdelay $0x1  }
0x74: {  	v15 =	vadd.s32 @!p0 v18, v15;
	_ =	sdelay $0x1  }
0x75: {  	vm1 =	vmmov @!p0 $0xffff;
	s0 =	simm.s32 @!p0 $0x0;
	s3 =	simm.s32 @!p0 $0x2680  }
0x76: {  	[tilespmem:s3], [sflag:$0x1] =	stream.indirect_vreg.gather @!p0 [hbm4b:s2+s0], $0x80, v16, vm1, $0xb8;
	[tilespmem:$0x16680] =	vst v63  }
0x77: {  	p1 =	slt.u32 @!p0 s31, $0x40;
	s3 =	simm.s32 @!p0 $0x2E80  }
0x78: {  	[tilespmem:s3], [sflag:$0x1] =	stream.indirect_vreg.gather @!p0 [hbm4b:s2+s0], $0x80, v15, vm1, $0xb8;
	[tilespmem:$0x16680] =	vst v63  }
0x79: {  	p0 =	por p0, p1  }
0x7a: {  	v15 =	vld @!p0 [tilespmem:$0x2B0];
	_ =	sdelay $0x4  }
0x7b: {  	v16 =	vshll.u32 @!p0 v15, $0x1  }
0x7c: {  	v17 =	vlaneseq.u32 @!p0;
	v15 =	vand.u32 @!p0 $0x7, v15;
	v16 =	vand.u32 @!p0 $0xFFFFFFF0, v16  }
0x7d: {  	v18 =	vshrl.u32 @!p0 v17, $0x3;
	v15 =	vor.u32 @!p0 v15, v16;
	v16 =	vand.u32 @!p0 $0x7, v17  }
0x7e: {  	v18 =	vmul.u32 @!p0 $0x8, v18;
	v16 =	vperm.xlane @!p0 v15, v16  }
0x7f: {  	v17 =	vor.u32 @!p0 $0x8, v17  }
0x80: {  	v15 =	vperm.xlane @!p0 v15, v17;
	v16 =	vadd.s32 @!p0 v18, v16;
	_ =	sdelay $0x1  }
0x81: {  	v15 =	vadd.s32 @!p0 v18, v15;
	_ =	sdelay $0x1  }
0x82: {  	vm1 =	vmmov @!p0 $0xffff;
	s0 =	simm.s32 @!p0 $0x0;
	s3 =	simm.s32 @!p0 $0x3680  }
0x83: {  	[tilespmem:s3], [sflag:$0x1] =	stream.indirect_vreg.gather @!p0 [hbm4b:s2+s0], $0x80, v16, vm1, $0xb8;
	[tilespmem:$0x16680] =	vst v63  }
0x84: {  	p1 =	slt.u32 @!p0 s31, $0x50;
	s3 =	simm.s32 @!p0 $0x3E80  }
0x85: {  	[tilespmem:s3], [sflag:$0x1] =	stream.indirect_vreg.gather @!p0 [hbm4b:s2+s0], $0x80, v15, vm1, $0xb8;
	[tilespmem:$0x16680] =	vst v63  }
0x86: {  	p0 =	por p0, p1  }
0x87: {  	v15 =	vld @!p0 [tilespmem:$0x2C0];
	_ =	sdelay $0x4  }
0x88: {  	v16 =	vshll.u32 @!p0 v15, $0x1  }
0x89: {  	v17 =	vlaneseq.u32 @!p0;
	v15 =	vand.u32 @!p0 $0x7, v15;
	v16 =	vand.u32 @!p0 $0xFFFFFFF0, v16  }
0x8a: {  	v18 =	vshrl.u32 @!p0 v17, $0x3;
	v15 =	vor.u32 @!p0 v15, v16;
	v16 =	vand.u32 @!p0 $0x7, v17  }
0x8b: {  	v18 =	vmul.u32 @!p0 $0x8, v18;
	v16 =	vperm.xlane @!p0 v15, v16  }
0x8c: {  	v17 =	vor.u32 @!p0 $0x8, v17  }
0x8d: {  	v15 =	vperm.xlane @!p0 v15, v17;
	v16 =	vadd.s32 @!p0 v18, v16;
	_ =	sdelay $0x1  }
0x8e: {  	v15 =	vadd.s32 @!p0 v18, v15;
	_ =	sdelay $0x1  }
0x8f: {  	vm1 =	vmmov @!p0 $0xffff;
	s0 =	simm.s32 @!p0 $0x0;
	s3 =	simm.s32 @!p0 $0x4680  }
0x90: {  	[tilespmem:s3], [sflag:$0x1] =	stream.indirect_vreg.gather @!p0 [hbm4b:s2+s0], $0x80, v16, vm1, $0xb8;
	[tilespmem:$0x16680] =	vst v63  }
0x91: {  	p1 =	slt.u32 @!p0 s31, $0x60;
	s3 =	simm.s32 @!p0 $0x4E80  }
0x92: {  	[tilespmem:s3], [sflag:$0x1] =	stream.indirect_vreg.gather @!p0 [hbm4b:s2+s0], $0x80, v15, vm1, $0xb8;
	[tilespmem:$0x16680] =	vst v63  }
0x93: {  	p0 =	por p0, p1  }
0x94: {  	v15 =	vld @!p0 [tilespmem:$0x2D0];
	_ =	sdelay $0x4  }
0x95: {  	v16 =	vshll.u32 @!p0 v15, $0x1  }
0x96: {  	v17 =	vlaneseq.u32 @!p0;
	v15 =	vand.u32 @!p0 $0x7, v15;
	v16 =	vand.u32 @!p0 $0xFFFFFFF0, v16  }
0x97: {  	v18 =	vshrl.u32 @!p0 v17, $0x3;
	v15 =	vor.u32 @!p0 v15, v16;
	v16 =	vand.u32 @!p0 $0x7, v17  }
0x98: {  	v18 =	vmul.u32 @!p0 $0x8, v18;
	v16 =	vperm.xlane @!p0 v15, v16  }
0x99: {  	v17 =	vor.u32 @!p0 $0x8, v17  }
0x9a: {  	v15 =	vperm.xlane @!p0 v15, v17;
	v16 =	vadd.s32 @!p0 v18, v16;
	_ =	sdelay $0x1  }
0x9b: {  	v15 =	vadd.s32 @!p0 v18, v15;
	_ =	sdelay $0x1  }
0x9c: {  	vm1 =	vmmov @!p0 $0xffff;
	s0 =	simm.s32 @!p0 $0x0;
	s3 =	simm.s32 @!p0 $0x5680  }
0x9d: {  	[tilespmem:s3], [sflag:$0x1] =	stream.indirect_vreg.gather @!p0 [hbm4b:s2+s0], $0x80, v16, vm1, $0xb8;
	[tilespmem:$0x16680] =	vst v63  }
0x9e: {  	p1 =	slt.u32 @!p0 s31, $0x70;
	s3 =	simm.s32 @!p0 $0x5E80  }
0x9f: {  	[tilespmem:s3], [sflag:$0x1] =	stream.indirect_vreg.gather @!p0 [hbm4b:s2+s0], $0x80, v15, vm1, $0xb8;
	[tilespmem:$0x16680] =	vst v63  }
0xa0: {  	p0 =	por p0, p1  }
.Ltmp2:
0xa1: {  	_ = 	snop;
	(pc) =	sbr.rel @p0 .LBB2_3-.Ltmp2, $1  }
0xa2: {  	_ =	sdelay $0x3  }
0xa3: {  	v15 =	vld [tilespmem:$0x2E0];
	_ =	sdelay $0x4  }
0xa4: {  	v16 =	vshll.u32 v15, $0x1  }
0xa5: {  	v15 =	vand.u32 $0x7, v15;
	v16 =	vand.u32 $0xFFFFFFF0, v16  }
0xa6: {  	v15 =	vor.u32 v15, v16  }
0xa7: {  	v16 =	vperm.xlane v15, v12;
	_ =	sdelay $0x1  }
0xa8: {  	v15 =	vperm.xlane v15, v14;
	v16 =	vadd.s32 v13, v16;
	_ =	sdelay $0x1  }
0xa9: {  	v15 =	vadd.s32 v13, v15;
	_ =	sdelay $0x2  }
0xaa: {  	[tilespmem:s15], [sflag:$0x1] =	stream.indirect_vreg.gather [hbm4b:s2+s5], $0x80, v16, vm0, $0xb8;
	[tilespmem:$0x16680] =	vst v63  }
0xab: {  	p0 =	slt.u32 s31, $0x80  }
0xac: {  	[tilespmem:s16], [sflag:$0x1] =	stream.indirect_vreg.gather [hbm4b:s2+s5], $0x80, v15, vm0, $0xb8;
	[tilespmem:$0x16680] =	vst v63  }
0xad: {  	v15 =	vld @!p0 [tilespmem:$0x2F0];
	_ =	sdelay $0x4  }
0xae: {  	v16 =	vshll.u32 @!p0 v15, $0x1  }
0xaf: {  	v17 =	vlaneseq.u32 @!p0;
	v15 =	vand.u32 @!p0 $0x7, v15;
	v16 =	vand.u32 @!p0 $0xFFFFFFF0, v16  }
0xb0: {  	v18 =	vshrl.u32 @!p0 v17, $0x3;
	v15 =	vor.u32 @!p0 v15, v16;
	v16 =	vand.u32 @!p0 $0x7, v17  }
0xb1: {  	v18 =	vmul.u32 @!p0 $0x8, v18;
	v16 =	vperm.xlane @!p0 v15, v16  }
0xb2: {  	v17 =	vor.u32 @!p0 $0x8, v17  }
0xb3: {  	v15 =	vperm.xlane @!p0 v15, v17;
	v16 =	vadd.s32 @!p0 v18, v16;
	_ =	sdelay $0x1  }
0xb4: {  	v15 =	vadd.s32 @!p0 v18, v15;
	_ =	sdelay $0x1  }
0xb5: {  	vm1 =	vmmov @!p0 $0xffff;
	s0 =	simm.s32 @!p0 $0x0;
	s3 =	simm.s32 @!p0 $0x7680  }
0xb6: {  	[tilespmem:s3], [sflag:$0x1] =	stream.indirect_vreg.gather @!p0 [hbm4b:s2+s0], $0x80, v16, vm1, $0xb8;
	[tilespmem:$0x16680] =	vst v63  }
0xb7: {  	p1 =	slt.u32 @!p0 s31, $0x90;
	s3 =	simm.s32 @!p0 $0x7E80  }
0xb8: {  	[tilespmem:s3], [sflag:$0x1] =	stream.indirect_vreg.gather @!p0 [hbm4b:s2+s0], $0x80, v15, vm1, $0xb8;
	[tilespmem:$0x16680] =	vst v63  }
0xb9: {  	p0 =	por p1, p0  }
0xba: {  	v15 =	vld @!p0 [tilespmem:$0x300];
	_ =	sdelay $0x4  }
0xbb: {  	v16 =	vshll.u32 @!p0 v15, $0x1  }
0xbc: {  	v17 =	vlaneseq.u32 @!p0;
	v15 =	vand.u32 @!p0 $0x7, v15;
	v16 =	vand.u32 @!p0 $0xFFFFFFF0, v16  }
0xbd: {  	v18 =	vshrl.u32 @!p0 v17, $0x3;
	v15 =	vor.u32 @!p0 v15, v16;
	v16 =	vand.u32 @!p0 $0x7, v17  }
0xbe: {  	v18 =	vmul.u32 @!p0 $0x8, v18;
	v16 =	vperm.xlane @!p0 v15, v16  }
0xbf: {  	v17 =	vor.u32 @!p0 $0x8, v17  }
0xc0: {  	v15 =	vperm.xlane @!p0 v15, v17;
	v16 =	vadd.s32 @!p0 v18, v16;
	_ =	sdelay $0x1  }
0xc1: {  	v15 =	vadd.s32 @!p0 v18, v15;
	_ =	sdelay $0x1  }
0xc2: {  	vm1 =	vmmov @!p0 $0xffff;
	s0 =	simm.s32 @!p0 $0x0;
	s3 =	simm.s32 @!p0 $0x8680  }
0xc3: {  	[tilespmem:s3], [sflag:$0x1] =	stream.indirect_vreg.gather @!p0 [hbm4b:s2+s0], $0x80, v16, vm1, $0xb8;
	[tilespmem:$0x16680] =	vst v63  }
0xc4: {  	s3 =	simm.s32 @!p0 $0x8E80  }
0xc5: {  	[tilespmem:s3], [sflag:$0x1] =	stream.indirect_vreg.gather @!p0 [hbm4b:s2+s0], $0x80, v15, vm1, $0xb8;
	[tilespmem:$0x16680] =	vst v63  }
.LBB2_3:
0xc6: {  	s26 =	simm.s32 $0x0  }
.LBB2_4:
0xc7: {  	s3 =	sshll.u32 s26, $0x5  }
0xc8: {  	s0 =	sor.u32 $0x10, s3  }
0xc9: {  	s3 =	sor.u32 $0x11, s3;
	v15 =	vor.u32 s0, v0  }
0xca: {  	v16 =	vadd.s32 s3, v0;
	_ =	sdelay $0x3  }
0xcb: {  	v15 =	vld.idx.msk [tilespmem:v15+s5+$0x0], $0xffff  }
0xcc: {  	v16 =	vld.idx.msk [tilespmem:v16+s5+$0x0], $0xffff;
	_ =	sdelay $0x4  }
0xcd: {  	v16 =	vsub.s32 v16, v15  }
0xce: {  	vm1 =	vlt.s32 v16, $0x9  }
0xcf: {  	v17 =	vnsel vm1, $0x9, v16  }
0xd0: {  	(xrf0) =	vadd.scan.msk.s32 $0xffff, v17;
	_ =	sdelay $0x5  }
0xd1: {  	vm1 =	vgt.s32 v16, $0x0;
	v18, _, _ =	vpop (xrf0)  }
0xd2: {  	v17 =	vsub.s32 v18, v17  }
0xd3: {  	vm2 =	vgt.s32 v16, $0x1  }
0xd4: {  	v19 =	vadd.s32 $0x1, v17  }
0xd5: {  	vm3 =	vlt.s32 v15, $0xFFFF;
	vm4 =	vgt.s32 v16, $0x2  }
0xd6: {  	v21 =	vadd.s32 $0x1, v15;
	v20 =	vnsel vm3, $0xFFFF, v15;
	v22 =	vadd.s32 $0x2, v17  }
0xd7: {  	v49 =	vadd.s32 $0x2, v15;
	vm3 =	vlt.s32 v21, $0xFFFF;
	vm5 =	vgt.s32 v16, $0x3;
	[tilespmem:v17+s17+$0x0] =	vst.idx.msk vm1, v20  }
0xd8: {  	v48 =	vnsel vm3, $0xFFFF, v21;
	(v2sf) =	vpush v18, $0xF;
	v23 =	vadd.s32 $0x3, v17;
	[tilespmem:v17+s18+$0x0] =	vst.idx.msk vm1, v0  }
0xd9: {  	vm3 =	vgt.s32 v16, $0x4;
	vm1 =	vlt.s32 v49, $0xFFFF;
	[tilespmem:v19+s17+$0x0] =	vst.idx.msk vm2, v48  }
0xda: {  	v51 =	vadd.s32 $0x3, v15;
	v52 =	vadd.s32 $0x4, v17;
	v50 =	vnsel vm1, $0xFFFF, v49;
	[tilespmem:v19+s18+$0x0] =	vst.idx.msk vm2, v0  }
0xdb: {  	vm1 =	vlt.s32 v51, $0xFFFF;
	vm2 =	vgt.s32 v16, $0x5;
	[tilespmem:v22+s17+$0x0] =	vst.idx.msk vm4, v50  }
0xdc: {  	v54 =	vadd.s32 $0x4, v15;
	v55 =	vadd.s32 $0x5, v17;
	v53 =	vnsel vm1, $0xFFFF, v51;
	[tilespmem:v22+s18+$0x0] =	vst.idx.msk vm4, v0  }
0xdd: {  	vm14 =	vgt.s32 v16, $0x6;
	vm1 =	vlt.s32 v54, $0xFFFF;
	[tilespmem:v23+s17+$0x0] =	vst.idx.msk vm5, v53  }
0xde: {  	v57 =	vadd.s32 $0x5, v15;
	v58 =	vadd.s32 $0x6, v17;
	v56 =	vnsel vm1, $0xFFFF, v54;
	[tilespmem:v23+s18+$0x0] =	vst.idx.msk vm5, v0  }
0xdf: {  	v59 =	vadd.s32 $0x6, v15;
	vm15 =	vgt.s32 v16, $0x7;
	vm1 =	vlt.s32 v57, $0xFFFF;
	[tilespmem:v52+s17+$0x0] =	vst.idx.msk vm3, v56  }
0xe0: {  	v60 =	vadd.s32 $0x7, v17;
	v20 =	vnsel vm1, $0xFFFF, v57;
	vm1 =	vlt.s32 v59, $0xFFFF;
	[tilespmem:v52+s18+$0x0] =	vst.idx.msk vm3, v0  }
0xe1: {  	v19 =	vnsel vm1, $0xFFFF, v59;
	vm1 =	vgt.s32 v16, $0x8;
	[tilespmem:v55+s17+$0x0] =	vst.idx.msk vm2, v20  }
0xe2: {  	v61 =	vadd.s32 $0x7, v15;
	v18 =	vbroadcast v18, $0xF;
	v17 =	vadd.s32 $0x8, v17;
	[tilespmem:v55+s18+$0x0] =	vst.idx.msk vm2, v0  }
0xe3: {  	vm2 =	vlt.s32 v61, $0xFFFF;
	[tilespmem:v58+s17+$0x0] =	vst.idx.msk vm14, v19  }
0xe4: {  	v62 =	vadd.s32 $0x8, v15;
	v18 =	vadd.s32 v0, v18;
	v16 =	vnsel vm2, $0xFFFF, v61;
	[tilespmem:v58+s18+$0x0] =	vst.idx.msk vm14, v0  }
0xe5: {  	vm2 =	vlt.s32 v62, $0xFFFF;
	[tilespmem:v60+s17+$0x0] =	vst.idx.msk vm15, v16  }
0xe6: {  	v15 =	vadd.s32 v0, v15;
	v63 =	vnsel vm2, $0xFFFF, v62;
	[tilespmem:v60+s18+$0x0] =	vst.idx.msk vm15, v0  }
0xe7: {  	s0 =	sshll.u32 s0, $0x5;
	s30 =	spop (v2sf);
	vm2 =	vlt.s32 v15, $0xFFFF;
	[tilespmem:v17+s17+$0x0] =	vst.idx.msk vm1, v63  }
0xe8: {  	s28 =	sadd.s32 s7, s0;
	s0 =	sadd.s32 $0xF, s30;
	v15 =	vnsel vm2, $0xFFFF, v15;
	[tilespmem:v17+s18+$0x0] =	vst.idx.msk vm1, v0  }
0xe9: {  	s25 =	sadd.s32 s1, s28;
	p0 =	slt.s32 s0, $0x10;
	[tilespmem:v18+s17+$0x0] =	vst.idx.msk $0xffff, v15  }
0xea: {  	[tilespmem:s19], [sflag:$0x4] =	stream.linear.gather [hbm4b:s25+s5], $0x1000, $0x38;
	[tilespmem:$0x16680] =	vst v63  }
0xeb: {  	v15 =	vld @!p0 [tilespmem:$0x380];
	_ =	sdelay $0x4  }
0xec: {  	v16 =	vshll.u32 @!p0 v15, $0x1  }
0xed: {  	v17 =	vlaneseq.u32 @!p0;
	v15 =	vand.u32 @!p0 $0x7, v15;
	v16 =	vand.u32 @!p0 $0xFFFFFFF0, v16  }
0xee: {  	v18 =	vshrl.u32 @!p0 v17, $0x3;
	v15 =	vor.u32 @!p0 v15, v16;
	v16 =	vand.u32 @!p0 $0x7, v17  }
0xef: {  	v18 =	vmul.u32 @!p0 $0x8, v18;
	v16 =	vperm.xlane @!p0 v15, v16  }
0xf0: {  	v17 =	vor.u32 @!p0 $0x8, v17  }
0xf1: {  	v15 =	vperm.xlane @!p0 v15, v17;
	v16 =	vadd.s32 @!p0 v18, v16;
	_ =	sdelay $0x1  }
0xf2: {  	v15 =	vadd.s32 @!p0 v18, v15;
	_ =	sdelay $0x1  }
0xf3: {  	s3 =	simm.s32 @!p0 $0x0;
	s6 =	simm.s32 @!p0 $0xA680;
	p1 =	slt.u32 @!p0 s0, $0x20;
	vm1 =	vmmov @!p0 $0xffff  }
0xf4: {  	[tilespmem:s6], [sflag:$0x2] =	stream.indirect_vreg.gather @!p0 [hbm4b:s2+s3], $0x80, v16, vm1, $0xb8;
	[tilespmem:$0x16680] =	vst v63  }
0xf5: {  	p2 =	por p0, p1;
	s6 =	simm.s32 @!p0 $0xAE80  }
0xf6: {  	[tilespmem:s6], [sflag:$0x2] =	stream.indirect_vreg.gather @!p0 [hbm4b:s2+s3], $0x80, v15, vm1, $0xb8;
	[tilespmem:$0x16680] =	vst v63  }
0xf7: {  	v15 =	vld @!p2 [tilespmem:$0x390];
	_ =	sdelay $0x4  }
0xf8: {  	v16 =	vshll.u32 @!p2 v15, $0x1  }
0xf9: {  	v17 =	vlaneseq.u32 @!p2;
	v15 =	vand.u32 @!p2 $0x7, v15;
	v16 =	vand.u32 @!p2 $0xFFFFFFF0, v16  }
0xfa: {  	v18 =	vshrl.u32 @!p2 v17, $0x3;
	v15 =	vor.u32 @!p2 v15, v16;
	v16 =	vand.u32 @!p2 $0x7, v17  }
0xfb: {  	v18 =	vmul.u32 @!p2 $0x8, v18;
	v16 =	vperm.xlane @!p2 v15, v16  }
0xfc: {  	v17 =	vor.u32 @!p2 $0x8, v17  }
0xfd: {  	v15 =	vperm.xlane @!p2 v15, v17;
	v16 =	vadd.s32 @!p2 v18, v16;
	_ =	sdelay $0x1  }
0xfe: {  	v15 =	vadd.s32 @!p2 v18, v15;
	_ =	sdelay $0x1  }
0xff: {  	p1 =	slt.u32 @!p2 s0, $0x30;
	vm1 =	vmmov @!p2 $0xffff;
	s3 =	simm.s32 @!p2 $0x0;
	s6 =	simm.s32 @!p2 $0xB680  }
0x100: {  	[tilespmem:s6], [sflag:$0x2] =	stream.indirect_vreg.gather @!p2 [hbm4b:s2+s3], $0x80, v16, vm1, $0xb8;
	[tilespmem:$0x16680] =	vst v63  }
0x101: {  	p3 =	por p2, p1;
	s6 =	simm.s32 @!p2 $0xBE80  }
0x102: {  	[tilespmem:s6], [sflag:$0x2] =	stream.indirect_vreg.gather @!p2 [hbm4b:s2+s3], $0x80, v15, vm1, $0xb8;
	[tilespmem:$0x16680] =	vst v63  }
0x103: {  	v15 =	vld @!p3 [tilespmem:$0x3A0];
	_ =	sdelay $0x4  }
0x104: {  	v16 =	vshll.u32 @!p3 v15, $0x1  }
0x105: {  	v17 =	vlaneseq.u32 @!p3;
	v15 =	vand.u32 @!p3 $0x7, v15;
	v16 =	vand.u32 @!p3 $0xFFFFFFF0, v16  }
0x106: {  	v18 =	vshrl.u32 @!p3 v17, $0x3;
	v15 =	vor.u32 @!p3 v15, v16;
	v16 =	vand.u32 @!p3 $0x7, v17  }
0x107: {  	v18 =	vmul.u32 @!p3 $0x8, v18;
	v16 =	vperm.xlane @!p3 v15, v16  }
0x108: {  	v17 =	vor.u32 @!p3 $0x8, v17  }
0x109: {  	v15 =	vperm.xlane @!p3 v15, v17;
	v16 =	vadd.s32 @!p3 v18, v16;
	_ =	sdelay $0x1  }
0x10a: {  	v15 =	vadd.s32 @!p3 v18, v15;
	_ =	sdelay $0x1  }
0x10b: {  	p1 =	slt.u32 @!p3 s0, $0x40;
	vm1 =	vmmov @!p3 $0xffff;
	s3 =	simm.s32 @!p3 $0x0;
	s6 =	simm.s32 @!p3 $0xC680  }
0x10c: {  	[tilespmem:s6], [sflag:$0x2] =	stream.indirect_vreg.gather @!p3 [hbm4b:s2+s3], $0x80, v16, vm1, $0xb8;
	[tilespmem:$0x16680] =	vst v63  }
0x10d: {  	p6 =	por p3, p1;
	s6 =	simm.s32 @!p3 $0xCE80  }
0x10e: {  	[tilespmem:s6], [sflag:$0x2] =	stream.indirect_vreg.gather @!p3 [hbm4b:s2+s3], $0x80, v15, vm1, $0xb8;
	[tilespmem:$0x16680] =	vst v63  }
0x10f: {  	v15 =	vld @!p6 [tilespmem:$0x3B0];
	_ =	sdelay $0x4  }
0x110: {  	v16 =	vshll.u32 @!p6 v15, $0x1  }
0x111: {  	v17 =	vlaneseq.u32 @!p6;
	v15 =	vand.u32 @!p6 $0x7, v15;
	v16 =	vand.u32 @!p6 $0xFFFFFFF0, v16  }
0x112: {  	v18 =	vshrl.u32 @!p6 v17, $0x3;
	v15 =	vor.u32 @!p6 v15, v16;
	v16 =	vand.u32 @!p6 $0x7, v17  }
0x113: {  	v18 =	vmul.u32 @!p6 $0x8, v18;
	v16 =	vperm.xlane @!p6 v15, v16  }
0x114: {  	v17 =	vor.u32 @!p6 $0x8, v17  }
0x115: {  	v15 =	vperm.xlane @!p6 v15, v17;
	v16 =	vadd.s32 @!p6 v18, v16;
	_ =	sdelay $0x1  }
0x116: {  	v15 =	vadd.s32 @!p6 v18, v15;
	_ =	sdelay $0x1  }
0x117: {  	p1 =	slt.u32 @!p6 s0, $0x50;
	vm1 =	vmmov @!p6 $0xffff;
	s3 =	simm.s32 @!p6 $0x0;
	s6 =	simm.s32 @!p6 $0xD680  }
0x118: {  	[tilespmem:s6], [sflag:$0x2] =	stream.indirect_vreg.gather @!p6 [hbm4b:s2+s3], $0x80, v16, vm1, $0xb8;
	[tilespmem:$0x16680] =	vst v63  }
0x119: {  	p5 =	por p6, p1;
	s6 =	simm.s32 @!p6 $0xDE80  }
0x11a: {  	[tilespmem:s6], [sflag:$0x2] =	stream.indirect_vreg.gather @!p6 [hbm4b:s2+s3], $0x80, v15, vm1, $0xb8;
	[tilespmem:$0x16680] =	vst v63  }
0x11b: {  	v15 =	vld @!p5 [tilespmem:$0x3C0];
	_ =	sdelay $0x4  }
0x11c: {  	v16 =	vshll.u32 @!p5 v15, $0x1  }
0x11d: {  	v17 =	vlaneseq.u32 @!p5;
	v15 =	vand.u32 @!p5 $0x7, v15;
	v16 =	vand.u32 @!p5 $0xFFFFFFF0, v16  }
0x11e: {  	v18 =	vshrl.u32 @!p5 v17, $0x3;
	v15 =	vor.u32 @!p5 v15, v16;
	v16 =	vand.u32 @!p5 $0x7, v17  }
0x11f: {  	v18 =	vmul.u32 @!p5 $0x8, v18;
	v16 =	vperm.xlane @!p5 v15, v16  }
0x120: {  	v17 =	vor.u32 @!p5 $0x8, v17  }
0x121: {  	v15 =	vperm.xlane @!p5 v15, v17;
	v16 =	vadd.s32 @!p5 v18, v16;
	_ =	sdelay $0x1  }
0x122: {  	v15 =	vadd.s32 @!p5 v18, v15;
	_ =	sdelay $0x1  }
0x123: {  	p1 =	slt.u32 @!p5 s0, $0x60;
	vm1 =	vmmov @!p5 $0xffff;
	s3 =	simm.s32 @!p5 $0x0;
	s6 =	simm.s32 @!p5 $0xE680  }
0x124: {  	[tilespmem:s6], [sflag:$0x2] =	stream.indirect_vreg.gather @!p5 [hbm4b:s2+s3], $0x80, v16, vm1, $0xb8;
	[tilespmem:$0x16680] =	vst v63  }
0x125: {  	p1 =	por p5, p1;
	s6 =	simm.s32 @!p5 $0xEE80  }
0x126: {  	[tilespmem:s6], [sflag:$0x2] =	stream.indirect_vreg.gather @!p5 [hbm4b:s2+s3], $0x80, v15, vm1, $0xb8;
	[tilespmem:$0x16680] =	vst v63  }
0x127: {  	v15 =	vld @!p1 [tilespmem:$0x3D0];
	_ =	sdelay $0x4  }
0x128: {  	v16 =	vshll.u32 @!p1 v15, $0x1  }
0x129: {  	v17 =	vlaneseq.u32 @!p1;
	v15 =	vand.u32 @!p1 $0x7, v15;
	v16 =	vand.u32 @!p1 $0xFFFFFFF0, v16  }
0x12a: {  	v18 =	vshrl.u32 @!p1 v17, $0x3;
	v15 =	vor.u32 @!p1 v15, v16;
	v16 =	vand.u32 @!p1 $0x7, v17  }
0x12b: {  	v18 =	vmul.u32 @!p1 $0x8, v18;
	v16 =	vperm.xlane @!p1 v15, v16  }
0x12c: {  	v17 =	vor.u32 @!p1 $0x8, v17  }
0x12d: {  	v15 =	vperm.xlane @!p1 v15, v17;
	v16 =	vadd.s32 @!p1 v18, v16;
	_ =	sdelay $0x1  }
0x12e: {  	v15 =	vadd.s32 @!p1 v18, v15  }
0x12f: {  	p4 =	slt.u32 @!p1 s0, $0x70  }
0x130: {  	p4 =	por p1, p4;
	vm1 =	vmmov @!p1 $0xffff;
	s3 =	simm.s32 @!p1 $0x0;
	s6 =	simm.s32 @!p1 $0xF680  }
0x131: {  	[tilespmem:s6], [sflag:$0x2] =	stream.indirect_vreg.gather @!p1 [hbm4b:s2+s3], $0x80, v16, vm1, $0xb8;
	[tilespmem:$0x16680] =	vst v63  }
.Ltmp3:
0x132: {  	s6 =	simm.s32 @!p1 $0xFE80;
	(pc) =	sbr.rel @p4 .LBB2_5-.Ltmp3, $4  }
0x133: {  	[tilespmem:s6], [sflag:$0x2] =	stream.indirect_vreg.gather @!p1 [hbm4b:s2+s3], $0x80, v15, vm1, $0xb8;
	[tilespmem:$0x16680] =	vst v63  }
0x134: {  	s3 =	simm.s32 @!p0 $0x0  }
0x135: {  	s3 =	simm.s32 @p0 $0x1  }
0x136: {  	[smem:$0x7FD] =	sst s3  }
0x137: {  	v15 =	vld [tilespmem:$0x3E0];
	_ =	sdelay $0x4  }
0x138: {  	v16 =	vshll.u32 v15, $0x1  }
0x139: {  	v15 =	vand.u32 $0x7, v15;
	v16 =	vand.u32 $0xFFFFFFF0, v16  }
0x13a: {  	v15 =	vor.u32 v15, v16  }
0x13b: {  	v16 =	vperm.xlane v15, v12;
	_ =	sdelay $0x1  }
0x13c: {  	v15 =	vperm.xlane v15, v14;
	v16 =	vadd.s32 v13, v16;
	_ =	sdelay $0x1  }
0x13d: {  	v15 =	vadd.s32 v13, v15;
	_ =	sdelay $0x1  }
0x13e: {  	s3 =	simm.s32 $0x10680  }
0x13f: {  	[tilespmem:s3], [sflag:$0x2] =	stream.indirect_vreg.gather [hbm4b:s2+s5], $0x80, v16, vm0, $0xb8;
	[tilespmem:$0x16680] =	vst v63  }
0x140: {  	s25 =	simm.s32 $0x10E80;
	p1 =	slt.u32 s0, $0x80  }
0x141: {  	[tilespmem:s25], [sflag:$0x2] =	stream.indirect_vreg.gather [hbm4b:s2+s5], $0x80, v15, vm0, $0xb8;
	[tilespmem:$0x16680] =	vst v63  }
0x142: {  	v15 =	vld @!p1 [tilespmem:$0x3F0];
	_ =	sdelay $0x4  }
0x143: {  	v16 =	vshll.u32 @!p1 v15, $0x1  }
0x144: {  	v17 =	vlaneseq.u32 @!p1;
	v15 =	vand.u32 @!p1 $0x7, v15;
	v16 =	vand.u32 @!p1 $0xFFFFFFF0, v16  }
0x145: {  	v18 =	vshrl.u32 @!p1 v17, $0x3;
	v15 =	vor.u32 @!p1 v15, v16;
	v16 =	vand.u32 @!p1 $0x7, v17  }
0x146: {  	v18 =	vmul.u32 @!p1 $0x8, v18;
	v16 =	vperm.xlane @!p1 v15, v16  }
0x147: {  	v17 =	vor.u32 @!p1 $0x8, v17  }
0x148: {  	v15 =	vperm.xlane @!p1 v15, v17;
	v16 =	vadd.s32 @!p1 v18, v16;
	_ =	sdelay $0x1  }
0x149: {  	v15 =	vadd.s32 @!p1 v18, v15;
	_ =	sdelay $0x1  }
0x14a: {  	vm1 =	vmmov @!p1 $0xffff;
	s6 =	simm.s32 @!p1 $0x11680;
	p2 =	slt.u32 @!p1 s0, $0x90;
	s3 =	simm.s32 @!p1 $0x0  }
0x14b: {  	[tilespmem:s6], [sflag:$0x2] =	stream.indirect_vreg.gather @!p1 [hbm4b:s2+s3], $0x80, v16, vm1, $0xb8;
	[tilespmem:$0x16680] =	vst v63  }
0x14c: {  	p3 =	por p2, p1;
	s6 =	simm.s32 @!p1 $0x11E80  }
0x14d: {  	[tilespmem:s6], [sflag:$0x2] =	stream.indirect_vreg.gather @!p1 [hbm4b:s2+s3], $0x80, v15, vm1, $0xb8;
	[tilespmem:$0x16680] =	vst v63  }
0x14e: {  	v15 =	vld @!p3 [tilespmem:$0x400];
	_ =	sdelay $0x4  }
0x14f: {  	v16 =	vshll.u32 @!p3 v15, $0x1  }
0x150: {  	v17 =	vlaneseq.u32 @!p3;
	v15 =	vand.u32 @!p3 $0x7, v15;
	v16 =	vand.u32 @!p3 $0xFFFFFFF0, v16  }
0x151: {  	v18 =	vshrl.u32 @!p3 v17, $0x3;
	v15 =	vor.u32 @!p3 v15, v16;
	v16 =	vand.u32 @!p3 $0x7, v17  }
0x152: {  	v18 =	vmul.u32 @!p3 $0x8, v18;
	v16 =	vperm.xlane @!p3 v15, v16  }
0x153: {  	v17 =	vor.u32 @!p3 $0x8, v17  }
0x154: {  	v15 =	vperm.xlane @!p3 v15, v17;
	v16 =	vadd.s32 @!p3 v18, v16;
	_ =	sdelay $0x1  }
0x155: {  	v15 =	vadd.s32 @!p3 v18, v15;
	_ =	sdelay $0x1  }
0x156: {  	s0 =	simm.s32 @!p3 $0x0;
	vm1 =	vmmov @!p3 $0xffff;
	s3 =	simm.s32 @!p3 $0x12680  }
0x157: {  	[tilespmem:s3], [sflag:$0x2] =	stream.indirect_vreg.gather @!p3 [hbm4b:s2+s0], $0x80, v16, vm1, $0xb8;
	[tilespmem:$0x16680] =	vst v63  }
0x158: {  	s3 =	simm.s32 @!p3 $0x12E80  }
0x159: {  	[tilespmem:s3], [sflag:$0x2] =	stream.indirect_vreg.gather @!p3 [hbm4b:s2+s0], $0x80, v15, vm1, $0xb8;
	[tilespmem:$0x16680] =	vst v63  }
0x15a: {  	p0 =	por @!p1 $0x0, $0x0;
	p3 =	por @!p3 $0x1, $0x1  }
0x15b: {  	p5 =	por @!p1 $0x1, $0x1;
	p2 =	por !p2, p1;
	p4 =	por p3, p3  }
0x15c: {  	p3 =	por @!p2 p5, p5;
	p4 =	por @!p2 p0, p0;
	p0 =	por $0x1, $0x1  }
0x15d: {  	p0 =	por @!p1 p3, p3  }
0x15e: {  	s0 =	simm.s32 @!p0 $0x0  }
0x15f: {  	s0 =	simm.s32 @p0 $0x1;
	p0 =	por $0x1, $0x1  }
0x160: {  	p0 =	por @!p1 p3, p3  }
0x161: {  	p2 =	por $0x1, $0x1;
	[smem:$0x7FB] =	sst s0;
	s0 =	simm.s32 @!p0 $0x0  }
0x162: {  	p2 =	por @!p1 p3, p3;
	s0 =	simm.s32 @p0 $0x1  }
0x163: {  	p0 =	por $0x1, $0x1;
	[smem:$0x7F7] =	sst s0;
	s0 =	simm.s32 @!p2 $0x0  }
0x164: {  	p0 =	por @!p1 p3, p3;
	s0 =	simm.s32 @p2 $0x1  }
0x165: {  	p2 =	por $0x1, $0x1;
	[smem:$0x7F8] =	sst s0;
	s0 =	simm.s32 @!p0 $0x0  }
0x166: {  	p2 =	por @!p1 p3, p3;
	s0 =	simm.s32 @p0 $0x1;
	p0 =	por $0x0, $0x0  }
.Ltmp4:
0x167: {  	[smem:$0x7F9] =	sst s0;
	s0 =	simm.s32 @!p2 $0x0;
	(pc) =	sbr.rel .LBB2_7-.Ltmp4, $4  }
0x168: {  	p0 =	por @!p1 p3, p3;
	s0 =	simm.s32 @p2 $0x1  }
0x169: {  	[smem:$0x7FA] =	sst s0;
	s0 =	simm.s32 @!p0 $0x0  }
0x16a: {  	p6 =	por $0x0, $0x0;
	p5 =	por $0x1, $0x1;
	s0 =	simm.s32 @p0 $0x1  }
0x16b: {  	p5 =	por @!p1 p3, p3;
	p6 =	por @!p1 p4, p4;
	[smem:$0x7FC] =	sst s0  }
.LBB2_5:
0x16c: {  	p4 =	por p0, p0;
	p0 =	por $0x0, $0x0  }
0x16d: {  	s0 =	simm.s32 @!p0 $0x0  }
0x16e: {  	s0 =	simm.s32 @p0 $0x1  }
0x16f: {  	[smem:$0x7F8] =	sst s0  }
0x170: {  	s0 =	sld [smem:$0x7F8]  }
0x171: {  	s10 =	sld [smem:$0x7FD];
	_ =	sdelay $0x1  }
0x172: {  	p0 =	seq.s32 s0, $0x1;
	s0 =	simm.s32 @!p2 $0x0  }
0x173: {  	p4 =	por @!p4 $0x0, $0x0;
	s0 =	simm.s32 @p2 $0x1;
	p2 =	seq.s32 s10, $0x1  }
0x174: {  	p0 =	por @!p2 p4, p4  }
0x175: {  	[smem:$0x7F5] =	sst s0;
	s0 =	simm.s32 @!p0 $0x0  }
0x176: {  	s20 =	sld [smem:$0x7F5];
	s0 =	simm.s32 @p0 $0x1  }
0x177: {  	[smem:$0x7F8] =	sst s0  }
0x178: {  	s0 =	sld [smem:$0x7F8];
	_ =	sdelay $0x1  }
0x179: {  	p2 =	seq.s32 s20, $0x1  }
0x17a: {  	p0 =	por @!p2 $0x0, $0x0;
	p4 =	seq.s32 s0, $0x1  }
0x17b: {  	p4 =	por @!p2 p0, p0  }
0x17c: {  	s0 =	simm.s32 @!p4 $0x0  }
0x17d: {  	s0 =	simm.s32 @p4 $0x1  }
0x17e: {  	[smem:$0x7F7] =	sst s0;
	s0 =	simm.s32 @!p4 $0x0  }
0x17f: {  	s0 =	simm.s32 @p4 $0x1  }
0x180: {  	[smem:$0x7F9] =	sst s0  }
0x181: {  	s0 =	sld [smem:$0x7F9];
	_ =	sdelay $0x2  }
0x182: {  	p4 =	por @!p3 $0x0, $0x0;
	p0 =	seq.s32 s0, $0x1  }
0x183: {  	p0 =	por @!p3 p4, p4  }
0x184: {  	s21 =	sld [smem:$0x7F8];
	s0 =	simm.s32 @!p0 $0x0  }
0x185: {  	s25 =	sld [smem:$0x7F7];
	s0 =	simm.s32 @p0 $0x1  }
0x186: {  	[smem:$0x7F9] =	sst s0  }
0x187: {  	s3 =	sld [smem:$0x7F9]  }
0x188: {  	p4 =	seq.s32 s21, $0x1;
	p0 =	por @!p2 $0x1, $0x1  }
0x189: {  	p4 =	por @!p2 p0, p0;
	p0 =	seq.s32 s25, $0x1;
	p2 =	por @!p3 $0x1, $0x1  }
0x18a: {  	p0 =	por @!p3 p2, p2;
	p2 =	seq.s32 s3, $0x1  }
0x18b: {  	s0 =	simm.s32 @!p2 $0x0  }
0x18c: {  	s0 =	simm.s32 @p2 $0x1  }
0x18d: {  	[smem:$0x7F6] =	sst s0  }
0x18e: {  	s0 =	sld [smem:$0x7F6];
	_ =	sdelay $0x1  }
0x18f: {  	p2 =	por @!p3 $0x1, $0x1  }
0x190: {  	p4 =	por @!p3 p2, p2;
	p3 =	por @!p6 $0x0, $0x0;
	p2 =	seq.s32 s0, $0x1  }
0x191: {  	p2 =	por @!p6 p3, p3  }
0x192: {  	s0 =	simm.s32 @!p2 $0x0  }
0x193: {  	s6 =	sld [smem:$0x7F9];
	s0 =	simm.s32 @p2 $0x1  }
0x194: {  	[smem:$0x7F6] =	sst s0;
	s0 =	simm.s32 @!p2 $0x0  }
0x195: {  	p3 =	por @!p6 $0x1, $0x1;
	s0 =	simm.s32 @p2 $0x1  }
0x196: {  	p0 =	por @!p6 p3, p3;
	p4 =	por @!p6 p3, p3;
	[smem:$0x7FC] =	sst s0  }
0x197: {  	p3 =	por @!p6 $0x1, $0x1;
	p2 =	seq.s32 s6, $0x1;
	s10 =	sld [smem:$0x7FC]  }
0x198: {  	s20 =	sld [smem:$0x7F6];
	p2 =	por @!p6 p3, p3  }
0x199: {  	p6 =	por @!p5 $0x0, $0x0;
	s0 =	simm.s32 @!p2 $0x0  }
0x19a: {  	p3 =	por @!p5 $0x1, $0x1;
	s0 =	simm.s32 @p2 $0x1;
	p2 =	seq.s32 s10, $0x1  }
0x19b: {  	[smem:$0x7F9] =	sst s0;
	p2 =	por @!p5 p6, p6;
	p6 =	seq.s32 s20, $0x1  }
0x19c: {  	s21 =	sld [smem:$0x7F9];
	p6 =	por @!p5 p3, p3  }
0x19d: {  	s0 =	simm.s32 @!p6 $0x0  }
0x19e: {  	p3 =	por @!p5 $0x1, $0x1;
	s0 =	simm.s32 @p6 $0x1;
	p6 =	por @!p5 $0x1, $0x1  }
0x19f: {  	p0 =	por @!p5 p6, p6;
	p4 =	por @!p5 p6, p6;
	p6 =	seq.s32 s21, $0x1  }
0x1a0: {  	p6 =	por @!p5 p3, p3;
	p3 =	por @!p1 $0x1, $0x1  }
0x1a1: {  	[smem:$0x7F6] =	sst s0;
	p0 =	por @!p1 p3, p3  }
0x1a2: {  	s25 =	sld [smem:$0x7F6];
	s0 =	simm.s32 @!p0 $0x0  }
0x1a3: {  	p4 =	por @!p1 p3, p3;
	s0 =	simm.s32 @p0 $0x1  }
0x1a4: {  	p6 =	por @!p1 p3, p3;
	[smem:$0x7F7] =	sst s0;
	s0 =	simm.s32 @!p4 $0x0  }
0x1a5: {  	p5 =	seq.s32 s25, $0x1;
	p0 =	por @!p1 $0x0, $0x0;
	s0 =	simm.s32 @p4 $0x1  }
0x1a6: {  	p4 =	por p2, p2;
	[smem:$0x7F8] =	sst s0;
	s0 =	simm.s32 @!p6 $0x0  }
0x1a7: {  	p5 =	por @!p1 p3, p3;
	p4 =	por @!p1 p3, p3;
	s0 =	simm.s32 @p6 $0x1  }
0x1a8: {  	p3 =	por p2, p2;
	[smem:$0x7F9] =	sst s0;
	s0 =	simm.s32 @!p4 $0x0  }
0x1a9: {  	p3 =	por @!p1 p0, p0;
	s0 =	simm.s32 @p4 $0x1  }
0x1aa: {  	[smem:$0x7FA] =	sst s0;
	s0 =	simm.s32 @!p3 $0x0  }
0x1ab: {  	p6 =	por p2, p2;
	p2 =	por @!p1 p0, p0;
	s0 =	simm.s32 @p3 $0x1  }
0x1ac: {  	[smem:$0x7FB] =	sst s0;
	s0 =	simm.s32 @!p2 $0x0  }
0x1ad: {  	s0 =	simm.s32 @p2 $0x1  }
0x1ae: {  	p6 =	por @!p1 p0, p0;
	[smem:$0x7FC] =	sst s0  }
.LBB2_7:
0x1af: {  	_ =	swait.ge [sflag:s22], $0x1000  }
0x1b0: {  	p0 =	slt.s32 s31, $0x10;
	[sflag:s22] =	ssyncset.done $0x0  }
0x1b1: {  	s0 =	simm.s32 @!p0 $0x1;
	[sflag:s22] =	ssyncadd.s32 $0xFFFFF000  }
0x1b2: {  	p1 =	slt.u32 @!p0 s31, $0x20;
	_ =	swait.ge @!p0 [sflag:s0], $0x1000  }
0x1b3: {  	p1 =	por p0, p1;
	[sflag:s0] =	ssyncset.done @!p0 $0x0  }
0x1b4: {  	[sflag:s0] =	ssyncadd.s32 @!p0 $0xFFFFF000;
	s0 =	simm.s32 @!p1 $0x1  }
0x1b5: {  	p0 =	slt.u32 @!p1 s31, $0x30;
	_ =	swait.ge @!p1 [sflag:s0], $0x1000  }
0x1b6: {  	p0 =	por p1, p0;
	[sflag:s0] =	ssyncset.done @!p1 $0x0  }
0x1b7: {  	[sflag:s0] =	ssyncadd.s32 @!p1 $0xFFFFF000;
	p1 =	slt.u32 @!p0 s31, $0x40  }
0x1b8: {  	p1 =	por p0, p1  }
.Ltmp5:
0x1b9: {  	_ = 	snop;
	(pc) =	sbr.rel @p1 .LBB2_9-.Ltmp5, $4  }
0x1ba: {  	s0 =	simm.s32 @!p0 $0x1  }
0x1bb: {  	_ =	swait.ge @!p0 [sflag:s0], $0x1000  }
0x1bc: {  	[sflag:s0] =	ssyncset.done @!p0 $0x0  }
0x1bd: {  	[sflag:s0] =	ssyncadd.s32 @!p0 $0xFFFFF000  }
0x1be: {  	p1 =	slt.u32 s31, $0x50  }
0x1bf: {  	p2 =	slt.u32 @!p1 s31, $0x60  }
0x1c0: {  	s3 =	simm.s32 @!p5 $0x0;
	p3 =	por p2, p1  }
0x1c1: {  	_ =	swait.ge [sflag:s23], $0x1000;
	s3 =	simm.s32 @p5 $0x1;
	p5 =	slt.u32 @!p3 s31, $0x70  }
0x1c2: {  	[smem:$0x7F6] =	sst s3;
	s3 =	simm.s32 @!p5 $0x0  }
0x1c3: {  	[sflag:s23] =	ssyncset.done $0x0;
	s0 =	simm.s32 @!p1 $0x1;
	s3 =	simm.s32 @p5 $0x1  }
0x1c4: {  	p0 =	por @!p1 p5, p2;
	[smem:$0x7F4] =	sst s3;
	s3 =	simm.s32 @!p6 $0x0  }
0x1c5: {  	[sflag:s23] =	ssyncadd.s32 $0xFFFFF000;
	s3 =	simm.s32 @p6 $0x1;
	p6 =	por p0, p1  }
0x1c6: {  	_ =	swait.ge @!p1 [sflag:s0], $0x1000;
	p4 =	slt.u32 @!p6 s31, $0x80  }
0x1c7: {  	[smem:$0x7F3] =	sst s3;
	s3 =	simm.s32 @!p4 $0x0  }
0x1c8: {  	[sflag:s0] =	ssyncset.done @!p1 $0x0;
	s3 =	simm.s32 @p4 $0x1  }
0x1c9: {  	[sflag:s0] =	ssyncadd.s32 @!p1 $0xFFFFF000;
	s0 =	simm.s32 @!p3 $0x1;
	[smem:$0x7F2] =	sst s3  }
0x1ca: {  	_ =	swait.ge @!p3 [sflag:s0], $0x1000  }
0x1cb: {  	s10 =	sld [smem:$0x7F7];
	_ =	sdelay $0x2  }
0x1cc: {  	p0 =	seq.s32 s10, $0x1  }
0x1cd: {  	s3 =	simm.s32 @!p0 $0x0  }
0x1ce: {  	[sflag:s0] =	ssyncset.done @!p3 $0x0;
	s3 =	simm.s32 @p0 $0x1  }
0x1cf: {  	[sflag:s0] =	ssyncadd.s32 @!p3 $0xFFFFF000;
	s0 =	simm.s32 @!p6 $0x1;
	[smem:$0x7F7] =	sst s3  }
0x1d0: {  	_ =	swait.ge @!p6 [sflag:s0], $0x1000  }
0x1d1: {  	p0 =	por @!p3 p4, p5;
	s20 =	sld [smem:$0x7F2]  }
0x1d2: {  	p4 =	por @!p1 p0, p2;
	s25 =	sld [smem:$0x7F4]  }
0x1d3: {  	p4 =	por p4, p1  }
0x1d4: {  	p0 =	slt.u32 @!p4 s31, $0x90;
	[sflag:s0] =	ssyncset.done @!p6 $0x0;
	p5 =	seq.s32 s20, $0x1  }
0x1d5: {  	s21 =	sld [smem:$0x7F3];
	p0 =	por @!p6 p0, p5;
	p5 =	seq.s32 s25, $0x1  }
0x1d6: {  	[sflag:s0] =	ssyncadd.s32 @!p6 $0xFFFFF000;
	s0 =	simm.s32 @!p4 $0x1;
	p0 =	por @!p3 p0, p5  }
0x1d7: {  	s31 =	sld [smem:$0x7F6];
	_ =	swait.ge @!p4 [sflag:s0], $0x1000;
	p0 =	por @!p1 p0, p2  }
0x1d8: {  	[sflag:s0] =	ssyncset.done @!p4 $0x0;
	p0 =	por p0, p1  }
0x1d9: {  	[sflag:s0] =	ssyncadd.s32 @!p4 $0xFFFFF000;
	s0 =	simm.s32 @!p0 $0x1  }
0x1da: {  	_ =	swait.ge @!p0 [sflag:s0], $0x1000  }
0x1db: {  	[sflag:s0] =	ssyncset.done @!p0 $0x0  }
0x1dc: {  	p6 =	seq.s32 s21, $0x1;
	p5 =	seq.s32 s31, $0x1;
	[sflag:s0] =	ssyncadd.s32 @!p0 $0xFFFFF000  }
.LBB2_9:
0x1dd: {  	p0 =	slt.s32 s29, $0x1  }
.Ltmp6:
0x1de: {  	_ = 	snop;
	(pc) =	sbr.rel @p0 .LBB2_16-.Ltmp6, $2  }
0x1df: {  	_ =	sdelay $0x2  }
0x1e0: {  	s31 =	simm.s32 $0x0  }
0x1e1: {  	p0 =	sne.s32 s29, $0x1  }
.Ltmp7:
0x1e2: {  	_ = 	snop;
	(pc) =	sbr.rel @!p0 .LBB2_11-.Ltmp7, $2  }
0x1e3: {  	_ =	sdelay $0x2  }
0x1e4: {  	s0 =	simm.s32 $0x1;
	v30 =	vmov s31;
	p3 =	por $0x0, $0x0  }
0x1e5: {  	_ =	sdelay $0x3  }
0x1e6: {  	v15 =	vld.idx.msk [tilespmem:v30+s13+$0x0], $0xffff;
	_ =	sdelay $0x4  }
0x1e7: {  	v16 =	vshll.u32 v15, $0x8;
	v15 =	vshll.u32 v15, $0x7  }
0x1e8: {  	s3 =	sand.u32 $0xFFFFF800, s31;
	s6 =	sand.u32 $0x380, s31;
	v16 =	vand.u32 $0xFFFFF800, v16;
	v15 =	vand.u32 $0x380, v15  }
0x1e9: {  	s6 =	sor.u32 s6, s3;
	v30 =	vor.u32 v15, v16  }
0x1ea: {  	v15 =	vld [tilespmem:s6+$0x680];
	v16 =	vor.u32 v0, v30;
	_ =	sdelay $0x4  }
0x1eb: {  	[tilespmem:v16+s14+$0x0] =	vst.idx.add.f32.msk $0xffff, v15;
	v15 =	vor.u32 $0x10, v0  }
0x1ec: {  	v16 =	vld [tilespmem:s6+$0x690];
	v17 =	vor.u32 v15, v30;
	_ =	sdelay $0x4  }
0x1ed: {  	[tilespmem:v17+s14+$0x0] =	vst.idx.add.f32.msk $0xffff, v16;
	v16 =	vor.u32 $0x20, v0  }
0x1ee: {  	v17 =	vld [tilespmem:s6+$0x6A0];
	v18 =	vor.u32 v16, v30;
	_ =	sdelay $0x4  }
0x1ef: {  	[tilespmem:v18+s14+$0x0] =	vst.idx.add.f32.msk $0xffff, v17;
	v17 =	vor.u32 $0x30, v0  }
0x1f0: {  	v18 =	vld [tilespmem:s6+$0x6B0];
	v19 =	vor.u32 v17, v30;
	_ =	sdelay $0x4  }
0x1f1: {  	[tilespmem:v19+s14+$0x0] =	vst.idx.add.f32.msk $0xffff, v18;
	v18 =	vor.u32 $0x40, v0  }
0x1f2: {  	v19 =	vld [tilespmem:s6+$0x6C0];
	v20 =	vor.u32 v18, v30;
	_ =	sdelay $0x4  }
0x1f3: {  	[tilespmem:v20+s14+$0x0] =	vst.idx.add.f32.msk $0xffff, v19;
	v19 =	vor.u32 $0x50, v0  }
0x1f4: {  	v20 =	vld [tilespmem:s6+$0x6D0];
	v21 =	vor.u32 v19, v30;
	_ =	sdelay $0x4  }
0x1f5: {  	[tilespmem:v21+s14+$0x0] =	vst.idx.add.f32.msk $0xffff, v20;
	v20 =	vor.u32 $0x60, v0  }
0x1f6: {  	v21 =	vld [tilespmem:s6+$0x6E0];
	v22 =	vor.u32 v20, v30;
	_ =	sdelay $0x4  }
0x1f7: {  	[tilespmem:v22+s14+$0x0] =	vst.idx.add.f32.msk $0xffff, v21;
	v21 =	vor.u32 $0x70, v0  }
0x1f8: {  	v22 =	vld [tilespmem:s6+$0x6F0];
	v23 =	vor.u32 v21, v30;
	_ =	sdelay $0x4  }
0x1f9: {  	[tilespmem:v23+s14+$0x0] =	vst.idx.add.f32.msk $0xffff, v22;
	v22 =	vor.u32 $0x400, v0  }
0x1fa: {  	v23 =	vld [tilespmem:s6+$0xA80];
	v24 =	vor.u32 v22, v30;
	_ =	sdelay $0x4  }
0x1fb: {  	[tilespmem:v24+s14+$0x0] =	vst.idx.add.f32.msk $0xffff, v23;
	v23 =	vor.u32 $0x410, v0  }
0x1fc: {  	v24 =	vld [tilespmem:s6+$0xA90];
	v25 =	vor.u32 v23, v30;
	_ =	sdelay $0x4  }
0x1fd: {  	[tilespmem:v25+s14+$0x0] =	vst.idx.add.f32.msk $0xffff, v24;
	v24 =	vor.u32 $0x420, v0  }
0x1fe: {  	v25 =	vld [tilespmem:s6+$0xAA0];
	v26 =	vor.u32 v24, v30;
	_ =	sdelay $0x4  }
0x1ff: {  	[tilespmem:v26+s14+$0x0] =	vst.idx.add.f32.msk $0xffff, v25;
	v25 =	vor.u32 $0x430, v0  }
0x200: {  	v26 =	vld [tilespmem:s6+$0xAB0];
	v27 =	vor.u32 v25, v30;
	_ =	sdelay $0x4  }
0x201: {  	[tilespmem:v27+s14+$0x0] =	vst.idx.add.f32.msk $0xffff, v26;
	v26 =	vor.u32 $0x440, v0  }
0x202: {  	v27 =	vld [tilespmem:s6+$0xAC0];
	v28 =	vor.u32 v26, v30;
	_ =	sdelay $0x4  }
0x203: {  	[tilespmem:v28+s14+$0x0] =	vst.idx.add.f32.msk $0xffff, v27;
	v27 =	vor.u32 $0x450, v0  }
0x204: {  	v28 =	vld [tilespmem:s6+$0xAD0];
	v29 =	vor.u32 v27, v30;
	_ =	sdelay $0x4  }
0x205: {  	[tilespmem:v29+s14+$0x0] =	vst.idx.add.f32.msk $0xffff, v28;
	v28 =	vor.u32 $0x460, v0  }
0x206: {  	v29 =	vld [tilespmem:s6+$0xAE0];
	v31 =	vor.u32 v28, v30;
	_ =	sdelay $0x1  }
0x207: {  	p0 =	sne.s32 s29, $0x2  }
.Ltmp8:
0x208: {  	_ = 	snop;
	(pc) =	sbr.rel @!p0 .LBB2_13-.Ltmp8, $4  }
0x209: {  	_ = 	snop  }
0x20a: {  	[tilespmem:v31+s14+$0x0] =	vst.idx.add.f32.msk $0xffff, v29;
	v29 =	vor.u32 $0x470, v0  }
0x20b: {  	p3 =	por $0x1, $0x1;
	v31 =	vld [tilespmem:s6+$0xAF0];
	v32 =	vor.u32 v29, v30  }
0x20c: {  	s3 =	simm.s32 $0x2;
	v30 =	vmov s0;
	s0 =	simm.s32 $0x0;
	s6 =	simm.s32 $0x0  }
.LBB2_14:
0x20d: {  	_ =	sdelay $0x1  }
0x20e: {  	s0 =	sadd.s32 $0x80, s0  }
0x20f: {  	s6 =	sadd.s32 $0x100, s6;
	s10 =	smov.u32 s3;
	s3 =	sadd.s32 $0x1, s3;
	[tilespmem:v32+s14+$0x0] =	vst.idx.add.f32.msk $0xffff, v31  }
0x210: {  	p2 =	sne.s32 s29, s3;
	v30 =	vld.idx.msk [tilespmem:v30+s13+$0x0], $0xffff;
	_ =	sdelay $0x5  }
0x211: {  	v31 =	vshll.u32 v30, $0x8;
	v30 =	vshll.u32 v30, $0x7  }
0x212: {  	s20 =	sand.u32 $0xFFFFF800, s6;
	s25 =	sand.u32 $0x380, s0;
	v31 =	vand.u32 $0xFFFFF800, v31;
	v30 =	vand.u32 $0x380, v30  }
0x213: {  	s25 =	sor.u32 s25, s20;
	v30 =	vor.u32 v30, v31  }
0x214: {  	v32 =	vor.u32 v0, v30;
	v31 =	vld [tilespmem:s25+$0x680];
	_ =	sdelay $0x4  }
0x215: {  	[tilespmem:v32+s14+$0x0] =	vst.idx.add.f32.msk $0xffff, v31  }
0x216: {  	v32 =	vor.u32 v15, v30;
	v31 =	vld [tilespmem:s25+$0x690];
	_ =	sdelay $0x4  }
0x217: {  	[tilespmem:v32+s14+$0x0] =	vst.idx.add.f32.msk $0xffff, v31  }
0x218: {  	v32 =	vor.u32 v16, v30;
	v31 =	vld [tilespmem:s25+$0x6A0];
	_ =	sdelay $0x4  }
0x219: {  	[tilespmem:v32+s14+$0x0] =	vst.idx.add.f32.msk $0xffff, v31  }
0x21a: {  	v32 =	vor.u32 v17, v30;
	v31 =	vld [tilespmem:s25+$0x6B0];
	_ =	sdelay $0x4  }
0x21b: {  	[tilespmem:v32+s14+$0x0] =	vst.idx.add.f32.msk $0xffff, v31  }
0x21c: {  	v32 =	vor.u32 v18, v30;
	v31 =	vld [tilespmem:s25+$0x6C0];
	_ =	sdelay $0x4  }
0x21d: {  	[tilespmem:v32+s14+$0x0] =	vst.idx.add.f32.msk $0xffff, v31  }
0x21e: {  	v32 =	vor.u32 v19, v30;
	v31 =	vld [tilespmem:s25+$0x6D0];
	_ =	sdelay $0x4  }
0x21f: {  	[tilespmem:v32+s14+$0x0] =	vst.idx.add.f32.msk $0xffff, v31  }
0x220: {  	v32 =	vor.u32 v20, v30;
	v31 =	vld [tilespmem:s25+$0x6E0];
	_ =	sdelay $0x4  }
0x221: {  	[tilespmem:v32+s14+$0x0] =	vst.idx.add.f32.msk $0xffff, v31  }
0x222: {  	v32 =	vor.u32 v21, v30;
	v31 =	vld [tilespmem:s25+$0x6F0];
	_ =	sdelay $0x4  }
0x223: {  	[tilespmem:v32+s14+$0x0] =	vst.idx.add.f32.msk $0xffff, v31  }
0x224: {  	v32 =	vor.u32 v22, v30;
	v31 =	vld [tilespmem:s25+$0xA80];
	_ =	sdelay $0x4  }
0x225: {  	[tilespmem:v32+s14+$0x0] =	vst.idx.add.f32.msk $0xffff, v31  }
0x226: {  	v32 =	vor.u32 v23, v30;
	v31 =	vld [tilespmem:s25+$0xA90];
	_ =	sdelay $0x4  }
0x227: {  	[tilespmem:v32+s14+$0x0] =	vst.idx.add.f32.msk $0xffff, v31  }
0x228: {  	v32 =	vor.u32 v24, v30;
	v31 =	vld [tilespmem:s25+$0xAA0];
	_ =	sdelay $0x4  }
0x229: {  	[tilespmem:v32+s14+$0x0] =	vst.idx.add.f32.msk $0xffff, v31  }
0x22a: {  	v32 =	vor.u32 v25, v30;
	v31 =	vld [tilespmem:s25+$0xAB0];
	_ =	sdelay $0x4  }
0x22b: {  	[tilespmem:v32+s14+$0x0] =	vst.idx.add.f32.msk $0xffff, v31  }
0x22c: {  	v32 =	vor.u32 v26, v30;
	v31 =	vld [tilespmem:s25+$0xAC0];
	_ =	sdelay $0x4  }
0x22d: {  	[tilespmem:v32+s14+$0x0] =	vst.idx.add.f32.msk $0xffff, v31  }
0x22e: {  	v32 =	vor.u32 v27, v30;
	v31 =	vld [tilespmem:s25+$0xAD0];
	_ =	sdelay $0x4  }
0x22f: {  	[tilespmem:v32+s14+$0x0] =	vst.idx.add.f32.msk $0xffff, v31  }
0x230: {  	v32 =	vor.u32 v28, v30;
	v31 =	vld [tilespmem:s25+$0xAE0];
	_ =	sdelay $0x2  }
.Ltmp9:
0x231: {  	(pc) =	sbr.rel @p2 .LBB2_14-.Ltmp9, $4  }
0x232: {  	_ = 	snop  }
0x233: {  	[tilespmem:v32+s14+$0x0] =	vst.idx.add.f32.msk $0xffff, v31  }
0x234: {  	v32 =	vor.u32 v29, v30;
	v31 =	vld [tilespmem:s25+$0xAF0]  }
0x235: {  	v30 =	vmov s10  }
.LBB2_15:
0x236: {  	_ =	sdelay $0x3  }
0x237: {  	[tilespmem:v32+s14+$0x0] =	vst.idx.add.f32.msk @p3 $0xffff, v31  }
0x238: {  	v15 =	vld.idx.msk [tilespmem:v30+s13+$0x0], $0xffff;
	_ =	sdelay $0x3  }
0x239: {  	s0 =	sadd.s32 @p3 $0x80, s0;
	s3 =	sadd.s32 @p3 $0x100, s6;
	s6 =	simm.s32 $0x0  }
0x23a: {  	s6 =	smov.u32 @p3 s3;
	s31 =	smov.u32 @p3 s0;
	v16 =	vshll.u32 v15, $0x8;
	v15 =	vshll.u32 v15, $0x7  }
0x23b: {  	s29 =	sand.u32 $0xFFFFF800, s6;
	s31 =	sand.u32 $0x380, s31;
	v16 =	vand.u32 $0xFFFFF800, v16;
	v15 =	vand.u32 $0x380, v15  }
0x23c: {  	s0 =	sor.u32 s31, s29;
	v15 =	vor.u32 v15, v16  }
0x23d: {  	v48 =	vld [tilespmem:s0+$0x680];
	v17 =	vor.u32 v0, v15;
	_ =	sdelay $0x4  }
0x23e: {  	v49 =	vor.u32 $0x10, v0;
	[tilespmem:v17+s14+$0x0] =	vst.idx.add.f32.msk $0xffff, v48  }
0x23f: {  	v16 =	vor.u32 v49, v15;
	v17 =	vld [tilespmem:s0+$0x690];
	_ =	sdelay $0x4  }
0x240: {  	v50 =	vor.u32 $0x20, v0;
	[tilespmem:v16+s14+$0x0] =	vst.idx.add.f32.msk $0xffff, v17  }
0x241: {  	v16 =	vor.u32 v50, v15;
	v17 =	vld [tilespmem:s0+$0x6A0];
	_ =	sdelay $0x4  }
0x242: {  	v51 =	vor.u32 $0x30, v0;
	[tilespmem:v16+s14+$0x0] =	vst.idx.add.f32.msk $0xffff, v17  }
0x243: {  	v16 =	vor.u32 v51, v15;
	v17 =	vld [tilespmem:s0+$0x6B0];
	_ =	sdelay $0x4  }
0x244: {  	v52 =	vor.u32 $0x40, v0;
	[tilespmem:v16+s14+$0x0] =	vst.idx.add.f32.msk $0xffff, v17  }
0x245: {  	v16 =	vor.u32 v52, v15;
	v17 =	vld [tilespmem:s0+$0x6C0];
	_ =	sdelay $0x4  }
0x246: {  	v53 =	vor.u32 $0x50, v0;
	[tilespmem:v16+s14+$0x0] =	vst.idx.add.f32.msk $0xffff, v17  }
0x247: {  	v16 =	vor.u32 v53, v15;
	v17 =	vld [tilespmem:s0+$0x6D0];
	_ =	sdelay $0x4  }
0x248: {  	v54 =	vor.u32 $0x60, v0;
	[tilespmem:v16+s14+$0x0] =	vst.idx.add.f32.msk $0xffff, v17  }
0x249: {  	v16 =	vor.u32 v54, v15;
	v17 =	vld [tilespmem:s0+$0x6E0];
	_ =	sdelay $0x4  }
0x24a: {  	v55 =	vor.u32 $0x70, v0;
	[tilespmem:v16+s14+$0x0] =	vst.idx.add.f32.msk $0xffff, v17  }
0x24b: {  	v16 =	vor.u32 v55, v15;
	v17 =	vld [tilespmem:s0+$0x6F0];
	_ =	sdelay $0x4  }
0x24c: {  	v56 =	vor.u32 $0x400, v0;
	[tilespmem:v16+s14+$0x0] =	vst.idx.add.f32.msk $0xffff, v17  }
0x24d: {  	v16 =	vor.u32 v56, v15;
	v17 =	vld [tilespmem:s0+$0xA80];
	_ =	sdelay $0x4  }
0x24e: {  	v57 =	vor.u32 $0x410, v0;
	[tilespmem:v16+s14+$0x0] =	vst.idx.add.f32.msk $0xffff, v17  }
0x24f: {  	v16 =	vor.u32 v57, v15;
	v17 =	vld [tilespmem:s0+$0xA90];
	_ =	sdelay $0x4  }
0x250: {  	v58 =	vor.u32 $0x420, v0;
	[tilespmem:v16+s14+$0x0] =	vst.idx.add.f32.msk $0xffff, v17  }
0x251: {  	v16 =	vor.u32 v58, v15;
	v17 =	vld [tilespmem:s0+$0xAA0];
	_ =	sdelay $0x4  }
0x252: {  	v59 =	vor.u32 $0x430, v0;
	[tilespmem:v16+s14+$0x0] =	vst.idx.add.f32.msk $0xffff, v17  }
0x253: {  	v16 =	vor.u32 v59, v15;
	v17 =	vld [tilespmem:s0+$0xAB0];
	_ =	sdelay $0x4  }
0x254: {  	v60 =	vor.u32 $0x440, v0;
	[tilespmem:v16+s14+$0x0] =	vst.idx.add.f32.msk $0xffff, v17  }
0x255: {  	v16 =	vor.u32 v60, v15;
	v17 =	vld [tilespmem:s0+$0xAC0];
	_ =	sdelay $0x4  }
0x256: {  	v61 =	vor.u32 $0x450, v0;
	[tilespmem:v16+s14+$0x0] =	vst.idx.add.f32.msk $0xffff, v17  }
0x257: {  	v16 =	vor.u32 v61, v15;
	v17 =	vld [tilespmem:s0+$0xAD0];
	_ =	sdelay $0x4  }
0x258: {  	v62 =	vor.u32 $0x460, v0;
	[tilespmem:v16+s14+$0x0] =	vst.idx.add.f32.msk $0xffff, v17  }
0x259: {  	v16 =	vor.u32 v62, v15;
	v17 =	vld [tilespmem:s0+$0xAE0];
	_ =	sdelay $0x4  }
0x25a: {  	v63 =	vor.u32 $0x470, v0;
	[tilespmem:v16+s14+$0x0] =	vst.idx.add.f32.msk $0xffff, v17  }
0x25b: {  	v15 =	vor.u32 v63, v15;
	v17 =	vld [tilespmem:s0+$0xAF0];
	_ =	sdelay $0x4  }
0x25c: {  	[tilespmem:v15+s14+$0x0] =	vst.idx.add.f32.msk $0xffff, v17  }
.LBB2_16:
0x25d: {  	s0 =	simm.s32 $0x0  }
0x25e: {  	s3 =	sand.u32 $0x800, s0;
	s0 =	sand.u32 $0x380, s0  }
0x25f: {  	s3 =	sor.u32 s0, s3  }
0x260: {  	s0 =	sadd.s32 $0x14680, s3;
	v22 =	vld [tilespmem:s3+$0x14680]  }
0x261: {  	v16 =	vld [tilespmem:s0+$0x50]  }
0x262: {  	v17 =	vld [tilespmem:s0+$0x430]  }
0x263: {  	v18 =	vld [tilespmem:s0+$0x450]  }
0x264: {  	v15 =	vld [tilespmem:s0+$0x470]  }
0x265: {  	v19 =	vld [tilespmem:s0+$0x60];
	v22 =	vmul.f32 $1.000000010e-01, v22  }
0x266: {  	v20 =	vld [tilespmem:s0+$0x440];
	v16 =	vmul.f32 $1.000000010e-01, v16  }
0x267: {  	v23 =	vld [tilespmem:s0+$0x410];
	v17 =	vmul.f32 $1.000000010e-01, v17;
	[tilespmem:s3+$0x14680] =	vst v22  }
0x268: {  	v18 =	vmul.f32 $1.000000010e-01, v18;
	[tilespmem:s0+$0x50] =	vst v16;
	v16 =	vld [tilespmem:s0+$0x420]  }
0x269: {  	v15 =	vmul.f32 $1.000000010e-01, v15;
	[tilespmem:s0+$0x430] =	vst v17;
	v17 =	vld [tilespmem:s0+$0x70]  }
0x26a: {  	v19 =	vmul.f32 $1.000000010e-01, v19;
	[tilespmem:s0+$0x450] =	vst v18;
	v18 =	vld [tilespmem:s0+$0x400]  }
0x26b: {  	s6 =	simm.s32 $0x100;
	s20 =	simm.s32 $0x80;
	v21 =	vld [tilespmem:s0+$0x460];
	[tilespmem:s0+$0x470] =	vst v15;
	v15 =	vmul.f32 $1.000000010e-01, v20  }
0x26c: {  	s29 =	sand.u32 $0x800, s6;
	s31 =	sand.u32 $0x380, s20;
	v24 =	vld [tilespmem:s0+$0x40];
	[tilespmem:s0+$0x60] =	vst v19;
	v19 =	vmul.f32 $1.000000010e-01, v23  }
0x26d: {  	s6 =	sor.u32 s31, s29;
	v20 =	vld [tilespmem:s0+$0x10];
	[tilespmem:s0+$0x440] =	vst v15;
	v16 =	vmul.f32 $1.000000010e-01, v16  }
0x26e: {  	s10 =	sadd.s32 $0x14680, s6;
	v22 =	vld [tilespmem:s0+$0x30];
	[tilespmem:s0+$0x410] =	vst v19;
	v17 =	vmul.f32 $1.000000010e-01, v17  }
0x26f: {  	v15 =	vld [tilespmem:s10+$0x470];
	[tilespmem:s0+$0x420] =	vst v16;
	v16 =	vmul.f32 $1.000000010e-01, v18  }
0x270: {  	v21 =	vmul.f32 $1.000000010e-01, v21;
	v18 =	vld [tilespmem:s0+$0x20];
	[tilespmem:s0+$0x70] =	vst v17  }
0x271: {  	v23 =	vmul.f32 $1.000000010e-01, v24;
	v19 =	vld [tilespmem:s10+$0x50];
	[tilespmem:s0+$0x400] =	vst v16  }
0x272: {  	v17 =	vld [tilespmem:s10+$0x430];
	[tilespmem:s0+$0x460] =	vst v21  }
0x273: {  	s25 =	simm.s32 $0x200;
	s3 =	sshll.u32 s26, $0x1;
	[tilespmem:s0+$0x40] =	vst v23;
	v21 =	vmul.f32 $1.000000010e-01, v20;
	v20 =	vmul.f32 $1.000000010e-01, v22;
	v16 =	vld [tilespmem:s10+$0x450]  }
.LBB2_17:
0x274: {  	p2 =	sne.s32 s25, $0xF00  }
0x275: {  	v22 =	vld [tilespmem:s10+$0x60];
	s20 =	sadd.s32 $0x80, s20;
	[tilespmem:s0+$0x10] =	vst v21;
	v18 =	vmul.f32 $1.000000010e-01, v18;
	s29 =	smov.u32 s25;
	s25 =	sadd.s32 $0x100, s25  }
0x276: {  	s29 =	sand.u32 $0x800, s29;
	s31 =	sand.u32 $0x380, s20;
	v21 =	vld [tilespmem:s10+$0x440];
	[tilespmem:s0+$0x30] =	vst v20  }
0x277: {  	s29 =	sor.u32 s31, s29;
	v19 =	vmul.f32 $1.000000010e-01, v19;
	v20 =	vld [tilespmem:s10+$0x460];
	[tilespmem:s0+$0x20] =	vst v18;
	s0 =	smov.u32 s10  }
0x278: {  	v18 =	vld [tilespmem:s6+$0x14680];
	v17 =	vmul.f32 $1.000000010e-01, v17  }
0x279: {  	[tilespmem:s0+$0x50] =	vst v19;
	v19 =	vld [tilespmem:s0+$0x410]  }
0x27a: {  	v16 =	vmul.f32 $1.000000010e-01, v16;
	v22 =	vmul.f32 $1.000000010e-01, v22;
	v23 =	vld [tilespmem:s0+$0x420];
	[tilespmem:s0+$0x430] =	vst v17  }
0x27b: {  	v15 =	vmul.f32 $1.000000010e-01, v15;
	v17 =	vld [tilespmem:s0+$0x70]  }
0x27c: {  	v21 =	vmul.f32 $1.000000010e-01, v21;
	v24 =	vld [tilespmem:s0+$0x40];
	[tilespmem:s0+$0x450] =	vst v16;
	v16 =	vmul.f32 $1.000000010e-01, v20  }
0x27d: {  	v18 =	vmul.f32 $1.000000010e-01, v18;
	v20 =	vld [tilespmem:s0+$0x400];
	[tilespmem:s0+$0x470] =	vst v15  }
0x27e: {  	[tilespmem:s0+$0x60] =	vst v22;
	v19 =	vmul.f32 $1.000000010e-01, v19  }
0x27f: {  	s10 =	sadd.s32 $0x14680, s29;
	[tilespmem:s6+$0x14680] =	vst v18;
	v15 =	vmul.f32 $1.000000010e-01, v23;
	s6 =	smov.u32 s29  }
0x280: {  	v22 =	vld [tilespmem:s0+$0x10];
	v17 =	vmul.f32 $1.000000010e-01, v17;
	[tilespmem:s0+$0x440] =	vst v21  }
0x281: {  	v23 =	vld [tilespmem:s0+$0x30];
	v24 =	vmul.f32 $1.000000010e-01, v24;
	[tilespmem:s0+$0x420] =	vst v15  }
.Ltmp10:
0x282: {  	v18 =	vld [tilespmem:s0+$0x20];
	[tilespmem:s0+$0x70] =	vst v17;
	v17 =	vmul.f32 $1.000000010e-01, v20;
	(pc) =	sbr.rel @p2 .LBB2_17-.Ltmp10, $4  }
0x283: {  	v15 =	vld [tilespmem:s10+$0x470];
	[tilespmem:s0+$0x410] =	vst v19  }
0x284: {  	v19 =	vld [tilespmem:s10+$0x50];
	[tilespmem:s0+$0x400] =	vst v17  }
0x285: {  	v17 =	vld [tilespmem:s10+$0x430];
	v21 =	vmul.f32 $1.000000010e-01, v22;
	[tilespmem:s0+$0x460] =	vst v16  }
0x286: {  	v16 =	vld [tilespmem:s10+$0x450];
	v20 =	vmul.f32 $1.000000010e-01, v23;
	[tilespmem:s0+$0x40] =	vst v24  }
0x287: {  	[tilespmem:s0+$0x10] =	vst v21;
	v18 =	vmul.f32 $1.000000010e-01, v18  }
0x288: {  	v22 =	vld [tilespmem:s10+$0x60];
	[tilespmem:s0+$0x30] =	vst v20  }
0x289: {  	[tilespmem:s0+$0x20] =	vst v18  }
0x28a: {  	v15 =	vmul.f32 $1.000000010e-01, v15;
	v28 =	vld [tilespmem:s6+$0x14680]  }
0x28b: {  	v62 =	vld [tilespmem:s10+$0x440];
	v27 =	vmul.f32 $1.000000010e-01, v19  }
0x28c: {  	v29 =	vld [tilespmem:s10+$0x420];
	v17 =	vmul.f32 $1.000000010e-01, v17;
	[tilespmem:s10+$0x470] =	vst v15  }
0x28d: {  	v30 =	vld [tilespmem:s10+$0x70];
	[tilespmem:s10+$0x50] =	vst v27;
	v16 =	vmul.f32 $1.000000010e-01, v16  }
0x28e: {  	v32 =	vld [tilespmem:s10+$0x400];
	[tilespmem:s10+$0x430] =	vst v17;
	v22 =	vmul.f32 $1.000000010e-01, v22  }
0x28f: {  	v23 =	vld [tilespmem:s10+$0x410];
	[tilespmem:s10+$0x450] =	vst v16;
	v31 =	vmul.f32 $1.000000010e-01, v28  }
0x290: {  	v63 =	vld [tilespmem:s10+$0x460];
	v15 =	vmul.f32 $1.000000010e-01, v62;
	[tilespmem:s10+$0x60] =	vst v22  }
0x291: {  	v24 =	vld [tilespmem:s10+$0x40];
	v33 =	vmul.f32 $1.000000010e-01, v29;
	[tilespmem:s6+$0x14680] =	vst v31  }
0x292: {  	v17 =	vmul.f32 $1.000000010e-01, v30;
	[tilespmem:s10+$0x440] =	vst v15;
	v34 =	vld [tilespmem:s10+$0x10]  }
0x293: {  	v37 =	vmul.f32 $1.000000010e-01, v32;
	[tilespmem:s10+$0x420] =	vst v33;
	v35 =	vld [tilespmem:s10+$0x30]  }
0x294: {  	v15 =	vmul.f32 $1.000000010e-01, v23;
	[tilespmem:s10+$0x70] =	vst v17;
	v36 =	vld [tilespmem:s10+$0x20]  }
0x295: {  	v38 =	vmul.f32 $1.000000010e-01, v63;
	[tilespmem:s10+$0x400] =	vst v37  }
0x296: {  	[tilespmem:s10+$0x410] =	vst v15;
	v15 =	vmul.f32 $1.000000010e-01, v24  }
0x297: {  	[tilespmem:s10+$0x460] =	vst v38;
	v39 =	vmul.f32 $1.000000010e-01, v34  }
0x298: {  	s0 =	sadd.s32 $0x2, s3;
	[tilespmem:s10+$0x40] =	vst v15;
	v40 =	vmul.f32 $1.000000010e-01, v35  }
0x299: {  	s3 =	smin.u32 s0, $0x1F;
	v15 =	vmul.f32 $1.000000010e-01, v36;
	[tilespmem:s10+$0x10] =	vst v39  }
0x29a: {  	s25 =	sshll.u32 s26, $0xA;
	s3 =	sshll.u32 s3, $0x4;
	[tilespmem:s10+$0x30] =	vst v40  }
0x29b: {  	s6 =	sadd.s32 s25, s9;
	[tilespmem:s10+$0x20] =	vst v15;
	v15 =	vor.u32 s3, v0;
	s3 =	sor.u32 $0x1, s3  }
0x29c: {  	[hbm4b:s6+s5] =	stream.linear.scatter [tilespmem:s14], [sflag:$0x5], $0x1000, $0x38;
	v41 =	vadd.s32 s3, v0;
	[tilespmem:$0x16680] =	vst v63  }
0x29d: {  	_ =	swait.ge [sflag:s11], $0x1000  }
0x29e: {  	[sflag:s11] =	ssyncset.done $0x0  }
0x29f: {  	[sflag:s11] =	ssyncadd.s32 $0xFFFFF000  }
0x2a0: {  	v15 =	vld.idx.msk [tilespmem:v15+s5+$0x0], $0xffff  }
0x2a1: {  	v16 =	vld.idx.msk [tilespmem:v41+s5+$0x0], $0xffff;
	_ =	sdelay $0x4  }
0x2a2: {  	v16 =	vsub.s32 v16, v15  }
0x2a3: {  	vm1 =	vlt.s32 v16, $0x9  }
0x2a4: {  	v42 =	vnsel vm1, $0x9, v16  }
0x2a5: {  	(xrf0) =	vadd.scan.msk.s32 $0xffff, v42;
	_ =	sdelay $0x5  }
0x2a6: {  	vm1 =	vgt.s32 v16, $0x0;
	v43, _, _ =	vpop (xrf0)  }
0x2a7: {  	v17 =	vsub.s32 v43, v42  }
0x2a8: {  	vm2 =	vgt.s32 v16, $0x1  }
0x2a9: {  	v44 =	vadd.s32 $0x1, v17  }
0x2aa: {  	vm3 =	vlt.s32 v15, $0xFFFF;
	v45 =	vadd.s32 $0x1, v15;
	vm4 =	vgt.s32 v16, $0x2  }
0x2ab: {  	v46 =	vnsel vm3, $0xFFFF, v15;
	vm3 =	vlt.s32 v45, $0xFFFF;
	v47 =	vadd.s32 $0x2, v17  }
0x2ac: {  	v20 =	vnsel vm3, $0xFFFF, v45;
	vm3 =	vgt.s32 v16, $0x3;
	(v2sf) =	vpush v43, $0xF;
	[tilespmem:v17+s12+$0x0] =	vst.idx.msk vm1, v46  }
0x2ad: {  	v48 =	vadd.s32 $0x2, v15;
	v49 =	vadd.s32 $0x3, v17;
	[tilespmem:v17+s13+$0x0] =	vst.idx.msk vm1, v0  }
0x2ae: {  	vm5 =	vgt.s32 v16, $0x4;
	vm1 =	vlt.s32 v48, $0xFFFF;
	[tilespmem:v44+s12+$0x0] =	vst.idx.msk vm2, v20  }
0x2af: {  	v51 =	vadd.s32 $0x3, v15;
	v52 =	vadd.s32 $0x4, v17;
	v50 =	vnsel vm1, $0xFFFF, v48;
	[tilespmem:v44+s13+$0x0] =	vst.idx.msk vm2, v0  }
0x2b0: {  	vm1 =	vlt.s32 v51, $0xFFFF;
	vm2 =	vgt.s32 v16, $0x5;
	[tilespmem:v47+s12+$0x0] =	vst.idx.msk vm4, v50  }
0x2b1: {  	v54 =	vadd.s32 $0x4, v15;
	v55 =	vadd.s32 $0x5, v17;
	v53 =	vnsel vm1, $0xFFFF, v51;
	[tilespmem:v47+s13+$0x0] =	vst.idx.msk vm4, v0  }
0x2b2: {  	vm15 =	vgt.s32 v16, $0x6;
	vm1 =	vlt.s32 v54, $0xFFFF;
	[tilespmem:v49+s12+$0x0] =	vst.idx.msk vm3, v53  }
0x2b3: {  	v57 =	vadd.s32 $0x5, v15;
	v58 =	vadd.s32 $0x6, v17;
	v56 =	vnsel vm1, $0xFFFF, v54;
	[tilespmem:v49+s13+$0x0] =	vst.idx.msk vm3, v0  }
0x2b4: {  	v59 =	vadd.s32 $0x6, v15;
	vm1 =	vlt.s32 v57, $0xFFFF;
	vm3 =	vgt.s32 v16, $0x7;
	[tilespmem:v52+s12+$0x0] =	vst.idx.msk vm5, v56  }
0x2b5: {  	v60 =	vadd.s32 $0x7, v17;
	v20 =	vnsel vm1, $0xFFFF, v57;
	vm1 =	vlt.s32 v59, $0xFFFF;
	[tilespmem:v52+s13+$0x0] =	vst.idx.msk vm5, v0  }
0x2b6: {  	v19 =	vnsel vm1, $0xFFFF, v59;
	vm1 =	vgt.s32 v16, $0x8;
	[tilespmem:v55+s12+$0x0] =	vst.idx.msk vm2, v20  }
0x2b7: {  	v61 =	vadd.s32 $0x7, v15;
	v18 =	vbroadcast v43, $0xF;
	v17 =	vadd.s32 $0x8, v17;
	[tilespmem:v55+s13+$0x0] =	vst.idx.msk vm2, v0  }
0x2b8: {  	vm2 =	vlt.s32 v61, $0xFFFF;
	[tilespmem:v58+s12+$0x0] =	vst.idx.msk vm15, v19  }
0x2b9: {  	v62 =	vadd.s32 $0x8, v15;
	v18 =	vadd.s32 v0, v18;
	v16 =	vnsel vm2, $0xFFFF, v61;
	[tilespmem:v58+s13+$0x0] =	vst.idx.msk vm15, v0  }
0x2ba: {  	vm2 =	vlt.s32 v62, $0xFFFF;
	[tilespmem:v60+s12+$0x0] =	vst.idx.msk vm3, v16  }
0x2bb: {  	p0 =	seq.s32 s26, $0xF;
	v15 =	vadd.s32 v0, v15;
	s29 =	spop (v2sf);
	v63 =	vnsel vm2, $0xFFFF, v62;
	[tilespmem:v60+s13+$0x0] =	vst.idx.msk vm3, v0  }
0x2bc: {  	s0 =	sshll.u32 @!p0 s0, $0x9;
	s31 =	sadd.s32 $0xF, s29;
	vm2 =	vlt.s32 v15, $0xFFFF;
	[tilespmem:v17+s12+$0x0] =	vst.idx.msk vm1, v63  }
0x2bd: {  	s0 =	sadd.s32 @!p0 s0, s8;
	p1 =	slt.s32 @!p0 s31, $0x10;
	v15 =	vnsel vm2, $0xFFFF, v15;
	[tilespmem:v17+s13+$0x0] =	vst.idx.msk vm1, v0  }
0x2be: {  	s3 =	simm.s32 @!p0 $0x0;
	s6 =	simm.s32 @!p0 $0x14680;
	p1 =	por p0, p1;
	[tilespmem:v18+s12+$0x0] =	vst.idx.msk $0xffff, v15  }
0x2bf: {  	[tilespmem:s6], [sflag:$0x3] =	stream.linear.gather @!p0 [hbm4b:s0+s3], $0x1000, $0x38;
	[tilespmem:$0x16680] =	vst v63  }
0x2c0: {  	v15 =	vld @!p1 [tilespmem:$0x280];
	_ =	sdelay $0x4  }
0x2c1: {  	v16 =	vshll.u32 @!p1 v15, $0x1  }
0x2c2: {  	v17 =	vlaneseq.u32 @!p1;
	v15 =	vand.u32 @!p1 $0x7, v15;
	v16 =	vand.u32 @!p1 $0xFFFFFFF0, v16  }
0x2c3: {  	v18 =	vshrl.u32 @!p1 v17, $0x3;
	v15 =	vor.u32 @!p1 v15, v16;
	v16 =	vand.u32 @!p1 $0x7, v17  }
0x2c4: {  	v18 =	vmul.u32 @!p1 $0x8, v18;
	v16 =	vperm.xlane @!p1 v15, v16  }
0x2c5: {  	v17 =	vor.u32 @!p1 $0x8, v17  }
0x2c6: {  	v15 =	vperm.xlane @!p1 v15, v17;
	v16 =	vadd.s32 @!p1 v18, v16;
	_ =	sdelay $0x1  }
0x2c7: {  	v15 =	vadd.s32 @!p1 v18, v15;
	_ =	sdelay $0x1  }
0x2c8: {  	vm1 =	vmmov @!p1 $0xffff;
	s0 =	simm.s32 @!p1 $0x0;
	s3 =	simm.s32 @!p1 $0x680  }
0x2c9: {  	[tilespmem:s3], [sflag:$0x1] =	stream.indirect_vreg.gather @!p1 [hbm4b:s2+s0], $0x80, v16, vm1, $0xb8;
	[tilespmem:$0x16680] =	vst v63  }
0x2ca: {  	p0 =	slt.u32 @!p1 s31, $0x20;
	s3 =	simm.s32 @!p1 $0xE80  }
0x2cb: {  	[tilespmem:s3], [sflag:$0x1] =	stream.indirect_vreg.gather @!p1 [hbm4b:s2+s0], $0x80, v15, vm1, $0xb8;
	[tilespmem:$0x16680] =	vst v63  }
0x2cc: {  	p1 =	por p1, p0  }
0x2cd: {  	v15 =	vld @!p1 [tilespmem:$0x290];
	_ =	sdelay $0x4  }
0x2ce: {  	v16 =	vshll.u32 @!p1 v15, $0x1  }
0x2cf: {  	v17 =	vlaneseq.u32 @!p1;
	v15 =	vand.u32 @!p1 $0x7, v15;
	v16 =	vand.u32 @!p1 $0xFFFFFFF0, v16  }
0x2d0: {  	v18 =	vshrl.u32 @!p1 v17, $0x3;
	v15 =	vor.u32 @!p1 v15, v16;
	v16 =	vand.u32 @!p1 $0x7, v17  }
0x2d1: {  	v18 =	vmul.u32 @!p1 $0x8, v18;
	v16 =	vperm.xlane @!p1 v15, v16  }
0x2d2: {  	v17 =	vor.u32 @!p1 $0x8, v17  }
0x2d3: {  	v15 =	vperm.xlane @!p1 v15, v17;
	v16 =	vadd.s32 @!p1 v18, v16;
	_ =	sdelay $0x1  }
0x2d4: {  	v15 =	vadd.s32 @!p1 v18, v15;
	_ =	sdelay $0x1  }
0x2d5: {  	vm1 =	vmmov @!p1 $0xffff;
	s0 =	simm.s32 @!p1 $0x0;
	s3 =	simm.s32 @!p1 $0x1680  }
0x2d6: {  	[tilespmem:s3], [sflag:$0x1] =	stream.indirect_vreg.gather @!p1 [hbm4b:s2+s0], $0x80, v16, vm1, $0xb8;
	[tilespmem:$0x16680] =	vst v63  }
0x2d7: {  	p0 =	slt.u32 @!p1 s31, $0x30;
	s3 =	simm.s32 @!p1 $0x1E80  }
0x2d8: {  	[tilespmem:s3], [sflag:$0x1] =	stream.indirect_vreg.gather @!p1 [hbm4b:s2+s0], $0x80, v15, vm1, $0xb8;
	[tilespmem:$0x16680] =	vst v63  }
0x2d9: {  	p1 =	por p1, p0  }
0x2da: {  	v15 =	vld @!p1 [tilespmem:$0x2A0];
	_ =	sdelay $0x4  }
0x2db: {  	v16 =	vshll.u32 @!p1 v15, $0x1  }
0x2dc: {  	v17 =	vlaneseq.u32 @!p1;
	v15 =	vand.u32 @!p1 $0x7, v15;
	v16 =	vand.u32 @!p1 $0xFFFFFFF0, v16  }
0x2dd: {  	v18 =	vshrl.u32 @!p1 v17, $0x3;
	v15 =	vor.u32 @!p1 v15, v16;
	v16 =	vand.u32 @!p1 $0x7, v17  }
0x2de: {  	v18 =	vmul.u32 @!p1 $0x8, v18;
	v16 =	vperm.xlane @!p1 v15, v16  }
0x2df: {  	v17 =	vor.u32 @!p1 $0x8, v17  }
0x2e0: {  	v15 =	vperm.xlane @!p1 v15, v17;
	v16 =	vadd.s32 @!p1 v18, v16;
	_ =	sdelay $0x1  }
0x2e1: {  	v15 =	vadd.s32 @!p1 v18, v15;
	_ =	sdelay $0x1  }
0x2e2: {  	vm1 =	vmmov @!p1 $0xffff;
	s0 =	simm.s32 @!p1 $0x0;
	s3 =	simm.s32 @!p1 $0x2680  }
0x2e3: {  	[tilespmem:s3], [sflag:$0x1] =	stream.indirect_vreg.gather @!p1 [hbm4b:s2+s0], $0x80, v16, vm1, $0xb8;
	[tilespmem:$0x16680] =	vst v63  }
0x2e4: {  	p0 =	slt.u32 @!p1 s31, $0x40;
	s3 =	simm.s32 @!p1 $0x2E80  }
0x2e5: {  	[tilespmem:s3], [sflag:$0x1] =	stream.indirect_vreg.gather @!p1 [hbm4b:s2+s0], $0x80, v15, vm1, $0xb8;
	[tilespmem:$0x16680] =	vst v63  }
0x2e6: {  	p1 =	por p1, p0  }
0x2e7: {  	v15 =	vld @!p1 [tilespmem:$0x2B0];
	_ =	sdelay $0x4  }
0x2e8: {  	v16 =	vshll.u32 @!p1 v15, $0x1  }
0x2e9: {  	v17 =	vlaneseq.u32 @!p1;
	v15 =	vand.u32 @!p1 $0x7, v15;
	v16 =	vand.u32 @!p1 $0xFFFFFFF0, v16  }
0x2ea: {  	v18 =	vshrl.u32 @!p1 v17, $0x3;
	v15 =	vor.u32 @!p1 v15, v16;
	v16 =	vand.u32 @!p1 $0x7, v17  }
0x2eb: {  	v18 =	vmul.u32 @!p1 $0x8, v18;
	v16 =	vperm.xlane @!p1 v15, v16  }
0x2ec: {  	v17 =	vor.u32 @!p1 $0x8, v17  }
0x2ed: {  	v15 =	vperm.xlane @!p1 v15, v17;
	v16 =	vadd.s32 @!p1 v18, v16;
	_ =	sdelay $0x1  }
0x2ee: {  	v15 =	vadd.s32 @!p1 v18, v15;
	_ =	sdelay $0x1  }
0x2ef: {  	vm1 =	vmmov @!p1 $0xffff;
	s0 =	simm.s32 @!p1 $0x0;
	s3 =	simm.s32 @!p1 $0x3680  }
0x2f0: {  	[tilespmem:s3], [sflag:$0x1] =	stream.indirect_vreg.gather @!p1 [hbm4b:s2+s0], $0x80, v16, vm1, $0xb8;
	[tilespmem:$0x16680] =	vst v63  }
0x2f1: {  	p0 =	slt.u32 @!p1 s31, $0x50;
	s3 =	simm.s32 @!p1 $0x3E80  }
0x2f2: {  	[tilespmem:s3], [sflag:$0x1] =	stream.indirect_vreg.gather @!p1 [hbm4b:s2+s0], $0x80, v15, vm1, $0xb8;
	[tilespmem:$0x16680] =	vst v63  }
0x2f3: {  	p1 =	por p1, p0  }
0x2f4: {  	v15 =	vld @!p1 [tilespmem:$0x2C0];
	_ =	sdelay $0x4  }
0x2f5: {  	v16 =	vshll.u32 @!p1 v15, $0x1  }
0x2f6: {  	v17 =	vlaneseq.u32 @!p1;
	v15 =	vand.u32 @!p1 $0x7, v15;
	v16 =	vand.u32 @!p1 $0xFFFFFFF0, v16  }
0x2f7: {  	v18 =	vshrl.u32 @!p1 v17, $0x3;
	v15 =	vor.u32 @!p1 v15, v16;
	v16 =	vand.u32 @!p1 $0x7, v17  }
0x2f8: {  	v18 =	vmul.u32 @!p1 $0x8, v18;
	v16 =	vperm.xlane @!p1 v15, v16  }
0x2f9: {  	v17 =	vor.u32 @!p1 $0x8, v17  }
0x2fa: {  	v15 =	vperm.xlane @!p1 v15, v17;
	v16 =	vadd.s32 @!p1 v18, v16;
	_ =	sdelay $0x1  }
0x2fb: {  	v15 =	vadd.s32 @!p1 v18, v15;
	_ =	sdelay $0x1  }
0x2fc: {  	vm1 =	vmmov @!p1 $0xffff;
	s0 =	simm.s32 @!p1 $0x0;
	s3 =	simm.s32 @!p1 $0x4680  }
0x2fd: {  	[tilespmem:s3], [sflag:$0x1] =	stream.indirect_vreg.gather @!p1 [hbm4b:s2+s0], $0x80, v16, vm1, $0xb8;
	[tilespmem:$0x16680] =	vst v63  }
0x2fe: {  	p0 =	slt.u32 @!p1 s31, $0x60;
	s3 =	simm.s32 @!p1 $0x4E80  }
0x2ff: {  	[tilespmem:s3], [sflag:$0x1] =	stream.indirect_vreg.gather @!p1 [hbm4b:s2+s0], $0x80, v15, vm1, $0xb8;
	[tilespmem:$0x16680] =	vst v63  }
0x300: {  	p1 =	por p1, p0  }
0x301: {  	v15 =	vld @!p1 [tilespmem:$0x2D0];
	_ =	sdelay $0x4  }
0x302: {  	v16 =	vshll.u32 @!p1 v15, $0x1  }
0x303: {  	v17 =	vlaneseq.u32 @!p1;
	v15 =	vand.u32 @!p1 $0x7, v15;
	v16 =	vand.u32 @!p1 $0xFFFFFFF0, v16  }
0x304: {  	v18 =	vshrl.u32 @!p1 v17, $0x3;
	v15 =	vor.u32 @!p1 v15, v16;
	v16 =	vand.u32 @!p1 $0x7, v17  }
0x305: {  	v18 =	vmul.u32 @!p1 $0x8, v18;
	v16 =	vperm.xlane @!p1 v15, v16  }
0x306: {  	v17 =	vor.u32 @!p1 $0x8, v17  }
0x307: {  	v15 =	vperm.xlane @!p1 v15, v17;
	v16 =	vadd.s32 @!p1 v18, v16  }
0x308: {  	p0 =	slt.u32 @!p1 s31, $0x70  }
0x309: {  	p0 =	por p1, p0;
	v15 =	vadd.s32 @!p1 v18, v15  }
.Ltmp11:
0x30a: {  	_ = 	snop;
	(pc) =	sbr.rel @p0 .LBB2_20-.Ltmp11, $4  }
0x30b: {  	vm1 =	vmmov @!p1 $0xffff;
	s0 =	simm.s32 @!p1 $0x0;
	s3 =	simm.s32 @!p1 $0x5680  }
0x30c: {  	[tilespmem:s3], [sflag:$0x1] =	stream.indirect_vreg.gather @!p1 [hbm4b:s2+s0], $0x80, v16, vm1, $0xb8;
	[tilespmem:$0x16680] =	vst v63  }
0x30d: {  	s3 =	simm.s32 @!p1 $0x5E80  }
0x30e: {  	[tilespmem:s3], [sflag:$0x1] =	stream.indirect_vreg.gather @!p1 [hbm4b:s2+s0], $0x80, v15, vm1, $0xb8;
	[tilespmem:$0x16680] =	vst v63  }
0x30f: {  	v15 =	vld [tilespmem:$0x2E0];
	_ =	sdelay $0x4  }
0x310: {  	v16 =	vshll.u32 v15, $0x1  }
0x311: {  	v15 =	vand.u32 $0x7, v15;
	v16 =	vand.u32 $0xFFFFFFF0, v16  }
0x312: {  	v15 =	vor.u32 v15, v16  }
0x313: {  	v16 =	vperm.xlane v15, v12;
	_ =	sdelay $0x1  }
0x314: {  	v15 =	vperm.xlane v15, v14;
	v16 =	vadd.s32 v13, v16;
	_ =	sdelay $0x1  }
0x315: {  	v15 =	vadd.s32 v13, v15;
	_ =	sdelay $0x2  }
0x316: {  	[tilespmem:s15], [sflag:$0x1] =	stream.indirect_vreg.gather [hbm4b:s2+s5], $0x80, v16, vm0, $0xb8;
	[tilespmem:$0x16680] =	vst v63  }
0x317: {  	p1 =	slt.u32 s31, $0x80  }
0x318: {  	[tilespmem:s16], [sflag:$0x1] =	stream.indirect_vreg.gather [hbm4b:s2+s5], $0x80, v15, vm0, $0xb8;
	[tilespmem:$0x16680] =	vst v63  }
0x319: {  	v15 =	vld @!p1 [tilespmem:$0x2F0];
	_ =	sdelay $0x4  }
0x31a: {  	v16 =	vshll.u32 @!p1 v15, $0x1  }
0x31b: {  	v17 =	vlaneseq.u32 @!p1;
	v15 =	vand.u32 @!p1 $0x7, v15;
	v16 =	vand.u32 @!p1 $0xFFFFFFF0, v16  }
0x31c: {  	v18 =	vshrl.u32 @!p1 v17, $0x3;
	v15 =	vor.u32 @!p1 v15, v16;
	v16 =	vand.u32 @!p1 $0x7, v17  }
0x31d: {  	v18 =	vmul.u32 @!p1 $0x8, v18;
	v16 =	vperm.xlane @!p1 v15, v16  }
0x31e: {  	v17 =	vor.u32 @!p1 $0x8, v17  }
0x31f: {  	v15 =	vperm.xlane @!p1 v15, v17;
	v16 =	vadd.s32 @!p1 v18, v16;
	_ =	sdelay $0x1  }
0x320: {  	v15 =	vadd.s32 @!p1 v18, v15;
	_ =	sdelay $0x1  }
0x321: {  	vm1 =	vmmov @!p1 $0xffff;
	s0 =	simm.s32 @!p1 $0x0;
	s3 =	simm.s32 @!p1 $0x7680  }
0x322: {  	[tilespmem:s3], [sflag:$0x1] =	stream.indirect_vreg.gather @!p1 [hbm4b:s2+s0], $0x80, v16, vm1, $0xb8;
	[tilespmem:$0x16680] =	vst v63  }
0x323: {  	p0 =	slt.u32 @!p1 s31, $0x90;
	s3 =	simm.s32 @!p1 $0x7E80  }
0x324: {  	[tilespmem:s3], [sflag:$0x1] =	stream.indirect_vreg.gather @!p1 [hbm4b:s2+s0], $0x80, v15, vm1, $0xb8;
	[tilespmem:$0x16680] =	vst v63  }
0x325: {  	p1 =	por p0, p1  }
0x326: {  	v15 =	vld @!p1 [tilespmem:$0x300];
	_ =	sdelay $0x4  }
0x327: {  	v16 =	vshll.u32 @!p1 v15, $0x1  }
0x328: {  	v17 =	vlaneseq.u32 @!p1;
	v15 =	vand.u32 @!p1 $0x7, v15;
	v16 =	vand.u32 @!p1 $0xFFFFFFF0, v16  }
0x329: {  	v18 =	vshrl.u32 @!p1 v17, $0x3;
	v15 =	vor.u32 @!p1 v15, v16;
	v16 =	vand.u32 @!p1 $0x7, v17  }
0x32a: {  	v18 =	vmul.u32 @!p1 $0x8, v18;
	v16 =	vperm.xlane @!p1 v15, v16  }
0x32b: {  	v17 =	vor.u32 @!p1 $0x8, v17  }
0x32c: {  	v15 =	vperm.xlane @!p1 v15, v17;
	v16 =	vadd.s32 @!p1 v18, v16;
	_ =	sdelay $0x1  }
0x32d: {  	v15 =	vadd.s32 @!p1 v18, v15;
	_ =	sdelay $0x1  }
0x32e: {  	vm1 =	vmmov @!p1 $0xffff;
	s0 =	simm.s32 @!p1 $0x0;
	s3 =	simm.s32 @!p1 $0x8680  }
0x32f: {  	[tilespmem:s3], [sflag:$0x1] =	stream.indirect_vreg.gather @!p1 [hbm4b:s2+s0], $0x80, v16, vm1, $0xb8;
	[tilespmem:$0x16680] =	vst v63  }
0x330: {  	s3 =	simm.s32 @!p1 $0x8E80  }
0x331: {  	[tilespmem:s3], [sflag:$0x1] =	stream.indirect_vreg.gather @!p1 [hbm4b:s2+s0], $0x80, v15, vm1, $0xb8;
	[tilespmem:$0x16680] =	vst v63  }
.LBB2_20:
0x332: {  	_ =	swait.ge [sflag:s24], $0x1000  }
0x333: {  	s0 =	sld [smem:$0x7FD];
	_ =	sdelay $0x2  }
0x334: {  	[sflag:s24] =	ssyncset.done $0x0;
	p0 =	seq.s32 s0, $0x1  }
0x335: {  	[sflag:s24] =	ssyncadd.s32 $0xFFFFF000;
	s0 =	simm.s32 @!p0 $0x2  }
0x336: {  	_ =	swait.ge @!p0 [sflag:s0], $0x1000  }
0x337: {  	s3 =	sld [smem:$0x7F8];
	_ =	sdelay $0x1  }
0x338: {  	[sflag:s0] =	ssyncset.done @!p0 $0x0  }
0x339: {  	[sflag:s0] =	ssyncadd.s32 @!p0 $0xFFFFF000;
	p0 =	seq.s32 s3, $0x1  }
0x33a: {  	s0 =	simm.s32 @p0 $0x2  }
0x33b: {  	_ =	swait.ge @p0 [sflag:s0], $0x1000  }
0x33c: {  	s6 =	sld [smem:$0x7F7];
	_ =	sdelay $0x2  }
0x33d: {  	[sflag:s0] =	ssyncset.done @p0 $0x0;
	p4 =	seq.s32 s6, $0x1  }
0x33e: {  	[sflag:s0] =	ssyncadd.s32 @p0 $0xFFFFF000;
	s0 =	simm.s32 @p4 $0x2  }
0x33f: {  	_ =	swait.ge @p4 [sflag:s0], $0x1000  }
0x340: {  	s10 =	sld [smem:$0x7F9];
	_ =	sdelay $0x2  }
0x341: {  	[sflag:s0] =	ssyncset.done @p4 $0x0;
	p0 =	seq.s32 s10, $0x1  }
0x342: {  	[sflag:s0] =	ssyncadd.s32 @p4 $0xFFFFF000;
	s0 =	simm.s32 @p0 $0x2  }
0x343: {  	_ =	swait.ge @p0 [sflag:s0], $0x1000  }
0x344: {  	[sflag:s0] =	ssyncset.done @p0 $0x0  }
0x345: {  	[sflag:s0] =	ssyncadd.s32 @p0 $0xFFFFF000;
	s0 =	simm.s32 @p5 $0x2  }
0x346: {  	_ =	swait.ge @p5 [sflag:s0], $0x1000  }
0x347: {  	s20 =	sld [smem:$0x7FA];
	_ =	sdelay $0x2  }
0x348: {  	[sflag:s0] =	ssyncset.done @p5 $0x0;
	p0 =	seq.s32 s20, $0x1  }
0x349: {  	[sflag:s0] =	ssyncadd.s32 @p5 $0xFFFFF000;
	s0 =	simm.s32 @p0 $0x2  }
0x34a: {  	_ =	swait.ge @p0 [sflag:s0], $0x1000  }
0x34b: {  	s21 =	sld [smem:$0x7FB];
	_ =	sdelay $0x1  }
0x34c: {  	[sflag:s0] =	ssyncset.done @p0 $0x0  }
0x34d: {  	[sflag:s0] =	ssyncadd.s32 @p0 $0xFFFFF000;
	p0 =	seq.s32 s21, $0x1  }
0x34e: {  	s0 =	simm.s32 @p0 $0x2  }
0x34f: {  	_ =	swait.ge @p0 [sflag:s0], $0x1000  }
0x350: {  	s25 =	sld [smem:$0x7FC];
	_ =	sdelay $0x1  }
0x351: {  	[sflag:s0] =	ssyncset.done @p0 $0x0  }
0x352: {  	[sflag:s0] =	ssyncadd.s32 @p0 $0xFFFFF000;
	p0 =	seq.s32 s25, $0x1  }
0x353: {  	s0 =	simm.s32 @p0 $0x2  }
0x354: {  	_ =	swait.ge @p0 [sflag:s0], $0x1000  }
0x355: {  	[sflag:s0] =	ssyncset.done @p0 $0x0  }
0x356: {  	[sflag:s0] =	ssyncadd.s32 @p0 $0xFFFFF000;
	p0 =	slt.s32 s30, $0x1  }
.Ltmp12:
0x357: {  	_ = 	snop;
	(pc) =	sbr.rel @p0 .LBB2_27-.Ltmp12, $4  }
0x358: {  	s0 =	simm.s32 @p6 $0x2  }
0x359: {  	_ =	swait.ge @p6 [sflag:s0], $0x1000  }
0x35a: {  	[sflag:s0] =	ssyncset.done @p6 $0x0  }
0x35b: {  	[sflag:s0] =	ssyncadd.s32 @p6 $0xFFFFF000;
	s0 =	simm.s32 $0x0  }
0x35c: {  	p1 =	sne.s32 s30, $0x1  }
.Ltmp13:
0x35d: {  	_ = 	snop;
	(pc) =	sbr.rel @!p1 .LBB2_22-.Ltmp13, $2  }
0x35e: {  	_ =	sdelay $0x2  }
0x35f: {  	s3 =	simm.s32 $0x1;
	v30 =	vmov s0;
	p0 =	por $0x0, $0x0  }
0x360: {  	_ =	sdelay $0x3  }
0x361: {  	v15 =	vld.idx.msk [tilespmem:v30+s18+$0x0], $0xffff;
	_ =	sdelay $0x4  }
0x362: {  	v16 =	vshll.u32 v15, $0x8;
	v15 =	vshll.u32 v15, $0x7  }
0x363: {  	s6 =	sand.u32 $0xFFFFF800, s0;
	s10 =	sand.u32 $0x380, s0;
	v16 =	vand.u32 $0xFFFFF800, v16;
	v15 =	vand.u32 $0x380, v15  }
0x364: {  	s10 =	sor.u32 s10, s6;
	v30 =	vor.u32 v15, v16  }
0x365: {  	v15 =	vld [tilespmem:s10+$0xA680];
	v16 =	vor.u32 v0, v30;
	_ =	sdelay $0x4  }
0x366: {  	[tilespmem:v16+s19+$0x0] =	vst.idx.add.f32.msk $0xffff, v15;
	v15 =	vor.u32 $0x10, v0  }
0x367: {  	v16 =	vld [tilespmem:s10+$0xA690];
	v17 =	vor.u32 v15, v30;
	_ =	sdelay $0x4  }
0x368: {  	[tilespmem:v17+s19+$0x0] =	vst.idx.add.f32.msk $0xffff, v16;
	v16 =	vor.u32 $0x20, v0  }
0x369: {  	v17 =	vld [tilespmem:s10+$0xA6A0];
	v18 =	vor.u32 v16, v30;
	_ =	sdelay $0x4  }
0x36a: {  	[tilespmem:v18+s19+$0x0] =	vst.idx.add.f32.msk $0xffff, v17;
	v17 =	vor.u32 $0x30, v0  }
0x36b: {  	v18 =	vld [tilespmem:s10+$0xA6B0];
	v19 =	vor.u32 v17, v30;
	_ =	sdelay $0x4  }
0x36c: {  	[tilespmem:v19+s19+$0x0] =	vst.idx.add.f32.msk $0xffff, v18;
	v18 =	vor.u32 $0x40, v0  }
0x36d: {  	v19 =	vld [tilespmem:s10+$0xA6C0];
	v20 =	vor.u32 v18, v30;
	_ =	sdelay $0x4  }
0x36e: {  	[tilespmem:v20+s19+$0x0] =	vst.idx.add.f32.msk $0xffff, v19;
	v19 =	vor.u32 $0x50, v0  }
0x36f: {  	v20 =	vld [tilespmem:s10+$0xA6D0];
	v21 =	vor.u32 v19, v30;
	_ =	sdelay $0x4  }
0x370: {  	[tilespmem:v21+s19+$0x0] =	vst.idx.add.f32.msk $0xffff, v20;
	v20 =	vor.u32 $0x60, v0  }
0x371: {  	v21 =	vld [tilespmem:s10+$0xA6E0];
	v22 =	vor.u32 v20, v30;
	_ =	sdelay $0x4  }
0x372: {  	[tilespmem:v22+s19+$0x0] =	vst.idx.add.f32.msk $0xffff, v21;
	v21 =	vor.u32 $0x70, v0  }
0x373: {  	v22 =	vld [tilespmem:s10+$0xA6F0];
	v23 =	vor.u32 v21, v30;
	_ =	sdelay $0x4  }
0x374: {  	[tilespmem:v23+s19+$0x0] =	vst.idx.add.f32.msk $0xffff, v22;
	v22 =	vor.u32 $0x400, v0  }
0x375: {  	v23 =	vld [tilespmem:s10+$0xAA80];
	v24 =	vor.u32 v22, v30;
	_ =	sdelay $0x4  }
0x376: {  	[tilespmem:v24+s19+$0x0] =	vst.idx.add.f32.msk $0xffff, v23;
	v23 =	vor.u32 $0x410, v0  }
0x377: {  	v24 =	vld [tilespmem:s10+$0xAA90];
	v25 =	vor.u32 v23, v30;
	_ =	sdelay $0x4  }
0x378: {  	[tilespmem:v25+s19+$0x0] =	vst.idx.add.f32.msk $0xffff, v24;
	v24 =	vor.u32 $0x420, v0  }
0x379: {  	v25 =	vld [tilespmem:s10+$0xAAA0];
	v26 =	vor.u32 v24, v30;
	_ =	sdelay $0x4  }
0x37a: {  	[tilespmem:v26+s19+$0x0] =	vst.idx.add.f32.msk $0xffff, v25;
	v25 =	vor.u32 $0x430, v0  }
0x37b: {  	v26 =	vld [tilespmem:s10+$0xAAB0];
	v27 =	vor.u32 v25, v30;
	_ =	sdelay $0x4  }
0x37c: {  	[tilespmem:v27+s19+$0x0] =	vst.idx.add.f32.msk $0xffff, v26;
	v26 =	vor.u32 $0x440, v0  }
0x37d: {  	v27 =	vld [tilespmem:s10+$0xAAC0];
	v28 =	vor.u32 v26, v30;
	_ =	sdelay $0x4  }
0x37e: {  	[tilespmem:v28+s19+$0x0] =	vst.idx.add.f32.msk $0xffff, v27;
	v27 =	vor.u32 $0x450, v0  }
0x37f: {  	v28 =	vld [tilespmem:s10+$0xAAD0];
	v29 =	vor.u32 v27, v30;
	_ =	sdelay $0x4  }
0x380: {  	[tilespmem:v29+s19+$0x0] =	vst.idx.add.f32.msk $0xffff, v28;
	v28 =	vor.u32 $0x460, v0  }
0x381: {  	v29 =	vld [tilespmem:s10+$0xAAE0];
	v31 =	vor.u32 v28, v30;
	_ =	sdelay $0x1  }
0x382: {  	p1 =	sne.s32 s30, $0x2  }
.Ltmp14:
0x383: {  	_ = 	snop;
	(pc) =	sbr.rel @!p1 .LBB2_24-.Ltmp14, $4  }
0x384: {  	_ = 	snop  }
0x385: {  	[tilespmem:v31+s19+$0x0] =	vst.idx.add.f32.msk $0xffff, v29;
	v29 =	vor.u32 $0x470, v0  }
0x386: {  	p0 =	por $0x1, $0x1;
	v31 =	vld [tilespmem:s10+$0xAAF0];
	v32 =	vor.u32 v29, v30  }
0x387: {  	s6 =	simm.s32 $0x2;
	v30 =	vmov s3;
	s3 =	simm.s32 $0x0;
	s10 =	simm.s32 $0x0  }
.LBB2_25:
0x388: {  	_ =	sdelay $0x1  }
0x389: {  	s3 =	sadd.s32 $0x80, s3  }
0x38a: {  	s10 =	sadd.s32 $0x100, s10;
	s25 =	smov.u32 s6;
	s6 =	sadd.s32 $0x1, s6;
	[tilespmem:v32+s19+$0x0] =	vst.idx.add.f32.msk $0xffff, v31  }
0x38b: {  	p1 =	sne.s32 s30, s6;
	v30 =	vld.idx.msk [tilespmem:v30+s18+$0x0], $0xffff;
	_ =	sdelay $0x5  }
0x38c: {  	v31 =	vshll.u32 v30, $0x8;
	v30 =	vshll.u32 v30, $0x7  }
0x38d: {  	s20 =	sand.u32 $0xFFFFF800, s10;
	s21 =	sand.u32 $0x380, s3;
	v31 =	vand.u32 $0xFFFFF800, v31;
	v30 =	vand.u32 $0x380, v30  }
0x38e: {  	s20 =	sor.u32 s21, s20;
	v30 =	vor.u32 v30, v31  }
0x38f: {  	v32 =	vor.u32 v0, v30;
	v31 =	vld [tilespmem:s20+$0xA680];
	_ =	sdelay $0x4  }
0x390: {  	[tilespmem:v32+s19+$0x0] =	vst.idx.add.f32.msk $0xffff, v31  }
0x391: {  	v32 =	vor.u32 v15, v30;
	v31 =	vld [tilespmem:s20+$0xA690];
	_ =	sdelay $0x4  }
0x392: {  	[tilespmem:v32+s19+$0x0] =	vst.idx.add.f32.msk $0xffff, v31  }
0x393: {  	v32 =	vor.u32 v16, v30;
	v31 =	vld [tilespmem:s20+$0xA6A0];
	_ =	sdelay $0x4  }
0x394: {  	[tilespmem:v32+s19+$0x0] =	vst.idx.add.f32.msk $0xffff, v31  }
0x395: {  	v32 =	vor.u32 v17, v30;
	v31 =	vld [tilespmem:s20+$0xA6B0];
	_ =	sdelay $0x4  }
0x396: {  	[tilespmem:v32+s19+$0x0] =	vst.idx.add.f32.msk $0xffff, v31  }
0x397: {  	v32 =	vor.u32 v18, v30;
	v31 =	vld [tilespmem:s20+$0xA6C0];
	_ =	sdelay $0x4  }
0x398: {  	[tilespmem:v32+s19+$0x0] =	vst.idx.add.f32.msk $0xffff, v31  }
0x399: {  	v32 =	vor.u32 v19, v30;
	v31 =	vld [tilespmem:s20+$0xA6D0];
	_ =	sdelay $0x4  }
0x39a: {  	[tilespmem:v32+s19+$0x0] =	vst.idx.add.f32.msk $0xffff, v31  }
0x39b: {  	v32 =	vor.u32 v20, v30;
	v31 =	vld [tilespmem:s20+$0xA6E0];
	_ =	sdelay $0x4  }
0x39c: {  	[tilespmem:v32+s19+$0x0] =	vst.idx.add.f32.msk $0xffff, v31  }
0x39d: {  	v32 =	vor.u32 v21, v30;
	v31 =	vld [tilespmem:s20+$0xA6F0];
	_ =	sdelay $0x4  }
0x39e: {  	[tilespmem:v32+s19+$0x0] =	vst.idx.add.f32.msk $0xffff, v31  }
0x39f: {  	v32 =	vor.u32 v22, v30;
	v31 =	vld [tilespmem:s20+$0xAA80];
	_ =	sdelay $0x4  }
0x3a0: {  	[tilespmem:v32+s19+$0x0] =	vst.idx.add.f32.msk $0xffff, v31  }
0x3a1: {  	v32 =	vor.u32 v23, v30;
	v31 =	vld [tilespmem:s20+$0xAA90];
	_ =	sdelay $0x4  }
0x3a2: {  	[tilespmem:v32+s19+$0x0] =	vst.idx.add.f32.msk $0xffff, v31  }
0x3a3: {  	v32 =	vor.u32 v24, v30;
	v31 =	vld [tilespmem:s20+$0xAAA0];
	_ =	sdelay $0x4  }
0x3a4: {  	[tilespmem:v32+s19+$0x0] =	vst.idx.add.f32.msk $0xffff, v31  }
0x3a5: {  	v32 =	vor.u32 v25, v30;
	v31 =	vld [tilespmem:s20+$0xAAB0];
	_ =	sdelay $0x4  }
0x3a6: {  	[tilespmem:v32+s19+$0x0] =	vst.idx.add.f32.msk $0xffff, v31  }
0x3a7: {  	v32 =	vor.u32 v26, v30;
	v31 =	vld [tilespmem:s20+$0xAAC0];
	_ =	sdelay $0x4  }
0x3a8: {  	[tilespmem:v32+s19+$0x0] =	vst.idx.add.f32.msk $0xffff, v31  }
0x3a9: {  	v32 =	vor.u32 v27, v30;
	v31 =	vld [tilespmem:s20+$0xAAD0];
	_ =	sdelay $0x4  }
0x3aa: {  	[tilespmem:v32+s19+$0x0] =	vst.idx.add.f32.msk $0xffff, v31  }
0x3ab: {  	v32 =	vor.u32 v28, v30;
	v31 =	vld [tilespmem:s20+$0xAAE0];
	_ =	sdelay $0x2  }
.Ltmp15:
0x3ac: {  	(pc) =	sbr.rel @p1 .LBB2_25-.Ltmp15, $4  }
0x3ad: {  	_ = 	snop  }
0x3ae: {  	[tilespmem:v32+s19+$0x0] =	vst.idx.add.f32.msk $0xffff, v31  }
0x3af: {  	v32 =	vor.u32 v29, v30;
	v31 =	vld [tilespmem:s20+$0xAAF0]  }
0x3b0: {  	v30 =	vmov s25  }
.LBB2_26:
0x3b1: {  	_ =	sdelay $0x3  }
0x3b2: {  	[tilespmem:v32+s19+$0x0] =	vst.idx.add.f32.msk @p0 $0xffff, v31  }
0x3b3: {  	v15 =	vld.idx.msk [tilespmem:v30+s18+$0x0], $0xffff;
	_ =	sdelay $0x3  }
0x3b4: {  	s3 =	sadd.s32 @p0 $0x80, s3;
	s6 =	sadd.s32 @p0 $0x100, s10;
	s10 =	simm.s32 $0x0  }
0x3b5: {  	s10 =	smov.u32 @p0 s6;
	s0 =	smov.u32 @p0 s3;
	v16 =	vshll.u32 v15, $0x8;
	v15 =	vshll.u32 v15, $0x7  }
0x3b6: {  	s30 =	sand.u32 $0xFFFFF800, s10;
	s0 =	sand.u32 $0x380, s0;
	v16 =	vand.u32 $0xFFFFF800, v16;
	v15 =	vand.u32 $0x380, v15  }
0x3b7: {  	s0 =	sor.u32 s0, s30;
	v15 =	vor.u32 v15, v16  }
0x3b8: {  	v48 =	vld [tilespmem:s0+$0xA680];
	v17 =	vor.u32 v0, v15;
	_ =	sdelay $0x4  }
0x3b9: {  	v49 =	vor.u32 $0x10, v0;
	[tilespmem:v17+s19+$0x0] =	vst.idx.add.f32.msk $0xffff, v48  }
0x3ba: {  	v16 =	vor.u32 v49, v15;
	v17 =	vld [tilespmem:s0+$0xA690];
	_ =	sdelay $0x4  }
0x3bb: {  	v50 =	vor.u32 $0x20, v0;
	[tilespmem:v16+s19+$0x0] =	vst.idx.add.f32.msk $0xffff, v17  }
0x3bc: {  	v16 =	vor.u32 v50, v15;
	v17 =	vld [tilespmem:s0+$0xA6A0];
	_ =	sdelay $0x4  }
0x3bd: {  	v51 =	vor.u32 $0x30, v0;
	[tilespmem:v16+s19+$0x0] =	vst.idx.add.f32.msk $0xffff, v17  }
0x3be: {  	v16 =	vor.u32 v51, v15;
	v17 =	vld [tilespmem:s0+$0xA6B0];
	_ =	sdelay $0x4  }
0x3bf: {  	v52 =	vor.u32 $0x40, v0;
	[tilespmem:v16+s19+$0x0] =	vst.idx.add.f32.msk $0xffff, v17  }
0x3c0: {  	v16 =	vor.u32 v52, v15;
	v17 =	vld [tilespmem:s0+$0xA6C0];
	_ =	sdelay $0x4  }
0x3c1: {  	v53 =	vor.u32 $0x50, v0;
	[tilespmem:v16+s19+$0x0] =	vst.idx.add.f32.msk $0xffff, v17  }
0x3c2: {  	v16 =	vor.u32 v53, v15;
	v17 =	vld [tilespmem:s0+$0xA6D0];
	_ =	sdelay $0x4  }
0x3c3: {  	v54 =	vor.u32 $0x60, v0;
	[tilespmem:v16+s19+$0x0] =	vst.idx.add.f32.msk $0xffff, v17  }
0x3c4: {  	v16 =	vor.u32 v54, v15;
	v17 =	vld [tilespmem:s0+$0xA6E0];
	_ =	sdelay $0x4  }
0x3c5: {  	v55 =	vor.u32 $0x70, v0;
	[tilespmem:v16+s19+$0x0] =	vst.idx.add.f32.msk $0xffff, v17  }
0x3c6: {  	v16 =	vor.u32 v55, v15;
	v17 =	vld [tilespmem:s0+$0xA6F0];
	_ =	sdelay $0x4  }
0x3c7: {  	v56 =	vor.u32 $0x400, v0;
	[tilespmem:v16+s19+$0x0] =	vst.idx.add.f32.msk $0xffff, v17  }
0x3c8: {  	v16 =	vor.u32 v56, v15;
	v17 =	vld [tilespmem:s0+$0xAA80];
	_ =	sdelay $0x4  }
0x3c9: {  	v57 =	vor.u32 $0x410, v0;
	[tilespmem:v16+s19+$0x0] =	vst.idx.add.f32.msk $0xffff, v17  }
0x3ca: {  	v16 =	vor.u32 v57, v15;
	v17 =	vld [tilespmem:s0+$0xAA90];
	_ =	sdelay $0x4  }
0x3cb: {  	v58 =	vor.u32 $0x420, v0;
	[tilespmem:v16+s19+$0x0] =	vst.idx.add.f32.msk $0xffff, v17  }
0x3cc: {  	v16 =	vor.u32 v58, v15;
	v17 =	vld [tilespmem:s0+$0xAAA0];
	_ =	sdelay $0x4  }
0x3cd: {  	v59 =	vor.u32 $0x430, v0;
	[tilespmem:v16+s19+$0x0] =	vst.idx.add.f32.msk $0xffff, v17  }
0x3ce: {  	v16 =	vor.u32 v59, v15;
	v17 =	vld [tilespmem:s0+$0xAAB0];
	_ =	sdelay $0x4  }
0x3cf: {  	v60 =	vor.u32 $0x440, v0;
	[tilespmem:v16+s19+$0x0] =	vst.idx.add.f32.msk $0xffff, v17  }
0x3d0: {  	v16 =	vor.u32 v60, v15;
	v17 =	vld [tilespmem:s0+$0xAAC0];
	_ =	sdelay $0x4  }
0x3d1: {  	v61 =	vor.u32 $0x450, v0;
	[tilespmem:v16+s19+$0x0] =	vst.idx.add.f32.msk $0xffff, v17  }
0x3d2: {  	v16 =	vor.u32 v61, v15;
	v17 =	vld [tilespmem:s0+$0xAAD0];
	_ =	sdelay $0x4  }
0x3d3: {  	v62 =	vor.u32 $0x460, v0;
	[tilespmem:v16+s19+$0x0] =	vst.idx.add.f32.msk $0xffff, v17  }
0x3d4: {  	v16 =	vor.u32 v62, v15;
	v17 =	vld [tilespmem:s0+$0xAAE0];
	_ =	sdelay $0x4  }
0x3d5: {  	v63 =	vor.u32 $0x470, v0;
	[tilespmem:v16+s19+$0x0] =	vst.idx.add.f32.msk $0xffff, v17  }
0x3d6: {  	v15 =	vor.u32 v63, v15;
	v17 =	vld [tilespmem:s0+$0xAAF0];
	_ =	sdelay $0x4  }
0x3d7: {  	[tilespmem:v15+s19+$0x0] =	vst.idx.add.f32.msk $0xffff, v17  }
.LBB2_27:
0x3d8: {  	s0 =	simm.s32 $0x0  }
0x3d9: {  	s3 =	sand.u32 $0x800, s0;
	s0 =	sand.u32 $0x380, s0  }
0x3da: {  	s3 =	sor.u32 s0, s3  }
0x3db: {  	s0 =	sadd.s32 $0x15680, s3;
	v22 =	vld [tilespmem:s3+$0x15680]  }
0x3dc: {  	v16 =	vld [tilespmem:s0+$0x50]  }
0x3dd: {  	v17 =	vld [tilespmem:s0+$0x430]  }
0x3de: {  	v18 =	vld [tilespmem:s0+$0x450]  }
0x3df: {  	v15 =	vld [tilespmem:s0+$0x470]  }
0x3e0: {  	v19 =	vld [tilespmem:s0+$0x60];
	v22 =	vmul.f32 $1.000000010e-01, v22  }
0x3e1: {  	v20 =	vld [tilespmem:s0+$0x440];
	v16 =	vmul.f32 $1.000000010e-01, v16  }
0x3e2: {  	v23 =	vld [tilespmem:s0+$0x410];
	v17 =	vmul.f32 $1.000000010e-01, v17;
	[tilespmem:s3+$0x15680] =	vst v22  }
0x3e3: {  	v18 =	vmul.f32 $1.000000010e-01, v18;
	[tilespmem:s0+$0x50] =	vst v16;
	v16 =	vld [tilespmem:s0+$0x420]  }
0x3e4: {  	v15 =	vmul.f32 $1.000000010e-01, v15;
	[tilespmem:s0+$0x430] =	vst v17;
	v17 =	vld [tilespmem:s0+$0x70]  }
0x3e5: {  	v19 =	vmul.f32 $1.000000010e-01, v19;
	[tilespmem:s0+$0x450] =	vst v18;
	v18 =	vld [tilespmem:s0+$0x400]  }
0x3e6: {  	s6 =	simm.s32 $0x100;
	s10 =	simm.s32 $0x80;
	v21 =	vld [tilespmem:s0+$0x460];
	[tilespmem:s0+$0x470] =	vst v15;
	v15 =	vmul.f32 $1.000000010e-01, v20  }
0x3e7: {  	s25 =	sand.u32 $0x800, s6;
	s30 =	sand.u32 $0x380, s10;
	v24 =	vld [tilespmem:s0+$0x40];
	[tilespmem:s0+$0x60] =	vst v19;
	v19 =	vmul.f32 $1.000000010e-01, v23  }
0x3e8: {  	s3 =	sor.u32 s30, s25;
	v20 =	vld [tilespmem:s0+$0x10];
	[tilespmem:s0+$0x440] =	vst v15;
	v16 =	vmul.f32 $1.000000010e-01, v16  }
0x3e9: {  	v22 =	vld [tilespmem:s0+$0x30];
	s6 =	sadd.s32 $0x15680, s3;
	[tilespmem:s0+$0x410] =	vst v19;
	v17 =	vmul.f32 $1.000000010e-01, v17  }
0x3ea: {  	v15 =	vld [tilespmem:s6+$0x470];
	[tilespmem:s0+$0x420] =	vst v16;
	v16 =	vmul.f32 $1.000000010e-01, v18  }
0x3eb: {  	v21 =	vmul.f32 $1.000000010e-01, v21;
	v18 =	vld [tilespmem:s0+$0x20];
	[tilespmem:s0+$0x70] =	vst v17  }
0x3ec: {  	v23 =	vmul.f32 $1.000000010e-01, v24;
	v19 =	vld [tilespmem:s6+$0x50];
	[tilespmem:s0+$0x400] =	vst v16  }
0x3ed: {  	v17 =	vld [tilespmem:s6+$0x430];
	[tilespmem:s0+$0x460] =	vst v21  }
0x3ee: {  	s20 =	simm.s32 $0x200;
	[tilespmem:s0+$0x40] =	vst v23;
	v21 =	vmul.f32 $1.000000010e-01, v20;
	v20 =	vmul.f32 $1.000000010e-01, v22;
	v16 =	vld [tilespmem:s6+$0x450]  }
.LBB2_28:
0x3ef: {  	p0 =	sne.s32 s20, $0xF00  }
0x3f0: {  	v22 =	vld [tilespmem:s6+$0x60];
	s10 =	sadd.s32 $0x80, s10;
	[tilespmem:s0+$0x10] =	vst v21;
	v18 =	vmul.f32 $1.000000010e-01, v18;
	s21 =	smov.u32 s20;
	s20 =	sadd.s32 $0x100, s20  }
0x3f1: {  	s21 =	sand.u32 $0x800, s21;
	s25 =	sand.u32 $0x380, s10;
	v21 =	vld [tilespmem:s6+$0x440];
	[tilespmem:s0+$0x30] =	vst v20  }
0x3f2: {  	s21 =	sor.u32 s25, s21;
	v19 =	vmul.f32 $1.000000010e-01, v19;
	v20 =	vld [tilespmem:s6+$0x460];
	[tilespmem:s0+$0x20] =	vst v18;
	s0 =	smov.u32 s6  }
0x3f3: {  	v18 =	vld [tilespmem:s3+$0x15680];
	v17 =	vmul.f32 $1.000000010e-01, v17  }
0x3f4: {  	[tilespmem:s0+$0x50] =	vst v19;
	v19 =	vld [tilespmem:s0+$0x410]  }
0x3f5: {  	v16 =	vmul.f32 $1.000000010e-01, v16;
	v22 =	vmul.f32 $1.000000010e-01, v22;
	v23 =	vld [tilespmem:s0+$0x420];
	[tilespmem:s0+$0x430] =	vst v17  }
0x3f6: {  	v15 =	vmul.f32 $1.000000010e-01, v15;
	v17 =	vld [tilespmem:s0+$0x70]  }
0x3f7: {  	v21 =	vmul.f32 $1.000000010e-01, v21;
	v24 =	vld [tilespmem:s0+$0x40];
	[tilespmem:s0+$0x450] =	vst v16;
	v16 =	vmul.f32 $1.000000010e-01, v20  }
0x3f8: {  	v18 =	vmul.f32 $1.000000010e-01, v18;
	v20 =	vld [tilespmem:s0+$0x400];
	[tilespmem:s0+$0x470] =	vst v15  }
0x3f9: {  	[tilespmem:s0+$0x60] =	vst v22;
	v19 =	vmul.f32 $1.000000010e-01, v19  }
0x3fa: {  	s6 =	sadd.s32 $0x15680, s21;
	[tilespmem:s3+$0x15680] =	vst v18;
	v15 =	vmul.f32 $1.000000010e-01, v23;
	s3 =	smov.u32 s21  }
0x3fb: {  	v22 =	vld [tilespmem:s0+$0x10];
	v17 =	vmul.f32 $1.000000010e-01, v17;
	[tilespmem:s0+$0x440] =	vst v21  }
0x3fc: {  	v23 =	vld [tilespmem:s0+$0x30];
	v24 =	vmul.f32 $1.000000010e-01, v24;
	[tilespmem:s0+$0x420] =	vst v15  }
.Ltmp16:
0x3fd: {  	v18 =	vld [tilespmem:s0+$0x20];
	[tilespmem:s0+$0x70] =	vst v17;
	v17 =	vmul.f32 $1.000000010e-01, v20;
	(pc) =	sbr.rel @p0 .LBB2_28-.Ltmp16, $4  }
0x3fe: {  	v15 =	vld [tilespmem:s6+$0x470];
	[tilespmem:s0+$0x410] =	vst v19  }
0x3ff: {  	v19 =	vld [tilespmem:s6+$0x50];
	[tilespmem:s0+$0x400] =	vst v17  }
0x400: {  	v17 =	vld [tilespmem:s6+$0x430];
	v21 =	vmul.f32 $1.000000010e-01, v22;
	[tilespmem:s0+$0x460] =	vst v16  }
0x401: {  	v16 =	vld [tilespmem:s6+$0x450];
	v20 =	vmul.f32 $1.000000010e-01, v23;
	[tilespmem:s0+$0x40] =	vst v24  }
0x402: {  	[tilespmem:s0+$0x10] =	vst v21;
	v18 =	vmul.f32 $1.000000010e-01, v18  }
0x403: {  	v22 =	vld [tilespmem:s6+$0x60];
	[tilespmem:s0+$0x30] =	vst v20  }
0x404: {  	[tilespmem:s0+$0x20] =	vst v18  }
0x405: {  	v15 =	vmul.f32 $1.000000010e-01, v15;
	v51 =	vld [tilespmem:s3+$0x15680]  }
0x406: {  	v48 =	vld [tilespmem:s6+$0x440];
	v50 =	vmul.f32 $1.000000010e-01, v19  }
0x407: {  	v52 =	vld [tilespmem:s6+$0x420];
	v17 =	vmul.f32 $1.000000010e-01, v17;
	[tilespmem:s6+$0x470] =	vst v15  }
0x408: {  	v53 =	vld [tilespmem:s6+$0x70];
	[tilespmem:s6+$0x50] =	vst v50;
	v16 =	vmul.f32 $1.000000010e-01, v16  }
0x409: {  	v55 =	vld [tilespmem:s6+$0x400];
	[tilespmem:s6+$0x430] =	vst v17;
	v22 =	vmul.f32 $1.000000010e-01, v22  }
0x40a: {  	v23 =	vld [tilespmem:s6+$0x410];
	[tilespmem:s6+$0x450] =	vst v16;
	v54 =	vmul.f32 $1.000000010e-01, v51  }
0x40b: {  	v49 =	vld [tilespmem:s6+$0x460];
	v15 =	vmul.f32 $1.000000010e-01, v48;
	[tilespmem:s6+$0x60] =	vst v22  }
0x40c: {  	v24 =	vld [tilespmem:s6+$0x40];
	v56 =	vmul.f32 $1.000000010e-01, v52;
	[tilespmem:s3+$0x15680] =	vst v54  }
0x40d: {  	v17 =	vmul.f32 $1.000000010e-01, v53;
	[tilespmem:s6+$0x440] =	vst v15;
	v57 =	vld [tilespmem:s6+$0x10]  }
0x40e: {  	v60 =	vmul.f32 $1.000000010e-01, v55;
	[tilespmem:s6+$0x420] =	vst v56;
	v58 =	vld [tilespmem:s6+$0x30]  }
0x40f: {  	v15 =	vmul.f32 $1.000000010e-01, v23;
	[tilespmem:s6+$0x70] =	vst v17;
	v59 =	vld [tilespmem:s6+$0x20]  }
0x410: {  	v61 =	vmul.f32 $1.000000010e-01, v49;
	[tilespmem:s6+$0x400] =	vst v60  }
0x411: {  	[tilespmem:s6+$0x410] =	vst v15;
	v15 =	vmul.f32 $1.000000010e-01, v24  }
0x412: {  	[tilespmem:s6+$0x460] =	vst v61;
	v62 =	vmul.f32 $1.000000010e-01, v57  }
0x413: {  	[tilespmem:s6+$0x40] =	vst v15;
	v63 =	vmul.f32 $1.000000010e-01, v58  }
0x414: {  	v15 =	vmul.f32 $1.000000010e-01, v59;
	[tilespmem:s6+$0x10] =	vst v62  }
0x415: {  	s26 =	sadd.s32 $0x1, s26;
	[tilespmem:s6+$0x30] =	vst v63  }
0x416: {  	s30 =	sadd.s32 s4, s28;
	p0 =	sne.s32 s26, $0x10;
	[tilespmem:s6+$0x20] =	vst v15  }
0x417: {  	[hbm4b:s30+s5] =	stream.linear.scatter [tilespmem:s19], [sflag:$0x5], $0x1000, $0x38;
	[tilespmem:$0x16680] =	vst v63  }
.Ltmp17:
0x418: {  	_ = 	snop;
	(pc) =	sbr.rel @p0 .LBB2_4-.Ltmp17, $4  }
.Ltmp18:
0x419: {  	_ = 	snop;
	(pc) =	sbr.rel @!p0 .LBB2_30-.Ltmp18, $4  }
0x41a: {  	_ =	swait.ge [sflag:s11], $0x1000  }
0x41b: {  	[sflag:s11] =	ssyncset.done $0x0  }
0x41c: {  	[sflag:s11] =	ssyncadd.s32 $0xFFFFF000  }
0x41d: {  	_ = 	snop  }
.LBB2_11:
.Ltmp19:
0x41e: {  	(pc) =	sbr.rel .LBB2_15-.Ltmp19, $2  }
0x41f: {  	_ =	sdelay $0x2  }
0x420: {  	s0 =	simm.s32 $0x0;
	s6 =	simm.s32 $0x0  }
.LBB2_22:
.Ltmp20:
0x421: {  	(pc) =	sbr.rel .LBB2_26-.Ltmp20, $2  }
0x422: {  	_ =	sdelay $0x2  }
0x423: {  	s3 =	simm.s32 $0x0;
	s10 =	simm.s32 $0x0  }
.LBB2_13:
.Ltmp21:
0x424: {  	(pc) =	sbr.rel .LBB2_15-.Ltmp21, $2  }
0x425: {  	_ =	sdelay $0x2  }
0x426: {  	s0 =	simm.s32 $0x0;
	s6 =	simm.s32 $0x0  }
.LBB2_24:
.Ltmp22:
0x427: {  	(pc) =	sbr.rel .LBB2_26-.Ltmp22, $2  }
0x428: {  	_ =	sdelay $0x2  }
0x429: {  	s3 =	simm.s32 $0x0;
	s10 =	simm.s32 $0x0  }
.LBB2_31:
0x42a: {  	_ =	sfence.sel $0x180000  }
0x42b: {  	[bflag:$0x0] =	sbarrier.arrive $0xFFFF  }
0x42c: {  	_ =	strace $0x90000047  }
0x42d: {  	s0 =	stileid.u32;
	[bflag:$0x2] =	sbarrier.arrive $0xFFFF  }
0x42e: {  	p0 =	sne.s32 s0, $0x0;
	s0 =	rddreg [dreg:$0x4]  }
0x42f: {  	s0 =	sadd.s32 @!p0 $0x100000, s0  }
0x430: {  	[sflag:s0] =	ssyncadd.tile.s32 @!p0 $0x1;
	_ =	shalt  }
.Lfunc_end2:
_tile_overlayer_lowered:
.L_overlay_start_2:
0x431: {  	(tag) =	ssettag $0x2  }
0x432: {  	s0 =	rddreg [dreg:$0x0];
	s2 =	stileid.u32  }
0x433: {  	s1 =	rddreg [dreg:$0x1];
	p0 =	sne.s32 s2, $0x0  }
0x434: {  	s3 =	rddreg [dreg:$0x2];
	[bflag:$0x3] =	sbarrier.arrive $0xFFFF;
	s2 =	simm.s32 @!p0 $0x1C05  }
0x435: {  	[timem:s3], [sflag:s2] =	dma.local @!p0 [hbm:s0], s1  }
0x436: {  	s0 =	simm.s32 @!p0 $0x5  }
0x437: {  	_ =	swait.ge @!p0 [sflag:s0], s1  }
0x438: {  	s1 =	ssub.s32 @!p0 $0x0, s1;
	[sflag:s0] =	ssyncset.done @!p0 $0x0  }
0x439: {  	[sflag:s0] =	ssyncadd.s32 @!p0 s1  }
0x43a: {  	[bflag:$0x3] =	sbarrier.arrive $0xFFFF  }
0x43b: {  	_ =	shalt  }

</sc_bundles>
